<compile_context>
chip_gen: v7x
topology: tpu7x:2x2x1
jax: 0.10.2.dev20260603
libtpu: 0.0.44.dev20260713+nightly
codegen_flags: <defaults>
</compile_context>

<pallas_src>
import functools

import jax
import jax.numpy as jnp
from jax import lax
from jax.experimental import pallas as pl
from jax.experimental.pallas import tpu as pltpu
from jax.experimental.pallas import tpu_sc as plsc

N = 10000
NPAD = 10112
E = 320000
WIN = 128
NTILES = 16
EP1 = 335872
EP23 = 344064
P = 128
NEG = 0.2
F32 = jnp.float32


def _leaky(v):
    return jnp.where(v > 0, v, NEG * v)


def _make_sc(epc, tabrows, interpret=False):
    mesh = plsc.VectorSubcoreMesh(
        core_axis_name="c", subcore_axis_name="s", num_cores=2, num_subcores=16
    )
    rpt = NPAD // NTILES
    ept = epc // NTILES
    nwin = ept // WIN

    def body(tab_hbm, src_hbm, dst_hbm, out_hbm, acc_s,
             sa0, sa1, sb0, sb1, da0, da1, db0, db1, rbuf0, rbuf1,
             zbuf, isem, gsem, ssem, zsem):
        cid = lax.axis_index("c")
        sid = lax.axis_index("s")
        ebase = cid * epc + sid * ept
        pltpu.async_copy(src_hbm.at[pl.ds(ebase, WIN)], sa0, isem)
        pltpu.async_copy(src_hbm.at[pl.ds(ebase + WIN, WIN)], sa1, isem)
        pltpu.async_copy(dst_hbm.at[pl.ds(ebase, WIN)], da0, isem)
        pltpu.async_copy(dst_hbm.at[pl.ds(ebase + WIN, WIN)], da1, isem)
        for i in range(8):
            for j in range(8):
                zbuf[i, pl.ds(j * 16, 16)] = jnp.zeros((16,), F32)
        def zfire(r, carry):
            pltpu.async_copy(zbuf, acc_s.at[pl.ds(sid * rpt + r * 8, 8)], zsem)
            return carry
        lax.fori_loop(0, rpt // 8, zfire, 0)
        def zdrain(r, carry):
            pltpu.make_async_copy(
                zbuf, acc_s.at[pl.ds(sid * rpt, 8)], zsem).wait()
            return carry
        lax.fori_loop(0, rpt // 8, zdrain, 0)
        plsc.subcore_barrier()

        for j in range(8):
            db0[pl.ds(j * 16, 16)] = jnp.full((16,), N, jnp.int32)
            db1[pl.ds(j * 16, 16)] = jnp.full((16,), N, jnp.int32)
        pltpu.async_copy(rbuf0, acc_s.at[db0], ssem, add=True)
        pltpu.async_copy(rbuf1, acc_s.at[db1], ssem, add=True)

        def drain_idx():
            for _ in range(4):
                pltpu.make_async_copy(
                    src_hbm.at[pl.ds(ebase, WIN)], sa0, isem).wait()

        def half(base, sx0, sx1, dx0, dx1, dpx0, dpx1, pre0, pre1):
            drain_idx()
            pltpu.make_async_copy(rbuf0, acc_s.at[dpx0], ssem).wait()
            pltpu.make_async_copy(rbuf1, acc_s.at[dpx1], ssem).wait()
            pltpu.async_copy(src_hbm.at[pl.ds(base + 2 * WIN, WIN)], pre0, isem)
            pltpu.async_copy(src_hbm.at[pl.ds(base + 3 * WIN, WIN)], pre1, isem)
            pltpu.async_copy(dst_hbm.at[pl.ds(base + 2 * WIN, WIN)], dpx0, isem)
            pltpu.async_copy(dst_hbm.at[pl.ds(base + 3 * WIN, WIN)], dpx1, isem)
            g0 = pltpu.async_copy(tab_hbm.at[sx0], rbuf0, gsem)
            g1 = pltpu.async_copy(tab_hbm.at[sx1], rbuf1, gsem)
            g0.wait()
            pltpu.async_copy(rbuf0, acc_s.at[dx0], ssem, add=True)
            g1.wait()
            pltpu.async_copy(rbuf1, acc_s.at[dx1], ssem, add=True)

        def it(g, carry):
            base = ebase + g * 4 * WIN
            half(base, sa0, sa1, da0, da1, db0, db1, sb0, sb1)
            half(base + 2 * WIN, sb0, sb1, db0, db1, da0, da1, sa0, sa1)
            return carry

        lax.fori_loop(0, nwin // 4, it, 0)
        drain_idx()
        pltpu.make_async_copy(rbuf0, acc_s.at[db0], ssem).wait()
        pltpu.make_async_copy(rbuf1, acc_s.at[db1], ssem).wait()
        plsc.subcore_barrier()
        pltpu.sync_copy(
            acc_s.at[pl.ds(sid * rpt, rpt)],
            out_hbm.at[pl.ds(cid * NPAD + sid * rpt, rpt)],
        )

    return pl.kernel(
        body,
        out_type=jax.ShapeDtypeStruct((2 * NPAD, P), F32),
        mesh=mesh,
        scratch_types=[
            pltpu.VMEM_SHARED((NPAD, P), F32),
            pltpu.VMEM((WIN,), jnp.int32),
            pltpu.VMEM((WIN,), jnp.int32),
            pltpu.VMEM((WIN,), jnp.int32),
            pltpu.VMEM((WIN,), jnp.int32),
            pltpu.VMEM((WIN,), jnp.int32),
            pltpu.VMEM((WIN,), jnp.int32),
            pltpu.VMEM((WIN,), jnp.int32),
            pltpu.VMEM((WIN,), jnp.int32),
            pltpu.VMEM((WIN, P), F32),
            pltpu.VMEM((WIN, P), F32),
            pltpu.VMEM((8, P), F32),
            pltpu.SemaphoreType.DMA,
            pltpu.SemaphoreType.DMA,
            pltpu.SemaphoreType.DMA,
            pltpu.SemaphoreType.DMA,
        ],
        interpret=interpret,
    )


def _dot(a, b):
    return jnp.dot(a, b, preferred_element_type=F32)


def _attn(h, amat):
    alpha = _dot(h, amat)
    al = _leaky(alpha)
    return jnp.exp(al - jnp.max(al, axis=0, keepdims=True))


def _store_table(out_ref, row0, half):
    out_ref[row0:row0 + N, :] = half
    out_ref[row0 + N:row0 + NPAD, :] = jnp.zeros((NPAD - N, P), F32)


def _tc1_body(x_ref, w_ref, b_ref, amat_ref, rmat_ref, out_ref):
    h = _dot(x_ref[...], w_ref[...]) + b_ref[...]
    expa = _attn(h, amat_ref[...])
    g = h * _dot(expa, rmat_ref[...])
    ones = jnp.ones((N, 1), F32)
    zpad = jnp.zeros((N, P - 69), F32)
    for c in (0, 1):
        half = jnp.concatenate(
            [g[:, 64 * c:64 * c + 64], expa[:, 4 * c:4 * c + 4], ones, zpad],
            axis=1)
        _store_table(out_ref, c * NPAD, half)


def _tc2_body(acc_ref, bias1_ref, w2_ref, b2_ref, amat_ref, rmat_ref,
              rden1_ref, out_ref):
    a0 = acc_ref[:N, :]
    a1 = acc_ref[NPAD:NPAD + N, :]
    num = jnp.concatenate([a0[:, :64], a1[:, :64]], axis=1)
    den = jnp.concatenate([a0[:, 64:68], a1[:, 64:68]], axis=1)
    cnt = jnp.maximum(a0[:, 68:69], 1.0)
    x2 = _leaky(num / _dot(den, rden1_ref[...]) / cnt + bias1_ref[...])
    h2 = _dot(x2, w2_ref[...]) + b2_ref[...]
    expa2 = _attn(h2, amat_ref[...])
    g2 = h2 * _dot(expa2, rmat_ref[...])
    ones = jnp.ones((N, 1), F32)
    half = jnp.concatenate(
        [g2, expa2, ones, jnp.zeros((N, P - 73), F32)], axis=1)
    _store_table(out_ref, 0, half)


def _tc3_body(acc_ref, bias2_ref, w3_ref, b3_ref, att3_ref, rden2_ref, out_ref):
    a = acc_ref[:N, :] + acc_ref[NPAD:NPAD + N, :]
    num = a[:, :64]
    den = a[:, 64:72]
    cnt = jnp.maximum(a[:, 72:73], 1.0)
    x3 = _leaky(num / _dot(den, rden2_ref[...]) / cnt + bias2_ref[...])
    h3 = _dot(x3, w3_ref[...]) + b3_ref[...]
    alpha3 = _dot(h3, att3_ref[...])
    al3 = _leaky(alpha3)
    expa3 = jnp.exp(al3 - jnp.max(al3, axis=0, keepdims=True))
    g3 = h3 * expa3
    ones = jnp.ones((N, 1), F32)
    half = jnp.concatenate(
        [g3, expa3, ones, jnp.zeros((N, P - 12), F32)], axis=1)
    _store_table(out_ref, 0, half)


def _tc4_body(acc_ref, bias3_ref, out_ref):
    a = acc_ref[:N, :] + acc_ref[NPAD:NPAD + N, :]
    num = a[:, :10]
    den = a[:, 10:11]
    cnt = jnp.maximum(a[:, 11:12], 1.0)
    logit = num / den / cnt + bias3_ref[...]
    m = jnp.max(logit, axis=1, keepdims=True)
    lse = jnp.log(jnp.sum(jnp.exp(logit - m), axis=1, keepdims=True))
    out_ref[...] = logit - m - lse


def _build(interpret=False):
    tc = functools.partial(pl.pallas_call, interpret=interpret)
    tc1 = tc(_tc1_body, out_shape=jax.ShapeDtypeStruct((2 * NPAD, P), F32))
    tc2 = tc(_tc2_body, out_shape=jax.ShapeDtypeStruct((NPAD, P), F32))
    tc3 = tc(_tc3_body, out_shape=jax.ShapeDtypeStruct((NPAD, P), F32))
    tc4 = tc(_tc4_body, out_shape=jax.ShapeDtypeStruct((N, 10), F32))
    return tc1, tc2, tc3, tc4


_TC1, _TC2, _TC3, _TC4 = _build()
_make_sc_cached = functools.lru_cache(maxsize=None)(_make_sc)


def kernel(x, edge_index, W1, b1, att1, bias1, W2, b2, att2, bias2,
           W3, b3, att3, bias3):
    src = edge_index[0].astype(jnp.int32)
    dst = edge_index[1].astype(jnp.int32)
    loops = jnp.arange(N, dtype=jnp.int32)
    bsrc = jnp.concatenate([src, loops])
    bdst = jnp.concatenate([dst, loops])
    pad1 = N + (jnp.arange(EP1 - E - N, dtype=jnp.int32) % (NPAD - N))
    pad2 = N + (jnp.arange(EP23 - E - N, dtype=jnp.int32) % (NPAD - N))
    sl1 = jnp.concatenate([bsrc, pad1])
    dl1 = jnp.concatenate([bdst, pad1])
    tail = jnp.full((2 * WIN,), N, jnp.int32)
    src1 = jnp.concatenate([sl1, sl1 + NPAD, tail])
    dst1 = jnp.concatenate([dl1, dl1, tail])
    srcp = jnp.concatenate([bsrc, pad2, tail])
    dstp = jnp.concatenate([bdst, pad2, tail])

    eye8 = jnp.eye(8, dtype=F32)
    a1m = (eye8[:, None, :] * att1[0][:, :, None]).reshape(128, 8)
    a2m = (eye8[:, None, :] * att2[0][:, :, None]).reshape(64, 8)
    r1 = jnp.repeat(eye8, 16, axis=1)
    r2 = jnp.repeat(eye8, 8, axis=1)
    att3v = att3[0, 0][:, None]

    tab1 = _TC1(x, W1, b1.reshape(1, -1), a1m, r1)
    acc1 = _make_sc_cached(EP1, 2 * NPAD)(tab1, src1, dst1)
    tab2 = _TC2(acc1, bias1.reshape(1, -1), W2, b2.reshape(1, -1), a2m, r2, r1)
    acc2 = _make_sc_cached(EP23 // 2, NPAD)(tab2, srcp, dstp)
    tab3 = _TC3(acc2, bias2.reshape(1, -1), W3, b3.reshape(1, -1), att3v, r2)
    acc3 = _make_sc_cached(EP23 // 2, NPAD)(tab3, srcp, dstp)
    return _TC4(acc3, bias3.reshape(1, -1))

# --- scband reference (transcript-rebuilt; emitter-appended) ---
"""Pipeline reference for scband-my-net-71768903516550 (READ-ONLY COPY).

The authoritative reference and input builder live on the scoring server;
editing this copy changes nothing except your own understanding.
"""

import jax, jax.numpy as jnp
import numpy as np

N_NODES = 10000
N_EDGES = 320000
D_FEAT = 128
NUM_CLASSES = 10


def glorot(key, shape):
    fan_in, fan_out = shape[-2], shape[-1]
    lim = jnp.sqrt(6.0 / (fan_in + fan_out))
    return jax.random.uniform(key, shape, jnp.float32, -lim, lim)


def setup_inputs(seed: int = 0) -> dict:
    key = jax.random.key(seed)
    ks = jax.random.split(key, 16)
    x = jax.random.normal(ks[0], (N_NODES, D_FEAT), jnp.float32)
    edge_index = jax.random.randint(ks[1], (2, N_EDGES), 0, N_NODES, jnp.int64 if jax.config.jax_enable_x64 else jnp.int32).astype(jnp.int32)
    # layer 1: in=128, heads=8, out=16
    W1 = glorot(ks[2], (128, 128)); b1 = jnp.zeros((128,), jnp.float32)
    att1 = glorot(ks[3], (1, 8, 16)); bias1 = jnp.zeros((128,), jnp.float32)
    # layer 2: in=128, heads=8, out=8
    W2 = glorot(ks[4], (128, 64)); b2 = jnp.zeros((64,), jnp.float32)
    att2 = glorot(ks[5], (1, 8, 8)); bias2 = jnp.zeros((64,), jnp.float32)
    # layer 3: in=64, heads=1, out=num_classes
    W3 = glorot(ks[6], (64, NUM_CLASSES)); b3 = jnp.zeros((NUM_CLASSES,), jnp.float32)
    att3 = glorot(ks[7], (1, 1, NUM_CLASSES)); bias3 = jnp.zeros((NUM_CLASSES,), jnp.float32)
    return {"x": x, "edge_index": edge_index, "W1": W1, "b1": b1, "att1": att1, "bias1": bias1,
            "W2": W2, "b2": b2, "att2": att2, "bias2": bias2,
            "W3": W3, "b3": b3, "att3": att3, "bias3": bias3}


def gat_layer(x, src, dst, W, b_lin, att, bias, heads, out_ch):
    N = x.shape[0]
    h = x @ W + b_lin                      # [N, H*C]
    h = h.reshape(N, heads, out_ch)        # [N, H, C]
    alpha = (h * att).sum(-1)              # [N, H]
    alpha_j = jnp.take(alpha, src, axis=0)  # gather at source nodes [E, H]
    alpha_j = jax.nn.leaky_relu(alpha_j, negative_slope=0.2)
    # segment softmax grouped by destination node
    amax = jax.ops.segment_max(alpha_j, dst, num_segments=N)
    alpha_e = jnp.exp(alpha_j - jnp.take(amax, dst, axis=0))
    asum = jax.ops.segment_sum(alpha_e, dst, num_segments=N)
    alpha_n = alpha_e / jnp.take(asum, dst, axis=0)
    # dropout p=0.6 is identity in eval mode
    msg = jnp.take(h, src, axis=0) * alpha_n[:, :, None]  # [E, H, C]
    summed = jax.ops.segment_sum(msg, dst, num_segments=N)
    cnt = jax.ops.segment_sum(jnp.ones((src.shape[0],), jnp.float32), dst, num_segments=N)
    out = summed / jnp.clip(cnt, 1.0)[:, None, None]       # aggr='mean'
    return out.reshape(N, heads * out_ch) + bias


def reference(x, edge_index, W1, b1, att1, bias1, W2, b2, att2, bias2, W3, b3, att3, bias3):
    N = x.shape[0]
    loops = jnp.arange(N, dtype=edge_index.dtype)
    ei = jnp.concatenate([edge_index, jnp.stack([loops, loops])], axis=1)
    src, dst = ei[0], ei[1]
    h = gat_layer(x, src, dst, W1, b1, att1, bias1, 8, 16)
    h = jax.nn.leaky_relu(h, negative_slope=0.2)
    h = gat_layer(h, src, dst, W2, b2, att2, bias2, 8, 8)
    h = jax.nn.leaky_relu(h, negative_slope=0.2)
    h = gat_layer(h, src, dst, W3, b3, att3, bias3, 1, NUM_CLASSES)
    return jax.nn.log_softmax(h, axis=1)

if __name__ == "__main__":
    import jax
    _d = setup_inputs()
    print(jax.jit(kernel)(*tuple(_d.values())))

</pallas_src>

<mosaic_0001>
#map = affine_map<(d0, d1) -> (0, 0)>
#map1 = affine_map<(d0, d1) -> (0)>
module attributes {stable_mosaic.version = 14 : i64} {
  func.func @body(%arg0: i32, %arg1: i32, %arg2: memref<20224x128xf32, #tpu.memory_space<hbm>>, %arg3: memref<672000xi32, #tpu.memory_space<hbm>>, %arg4: memref<672000xi32, #tpu.memory_space<hbm>>, %arg5: memref<20224x128xf32, #tpu.memory_space<hbm>>, %arg6: memref<10112x128xf32, #tpu.memory_space<vmem_shared>>, %arg7: memref<128xi32, #tpu.memory_space<vmem>>, %arg8: memref<128xi32, #tpu.memory_space<vmem>>, %arg9: memref<128xi32, #tpu.memory_space<vmem>>, %arg10: memref<128xi32, #tpu.memory_space<vmem>>, %arg11: memref<128xi32, #tpu.memory_space<vmem>>, %arg12: memref<128xi32, #tpu.memory_space<vmem>>, %arg13: memref<128xi32, #tpu.memory_space<vmem>>, %arg14: memref<128xi32, #tpu.memory_space<vmem>>, %arg15: memref<128x128xf32, #tpu.memory_space<vmem>>, %arg16: memref<128x128xf32, #tpu.memory_space<vmem>>, %arg17: memref<8x128xf32, #tpu.memory_space<vmem>>, %arg18: memref<!tpu.dma_semaphore, #tpu.memory_space<semaphore_mem>>, %arg19: memref<!tpu.dma_semaphore, #tpu.memory_space<semaphore_mem>>, %arg20: memref<!tpu.dma_semaphore, #tpu.memory_space<semaphore_mem>>, %arg21: memref<!tpu.dma_semaphore, #tpu.memory_space<semaphore_mem>>) attributes {dimension_semantics = [#tpu.dimension_semantics<core_parallel>, #tpu.dimension_semantics<subcore_parallel>], iteration_bounds = array<i64: 2, 16>, scalar_prefetch = 0 : i64, scratch_operands = 16 : i64, tpu.core_type = #tpu.core_type<sc_vector_subcore>, window_params = [{transform_indices = #map}, {transform_indices = #map1}, {transform_indices = #map1}, {transform_indices = #map}]} {
    %mul3A = arith.constant 335872 : i32
    %mul3A_0 = arith.muli %arg0, %mul3A : i32
    %mul3A_1 = arith.constant 20992 : i32
    %mul3A_2 = arith.muli %arg1, %mul3A_1 : i32
    %add3A = arith.addi %mul3A_0, %mul3A_2 : i32
    %dma_start3A = tpu.memref_slice %arg3[%add3A] : memref<672000xi32, #tpu.memory_space<hbm>> -> memref<128xi32, #tpu.memory_space<hbm>>
    %dma_start3A_3 = tpu.memref_slice %arg3[%add3A] : memref<672000xi32, #tpu.memory_space<hbm>> -> memref<128xi32, #tpu.memory_space<hbm>>
    tpu.enqueue_dma source(%dma_start3A_3 : memref<128xi32, #tpu.memory_space<hbm>>) target(%arg7 : memref<128xi32, #tpu.memory_space<vmem>>) target_semaphore(%arg18 : memref<!tpu.dma_semaphore, #tpu.memory_space<semaphore_mem>>)
    %add3A_4 = arith.constant 128 : i32
    %add3A_5 = arith.addi %add3A, %add3A_4 : i32
    %dma_start3A_6 = tpu.memref_slice %arg3[%add3A_5] : memref<672000xi32, #tpu.memory_space<hbm>> -> memref<128xi32, #tpu.memory_space<hbm>>
    %dma_start3A_7 = tpu.memref_slice %arg3[%add3A_5] : memref<672000xi32, #tpu.memory_space<hbm>> -> memref<128xi32, #tpu.memory_space<hbm>>
    tpu.enqueue_dma source(%dma_start3A_7 : memref<128xi32, #tpu.memory_space<hbm>>) target(%arg8 : memref<128xi32, #tpu.memory_space<vmem>>) target_semaphore(%arg18 : memref<!tpu.dma_semaphore, #tpu.memory_space<semaphore_mem>>)
    %dma_start3A_8 = tpu.memref_slice %arg4[%add3A] : memref<672000xi32, #tpu.memory_space<hbm>> -> memref<128xi32, #tpu.memory_space<hbm>>
    %dma_start3A_9 = tpu.memref_slice %arg4[%add3A] : memref<672000xi32, #tpu.memory_space<hbm>> -> memref<128xi32, #tpu.memory_space<hbm>>
    tpu.enqueue_dma source(%dma_start3A_9 : memref<128xi32, #tpu.memory_space<hbm>>) target(%arg11 : memref<128xi32, #tpu.memory_space<vmem>>) target_semaphore(%arg18 : memref<!tpu.dma_semaphore, #tpu.memory_space<semaphore_mem>>)
    %add3A_10 = arith.constant 128 : i32
    %add3A_11 = arith.addi %add3A, %add3A_10 : i32
    %dma_start3A_12 = tpu.memref_slice %arg4[%add3A_11] : memref<672000xi32, #tpu.memory_space<hbm>> -> memref<128xi32, #tpu.memory_space<hbm>>
    %dma_start3A_13 = tpu.memref_slice %arg4[%add3A_11] : memref<672000xi32, #tpu.memory_space<hbm>> -> memref<128xi32, #tpu.memory_space<hbm>>
    tpu.enqueue_dma source(%dma_start3A_13 : memref<128xi32, #tpu.memory_space<hbm>>) target(%arg12 : memref<128xi32, #tpu.memory_space<vmem>>) target_semaphore(%arg18 : memref<!tpu.dma_semaphore, #tpu.memory_space<semaphore_mem>>)
    %broadcast_in_dim3A = arith.constant 0.000000e+00 : f32
    %broadcast_in_dim3A_14 = vector.broadcast %broadcast_in_dim3A : f32 to vector<16xf32>
    %swap3A = arith.constant 0 : i32
    %swap3A_15 = arith.index_cast %swap3A : i32 to index
    %swap3A_16 = arith.constant 0 : index
    %swap3A_17 = tpu.vector_load %arg17[%swap3A_15, %swap3A_16] {strides = array<i32>} : memref<8x128xf32, #tpu.memory_space<vmem>>, vector<1x16xf32>,
    %swap3A_18 = vector.shape_cast %swap3A_17 : vector<1x16xf32> to vector<16xf32>
    %swap3A_19 = vector.shape_cast %broadcast_in_dim3A_14 : vector<16xf32> to vector<1x16xf32>
    tpu.vector_store %arg17[%swap3A_15, %swap3A_16], %swap3A_19 {strides = array<i32>} : memref<8x128xf32, #tpu.memory_space<vmem>>, vector<1x16xf32>,
    %broadcast_in_dim3A_20 = arith.constant 0.000000e+00 : f32
    %broadcast_in_dim3A_21 = vector.broadcast %broadcast_in_dim3A_20 : f32 to vector<16xf32>
    %swap3A_22 = arith.constant 0 : i32
    %swap3A_23 = arith.index_cast %swap3A_22 : i32 to index
    %swap3A_24 = arith.constant 16 : index
    %swap3A_25 = tpu.vector_load %arg17[%swap3A_23, %swap3A_24] {strides = array<i32>} : memref<8x128xf32, #tpu.memory_space<vmem>>, vector<1x16xf32>,
    %swap3A_26 = vector.shape_cast %swap3A_25 : vector<1x16xf32> to vector<16xf32>
    %swap3A_27 = vector.shape_cast %broadcast_in_dim3A_21 : vector<16xf32> to vector<1x16xf32>
    tpu.vector_store %arg17[%swap3A_23, %swap3A_24], %swap3A_27 {strides = array<i32>} : memref<8x128xf32, #tpu.memory_space<vmem>>, vector<1x16xf32>,
    %broadcast_in_dim3A_28 = arith.constant 0.000000e+00 : f32
    %broadcast_in_dim3A_29 = vector.broadcast %broadcast_in_dim3A_28 : f32 to vector<16xf32>
    %swap3A_30 = arith.constant 0 : i32
    %swap3A_31 = arith.index_cast %swap3A_30 : i32 to index
    %swap3A_32 = arith.constant 32 : index
    %swap3A_33 = tpu.vector_load %arg17[%swap3A_31, %swap3A_32] {strides = array<i32>} : memref<8x128xf32, #tpu.memory_space<vmem>>, vector<1x16xf32>,
    %swap3A_34 = vector.shape_cast %swap3A_33 : vector<1x16xf32> to vector<16xf32>
    %swap3A_35 = vector.shape_cast %broadcast_in_dim3A_29 : vector<16xf32> to vector<1x16xf32>
    tpu.vector_store %arg17[%swap3A_31, %swap3A_32], %swap3A_35 {strides = array<i32>} : memref<8x128xf32, #tpu.memory_space<vmem>>, vector<1x16xf32>,
    %broadcast_in_dim3A_36 = arith.constant 0.000000e+00 : f32
    %broadcast_in_dim3A_37 = vector.broadcast %broadcast_in_dim3A_36 : f32 to vector<16xf32>
    %swap3A_38 = arith.constant 0 : i32
    %swap3A_39 = arith.index_cast %swap3A_38 : i32 to index
    %swap3A_40 = arith.constant 48 : index
    %swap3A_41 = tpu.vector_load %arg17[%swap3A_39, %swap3A_40] {strides = array<i32>} : memref<8x128xf32, #tpu.memory_space<vmem>>, vector<1x16xf32>,
    %swap3A_42 = vector.shape_cast %swap3A_41 : vector<1x16xf32> to vector<16xf32>
    %swap3A_43 = vector.shape_cast %broadcast_in_dim3A_37 : vector<16xf32> to vector<1x16xf32>
    tpu.vector_store %arg17[%swap3A_39, %swap3A_40], %swap3A_43 {strides = array<i32>} : memref<8x128xf32, #tpu.memory_space<vmem>>, vector<1x16xf32>,
    %broadcast_in_dim3A_44 = arith.constant 0.000000e+00 : f32
    %broadcast_in_dim3A_45 = vector.broadcast %broadcast_in_dim3A_44 : f32 to vector<16xf32>
    %swap3A_46 = arith.constant 0 : i32
    %swap3A_47 = arith.index_cast %swap3A_46 : i32 to index
    %swap3A_48 = arith.constant 64 : index
    %swap3A_49 = tpu.vector_load %arg17[%swap3A_47, %swap3A_48] {strides = array<i32>} : memref<8x128xf32, #tpu.memory_space<vmem>>, vector<1x16xf32>,
    %swap3A_50 = vector.shape_cast %swap3A_49 : vector<1x16xf32> to vector<16xf32>
    %swap3A_51 = vector.shape_cast %broadcast_in_dim3A_45 : vector<16xf32> to vector<1x16xf32>
    tpu.vector_store %arg17[%swap3A_47, %swap3A_48], %swap3A_51 {strides = array<i32>} : memref<8x128xf32, #tpu.memory_space<vmem>>, vector<1x16xf32>,
    %broadcast_in_dim3A_52 = arith.constant 0.000000e+00 : f32
    %broadcast_in_dim3A_53 = vector.broadcast %broadcast_in_dim3A_52 : f32 to vector<16xf32>
    %swap3A_54 = arith.constant 0 : i32
    %swap3A_55 = arith.index_cast %swap3A_54 : i32 to index
    %swap3A_56 = arith.constant 80 : index
    %swap3A_57 = tpu.vector_load %arg17[%swap3A_55, %swap3A_56] {strides = array<i32>} : memref<8x128xf32, #tpu.memory_space<vmem>>, vector<1x16xf32>,
    %swap3A_58 = vector.shape_cast %swap3A_57 : vector<1x16xf32> to vector<16xf32>
    %swap3A_59 = vector.shape_cast %broadcast_in_dim3A_53 : vector<16xf32> to vector<1x16xf32>
    tpu.vector_store %arg17[%swap3A_55, %swap3A_56], %swap3A_59 {strides = array<i32>} : memref<8x128xf32, #tpu.memory_space<vmem>>, vector<1x16xf32>,
    %broadcast_in_dim3A_60 = arith.constant 0.000000e+00 : f32
    %broadcast_in_dim3A_61 = vector.broadcast %broadcast_in_dim3A_60 : f32 to vector<16xf32>
    %swap3A_62 = arith.constant 0 : i32
    %swap3A_63 = arith.index_cast %swap3A_62 : i32 to index
    %swap3A_64 = arith.constant 96 : index
    %swap3A_65 = tpu.vector_load %arg17[%swap3A_63, %swap3A_64] {strides = array<i32>} : memref<8x128xf32, #tpu.memory_space<vmem>>, vector<1x16xf32>,
    %swap3A_66 = vector.shape_cast %swap3A_65 : vector<1x16xf32> to vector<16xf32>
    %swap3A_67 = vector.shape_cast %broadcast_in_dim3A_61 : vector<16xf32> to vector<1x16xf32>
    tpu.vector_store %arg17[%swap3A_63, %swap3A_64], %swap3A_67 {strides = array<i32>} : memref<8x128xf32, #tpu.memory_space<vmem>>, vector<1x16xf32>,
    %broadcast_in_dim3A_68 = arith.constant 0.000000e+00 : f32
    %broadcast_in_dim3A_69 = vector.broadcast %broadcast_in_dim3A_68 : f32 to vector<16xf32>
    %swap3A_70 = arith.constant 0 : i32
    %swap3A_71 = arith.index_cast %swap3A_70 : i32 to index
    %swap3A_72 = arith.constant 112 : index
    %swap3A_73 = tpu.vector_load %arg17[%swap3A_71, %swap3A_72] {strides = array<i32>} : memref<8x128xf32, #tpu.memory_space<vmem>>, vector<1x16xf32>,
    %swap3A_74 = vector.shape_cast %swap3A_73 : vector<1x16xf32> to vector<16xf32>
    %swap3A_75 = vector.shape_cast %broadcast_in_dim3A_69 : vector<16xf32> to vector<1x16xf32>
    tpu.vector_store %arg17[%swap3A_71, %swap3A_72], %swap3A_75 {strides = array<i32>} : memref<8x128xf32, #tpu.memory_space<vmem>>, vector<1x16xf32>,
    %broadcast_in_dim3A_76 = arith.constant 0.000000e+00 : f32
    %broadcast_in_dim3A_77 = vector.broadcast %broadcast_in_dim3A_76 : f32 to vector<16xf32>
    %swap3A_78 = arith.constant 1 : i32
    %swap3A_79 = arith.index_cast %swap3A_78 : i32 to index
    %swap3A_80 = arith.constant 0 : index
    %swap3A_81 = tpu.vector_load %arg17[%swap3A_79, %swap3A_80] {strides = array<i32>} : memref<8x128xf32, #tpu.memory_space<vmem>>, vector<1x16xf32>,
    %swap3A_82 = vector.shape_cast %swap3A_81 : vector<1x16xf32> to vector<16xf32>
    %swap3A_83 = vector.shape_cast %broadcast_in_dim3A_77 : vector<16xf32> to vector<1x16xf32>
    tpu.vector_store %arg17[%swap3A_79, %swap3A_80], %swap3A_83 {strides = array<i32>} : memref<8x128xf32, #tpu.memory_space<vmem>>, vector<1x16xf32>,
    %broadcast_in_dim3A_84 = arith.constant 0.000000e+00 : f32
    %broadcast_in_dim3A_85 = vector.broadcast %broadcast_in_dim3A_84 : f32 to vector<16xf32>
    %swap3A_86 = arith.constant 1 : i32
    %swap3A_87 = arith.index_cast %swap3A_86 : i32 to index
    %swap3A_88 = arith.constant 16 : index
    %swap3A_89 = tpu.vector_load %arg17[%swap3A_87, %swap3A_88] {strides = array<i32>} : memref<8x128xf32, #tpu.memory_space<vmem>>, vector<1x16xf32>,
    %swap3A_90 = vector.shape_cast %swap3A_89 : vector<1x16xf32> to vector<16xf32>
    %swap3A_91 = vector.shape_cast %broadcast_in_dim3A_85 : vector<16xf32> to vector<1x16xf32>
    tpu.vector_store %arg17[%swap3A_87, %swap3A_88], %swap3A_91 {strides = array<i32>} : memref<8x128xf32, #tpu.memory_space<vmem>>, vector<1x16xf32>,
    %broadcast_in_dim3A_92 = arith.constant 0.000000e+00 : f32
    %broadcast_in_dim3A_93 = vector.broadcast %broadcast_in_dim3A_92 : f32 to vector<16xf32>
    %swap3A_94 = arith.constant 1 : i32
    %swap3A_95 = arith.index_cast %swap3A_94 : i32 to index
    %swap3A_96 = arith.constant 32 : index
    %swap3A_97 = tpu.vector_load %arg17[%swap3A_95, %swap3A_96] {strides = array<i32>} : memref<8x128xf32, #tpu.memory_space<vmem>>, vector<1x16xf32>,
    %swap3A_98 = vector.shape_cast %swap3A_97 : vector<1x16xf32> to vector<16xf32>
    %swap3A_99 = vector.shape_cast %broadcast_in_dim3A_93 : vector<16xf32> to vector<1x16xf32>
    tpu.vector_store %arg17[%swap3A_95, %swap3A_96], %swap3A_99 {strides = array<i32>} : memref<8x128xf32, #tpu.memory_space<vmem>>, vector<1x16xf32>,
    %broadcast_in_dim3A_100 = arith.constant 0.000000e+00 : f32
    %broadcast_in_dim3A_101 = vector.broadcast %broadcast_in_dim3A_100 : f32 to vector<16xf32>
    %swap3A_102 = arith.constant 1 : i32
    %swap3A_103 = arith.index_cast %swap3A_102 : i32 to index
    %swap3A_104 = arith.constant 48 : index
    %swap3A_105 = tpu.vector_load %arg17[%swap3A_103, %swap3A_104] {strides = array<i32>} : memref<8x128xf32, #tpu.memory_space<vmem>>, vector<1x16xf32>,
    %swap3A_106 = vector.shape_cast %swap3A_105 : vector<1x16xf32> to vector<16xf32>
    %swap3A_107 = vector.shape_cast %broadcast_in_dim3A_101 : vector<16xf32> to vector<1x16xf32>
    tpu.vector_store %arg17[%swap3A_103, %swap3A_104], %swap3A_107 {strides = array<i32>} : memref<8x128xf32, #tpu.memory_space<vmem>>, vector<1x16xf32>,
    %broadcast_in_dim3A_108 = arith.constant 0.000000e+00 : f32
    %broadcast_in_dim3A_109 = vector.broadcast %broadcast_in_dim3A_108 : f32 to vector<16xf32>
    %swap3A_110 = arith.constant 1 : i32
    %swap3A_111 = arith.index_cast %swap3A_110 : i32 to index
    %swap3A_112 = arith.constant 64 : index
    %swap3A_113 = tpu.vector_load %arg17[%swap3A_111, %swap3A_112] {strides = array<i32>} : memref<8x128xf32, #tpu.memory_space<vmem>>, vector<1x16xf32>,
    %swap3A_114 = vector.shape_cast %swap3A_113 : vector<1x16xf32> to vector<16xf32>
    %swap3A_115 = vector.shape_cast %broadcast_in_dim3A_109 : vector<16xf32> to vector<1x16xf32>
    tpu.vector_store %arg17[%swap3A_111, %swap3A_112], %swap3A_115 {strides = array<i32>} : memref<8x128xf32, #tpu.memory_space<vmem>>, vector<1x16xf32>,
    %broadcast_in_dim3A_116 = arith.constant 0.000000e+00 : f32
    %broadcast_in_dim3A_117 = vector.broadcast %broadcast_in_dim3A_116 : f32 to vector<16xf32>
    %swap3A_118 = arith.constant 1 : i32
    %swap3A_119 = arith.index_cast %swap3A_118 : i32 to index
    %swap3A_120 = arith.constant 80 : index
    %swap3A_121 = tpu.vector_load %arg17[%swap3A_119, %swap3A_120] {strides = array<i32>} : memref<8x128xf32, #tpu.memory_space<vmem>>, vector<1x16xf32>,
    %swap3A_122 = vector.shape_cast %swap3A_121 : vector<1x16xf32> to vector<16xf32>
    %swap3A_123 = vector.shape_cast %broadcast_in_dim3A_117 : vector<16xf32> to vector<1x16xf32>
    tpu.vector_store %arg17[%swap3A_119, %swap3A_120], %swap3A_123 {strides = array<i32>} : memref<8x128xf32, #tpu.memory_space<vmem>>, vector<1x16xf32>,
    %broadcast_in_dim3A_124 = arith.constant 0.000000e+00 : f32
    %broadcast_in_dim3A_125 = vector.broadcast %broadcast_in_dim3A_124 : f32 to vector<16xf32>
    %swap3A_126 = arith.constant 1 : i32
    %swap3A_127 = arith.index_cast %swap3A_126 : i32 to index
    %swap3A_128 = arith.constant 96 : index
    %swap3A_129 = tpu.vector_load %arg17[%swap3A_127, %swap3A_128] {strides = array<i32>} : memref<8x128xf32, #tpu.memory_space<vmem>>, vector<1x16xf32>,
    %swap3A_130 = vector.shape_cast %swap3A_129 : vector<1x16xf32> to vector<16xf32>
    %swap3A_131 = vector.shape_cast %broadcast_in_dim3A_125 : vector<16xf32> to vector<1x16xf32>
    tpu.vector_store %arg17[%swap3A_127, %swap3A_128], %swap3A_131 {strides = array<i32>} : memref<8x128xf32, #tpu.memory_space<vmem>>, vector<1x16xf32>,
    %broadcast_in_dim3A_132 = arith.constant 0.000000e+00 : f32
    %broadcast_in_dim3A_133 = vector.broadcast %broadcast_in_dim3A_132 : f32 to vector<16xf32>
    %swap3A_134 = arith.constant 1 : i32
    %swap3A_135 = arith.index_cast %swap3A_134 : i32 to index
    %swap3A_136 = arith.constant 112 : index
    %swap3A_137 = tpu.vector_load %arg17[%swap3A_135, %swap3A_136] {strides = array<i32>} : memref<8x128xf32, #tpu.memory_space<vmem>>, vector<1x16xf32>,
    %swap3A_138 = vector.shape_cast %swap3A_137 : vector<1x16xf32> to vector<16xf32>
    %swap3A_139 = vector.shape_cast %broadcast_in_dim3A_133 : vector<16xf32> to vector<1x16xf32>
    tpu.vector_store %arg17[%swap3A_135, %swap3A_136], %swap3A_139 {strides = array<i32>} : memref<8x128xf32, #tpu.memory_space<vmem>>, vector<1x16xf32>,
    %broadcast_in_dim3A_140 = arith.constant 0.000000e+00 : f32
    %broadcast_in_dim3A_141 = vector.broadcast %broadcast_in_dim3A_140 : f32 to vector<16xf32>
    %swap3A_142 = arith.constant 2 : i32
    %swap3A_143 = arith.index_cast %swap3A_142 : i32 to index
    %swap3A_144 = arith.constant 0 : index
    %swap3A_145 = tpu.vector_load %arg17[%swap3A_143, %swap3A_144] {strides = array<i32>} : memref<8x128xf32, #tpu.memory_space<vmem>>, vector<1x16xf32>,
    %swap3A_146 = vector.shape_cast %swap3A_145 : vector<1x16xf32> to vector<16xf32>
    %swap3A_147 = vector.shape_cast %broadcast_in_dim3A_141 : vector<16xf32> to vector<1x16xf32>
    tpu.vector_store %arg17[%swap3A_143, %swap3A_144], %swap3A_147 {strides = array<i32>} : memref<8x128xf32, #tpu.memory_space<vmem>>, vector<1x16xf32>,
    %broadcast_in_dim3A_148 = arith.constant 0.000000e+00 : f32
    %broadcast_in_dim3A_149 = vector.broadcast %broadcast_in_dim3A_148 : f32 to vector<16xf32>
    %swap3A_150 = arith.constant 2 : i32
    %swap3A_151 = arith.index_cast %swap3A_150 : i32 to index
    %swap3A_152 = arith.constant 16 : index
    %swap3A_153 = tpu.vector_load %arg17[%swap3A_151, %swap3A_152] {strides = array<i32>} : memref<8x128xf32, #tpu.memory_space<vmem>>, vector<1x16xf32>,
    %swap3A_154 = vector.shape_cast %swap3A_153 : vector<1x16xf32> to vector<16xf32>
    %swap3A_155 = vector.shape_cast %broadcast_in_dim3A_149 : vector<16xf32> to vector<1x16xf32>
    tpu.vector_store %arg17[%swap3A_151, %swap3A_152], %swap3A_155 {strides = array<i32>} : memref<8x128xf32, #tpu.memory_space<vmem>>, vector<1x16xf32>,
    %broadcast_in_dim3A_156 = arith.constant 0.000000e+00 : f32
    %broadcast_in_dim3A_157 = vector.broadcast %broadcast_in_dim3A_156 : f32 to vector<16xf32>
    %swap3A_158 = arith.constant 2 : i32
    %swap3A_159 = arith.index_cast %swap3A_158 : i32 to index
    %swap3A_160 = arith.constant 32 : index
    %swap3A_161 = tpu.vector_load %arg17[%swap3A_159, %swap3A_160] {strides = array<i32>} : memref<8x128xf32, #tpu.memory_space<vmem>>, vector<1x16xf32>,
    %swap3A_162 = vector.shape_cast %swap3A_161 : vector<1x16xf32> to vector<16xf32>
    %swap3A_163 = vector.shape_cast %broadcast_in_dim3A_157 : vector<16xf32> to vector<1x16xf32>
    tpu.vector_store %arg17[%swap3A_159, %swap3A_160], %swap3A_163 {strides = array<i32>} : memref<8x128xf32, #tpu.memory_space<vmem>>, vector<1x16xf32>,
    %broadcast_in_dim3A_164 = arith.constant 0.000000e+00 : f32
    %broadcast_in_dim3A_165 = vector.broadcast %broadcast_in_dim3A_164 : f32 to vector<16xf32>
    %swap3A_166 = arith.constant 2 : i32
    %swap3A_167 = arith.index_cast %swap3A_166 : i32 to index
    %swap3A_168 = arith.constant 48 : index
    %swap3A_169 = tpu.vector_load %arg17[%swap3A_167, %swap3A_168] {strides = array<i32>} : memref<8x128xf32, #tpu.memory_space<vmem>>, vector<1x16xf32>,
    %swap3A_170 = vector.shape_cast %swap3A_169 : vector<1x16xf32> to vector<16xf32>
    %swap3A_171 = vector.shape_cast %broadcast_in_dim3A_165 : vector<16xf32> to vector<1x16xf32>
    tpu.vector_store %arg17[%swap3A_167, %swap3A_168], %swap3A_171 {strides = array<i32>} : memref<8x128xf32, #tpu.memory_space<vmem>>, vector<1x16xf32>,
    %broadcast_in_dim3A_172 = arith.constant 0.000000e+00 : f32
    %broadcast_in_dim3A_173 = vector.broadcast %broadcast_in_dim3A_172 : f32 to vector<16xf32>
    %swap3A_174 = arith.constant 2 : i32
    %swap3A_175 = arith.index_cast %swap3A_174 : i32 to index
    %swap3A_176 = arith.constant 64 : index
    %swap3A_177 = tpu.vector_load %arg17[%swap3A_175, %swap3A_176] {strides = array<i32>} : memref<8x128xf32, #tpu.memory_space<vmem>>, vector<1x16xf32>,
    %swap3A_178 = vector.shape_cast %swap3A_177 : vector<1x16xf32> to vector<16xf32>
    %swap3A_179 = vector.shape_cast %broadcast_in_dim3A_173 : vector<16xf32> to vector<1x16xf32>
    tpu.vector_store %arg17[%swap3A_175, %swap3A_176], %swap3A_179 {strides = array<i32>} : memref<8x128xf32, #tpu.memory_space<vmem>>, vector<1x16xf32>,
    %broadcast_in_dim3A_180 = arith.constant 0.000000e+00 : f32
    %broadcast_in_dim3A_181 = vector.broadcast %broadcast_in_dim3A_180 : f32 to vector<16xf32>
    %swap3A_182 = arith.constant 2 : i32
    %swap3A_183 = arith.index_cast %swap3A_182 : i32 to index
    %swap3A_184 = arith.constant 80 : index
    %swap3A_185 = tpu.vector_load %arg17[%swap3A_183, %swap3A_184] {strides = array<i32>} : memref<8x128xf32, #tpu.memory_space<vmem>>, vector<1x16xf32>,
    %swap3A_186 = vector.shape_cast %swap3A_185 : vector<1x16xf32> to vector<16xf32>
    %swap3A_187 = vector.shape_cast %broadcast_in_dim3A_181 : vector<16xf32> to vector<1x16xf32>
    tpu.vector_store %arg17[%swap3A_183, %swap3A_184], %swap3A_187 {strides = array<i32>} : memref<8x128xf32, #tpu.memory_space<vmem>>, vector<1x16xf32>,
    %broadcast_in_dim3A_188 = arith.constant 0.000000e+00 : f32
    %broadcast_in_dim3A_189 = vector.broadcast %broadcast_in_dim3A_188 : f32 to vector<16xf32>
    %swap3A_190 = arith.constant 2 : i32
    %swap3A_191 = arith.index_cast %swap3A_190 : i32 to index
    %swap3A_192 = arith.constant 96 : index
    %swap3A_193 = tpu.vector_load %arg17[%swap3A_191, %swap3A_192] {strides = array<i32>} : memref<8x128xf32, #tpu.memory_space<vmem>>, vector<1x16xf32>,
    %swap3A_194 = vector.shape_cast %swap3A_193 : vector<1x16xf32> to vector<16xf32>
    %swap3A_195 = vector.shape_cast %broadcast_in_dim3A_189 : vector<16xf32> to vector<1x16xf32>
    tpu.vector_store %arg17[%swap3A_191, %swap3A_192], %swap3A_195 {strides = array<i32>} : memref<8x128xf32, #tpu.memory_space<vmem>>, vector<1x16xf32>,
    %broadcast_in_dim3A_196 = arith.constant 0.000000e+00 : f32
    %broadcast_in_dim3A_197 = vector.broadcast %broadcast_in_dim3A_196 : f32 to vector<16xf32>
    %swap3A_198 = arith.constant 2 : i32
    %swap3A_199 = arith.index_cast %swap3A_198 : i32 to index
    %swap3A_200 = arith.constant 112 : index
    %swap3A_201 = tpu.vector_load %arg17[%swap3A_199, %swap3A_200] {strides = array<i32>} : memref<8x128xf32, #tpu.memory_space<vmem>>, vector<1x16xf32>,
    %swap3A_202 = vector.shape_cast %swap3A_201 : vector<1x16xf32> to vector<16xf32>
    %swap3A_203 = vector.shape_cast %broadcast_in_dim3A_197 : vector<16xf32> to vector<1x16xf32>
    tpu.vector_store %arg17[%swap3A_199, %swap3A_200], %swap3A_203 {strides = array<i32>} : memref<8x128xf32, #tpu.memory_space<vmem>>, vector<1x16xf32>,
    %broadcast_in_dim3A_204 = arith.constant 0.000000e+00 : f32
    %broadcast_in_dim3A_205 = vector.broadcast %broadcast_in_dim3A_204 : f32 to vector<16xf32>
    %swap3A_206 = arith.constant 3 : i32
    %swap3A_207 = arith.index_cast %swap3A_206 : i32 to index
    %swap3A_208 = arith.constant 0 : index
    %swap3A_209 = tpu.vector_load %arg17[%swap3A_207, %swap3A_208] {strides = array<i32>} : memref<8x128xf32, #tpu.memory_space<vmem>>, vector<1x16xf32>,
    %swap3A_210 = vector.shape_cast %swap3A_209 : vector<1x16xf32> to vector<16xf32>
    %swap3A_211 = vector.shape_cast %broadcast_in_dim3A_205 : vector<16xf32> to vector<1x16xf32>
    tpu.vector_store %arg17[%swap3A_207, %swap3A_208], %swap3A_211 {strides = array<i32>} : memref<8x128xf32, #tpu.memory_space<vmem>>, vector<1x16xf32>,
    %broadcast_in_dim3A_212 = arith.constant 0.000000e+00 : f32
    %broadcast_in_dim3A_213 = vector.broadcast %broadcast_in_dim3A_212 : f32 to vector<16xf32>
    %swap3A_214 = arith.constant 3 : i32
    %swap3A_215 = arith.index_cast %swap3A_214 : i32 to index
    %swap3A_216 = arith.constant 16 : index
    %swap3A_217 = tpu.vector_load %arg17[%swap3A_215, %swap3A_216] {strides = array<i32>} : memref<8x128xf32, #tpu.memory_space<vmem>>, vector<1x16xf32>,
    %swap3A_218 = vector.shape_cast %swap3A_217 : vector<1x16xf32> to vector<16xf32>
    %swap3A_219 = vector.shape_cast %broadcast_in_dim3A_213 : vector<16xf32> to vector<1x16xf32>
    tpu.vector_store %arg17[%swap3A_215, %swap3A_216], %swap3A_219 {strides = array<i32>} : memref<8x128xf32, #tpu.memory_space<vmem>>, vector<1x16xf32>,
    %broadcast_in_dim3A_220 = arith.constant 0.000000e+00 : f32
    %broadcast_in_dim3A_221 = vector.broadcast %broadcast_in_dim3A_220 : f32 to vector<16xf32>
    %swap3A_222 = arith.constant 3 : i32
    %swap3A_223 = arith.index_cast %swap3A_222 : i32 to index
    %swap3A_224 = arith.constant 32 : index
    %swap3A_225 = tpu.vector_load %arg17[%swap3A_223, %swap3A_224] {strides = array<i32>} : memref<8x128xf32, #tpu.memory_space<vmem>>, vector<1x16xf32>,
    %swap3A_226 = vector.shape_cast %swap3A_225 : vector<1x16xf32> to vector<16xf32>
    %swap3A_227 = vector.shape_cast %broadcast_in_dim3A_221 : vector<16xf32> to vector<1x16xf32>
    tpu.vector_store %arg17[%swap3A_223, %swap3A_224], %swap3A_227 {strides = array<i32>} : memref<8x128xf32, #tpu.memory_space<vmem>>, vector<1x16xf32>,
    %broadcast_in_dim3A_228 = arith.constant 0.000000e+00 : f32
    %broadcast_in_dim3A_229 = vector.broadcast %broadcast_in_dim3A_228 : f32 to vector<16xf32>
    %swap3A_230 = arith.constant 3 : i32
    %swap3A_231 = arith.index_cast %swap3A_230 : i32 to index
    %swap3A_232 = arith.constant 48 : index
    %swap3A_233 = tpu.vector_load %arg17[%swap3A_231, %swap3A_232] {strides = array<i32>} : memref<8x128xf32, #tpu.memory_space<vmem>>, vector<1x16xf32>,
    %swap3A_234 = vector.shape_cast %swap3A_233 : vector<1x16xf32> to vector<16xf32>
    %swap3A_235 = vector.shape_cast %broadcast_in_dim3A_229 : vector<16xf32> to vector<1x16xf32>
    tpu.vector_store %arg17[%swap3A_231, %swap3A_232], %swap3A_235 {strides = array<i32>} : memref<8x128xf32, #tpu.memory_space<vmem>>, vector<1x16xf32>,
    %broadcast_in_dim3A_236 = arith.constant 0.000000e+00 : f32
    %broadcast_in_dim3A_237 = vector.broadcast %broadcast_in_dim3A_236 : f32 to vector<16xf32>
    %swap3A_238 = arith.constant 3 : i32
    %swap3A_239 = arith.index_cast %swap3A_238 : i32 to index
    %swap3A_240 = arith.constant 64 : index
    %swap3A_241 = tpu.vector_load %arg17[%swap3A_239, %swap3A_240] {strides = array<i32>} : memref<8x128xf32, #tpu.memory_space<vmem>>, vector<1x16xf32>,
    %swap3A_242 = vector.shape_cast %swap3A_241 : vector<1x16xf32> to vector<16xf32>
    %swap3A_243 = vector.shape_cast %broadcast_in_dim3A_237 : vector<16xf32> to vector<1x16xf32>
    tpu.vector_store %arg17[%swap3A_239, %swap3A_240], %swap3A_243 {strides = array<i32>} : memref<8x128xf32, #tpu.memory_space<vmem>>, vector<1x16xf32>,
    %broadcast_in_dim3A_244 = arith.constant 0.000000e+00 : f32
    %broadcast_in_dim3A_245 = vector.broadcast %broadcast_in_dim3A_244 : f32 to vector<16xf32>
    %swap3A_246 = arith.constant 3 : i32
    %swap3A_247 = arith.index_cast %swap3A_246 : i32 to index
    %swap3A_248 = arith.constant 80 : index
    %swap3A_249 = tpu.vector_load %arg17[%swap3A_247, %swap3A_248] {strides = array<i32>} : memref<8x128xf32, #tpu.memory_space<vmem>>, vector<1x16xf32>,
    %swap3A_250 = vector.shape_cast %swap3A_249 : vector<1x16xf32> to vector<16xf32>
    %swap3A_251 = vector.shape_cast %broadcast_in_dim3A_245 : vector<16xf32> to vector<1x16xf32>
    tpu.vector_store %arg17[%swap3A_247, %swap3A_248], %swap3A_251 {strides = array<i32>} : memref<8x128xf32, #tpu.memory_space<vmem>>, vector<1x16xf32>,
    %broadcast_in_dim3A_252 = arith.constant 0.000000e+00 : f32
    %broadcast_in_dim3A_253 = vector.broadcast %broadcast_in_dim3A_252 : f32 to vector<16xf32>
    %swap3A_254 = arith.constant 3 : i32
    %swap3A_255 = arith.index_cast %swap3A_254 : i32 to index
    %swap3A_256 = arith.constant 96 : index
    %swap3A_257 = tpu.vector_load %arg17[%swap3A_255, %swap3A_256] {strides = array<i32>} : memref<8x128xf32, #tpu.memory_space<vmem>>, vector<1x16xf32>,
    %swap3A_258 = vector.shape_cast %swap3A_257 : vector<1x16xf32> to vector<16xf32>
    %swap3A_259 = vector.shape_cast %broadcast_in_dim3A_253 : vector<16xf32> to vector<1x16xf32>
    tpu.vector_store %arg17[%swap3A_255, %swap3A_256], %swap3A_259 {strides = array<i32>} : memref<8x128xf32, #tpu.memory_space<vmem>>, vector<1x16xf32>,
    %broadcast_in_dim3A_260 = arith.constant 0.000000e+00 : f32
    %broadcast_in_dim3A_261 = vector.broadcast %broadcast_in_dim3A_260 : f32 to vector<16xf32>
    %swap3A_262 = arith.constant 3 : i32
    %swap3A_263 = arith.index_cast %swap3A_262 : i32 to index
    %swap3A_264 = arith.constant 112 : index
    %swap3A_265 = tpu.vector_load %arg17[%swap3A_263, %swap3A_264] {strides = array<i32>} : memref<8x128xf32, #tpu.memory_space<vmem>>, vector<1x16xf32>,
    %swap3A_266 = vector.shape_cast %swap3A_265 : vector<1x16xf32> to vector<16xf32>
    %swap3A_267 = vector.shape_cast %broadcast_in_dim3A_261 : vector<16xf32> to vector<1x16xf32>
    tpu.vector_store %arg17[%swap3A_263, %swap3A_264], %swap3A_267 {strides = array<i32>} : memref<8x128xf32, #tpu.memory_space<vmem>>, vector<1x16xf32>,
    %broadcast_in_dim3A_268 = arith.constant 0.000000e+00 : f32
    %broadcast_in_dim3A_269 = vector.broadcast %broadcast_in_dim3A_268 : f32 to vector<16xf32>
    %swap3A_270 = arith.constant 4 : i32
    %swap3A_271 = arith.index_cast %swap3A_270 : i32 to index
    %swap3A_272 = arith.constant 0 : index
    %swap3A_273 = tpu.vector_load %arg17[%swap3A_271, %swap3A_272] {strides = array<i32>} : memref<8x128xf32, #tpu.memory_space<vmem>>, vector<1x16xf32>,
    %swap3A_274 = vector.shape_cast %swap3A_273 : vector<1x16xf32> to vector<16xf32>
    %swap3A_275 = vector.shape_cast %broadcast_in_dim3A_269 : vector<16xf32> to vector<1x16xf32>
    tpu.vector_store %arg17[%swap3A_271, %swap3A_272], %swap3A_275 {strides = array<i32>} : memref<8x128xf32, #tpu.memory_space<vmem>>, vector<1x16xf32>,
    %broadcast_in_dim3A_276 = arith.constant 0.000000e+00 : f32
    %broadcast_in_dim3A_277 = vector.broadcast %broadcast_in_dim3A_276 : f32 to vector<16xf32>
    %swap3A_278 = arith.constant 4 : i32
    %swap3A_279 = arith.index_cast %swap3A_278 : i32 to index
    %swap3A_280 = arith.constant 16 : index
    %swap3A_281 = tpu.vector_load %arg17[%swap3A_279, %swap3A_280] {strides = array<i32>} : memref<8x128xf32, #tpu.memory_space<vmem>>, vector<1x16xf32>,
    %swap3A_282 = vector.shape_cast %swap3A_281 : vector<1x16xf32> to vector<16xf32>
    %swap3A_283 = vector.shape_cast %broadcast_in_dim3A_277 : vector<16xf32> to vector<1x16xf32>
    tpu.vector_store %arg17[%swap3A_279, %swap3A_280], %swap3A_283 {strides = array<i32>} : memref<8x128xf32, #tpu.memory_space<vmem>>, vector<1x16xf32>,
    %broadcast_in_dim3A_284 = arith.constant 0.000000e+00 : f32
    %broadcast_in_dim3A_285 = vector.broadcast %broadcast_in_dim3A_284 : f32 to vector<16xf32>
    %swap3A_286 = arith.constant 4 : i32
    %swap3A_287 = arith.index_cast %swap3A_286 : i32 to index
    %swap3A_288 = arith.constant 32 : index
    %swap3A_289 = tpu.vector_load %arg17[%swap3A_287, %swap3A_288] {strides = array<i32>} : memref<8x128xf32, #tpu.memory_space<vmem>>, vector<1x16xf32>,
    %swap3A_290 = vector.shape_cast %swap3A_289 : vector<1x16xf32> to vector<16xf32>
    %swap3A_291 = vector.shape_cast %broadcast_in_dim3A_285 : vector<16xf32> to vector<1x16xf32>
    tpu.vector_store %arg17[%swap3A_287, %swap3A_288], %swap3A_291 {strides = array<i32>} : memref<8x128xf32, #tpu.memory_space<vmem>>, vector<1x16xf32>,
    %broadcast_in_dim3A_292 = arith.constant 0.000000e+00 : f32
    %broadcast_in_dim3A_293 = vector.broadcast %broadcast_in_dim3A_292 : f32 to vector<16xf32>
    %swap3A_294 = arith.constant 4 : i32
    %swap3A_295 = arith.index_cast %swap3A_294 : i32 to index
    %swap3A_296 = arith.constant 48 : index
    %swap3A_297 = tpu.vector_load %arg17[%swap3A_295, %swap3A_296] {strides = array<i32>} : memref<8x128xf32, #tpu.memory_space<vmem>>, vector<1x16xf32>,
    %swap3A_298 = vector.shape_cast %swap3A_297 : vector<1x16xf32> to vector<16xf32>
    %swap3A_299 = vector.shape_cast %broadcast_in_dim3A_293 : vector<16xf32> to vector<1x16xf32>
    tpu.vector_store %arg17[%swap3A_295, %swap3A_296], %swap3A_299 {strides = array<i32>} : memref<8x128xf32, #tpu.memory_space<vmem>>, vector<1x16xf32>,
    %broadcast_in_dim3A_300 = arith.constant 0.000000e+00 : f32
    %broadcast_in_dim3A_301 = vector.broadcast %broadcast_in_dim3A_300 : f32 to vector<16xf32>
    %swap3A_302 = arith.constant 4 : i32
    %swap3A_303 = arith.index_cast %swap3A_302 : i32 to index
    %swap3A_304 = arith.constant 64 : index
    %swap3A_305 = tpu.vector_load %arg17[%swap3A_303, %swap3A_304] {strides = array<i32>} : memref<8x128xf32, #tpu.memory_space<vmem>>, vector<1x16xf32>,
    %swap3A_306 = vector.shape_cast %swap3A_305 : vector<1x16xf32> to vector<16xf32>
    %swap3A_307 = vector.shape_cast %broadcast_in_dim3A_301 : vector<16xf32> to vector<1x16xf32>
    tpu.vector_store %arg17[%swap3A_303, %swap3A_304], %swap3A_307 {strides = array<i32>} : memref<8x128xf32, #tpu.memory_space<vmem>>, vector<1x16xf32>,
    %broadcast_in_dim3A_308 = arith.constant 0.000000e+00 : f32
    %broadcast_in_dim3A_309 = vector.broadcast %broadcast_in_dim3A_308 : f32 to vector<16xf32>
    %swap3A_310 = arith.constant 4 : i32
    %swap3A_311 = arith.index_cast %swap3A_310 : i32 to index
    %swap3A_312 = arith.constant 80 : index
    %swap3A_313 = tpu.vector_load %arg17[%swap3A_311, %swap3A_312] {strides = array<i32>} : memref<8x128xf32, #tpu.memory_space<vmem>>, vector<1x16xf32>,
    %swap3A_314 = vector.shape_cast %swap3A_313 : vector<1x16xf32> to vector<16xf32>
    %swap3A_315 = vector.shape_cast %broadcast_in_dim3A_309 : vector<16xf32> to vector<1x16xf32>
    tpu.vector_store %arg17[%swap3A_311, %swap3A_312], %swap3A_315 {strides = array<i32>} : memref<8x128xf32, #tpu.memory_space<vmem>>, vector<1x16xf32>,
    %broadcast_in_dim3A_316 = arith.constant 0.000000e+00 : f32
    %broadcast_in_dim3A_317 = vector.broadcast %broadcast_in_dim3A_316 : f32 to vector<16xf32>
    %swap3A_318 = arith.constant 4 : i32
    %swap3A_319 = arith.index_cast %swap3A_318 : i32 to index
    %swap3A_320 = arith.constant 96 : index
    %swap3A_321 = tpu.vector_load %arg17[%swap3A_319, %swap3A_320] {strides = array<i32>} : memref<8x128xf32, #tpu.memory_space<vmem>>, vector<1x16xf32>,
    %swap3A_322 = vector.shape_cast %swap3A_321 : vector<1x16xf32> to vector<16xf32>
    %swap3A_323 = vector.shape_cast %broadcast_in_dim3A_317 : vector<16xf32> to vector<1x16xf32>
    tpu.vector_store %arg17[%swap3A_319, %swap3A_320], %swap3A_323 {strides = array<i32>} : memref<8x128xf32, #tpu.memory_space<vmem>>, vector<1x16xf32>,
    %broadcast_in_dim3A_324 = arith.constant 0.000000e+00 : f32
    %broadcast_in_dim3A_325 = vector.broadcast %broadcast_in_dim3A_324 : f32 to vector<16xf32>
    %swap3A_326 = arith.constant 4 : i32
    %swap3A_327 = arith.index_cast %swap3A_326 : i32 to index
    %swap3A_328 = arith.constant 112 : index
    %swap3A_329 = tpu.vector_load %arg17[%swap3A_327, %swap3A_328] {strides = array<i32>} : memref<8x128xf32, #tpu.memory_space<vmem>>, vector<1x16xf32>,
    %swap3A_330 = vector.shape_cast %swap3A_329 : vector<1x16xf32> to vector<16xf32>
    %swap3A_331 = vector.shape_cast %broadcast_in_dim3A_325 : vector<16xf32> to vector<1x16xf32>
    tpu.vector_store %arg17[%swap3A_327, %swap3A_328], %swap3A_331 {strides = array<i32>} : memref<8x128xf32, #tpu.memory_space<vmem>>, vector<1x16xf32>,
    %broadcast_in_dim3A_332 = arith.constant 0.000000e+00 : f32
    %broadcast_in_dim3A_333 = vector.broadcast %broadcast_in_dim3A_332 : f32 to vector<16xf32>
    %swap3A_334 = arith.constant 5 : i32
    %swap3A_335 = arith.index_cast %swap3A_334 : i32 to index
    %swap3A_336 = arith.constant 0 : index
    %swap3A_337 = tpu.vector_load %arg17[%swap3A_335, %swap3A_336] {strides = array<i32>} : memref<8x128xf32, #tpu.memory_space<vmem>>, vector<1x16xf32>,
    %swap3A_338 = vector.shape_cast %swap3A_337 : vector<1x16xf32> to vector<16xf32>
    %swap3A_339 = vector.shape_cast %broadcast_in_dim3A_333 : vector<16xf32> to vector<1x16xf32>
    tpu.vector_store %arg17[%swap3A_335, %swap3A_336], %swap3A_339 {strides = array<i32>} : memref<8x128xf32, #tpu.memory_space<vmem>>, vector<1x16xf32>,
    %broadcast_in_dim3A_340 = arith.constant 0.000000e+00 : f32
    %broadcast_in_dim3A_341 = vector.broadcast %broadcast_in_dim3A_340 : f32 to vector<16xf32>
    %swap3A_342 = arith.constant 5 : i32
    %swap3A_343 = arith.index_cast %swap3A_342 : i32 to index
    %swap3A_344 = arith.constant 16 : index
    %swap3A_345 = tpu.vector_load %arg17[%swap3A_343, %swap3A_344] {strides = array<i32>} : memref<8x128xf32, #tpu.memory_space<vmem>>, vector<1x16xf32>,
    %swap3A_346 = vector.shape_cast %swap3A_345 : vector<1x16xf32> to vector<16xf32>
    %swap3A_347 = vector.shape_cast %broadcast_in_dim3A_341 : vector<16xf32> to vector<1x16xf32>
    tpu.vector_store %arg17[%swap3A_343, %swap3A_344], %swap3A_347 {strides = array<i32>} : memref<8x128xf32, #tpu.memory_space<vmem>>, vector<1x16xf32>,
    %broadcast_in_dim3A_348 = arith.constant 0.000000e+00 : f32
    %broadcast_in_dim3A_349 = vector.broadcast %broadcast_in_dim3A_348 : f32 to vector<16xf32>
    %swap3A_350 = arith.constant 5 : i32
    %swap3A_351 = arith.index_cast %swap3A_350 : i32 to index
    %swap3A_352 = arith.constant 32 : index
    %swap3A_353 = tpu.vector_load %arg17[%swap3A_351, %swap3A_352] {strides = array<i32>} : memref<8x128xf32, #tpu.memory_space<vmem>>, vector<1x16xf32>,
    %swap3A_354 = vector.shape_cast %swap3A_353 : vector<1x16xf32> to vector<16xf32>
    %swap3A_355 = vector.shape_cast %broadcast_in_dim3A_349 : vector<16xf32> to vector<1x16xf32>
    tpu.vector_store %arg17[%swap3A_351, %swap3A_352], %swap3A_355 {strides = array<i32>} : memref<8x128xf32, #tpu.memory_space<vmem>>, vector<1x16xf32>,
    %broadcast_in_dim3A_356 = arith.constant 0.000000e+00 : f32
    %broadcast_in_dim3A_357 = vector.broadcast %broadcast_in_dim3A_356 : f32 to vector<16xf32>
    %swap3A_358 = arith.constant 5 : i32
    %swap3A_359 = arith.index_cast %swap3A_358 : i32 to index
    %swap3A_360 = arith.constant 48 : index
    %swap3A_361 = tpu.vector_load %arg17[%swap3A_359, %swap3A_360] {strides = array<i32>} : memref<8x128xf32, #tpu.memory_space<vmem>>, vector<1x16xf32>,
    %swap3A_362 = vector.shape_cast %swap3A_361 : vector<1x16xf32> to vector<16xf32>
    %swap3A_363 = vector.shape_cast %broadcast_in_dim3A_357 : vector<16xf32> to vector<1x16xf32>
    tpu.vector_store %arg17[%swap3A_359, %swap3A_360], %swap3A_363 {strides = array<i32>} : memref<8x128xf32, #tpu.memory_space<vmem>>, vector<1x16xf32>,
    %broadcast_in_dim3A_364 = arith.constant 0.000000e+00 : f32
    %broadcast_in_dim3A_365 = vector.broadcast %broadcast_in_dim3A_364 : f32 to vector<16xf32>
    %swap3A_366 = arith.constant 5 : i32
    %swap3A_367 = arith.index_cast %swap3A_366 : i32 to index
    %swap3A_368 = arith.constant 64 : index
    %swap3A_369 = tpu.vector_load %arg17[%swap3A_367, %swap3A_368] {strides = array<i32>} : memref<8x128xf32, #tpu.memory_space<vmem>>, vector<1x16xf32>,
    %swap3A_370 = vector.shape_cast %swap3A_369 : vector<1x16xf32> to vector<16xf32>
    %swap3A_371 = vector.shape_cast %broadcast_in_dim3A_365 : vector<16xf32> to vector<1x16xf32>
    tpu.vector_store %arg17[%swap3A_367, %swap3A_368], %swap3A_371 {strides = array<i32>} : memref<8x128xf32, #tpu.memory_space<vmem>>, vector<1x16xf32>,
    %broadcast_in_dim3A_372 = arith.constant 0.000000e+00 : f32
    %broadcast_in_dim3A_373 = vector.broadcast %broadcast_in_dim3A_372 : f32 to vector<16xf32>
    %swap3A_374 = arith.constant 5 : i32
    %swap3A_375 = arith.index_cast %swap3A_374 : i32 to index
    %swap3A_376 = arith.constant 80 : index
    %swap3A_377 = tpu.vector_load %arg17[%swap3A_375, %swap3A_376] {strides = array<i32>} : memref<8x128xf32, #tpu.memory_space<vmem>>, vector<1x16xf32>,
    %swap3A_378 = vector.shape_cast %swap3A_377 : vector<1x16xf32> to vector<16xf32>
    %swap3A_379 = vector.shape_cast %broadcast_in_dim3A_373 : vector<16xf32> to vector<1x16xf32>
    tpu.vector_store %arg17[%swap3A_375, %swap3A_376], %swap3A_379 {strides = array<i32>} : memref<8x128xf32, #tpu.memory_space<vmem>>, vector<1x16xf32>,
    %broadcast_in_dim3A_380 = arith.constant 0.000000e+00 : f32
    %broadcast_in_dim3A_381 = vector.broadcast %broadcast_in_dim3A_380 : f32 to vector<16xf32>
    %swap3A_382 = arith.constant 5 : i32
    %swap3A_383 = arith.index_cast %swap3A_382 : i32 to index
    %swap3A_384 = arith.constant 96 : index
    %swap3A_385 = tpu.vector_load %arg17[%swap3A_383, %swap3A_384] {strides = array<i32>} : memref<8x128xf32, #tpu.memory_space<vmem>>, vector<1x16xf32>,
    %swap3A_386 = vector.shape_cast %swap3A_385 : vector<1x16xf32> to vector<16xf32>
    %swap3A_387 = vector.shape_cast %broadcast_in_dim3A_381 : vector<16xf32> to vector<1x16xf32>
    tpu.vector_store %arg17[%swap3A_383, %swap3A_384], %swap3A_387 {strides = array<i32>} : memref<8x128xf32, #tpu.memory_space<vmem>>, vector<1x16xf32>,
    %broadcast_in_dim3A_388 = arith.constant 0.000000e+00 : f32
    %broadcast_in_dim3A_389 = vector.broadcast %broadcast_in_dim3A_388 : f32 to vector<16xf32>
    %swap3A_390 = arith.constant 5 : i32
    %swap3A_391 = arith.index_cast %swap3A_390 : i32 to index
    %swap3A_392 = arith.constant 112 : index
    %swap3A_393 = tpu.vector_load %arg17[%swap3A_391, %swap3A_392] {strides = array<i32>} : memref<8x128xf32, #tpu.memory_space<vmem>>, vector<1x16xf32>,
    %swap3A_394 = vector.shape_cast %swap3A_393 : vector<1x16xf32> to vector<16xf32>
    %swap3A_395 = vector.shape_cast %broadcast_in_dim3A_389 : vector<16xf32> to vector<1x16xf32>
    tpu.vector_store %arg17[%swap3A_391, %swap3A_392], %swap3A_395 {strides = array<i32>} : memref<8x128xf32, #tpu.memory_space<vmem>>, vector<1x16xf32>,
    %broadcast_in_dim3A_396 = arith.constant 0.000000e+00 : f32
    %broadcast_in_dim3A_397 = vector.broadcast %broadcast_in_dim3A_396 : f32 to vector<16xf32>
    %swap3A_398 = arith.constant 6 : i32
    %swap3A_399 = arith.index_cast %swap3A_398 : i32 to index
    %swap3A_400 = arith.constant 0 : index
    %swap3A_401 = tpu.vector_load %arg17[%swap3A_399, %swap3A_400] {strides = array<i32>} : memref<8x128xf32, #tpu.memory_space<vmem>>, vector<1x16xf32>,
    %swap3A_402 = vector.shape_cast %swap3A_401 : vector<1x16xf32> to vector<16xf32>
    %swap3A_403 = vector.shape_cast %broadcast_in_dim3A_397 : vector<16xf32> to vector<1x16xf32>
    tpu.vector_store %arg17[%swap3A_399, %swap3A_400], %swap3A_403 {strides = array<i32>} : memref<8x128xf32, #tpu.memory_space<vmem>>, vector<1x16xf32>,
    %broadcast_in_dim3A_404 = arith.constant 0.000000e+00 : f32
    %broadcast_in_dim3A_405 = vector.broadcast %broadcast_in_dim3A_404 : f32 to vector<16xf32>
    %swap3A_406 = arith.constant 6 : i32
    %swap3A_407 = arith.index_cast %swap3A_406 : i32 to index
    %swap3A_408 = arith.constant 16 : index
    %swap3A_409 = tpu.vector_load %arg17[%swap3A_407, %swap3A_408] {strides = array<i32>} : memref<8x128xf32, #tpu.memory_space<vmem>>, vector<1x16xf32>,
    %swap3A_410 = vector.shape_cast %swap3A_409 : vector<1x16xf32> to vector<16xf32>
    %swap3A_411 = vector.shape_cast %broadcast_in_dim3A_405 : vector<16xf32> to vector<1x16xf32>
    tpu.vector_store %arg17[%swap3A_407, %swap3A_408], %swap3A_411 {strides = array<i32>} : memref<8x128xf32, #tpu.memory_space<vmem>>, vector<1x16xf32>,
    %broadcast_in_dim3A_412 = arith.constant 0.000000e+00 : f32
    %broadcast_in_dim3A_413 = vector.broadcast %broadcast_in_dim3A_412 : f32 to vector<16xf32>
    %swap3A_414 = arith.constant 6 : i32
    %swap3A_415 = arith.index_cast %swap3A_414 : i32 to index
    %swap3A_416 = arith.constant 32 : index
    %swap3A_417 = tpu.vector_load %arg17[%swap3A_415, %swap3A_416] {strides = array<i32>} : memref<8x128xf32, #tpu.memory_space<vmem>>, vector<1x16xf32>,
    %swap3A_418 = vector.shape_cast %swap3A_417 : vector<1x16xf32> to vector<16xf32>
    %swap3A_419 = vector.shape_cast %broadcast_in_dim3A_413 : vector<16xf32> to vector<1x16xf32>
    tpu.vector_store %arg17[%swap3A_415, %swap3A_416], %swap3A_419 {strides = array<i32>} : memref<8x128xf32, #tpu.memory_space<vmem>>, vector<1x16xf32>,
    %broadcast_in_dim3A_420 = arith.constant 0.000000e+00 : f32
    %broadcast_in_dim3A_421 = vector.broadcast %broadcast_in_dim3A_420 : f32 to vector<16xf32>
    %swap3A_422 = arith.constant 6 : i32
    %swap3A_423 = arith.index_cast %swap3A_422 : i32 to index
    %swap3A_424 = arith.constant 48 : index
    %swap3A_425 = tpu.vector_load %arg17[%swap3A_423, %swap3A_424] {strides = array<i32>} : memref<8x128xf32, #tpu.memory_space<vmem>>, vector<1x16xf32>,
    %swap3A_426 = vector.shape_cast %swap3A_425 : vector<1x16xf32> to vector<16xf32>
    %swap3A_427 = vector.shape_cast %broadcast_in_dim3A_421 : vector<16xf32> to vector<1x16xf32>
    tpu.vector_store %arg17[%swap3A_423, %swap3A_424], %swap3A_427 {strides = array<i32>} : memref<8x128xf32, #tpu.memory_space<vmem>>, vector<1x16xf32>,
    %broadcast_in_dim3A_428 = arith.constant 0.000000e+00 : f32
    %broadcast_in_dim3A_429 = vector.broadcast %broadcast_in_dim3A_428 : f32 to vector<16xf32>
    %swap3A_430 = arith.constant 6 : i32
    %swap3A_431 = arith.index_cast %swap3A_430 : i32 to index
    %swap3A_432 = arith.constant 64 : index
    %swap3A_433 = tpu.vector_load %arg17[%swap3A_431, %swap3A_432] {strides = array<i32>} : memref<8x128xf32, #tpu.memory_space<vmem>>, vector<1x16xf32>,
    %swap3A_434 = vector.shape_cast %swap3A_433 : vector<1x16xf32> to vector<16xf32>
    %swap3A_435 = vector.shape_cast %broadcast_in_dim3A_429 : vector<16xf32> to vector<1x16xf32>
    tpu.vector_store %arg17[%swap3A_431, %swap3A_432], %swap3A_435 {strides = array<i32>} : memref<8x128xf32, #tpu.memory_space<vmem>>, vector<1x16xf32>,
    %broadcast_in_dim3A_436 = arith.constant 0.000000e+00 : f32
    %broadcast_in_dim3A_437 = vector.broadcast %broadcast_in_dim3A_436 : f32 to vector<16xf32>
    %swap3A_438 = arith.constant 6 : i32
    %swap3A_439 = arith.index_cast %swap3A_438 : i32 to index
    %swap3A_440 = arith.constant 80 : index
    %swap3A_441 = tpu.vector_load %arg17[%swap3A_439, %swap3A_440] {strides = array<i32>} : memref<8x128xf32, #tpu.memory_space<vmem>>, vector<1x16xf32>,
    %swap3A_442 = vector.shape_cast %swap3A_441 : vector<1x16xf32> to vector<16xf32>
    %swap3A_443 = vector.shape_cast %broadcast_in_dim3A_437 : vector<16xf32> to vector<1x16xf32>
    tpu.vector_store %arg17[%swap3A_439, %swap3A_440], %swap3A_443 {strides = array<i32>} : memref<8x128xf32, #tpu.memory_space<vmem>>, vector<1x16xf32>,
    %broadcast_in_dim3A_444 = arith.constant 0.000000e+00 : f32
    %broadcast_in_dim3A_445 = vector.broadcast %broadcast_in_dim3A_444 : f32 to vector<16xf32>
    %swap3A_446 = arith.constant 6 : i32
    %swap3A_447 = arith.index_cast %swap3A_446 : i32 to index
    %swap3A_448 = arith.constant 96 : index
    %swap3A_449 = tpu.vector_load %arg17[%swap3A_447, %swap3A_448] {strides = array<i32>} : memref<8x128xf32, #tpu.memory_space<vmem>>, vector<1x16xf32>,
    %swap3A_450 = vector.shape_cast %swap3A_449 : vector<1x16xf32> to vector<16xf32>
    %swap3A_451 = vector.shape_cast %broadcast_in_dim3A_445 : vector<16xf32> to vector<1x16xf32>
    tpu.vector_store %arg17[%swap3A_447, %swap3A_448], %swap3A_451 {strides = array<i32>} : memref<8x128xf32, #tpu.memory_space<vmem>>, vector<1x16xf32>,
    %broadcast_in_dim3A_452 = arith.constant 0.000000e+00 : f32
    %broadcast_in_dim3A_453 = vector.broadcast %broadcast_in_dim3A_452 : f32 to vector<16xf32>
    %swap3A_454 = arith.constant 6 : i32
    %swap3A_455 = arith.index_cast %swap3A_454 : i32 to index
    %swap3A_456 = arith.constant 112 : index
    %swap3A_457 = tpu.vector_load %arg17[%swap3A_455, %swap3A_456] {strides = array<i32>} : memref<8x128xf32, #tpu.memory_space<vmem>>, vector<1x16xf32>,
    %swap3A_458 = vector.shape_cast %swap3A_457 : vector<1x16xf32> to vector<16xf32>
    %swap3A_459 = vector.shape_cast %broadcast_in_dim3A_453 : vector<16xf32> to vector<1x16xf32>
    tpu.vector_store %arg17[%swap3A_455, %swap3A_456], %swap3A_459 {strides = array<i32>} : memref<8x128xf32, #tpu.memory_space<vmem>>, vector<1x16xf32>,
    %broadcast_in_dim3A_460 = arith.constant 0.000000e+00 : f32
    %broadcast_in_dim3A_461 = vector.broadcast %broadcast_in_dim3A_460 : f32 to vector<16xf32>
    %swap3A_462 = arith.constant 7 : i32
    %swap3A_463 = arith.index_cast %swap3A_462 : i32 to index
    %swap3A_464 = arith.constant 0 : index
    %swap3A_465 = tpu.vector_load %arg17[%swap3A_463, %swap3A_464] {strides = array<i32>} : memref<8x128xf32, #tpu.memory_space<vmem>>, vector<1x16xf32>,
    %swap3A_466 = vector.shape_cast %swap3A_465 : vector<1x16xf32> to vector<16xf32>
    %swap3A_467 = vector.shape_cast %broadcast_in_dim3A_461 : vector<16xf32> to vector<1x16xf32>
    tpu.vector_store %arg17[%swap3A_463, %swap3A_464], %swap3A_467 {strides = array<i32>} : memref<8x128xf32, #tpu.memory_space<vmem>>, vector<1x16xf32>,
    %broadcast_in_dim3A_468 = arith.constant 0.000000e+00 : f32
    %broadcast_in_dim3A_469 = vector.broadcast %broadcast_in_dim3A_468 : f32 to vector<16xf32>
    %swap3A_470 = arith.constant 7 : i32
    %swap3A_471 = arith.index_cast %swap3A_470 : i32 to index
    %swap3A_472 = arith.constant 16 : index
    %swap3A_473 = tpu.vector_load %arg17[%swap3A_471, %swap3A_472] {strides = array<i32>} : memref<8x128xf32, #tpu.memory_space<vmem>>, vector<1x16xf32>,
    %swap3A_474 = vector.shape_cast %swap3A_473 : vector<1x16xf32> to vector<16xf32>
    %swap3A_475 = vector.shape_cast %broadcast_in_dim3A_469 : vector<16xf32> to vector<1x16xf32>
    tpu.vector_store %arg17[%swap3A_471, %swap3A_472], %swap3A_475 {strides = array<i32>} : memref<8x128xf32, #tpu.memory_space<vmem>>, vector<1x16xf32>,
    %broadcast_in_dim3A_476 = arith.constant 0.000000e+00 : f32
    %broadcast_in_dim3A_477 = vector.broadcast %broadcast_in_dim3A_476 : f32 to vector<16xf32>
    %swap3A_478 = arith.constant 7 : i32
    %swap3A_479 = arith.index_cast %swap3A_478 : i32 to index
    %swap3A_480 = arith.constant 32 : index
    %swap3A_481 = tpu.vector_load %arg17[%swap3A_479, %swap3A_480] {strides = array<i32>} : memref<8x128xf32, #tpu.memory_space<vmem>>, vector<1x16xf32>,
    %swap3A_482 = vector.shape_cast %swap3A_481 : vector<1x16xf32> to vector<16xf32>
    %swap3A_483 = vector.shape_cast %broadcast_in_dim3A_477 : vector<16xf32> to vector<1x16xf32>
    tpu.vector_store %arg17[%swap3A_479, %swap3A_480], %swap3A_483 {strides = array<i32>} : memref<8x128xf32, #tpu.memory_space<vmem>>, vector<1x16xf32>,
    %broadcast_in_dim3A_484 = arith.constant 0.000000e+00 : f32
    %broadcast_in_dim3A_485 = vector.broadcast %broadcast_in_dim3A_484 : f32 to vector<16xf32>
    %swap3A_486 = arith.constant 7 : i32
    %swap3A_487 = arith.index_cast %swap3A_486 : i32 to index
    %swap3A_488 = arith.constant 48 : index
    %swap3A_489 = tpu.vector_load %arg17[%swap3A_487, %swap3A_488] {strides = array<i32>} : memref<8x128xf32, #tpu.memory_space<vmem>>, vector<1x16xf32>,
    %swap3A_490 = vector.shape_cast %swap3A_489 : vector<1x16xf32> to vector<16xf32>
    %swap3A_491 = vector.shape_cast %broadcast_in_dim3A_485 : vector<16xf32> to vector<1x16xf32>
    tpu.vector_store %arg17[%swap3A_487, %swap3A_488], %swap3A_491 {strides = array<i32>} : memref<8x128xf32, #tpu.memory_space<vmem>>, vector<1x16xf32>,
    %broadcast_in_dim3A_492 = arith.constant 0.000000e+00 : f32
    %broadcast_in_dim3A_493 = vector.broadcast %broadcast_in_dim3A_492 : f32 to vector<16xf32>
    %swap3A_494 = arith.constant 7 : i32
    %swap3A_495 = arith.index_cast %swap3A_494 : i32 to index
    %swap3A_496 = arith.constant 64 : index
    %swap3A_497 = tpu.vector_load %arg17[%swap3A_495, %swap3A_496] {strides = array<i32>} : memref<8x128xf32, #tpu.memory_space<vmem>>, vector<1x16xf32>,
    %swap3A_498 = vector.shape_cast %swap3A_497 : vector<1x16xf32> to vector<16xf32>
    %swap3A_499 = vector.shape_cast %broadcast_in_dim3A_493 : vector<16xf32> to vector<1x16xf32>
    tpu.vector_store %arg17[%swap3A_495, %swap3A_496], %swap3A_499 {strides = array<i32>} : memref<8x128xf32, #tpu.memory_space<vmem>>, vector<1x16xf32>,
    %broadcast_in_dim3A_500 = arith.constant 0.000000e+00 : f32
    %broadcast_in_dim3A_501 = vector.broadcast %broadcast_in_dim3A_500 : f32 to vector<16xf32>
    %swap3A_502 = arith.constant 7 : i32
    %swap3A_503 = arith.index_cast %swap3A_502 : i32 to index
    %swap3A_504 = arith.constant 80 : index
    %swap3A_505 = tpu.vector_load %arg17[%swap3A_503, %swap3A_504] {strides = array<i32>} : memref<8x128xf32, #tpu.memory_space<vmem>>, vector<1x16xf32>,
    %swap3A_506 = vector.shape_cast %swap3A_505 : vector<1x16xf32> to vector<16xf32>
    %swap3A_507 = vector.shape_cast %broadcast_in_dim3A_501 : vector<16xf32> to vector<1x16xf32>
    tpu.vector_store %arg17[%swap3A_503, %swap3A_504], %swap3A_507 {strides = array<i32>} : memref<8x128xf32, #tpu.memory_space<vmem>>, vector<1x16xf32>,
    %broadcast_in_dim3A_508 = arith.constant 0.000000e+00 : f32
    %broadcast_in_dim3A_509 = vector.broadcast %broadcast_in_dim3A_508 : f32 to vector<16xf32>
    %swap3A_510 = arith.constant 7 : i32
    %swap3A_511 = arith.index_cast %swap3A_510 : i32 to index
    %swap3A_512 = arith.constant 96 : index
    %swap3A_513 = tpu.vector_load %arg17[%swap3A_511, %swap3A_512] {strides = array<i32>} : memref<8x128xf32, #tpu.memory_space<vmem>>, vector<1x16xf32>,
    %swap3A_514 = vector.shape_cast %swap3A_513 : vector<1x16xf32> to vector<16xf32>
    %swap3A_515 = vector.shape_cast %broadcast_in_dim3A_509 : vector<16xf32> to vector<1x16xf32>
    tpu.vector_store %arg17[%swap3A_511, %swap3A_512], %swap3A_515 {strides = array<i32>} : memref<8x128xf32, #tpu.memory_space<vmem>>, vector<1x16xf32>,
    %broadcast_in_dim3A_516 = arith.constant 0.000000e+00 : f32
    %broadcast_in_dim3A_517 = vector.broadcast %broadcast_in_dim3A_516 : f32 to vector<16xf32>
    %swap3A_518 = arith.constant 7 : i32
    %swap3A_519 = arith.index_cast %swap3A_518 : i32 to index
    %swap3A_520 = arith.constant 112 : index
    %swap3A_521 = tpu.vector_load %arg17[%swap3A_519, %swap3A_520] {strides = array<i32>} : memref<8x128xf32, #tpu.memory_space<vmem>>, vector<1x16xf32>,
    %swap3A_522 = vector.shape_cast %swap3A_521 : vector<1x16xf32> to vector<16xf32>
    %swap3A_523 = vector.shape_cast %broadcast_in_dim3A_517 : vector<16xf32> to vector<1x16xf32>
    tpu.vector_store %arg17[%swap3A_519, %swap3A_520], %swap3A_523 {strides = array<i32>} : memref<8x128xf32, #tpu.memory_space<vmem>>, vector<1x16xf32>,
    %scan3A = arith.constant 0 : i32
    %scan3A_524 = arith.constant 0 : i32
    %scan3A_525 = arith.constant 79 : i32
    %scan3A_526 = arith.addi %scan3A_524, %scan3A_525 : i32
    %scan3A_527 = arith.constant 1 : i32
    scf.for %scan3A_664 = %scan3A_524 to %scan3A_526 step %scan3A_527  : i32 {
      %mul3A_665 = arith.constant 632 : i32
      %mul3A_666 = arith.muli %arg1, %mul3A_665 : i32
      %mul3A_667 = arith.constant 8 : i32
      %mul3A_668 = arith.muli %scan3A_664, %mul3A_667 : i32
      %add3A_669 = arith.addi %mul3A_666, %mul3A_668 : i32
      %dma_start3A_670 = arith.constant 0 : i32
      %dma_start3A_671 = tpu.memref_slice %arg6[%add3A_669, %dma_start3A_670] : memref<10112x128xf32, #tpu.memory_space<vmem_shared>> -> memref<8x128xf32, #tpu.memory_space<vmem_shared>>
      %dma_start3A_672 = arith.constant 0 : i32
      %dma_start3A_673 = tpu.memref_slice %arg6[%add3A_669, %dma_start3A_672] : memref<10112x128xf32, #tpu.memory_space<vmem_shared>> -> memref<8x128xf32, #tpu.memory_space<vmem_shared>>
      tpu.enqueue_dma source(%arg17 : memref<8x128xf32, #tpu.memory_space<vmem>>) target(%dma_start3A_673 : memref<8x128xf32, #tpu.memory_space<vmem_shared>>) target_semaphore(%arg21 : memref<!tpu.dma_semaphore, #tpu.memory_space<semaphore_mem>>)
    }
    %scan3A_528 = arith.constant 79 : i32
    %scan3A_529 = arith.constant 0 : i32
    %scan3A_530 = arith.constant 0 : i32
    %scan3A_531 = arith.constant 79 : i32
    %scan3A_532 = arith.addi %scan3A_530, %scan3A_531 : i32
    %scan3A_533 = arith.constant 1 : i32
    scf.for %scan3A_664 = %scan3A_530 to %scan3A_532 step %scan3A_533  : i32 {
      %mul3A_665 = arith.constant 632 : i32
      %mul3A_666 = arith.muli %arg1, %mul3A_665 : i32
      %dma_wait3A_667 = arith.constant 0 : i32
      %dma_wait3A_668 = tpu.memref_slice %arg6[%mul3A_666, %dma_wait3A_667] : memref<10112x128xf32, #tpu.memory_space<vmem_shared>> -> memref<8x128xf32, #tpu.memory_space<vmem_shared>>
      %dma_wait3A_669 = arith.constant 0 : i32
      %dma_wait3A_670 = tpu.memref_slice %arg6[%mul3A_666, %dma_wait3A_669] : memref<10112x128xf32, #tpu.memory_space<vmem_shared>> -> memref<8x128xf32, #tpu.memory_space<vmem_shared>>
      tpu.wait_dma2 semaphore(%arg21 : memref<!tpu.dma_semaphore, #tpu.memory_space<semaphore_mem>>) src(%arg17 : memref<8x128xf32, #tpu.memory_space<vmem>>) dst(%dma_wait3A_670 : memref<8x128xf32, #tpu.memory_space<vmem_shared>>)
    }
    %scan3A_534 = arith.constant 79 : i32
    %barrier3A = arith.constant 0 : index
    tpu.barrier barrier_id(%barrier3A)
    %broadcast_in_dim3A_535 = arith.constant 10000 : i32
    %broadcast_in_dim3A_536 = vector.broadcast %broadcast_in_dim3A_535 : i32 to vector<16xi32>
    %swap3A_537 = arith.constant 0 : index
    %swap3A_538 = tpu.vector_load %arg13[%swap3A_537] {strides = array<i32>} : memref<128xi32, #tpu.memory_space<vmem>>, vector<16xi32>,
    %swap3A_539 = vector.shape_cast %swap3A_538 : vector<16xi32> to vector<16xi32>
    %swap3A_540 = vector.shape_cast %broadcast_in_dim3A_536 : vector<16xi32> to vector<16xi32>
    tpu.vector_store %arg13[%swap3A_537], %swap3A_540 {strides = array<i32>} : memref<128xi32, #tpu.memory_space<vmem>>, vector<16xi32>,
    %broadcast_in_dim3A_541 = arith.constant 10000 : i32
    %broadcast_in_dim3A_542 = vector.broadcast %broadcast_in_dim3A_541 : i32 to vector<16xi32>
    %swap3A_543 = arith.constant 0 : index
    %swap3A_544 = tpu.vector_load %arg14[%swap3A_543] {strides = array<i32>} : memref<128xi32, #tpu.memory_space<vmem>>, vector<16xi32>,
    %swap3A_545 = vector.shape_cast %swap3A_544 : vector<16xi32> to vector<16xi32>
    %swap3A_546 = vector.shape_cast %broadcast_in_dim3A_542 : vector<16xi32> to vector<16xi32>
    tpu.vector_store %arg14[%swap3A_543], %swap3A_546 {strides = array<i32>} : memref<128xi32, #tpu.memory_space<vmem>>, vector<16xi32>,
    %broadcast_in_dim3A_547 = arith.constant 10000 : i32
    %broadcast_in_dim3A_548 = vector.broadcast %broadcast_in_dim3A_547 : i32 to vector<16xi32>
    %swap3A_549 = arith.constant 16 : index
    %swap3A_550 = tpu.vector_load %arg13[%swap3A_549] {strides = array<i32>} : memref<128xi32, #tpu.memory_space<vmem>>, vector<16xi32>,
    %swap3A_551 = vector.shape_cast %swap3A_550 : vector<16xi32> to vector<16xi32>
    %swap3A_552 = vector.shape_cast %broadcast_in_dim3A_548 : vector<16xi32> to vector<16xi32>
    tpu.vector_store %arg13[%swap3A_549], %swap3A_552 {strides = array<i32>} : memref<128xi32, #tpu.memory_space<vmem>>, vector<16xi32>,
    %broadcast_in_dim3A_553 = arith.constant 10000 : i32
    %broadcast_in_dim3A_554 = vector.broadcast %broadcast_in_dim3A_553 : i32 to vector<16xi32>
    %swap3A_555 = arith.constant 16 : index
    %swap3A_556 = tpu.vector_load %arg14[%swap3A_555] {strides = array<i32>} : memref<128xi32, #tpu.memory_space<vmem>>, vector<16xi32>,
    %swap3A_557 = vector.shape_cast %swap3A_556 : vector<16xi32> to vector<16xi32>
    %swap3A_558 = vector.shape_cast %broadcast_in_dim3A_554 : vector<16xi32> to vector<16xi32>
    tpu.vector_store %arg14[%swap3A_555], %swap3A_558 {strides = array<i32>} : memref<128xi32, #tpu.memory_space<vmem>>, vector<16xi32>,
    %broadcast_in_dim3A_559 = arith.constant 10000 : i32
    %broadcast_in_dim3A_560 = vector.broadcast %broadcast_in_dim3A_559 : i32 to vector<16xi32>
    %swap3A_561 = arith.constant 32 : index
    %swap3A_562 = tpu.vector_load %arg13[%swap3A_561] {strides = array<i32>} : memref<128xi32, #tpu.memory_space<vmem>>, vector<16xi32>,
    %swap3A_563 = vector.shape_cast %swap3A_562 : vector<16xi32> to vector<16xi32>
    %swap3A_564 = vector.shape_cast %broadcast_in_dim3A_560 : vector<16xi32> to vector<16xi32>
    tpu.vector_store %arg13[%swap3A_561], %swap3A_564 {strides = array<i32>} : memref<128xi32, #tpu.memory_space<vmem>>, vector<16xi32>,
    %broadcast_in_dim3A_565 = arith.constant 10000 : i32
    %broadcast_in_dim3A_566 = vector.broadcast %broadcast_in_dim3A_565 : i32 to vector<16xi32>
    %swap3A_567 = arith.constant 32 : index
    %swap3A_568 = tpu.vector_load %arg14[%swap3A_567] {strides = array<i32>} : memref<128xi32, #tpu.memory_space<vmem>>, vector<16xi32>,
    %swap3A_569 = vector.shape_cast %swap3A_568 : vector<16xi32> to vector<16xi32>
    %swap3A_570 = vector.shape_cast %broadcast_in_dim3A_566 : vector<16xi32> to vector<16xi32>
    tpu.vector_store %arg14[%swap3A_567], %swap3A_570 {strides = array<i32>} : memref<128xi32, #tpu.memory_space<vmem>>, vector<16xi32>,
    %broadcast_in_dim3A_571 = arith.constant 10000 : i32
    %broadcast_in_dim3A_572 = vector.broadcast %broadcast_in_dim3A_571 : i32 to vector<16xi32>
    %swap3A_573 = arith.constant 48 : index
    %swap3A_574 = tpu.vector_load %arg13[%swap3A_573] {strides = array<i32>} : memref<128xi32, #tpu.memory_space<vmem>>, vector<16xi32>,
    %swap3A_575 = vector.shape_cast %swap3A_574 : vector<16xi32> to vector<16xi32>
    %swap3A_576 = vector.shape_cast %broadcast_in_dim3A_572 : vector<16xi32> to vector<16xi32>
    tpu.vector_store %arg13[%swap3A_573], %swap3A_576 {strides = array<i32>} : memref<128xi32, #tpu.memory_space<vmem>>, vector<16xi32>,
    %broadcast_in_dim3A_577 = arith.constant 10000 : i32
    %broadcast_in_dim3A_578 = vector.broadcast %broadcast_in_dim3A_577 : i32 to vector<16xi32>
    %swap3A_579 = arith.constant 48 : index
    %swap3A_580 = tpu.vector_load %arg14[%swap3A_579] {strides = array<i32>} : memref<128xi32, #tpu.memory_space<vmem>>, vector<16xi32>,
    %swap3A_581 = vector.shape_cast %swap3A_580 : vector<16xi32> to vector<16xi32>
    %swap3A_582 = vector.shape_cast %broadcast_in_dim3A_578 : vector<16xi32> to vector<16xi32>
    tpu.vector_store %arg14[%swap3A_579], %swap3A_582 {strides = array<i32>} : memref<128xi32, #tpu.memory_space<vmem>>, vector<16xi32>,
    %broadcast_in_dim3A_583 = arith.constant 10000 : i32
    %broadcast_in_dim3A_584 = vector.broadcast %broadcast_in_dim3A_583 : i32 to vector<16xi32>
    %swap3A_585 = arith.constant 64 : index
    %swap3A_586 = tpu.vector_load %arg13[%swap3A_585] {strides = array<i32>} : memref<128xi32, #tpu.memory_space<vmem>>, vector<16xi32>,
    %swap3A_587 = vector.shape_cast %swap3A_586 : vector<16xi32> to vector<16xi32>
    %swap3A_588 = vector.shape_cast %broadcast_in_dim3A_584 : vector<16xi32> to vector<16xi32>
    tpu.vector_store %arg13[%swap3A_585], %swap3A_588 {strides = array<i32>} : memref<128xi32, #tpu.memory_space<vmem>>, vector<16xi32>,
    %broadcast_in_dim3A_589 = arith.constant 10000 : i32
    %broadcast_in_dim3A_590 = vector.broadcast %broadcast_in_dim3A_589 : i32 to vector<16xi32>
    %swap3A_591 = arith.constant 64 : index
    %swap3A_592 = tpu.vector_load %arg14[%swap3A_591] {strides = array<i32>} : memref<128xi32, #tpu.memory_space<vmem>>, vector<16xi32>,
    %swap3A_593 = vector.shape_cast %swap3A_592 : vector<16xi32> to vector<16xi32>
    %swap3A_594 = vector.shape_cast %broadcast_in_dim3A_590 : vector<16xi32> to vector<16xi32>
    tpu.vector_store %arg14[%swap3A_591], %swap3A_594 {strides = array<i32>} : memref<128xi32, #tpu.memory_space<vmem>>, vector<16xi32>,
    %broadcast_in_dim3A_595 = arith.constant 10000 : i32
    %broadcast_in_dim3A_596 = vector.broadcast %broadcast_in_dim3A_595 : i32 to vector<16xi32>
    %swap3A_597 = arith.constant 80 : index
    %swap3A_598 = tpu.vector_load %arg13[%swap3A_597] {strides = array<i32>} : memref<128xi32, #tpu.memory_space<vmem>>, vector<16xi32>,
    %swap3A_599 = vector.shape_cast %swap3A_598 : vector<16xi32> to vector<16xi32>
    %swap3A_600 = vector.shape_cast %broadcast_in_dim3A_596 : vector<16xi32> to vector<16xi32>
    tpu.vector_store %arg13[%swap3A_597], %swap3A_600 {strides = array<i32>} : memref<128xi32, #tpu.memory_space<vmem>>, vector<16xi32>,
    %broadcast_in_dim3A_601 = arith.constant 10000 : i32
    %broadcast_in_dim3A_602 = vector.broadcast %broadcast_in_dim3A_601 : i32 to vector<16xi32>
    %swap3A_603 = arith.constant 80 : index
    %swap3A_604 = tpu.vector_load %arg14[%swap3A_603] {strides = array<i32>} : memref<128xi32, #tpu.memory_space<vmem>>, vector<16xi32>,
    %swap3A_605 = vector.shape_cast %swap3A_604 : vector<16xi32> to vector<16xi32>
    %swap3A_606 = vector.shape_cast %broadcast_in_dim3A_602 : vector<16xi32> to vector<16xi32>
    tpu.vector_store %arg14[%swap3A_603], %swap3A_606 {strides = array<i32>} : memref<128xi32, #tpu.memory_space<vmem>>, vector<16xi32>,
    %broadcast_in_dim3A_607 = arith.constant 10000 : i32
    %broadcast_in_dim3A_608 = vector.broadcast %broadcast_in_dim3A_607 : i32 to vector<16xi32>
    %swap3A_609 = arith.constant 96 : index
    %swap3A_610 = tpu.vector_load %arg13[%swap3A_609] {strides = array<i32>} : memref<128xi32, #tpu.memory_space<vmem>>, vector<16xi32>,
    %swap3A_611 = vector.shape_cast %swap3A_610 : vector<16xi32> to vector<16xi32>
    %swap3A_612 = vector.shape_cast %broadcast_in_dim3A_608 : vector<16xi32> to vector<16xi32>
    tpu.vector_store %arg13[%swap3A_609], %swap3A_612 {strides = array<i32>} : memref<128xi32, #tpu.memory_space<vmem>>, vector<16xi32>,
    %broadcast_in_dim3A_613 = arith.constant 10000 : i32
    %broadcast_in_dim3A_614 = vector.broadcast %broadcast_in_dim3A_613 : i32 to vector<16xi32>
    %swap3A_615 = arith.constant 96 : index
    %swap3A_616 = tpu.vector_load %arg14[%swap3A_615] {strides = array<i32>} : memref<128xi32, #tpu.memory_space<vmem>>, vector<16xi32>,
    %swap3A_617 = vector.shape_cast %swap3A_616 : vector<16xi32> to vector<16xi32>
    %swap3A_618 = vector.shape_cast %broadcast_in_dim3A_614 : vector<16xi32> to vector<16xi32>
    tpu.vector_store %arg14[%swap3A_615], %swap3A_618 {strides = array<i32>} : memref<128xi32, #tpu.memory_space<vmem>>, vector<16xi32>,
    %broadcast_in_dim3A_619 = arith.constant 10000 : i32
    %broadcast_in_dim3A_620 = vector.broadcast %broadcast_in_dim3A_619 : i32 to vector<16xi32>
    %swap3A_621 = arith.constant 112 : index
    %swap3A_622 = tpu.vector_load %arg13[%swap3A_621] {strides = array<i32>} : memref<128xi32, #tpu.memory_space<vmem>>, vector<16xi32>,
    %swap3A_623 = vector.shape_cast %swap3A_622 : vector<16xi32> to vector<16xi32>
    %swap3A_624 = vector.shape_cast %broadcast_in_dim3A_620 : vector<16xi32> to vector<16xi32>
    tpu.vector_store %arg13[%swap3A_621], %swap3A_624 {strides = array<i32>} : memref<128xi32, #tpu.memory_space<vmem>>, vector<16xi32>,
    %broadcast_in_dim3A_625 = arith.constant 10000 : i32
    %broadcast_in_dim3A_626 = vector.broadcast %broadcast_in_dim3A_625 : i32 to vector<16xi32>
    %swap3A_627 = arith.constant 112 : index
    %swap3A_628 = tpu.vector_load %arg14[%swap3A_627] {strides = array<i32>} : memref<128xi32, #tpu.memory_space<vmem>>, vector<16xi32>,
    %swap3A_629 = vector.shape_cast %swap3A_628 : vector<16xi32> to vector<16xi32>
    %swap3A_630 = vector.shape_cast %broadcast_in_dim3A_626 : vector<16xi32> to vector<16xi32>
    tpu.vector_store %arg14[%swap3A_627], %swap3A_630 {strides = array<i32>} : memref<128xi32, #tpu.memory_space<vmem>>, vector<16xi32>,
    %dma_start3A_631 = arith.constant 0 : i32
    %dma_start3A_632 = arith.constant 0 : i32
    %dma_start3A_633 = tpu.memref_slice %arg6[%dma_start3A_631, %dma_start3A_632] : memref<10112x128xf32, #tpu.memory_space<vmem_shared>> -> memref<10112x128xf32, #tpu.memory_space<vmem_shared>>
    tpu.enqueue_indirect_dma source(%arg15 : memref<128x128xf32, #tpu.memory_space<vmem>>) target(%dma_start3A_633 : memref<10112x128xf32, #tpu.memory_space<vmem_shared>>) offsets(%arg13 : memref<128xi32, #tpu.memory_space<vmem>>) semaphore(%arg20 : memref<!tpu.dma_semaphore, #tpu.memory_space<semaphore_mem>>) {add = true}
    %dma_start3A_634 = arith.constant 0 : i32
    %dma_start3A_635 = arith.constant 0 : i32
    %dma_start3A_636 = tpu.memref_slice %arg6[%dma_start3A_634, %dma_start3A_635] : memref<10112x128xf32, #tpu.memory_space<vmem_shared>> -> memref<10112x128xf32, #tpu.memory_space<vmem_shared>>
    tpu.enqueue_indirect_dma source(%arg16 : memref<128x128xf32, #tpu.memory_space<vmem>>) target(%dma_start3A_636 : memref<10112x128xf32, #tpu.memory_space<vmem_shared>>) offsets(%arg14 : memref<128xi32, #tpu.memory_space<vmem>>) semaphore(%arg20 : memref<!tpu.dma_semaphore, #tpu.memory_space<semaphore_mem>>) {add = true}
    %scan3A_637 = arith.constant 0 : i32
    %scan3A_638 = arith.constant 0 : i32
    %scan3A_639 = arith.constant 41 : i32
    %scan3A_640 = arith.addi %scan3A_638, %scan3A_639 : i32
    %scan3A_641 = arith.constant 1 : i32
    scf.for %scan3A_664 = %scan3A_638 to %scan3A_640 step %scan3A_641  : i32 {
      %mul3A_665 = arith.constant 4 : i32
      %mul3A_666 = arith.muli %scan3A_664, %mul3A_665 : i32
      %mul3A_667 = arith.constant 128 : i32
      %mul3A_668 = arith.muli %mul3A_666, %mul3A_667 : i32
      %add3A_669 = arith.addi %add3A, %mul3A_668 : i32
      %dma_wait3A_670 = tpu.memref_slice %arg3[%add3A] : memref<672000xi32, #tpu.memory_space<hbm>> -> memref<128xi32, #tpu.memory_space<hbm>>
      %dma_wait3A_671 = tpu.memref_slice %arg3[%add3A] : memref<672000xi32, #tpu.memory_space<hbm>> -> memref<128xi32, #tpu.memory_space<hbm>>
      tpu.wait_dma2 semaphore(%arg18 : memref<!tpu.dma_semaphore, #tpu.memory_space<semaphore_mem>>) src(%dma_wait3A_671 : memref<128xi32, #tpu.memory_space<hbm>>) dst(%arg7 : memref<128xi32, #tpu.memory_space<vmem>>)
      %dma_wait3A_672 = tpu.memref_slice %arg3[%add3A] : memref<672000xi32, #tpu.memory_space<hbm>> -> memref<128xi32, #tpu.memory_space<hbm>>
      %dma_wait3A_673 = tpu.memref_slice %arg3[%add3A] : memref<672000xi32, #tpu.memory_space<hbm>> -> memref<128xi32, #tpu.memory_space<hbm>>
      tpu.wait_dma2 semaphore(%arg18 : memref<!tpu.dma_semaphore, #tpu.memory_space<semaphore_mem>>) src(%dma_wait3A_673 : memref<128xi32, #tpu.memory_space<hbm>>) dst(%arg7 : memref<128xi32, #tpu.memory_space<vmem>>)
      %dma_wait3A_674 = tpu.memref_slice %arg3[%add3A] : memref<672000xi32, #tpu.memory_space<hbm>> -> memref<128xi32, #tpu.memory_space<hbm>>
      %dma_wait3A_675 = tpu.memref_slice %arg3[%add3A] : memref<672000xi32, #tpu.memory_space<hbm>> -> memref<128xi32, #tpu.memory_space<hbm>>
      tpu.wait_dma2 semaphore(%arg18 : memref<!tpu.dma_semaphore, #tpu.memory_space<semaphore_mem>>) src(%dma_wait3A_675 : memref<128xi32, #tpu.memory_space<hbm>>) dst(%arg7 : memref<128xi32, #tpu.memory_space<vmem>>)
      %dma_wait3A_676 = tpu.memref_slice %arg3[%add3A] : memref<672000xi32, #tpu.memory_space<hbm>> -> memref<128xi32, #tpu.memory_space<hbm>>
      %dma_wait3A_677 = tpu.memref_slice %arg3[%add3A] : memref<672000xi32, #tpu.memory_space<hbm>> -> memref<128xi32, #tpu.memory_space<hbm>>
      tpu.wait_dma2 semaphore(%arg18 : memref<!tpu.dma_semaphore, #tpu.memory_space<semaphore_mem>>) src(%dma_wait3A_677 : memref<128xi32, #tpu.memory_space<hbm>>) dst(%arg7 : memref<128xi32, #tpu.memory_space<vmem>>)
      %dma_wait3A_678 = arith.constant 0 : i32
      %dma_wait3A_679 = arith.constant 0 : i32
      %dma_wait3A_680 = tpu.memref_slice %arg6[%dma_wait3A_678, %dma_wait3A_679] : memref<10112x128xf32, #tpu.memory_space<vmem_shared>> -> memref<10112x128xf32, #tpu.memory_space<vmem_shared>>
      tpu.wait_indirect_dma semaphore(%arg20 : memref<!tpu.dma_semaphore, #tpu.memory_space<semaphore_mem>>) src(%arg15 : memref<128x128xf32, #tpu.memory_space<vmem>>) dst(%dma_wait3A_680 : memref<10112x128xf32, #tpu.memory_space<vmem_shared>>)
      %dma_wait3A_681 = arith.constant 0 : i32
      %dma_wait3A_682 = arith.constant 0 : i32
      %dma_wait3A_683 = tpu.memref_slice %arg6[%dma_wait3A_681, %dma_wait3A_682] : memref<10112x128xf32, #tpu.memory_space<vmem_shared>> -> memref<10112x128xf32, #tpu.memory_space<vmem_shared>>
      tpu.wait_indirect_dma semaphore(%arg20 : memref<!tpu.dma_semaphore, #tpu.memory_space<semaphore_mem>>) src(%arg16 : memref<128x128xf32, #tpu.memory_space<vmem>>) dst(%dma_wait3A_683 : memref<10112x128xf32, #tpu.memory_space<vmem_shared>>)
      %add3A_684 = arith.constant 256 : i32
      %add3A_685 = arith.addi %add3A_669, %add3A_684 : i32
      %dma_start3A_686 = tpu.memref_slice %arg3[%add3A_685] : memref<672000xi32, #tpu.memory_space<hbm>> -> memref<128xi32, #tpu.memory_space<hbm>>
      %dma_start3A_687 = tpu.memref_slice %arg3[%add3A_685] : memref<672000xi32, #tpu.memory_space<hbm>> -> memref<128xi32, #tpu.memory_space<hbm>>
      tpu.enqueue_dma source(%dma_start3A_687 : memref<128xi32, #tpu.memory_space<hbm>>) target(%arg9 : memref<128xi32, #tpu.memory_space<vmem>>) target_semaphore(%arg18 : memref<!tpu.dma_semaphore, #tpu.memory_space<semaphore_mem>>)
      %add3A_688 = arith.constant 384 : i32
      %add3A_689 = arith.addi %add3A_669, %add3A_688 : i32
      %dma_start3A_690 = tpu.memref_slice %arg3[%add3A_689] : memref<672000xi32, #tpu.memory_space<hbm>> -> memref<128xi32, #tpu.memory_space<hbm>>
      %dma_start3A_691 = tpu.memref_slice %arg3[%add3A_689] : memref<672000xi32, #tpu.memory_space<hbm>> -> memref<128xi32, #tpu.memory_space<hbm>>
      tpu.enqueue_dma source(%dma_start3A_691 : memref<128xi32, #tpu.memory_space<hbm>>) target(%arg10 : memref<128xi32, #tpu.memory_space<vmem>>) target_semaphore(%arg18 : memref<!tpu.dma_semaphore, #tpu.memory_space<semaphore_mem>>)
      %add3A_692 = arith.constant 256 : i32
      %add3A_693 = arith.addi %add3A_669, %add3A_692 : i32
      %dma_start3A_694 = tpu.memref_slice %arg4[%add3A_693] : memref<672000xi32, #tpu.memory_space<hbm>> -> memref<128xi32, #tpu.memory_space<hbm>>
      %dma_start3A_695 = tpu.memref_slice %arg4[%add3A_693] : memref<672000xi32, #tpu.memory_space<hbm>> -> memref<128xi32, #tpu.memory_space<hbm>>
      tpu.enqueue_dma source(%dma_start3A_695 : memref<128xi32, #tpu.memory_space<hbm>>) target(%arg13 : memref<128xi32, #tpu.memory_space<vmem>>) target_semaphore(%arg18 : memref<!tpu.dma_semaphore, #tpu.memory_space<semaphore_mem>>)
      %add3A_696 = arith.constant 384 : i32
      %add3A_697 = arith.addi %add3A_669, %add3A_696 : i32
      %dma_start3A_698 = tpu.memref_slice %arg4[%add3A_697] : memref<672000xi32, #tpu.memory_space<hbm>> -> memref<128xi32, #tpu.memory_space<hbm>>
      %dma_start3A_699 = tpu.memref_slice %arg4[%add3A_697] : memref<672000xi32, #tpu.memory_space<hbm>> -> memref<128xi32, #tpu.memory_space<hbm>>
      tpu.enqueue_dma source(%dma_start3A_699 : memref<128xi32, #tpu.memory_space<hbm>>) target(%arg14 : memref<128xi32, #tpu.memory_space<vmem>>) target_semaphore(%arg18 : memref<!tpu.dma_semaphore, #tpu.memory_space<semaphore_mem>>)
      %dma_start3A_700 = arith.constant 0 : i32
      %dma_start3A_701 = arith.constant 0 : i32
      %dma_start3A_702 = tpu.memref_slice %arg2[%dma_start3A_700, %dma_start3A_701] : memref<20224x128xf32, #tpu.memory_space<hbm>> -> memref<20224x128xf32, #tpu.memory_space<hbm>>
      tpu.enqueue_indirect_dma source(%dma_start3A_702 : memref<20224x128xf32, #tpu.memory_space<hbm>>) target(%arg15 : memref<128x128xf32, #tpu.memory_space<vmem>>) offsets(%arg7 : memref<128xi32, #tpu.memory_space<vmem>>) semaphore(%arg19 : memref<!tpu.dma_semaphore, #tpu.memory_space<semaphore_mem>>)
      %dma_start3A_703 = arith.constant 0 : i32
      %dma_start3A_704 = arith.constant 0 : i32
      %dma_start3A_705 = tpu.memref_slice %arg2[%dma_start3A_703, %dma_start3A_704] : memref<20224x128xf32, #tpu.memory_space<hbm>> -> memref<20224x128xf32, #tpu.memory_space<hbm>>
      tpu.enqueue_indirect_dma source(%dma_start3A_705 : memref<20224x128xf32, #tpu.memory_space<hbm>>) target(%arg16 : memref<128x128xf32, #tpu.memory_space<vmem>>) offsets(%arg8 : memref<128xi32, #tpu.memory_space<vmem>>) semaphore(%arg19 : memref<!tpu.dma_semaphore, #tpu.memory_space<semaphore_mem>>)
      %dma_wait3A_706 = arith.constant 0 : i32
      %dma_wait3A_707 = arith.constant 0 : i32
      %dma_wait3A_708 = tpu.memref_slice %arg2[%dma_wait3A_706, %dma_wait3A_707] : memref<20224x128xf32, #tpu.memory_space<hbm>> -> memref<20224x128xf32, #tpu.memory_space<hbm>>
      tpu.wait_indirect_dma semaphore(%arg19 : memref<!tpu.dma_semaphore, #tpu.memory_space<semaphore_mem>>) src(%dma_wait3A_708 : memref<20224x128xf32, #tpu.memory_space<hbm>>) dst(%arg15 : memref<128x128xf32, #tpu.memory_space<vmem>>)
      %dma_start3A_709 = arith.constant 0 : i32
      %dma_start3A_710 = arith.constant 0 : i32
      %dma_start3A_711 = tpu.memref_slice %arg6[%dma_start3A_709, %dma_start3A_710] : memref<10112x128xf32, #tpu.memory_space<vmem_shared>> -> memref<10112x128xf32, #tpu.memory_space<vmem_shared>>
      tpu.enqueue_indirect_dma source(%arg15 : memref<128x128xf32, #tpu.memory_space<vmem>>) target(%dma_start3A_711 : memref<10112x128xf32, #tpu.memory_space<vmem_shared>>) offsets(%arg11 : memref<128xi32, #tpu.memory_space<vmem>>) semaphore(%arg20 : memref<!tpu.dma_semaphore, #tpu.memory_space<semaphore_mem>>) {add = true}
      %dma_wait3A_712 = arith.constant 0 : i32
      %dma_wait3A_713 = arith.constant 0 : i32
      %dma_wait3A_714 = tpu.memref_slice %arg2[%dma_wait3A_712, %dma_wait3A_713] : memref<20224x128xf32, #tpu.memory_space<hbm>> -> memref<20224x128xf32, #tpu.memory_space<hbm>>
      tpu.wait_indirect_dma semaphore(%arg19 : memref<!tpu.dma_semaphore, #tpu.memory_space<semaphore_mem>>) src(%dma_wait3A_714 : memref<20224x128xf32, #tpu.memory_space<hbm>>) dst(%arg16 : memref<128x128xf32, #tpu.memory_space<vmem>>)
      %dma_start3A_715 = arith.constant 0 : i32
      %dma_start3A_716 = arith.constant 0 : i32
      %dma_start3A_717 = tpu.memref_slice %arg6[%dma_start3A_715, %dma_start3A_716] : memref<10112x128xf32, #tpu.memory_space<vmem_shared>> -> memref<10112x128xf32, #tpu.memory_space<vmem_shared>>
      tpu.enqueue_indirect_dma source(%arg16 : memref<128x128xf32, #tpu.memory_space<vmem>>) target(%dma_start3A_717 : memref<10112x128xf32, #tpu.memory_space<vmem_shared>>) offsets(%arg12 : memref<128xi32, #tpu.memory_space<vmem>>) semaphore(%arg20 : memref<!tpu.dma_semaphore, #tpu.memory_space<semaphore_mem>>) {add = true}
      %add3A_718 = arith.constant 256 : i32
      %add3A_719 = arith.addi %add3A_669, %add3A_718 : i32
      %dma_wait3A_720 = tpu.memref_slice %arg3[%add3A] : memref<672000xi32, #tpu.memory_space<hbm>> -> memref<128xi32, #tpu.memory_space<hbm>>
      %dma_wait3A_721 = tpu.memref_slice %arg3[%add3A] : memref<672000xi32, #tpu.memory_space<hbm>> -> memref<128xi32, #tpu.memory_space<hbm>>
      tpu.wait_dma2 semaphore(%arg18 : memref<!tpu.dma_semaphore, #tpu.memory_space<semaphore_mem>>) src(%dma_wait3A_721 : memref<128xi32, #tpu.memory_space<hbm>>) dst(%arg7 : memref<128xi32, #tpu.memory_space<vmem>>)
      %dma_wait3A_722 = tpu.memref_slice %arg3[%add3A] : memref<672000xi32, #tpu.memory_space<hbm>> -> memref<128xi32, #tpu.memory_space<hbm>>
      %dma_wait3A_723 = tpu.memref_slice %arg3[%add3A] : memref<672000xi32, #tpu.memory_space<hbm>> -> memref<128xi32, #tpu.memory_space<hbm>>
      tpu.wait_dma2 semaphore(%arg18 : memref<!tpu.dma_semaphore, #tpu.memory_space<semaphore_mem>>) src(%dma_wait3A_723 : memref<128xi32, #tpu.memory_space<hbm>>) dst(%arg7 : memref<128xi32, #tpu.memory_space<vmem>>)
      %dma_wait3A_724 = tpu.memref_slice %arg3[%add3A] : memref<672000xi32, #tpu.memory_space<hbm>> -> memref<128xi32, #tpu.memory_space<hbm>>
      %dma_wait3A_725 = tpu.memref_slice %arg3[%add3A] : memref<672000xi32, #tpu.memory_space<hbm>> -> memref<128xi32, #tpu.memory_space<hbm>>
      tpu.wait_dma2 semaphore(%arg18 : memref<!tpu.dma_semaphore, #tpu.memory_space<semaphore_mem>>) src(%dma_wait3A_725 : memref<128xi32, #tpu.memory_space<hbm>>) dst(%arg7 : memref<128xi32, #tpu.memory_space<vmem>>)
      %dma_wait3A_726 = tpu.memref_slice %arg3[%add3A] : memref<672000xi32, #tpu.memory_space<hbm>> -> memref<128xi32, #tpu.memory_space<hbm>>
      %dma_wait3A_727 = tpu.memref_slice %arg3[%add3A] : memref<672000xi32, #tpu.memory_space<hbm>> -> memref<128xi32, #tpu.memory_space<hbm>>
      tpu.wait_dma2 semaphore(%arg18 : memref<!tpu.dma_semaphore, #tpu.memory_space<semaphore_mem>>) src(%dma_wait3A_727 : memref<128xi32, #tpu.memory_space<hbm>>) dst(%arg7 : memref<128xi32, #tpu.memory_space<vmem>>)
      %dma_wait3A_728 = arith.constant 0 : i32
      %dma_wait3A_729 = arith.constant 0 : i32
      %dma_wait3A_730 = tpu.memref_slice %arg6[%dma_wait3A_728, %dma_wait3A_729] : memref<10112x128xf32, #tpu.memory_space<vmem_shared>> -> memref<10112x128xf32, #tpu.memory_space<vmem_shared>>
      tpu.wait_indirect_dma semaphore(%arg20 : memref<!tpu.dma_semaphore, #tpu.memory_space<semaphore_mem>>) src(%arg15 : memref<128x128xf32, #tpu.memory_space<vmem>>) dst(%dma_wait3A_730 : memref<10112x128xf32, #tpu.memory_space<vmem_shared>>)
      %dma_wait3A_731 = arith.constant 0 : i32
      %dma_wait3A_732 = arith.constant 0 : i32
      %dma_wait3A_733 = tpu.memref_slice %arg6[%dma_wait3A_731, %dma_wait3A_732] : memref<10112x128xf32, #tpu.memory_space<vmem_shared>> -> memref<10112x128xf32, #tpu.memory_space<vmem_shared>>
      tpu.wait_indirect_dma semaphore(%arg20 : memref<!tpu.dma_semaphore, #tpu.memory_space<semaphore_mem>>) src(%arg16 : memref<128x128xf32, #tpu.memory_space<vmem>>) dst(%dma_wait3A_733 : memref<10112x128xf32, #tpu.memory_space<vmem_shared>>)
      %add3A_734 = arith.constant 256 : i32
      %add3A_735 = arith.addi %add3A_719, %add3A_734 : i32
      %dma_start3A_736 = tpu.memref_slice %arg3[%add3A_735] : memref<672000xi32, #tpu.memory_space<hbm>> -> memref<128xi32, #tpu.memory_space<hbm>>
      %dma_start3A_737 = tpu.memref_slice %arg3[%add3A_735] : memref<672000xi32, #tpu.memory_space<hbm>> -> memref<128xi32, #tpu.memory_space<hbm>>
      tpu.enqueue_dma source(%dma_start3A_737 : memref<128xi32, #tpu.memory_space<hbm>>) target(%arg7 : memref<128xi32, #tpu.memory_space<vmem>>) target_semaphore(%arg18 : memref<!tpu.dma_semaphore, #tpu.memory_space<semaphore_mem>>)
      %add3A_738 = arith.constant 384 : i32
      %add3A_739 = arith.addi %add3A_719, %add3A_738 : i32
      %dma_start3A_740 = tpu.memref_slice %arg3[%add3A_739] : memref<672000xi32, #tpu.memory_space<hbm>> -> memref<128xi32, #tpu.memory_space<hbm>>
      %dma_start3A_741 = tpu.memref_slice %arg3[%add3A_739] : memref<672000xi32, #tpu.memory_space<hbm>> -> memref<128xi32, #tpu.memory_space<hbm>>
      tpu.enqueue_dma source(%dma_start3A_741 : memref<128xi32, #tpu.memory_space<hbm>>) target(%arg8 : memref<128xi32, #tpu.memory_space<vmem>>) target_semaphore(%arg18 : memref<!tpu.dma_semaphore, #tpu.memory_space<semaphore_mem>>)
      %add3A_742 = arith.constant 256 : i32
      %add3A_743 = arith.addi %add3A_719, %add3A_742 : i32
      %dma_start3A_744 = tpu.memref_slice %arg4[%add3A_743] : memref<672000xi32, #tpu.memory_space<hbm>> -> memref<128xi32, #tpu.memory_space<hbm>>
      %dma_start3A_745 = tpu.memref_slice %arg4[%add3A_743] : memref<672000xi32, #tpu.memory_space<hbm>> -> memref<128xi32, #tpu.memory_space<hbm>>
      tpu.enqueue_dma source(%dma_start3A_745 : memref<128xi32, #tpu.memory_space<hbm>>) target(%arg11 : memref<128xi32, #tpu.memory_space<vmem>>) target_semaphore(%arg18 : memref<!tpu.dma_semaphore, #tpu.memory_space<semaphore_mem>>)
      %add3A_746 = arith.constant 384 : i32
      %add3A_747 = arith.addi %add3A_719, %add3A_746 : i32
      %dma_start3A_748 = tpu.memref_slice %arg4[%add3A_747] : memref<672000xi32, #tpu.memory_space<hbm>> -> memref<128xi32, #tpu.memory_space<hbm>>
      %dma_start3A_749 = tpu.memref_slice %arg4[%add3A_747] : memref<672000xi32, #tpu.memory_space<hbm>> -> memref<128xi32, #tpu.memory_space<hbm>>
      tpu.enqueue_dma source(%dma_start3A_749 : memref<128xi32, #tpu.memory_space<hbm>>) target(%arg12 : memref<128xi32, #tpu.memory_space<vmem>>) target_semaphore(%arg18 : memref<!tpu.dma_semaphore, #tpu.memory_space<semaphore_mem>>)
      %dma_start3A_750 = arith.constant 0 : i32
      %dma_start3A_751 = arith.constant 0 : i32
      %dma_start3A_752 = tpu.memref_slice %arg2[%dma_start3A_750, %dma_start3A_751] : memref<20224x128xf32, #tpu.memory_space<hbm>> -> memref<20224x128xf32, #tpu.memory_space<hbm>>
      tpu.enqueue_indirect_dma source(%dma_start3A_752 : memref<20224x128xf32, #tpu.memory_space<hbm>>) target(%arg15 : memref<128x128xf32, #tpu.memory_space<vmem>>) offsets(%arg9 : memref<128xi32, #tpu.memory_space<vmem>>) semaphore(%arg19 : memref<!tpu.dma_semaphore, #tpu.memory_space<semaphore_mem>>)
      %dma_start3A_753 = arith.constant 0 : i32
      %dma_start3A_754 = arith.constant 0 : i32
      %dma_start3A_755 = tpu.memref_slice %arg2[%dma_start3A_753, %dma_start3A_754] : memref<20224x128xf32, #tpu.memory_space<hbm>> -> memref<20224x128xf32, #tpu.memory_space<hbm>>
      tpu.enqueue_indirect_dma source(%dma_start3A_755 : memref<20224x128xf32, #tpu.memory_space<hbm>>) target(%arg16 : memref<128x128xf32, #tpu.memory_space<vmem>>) offsets(%arg10 : memref<128xi32, #tpu.memory_space<vmem>>) semaphore(%arg19 : memref<!tpu.dma_semaphore, #tpu.memory_space<semaphore_mem>>)
      %dma_wait3A_756 = arith.constant 0 : i32
      %dma_wait3A_757 = arith.constant 0 : i32
      %dma_wait3A_758 = tpu.memref_slice %arg2[%dma_wait3A_756, %dma_wait3A_757] : memref<20224x128xf32, #tpu.memory_space<hbm>> -> memref<20224x128xf32, #tpu.memory_space<hbm>>
      tpu.wait_indirect_dma semaphore(%arg19 : memref<!tpu.dma_semaphore, #tpu.memory_space<semaphore_mem>>) src(%dma_wait3A_758 : memref<20224x128xf32, #tpu.memory_space<hbm>>) dst(%arg15 : memref<128x128xf32, #tpu.memory_space<vmem>>)
      %dma_start3A_759 = arith.constant 0 : i32
      %dma_start3A_760 = arith.constant 0 : i32
      %dma_start3A_761 = tpu.memref_slice %arg6[%dma_start3A_759, %dma_start3A_760] : memref<10112x128xf32, #tpu.memory_space<vmem_shared>> -> memref<10112x128xf32, #tpu.memory_space<vmem_shared>>
      tpu.enqueue_indirect_dma source(%arg15 : memref<128x128xf32, #tpu.memory_space<vmem>>) target(%dma_start3A_761 : memref<10112x128xf32, #tpu.memory_space<vmem_shared>>) offsets(%arg13 : memref<128xi32, #tpu.memory_space<vmem>>) semaphore(%arg20 : memref<!tpu.dma_semaphore, #tpu.memory_space<semaphore_mem>>) {add = true}
      %dma_wait3A_762 = arith.constant 0 : i32
      %dma_wait3A_763 = arith.constant 0 : i32
      %dma_wait3A_764 = tpu.memref_slice %arg2[%dma_wait3A_762, %dma_wait3A_763] : memref<20224x128xf32, #tpu.memory_space<hbm>> -> memref<20224x128xf32, #tpu.memory_space<hbm>>
      tpu.wait_indirect_dma semaphore(%arg19 : memref<!tpu.dma_semaphore, #tpu.memory_space<semaphore_mem>>) src(%dma_wait3A_764 : memref<20224x128xf32, #tpu.memory_space<hbm>>) dst(%arg16 : memref<128x128xf32, #tpu.memory_space<vmem>>)
      %dma_start3A_765 = arith.constant 0 : i32
      %dma_start3A_766 = arith.constant 0 : i32
      %dma_start3A_767 = tpu.memref_slice %arg6[%dma_start3A_765, %dma_start3A_766] : memref<10112x128xf32, #tpu.memory_space<vmem_shared>> -> memref<10112x128xf32, #tpu.memory_space<vmem_shared>>
      tpu.enqueue_indirect_dma source(%arg16 : memref<128x128xf32, #tpu.memory_space<vmem>>) target(%dma_start3A_767 : memref<10112x128xf32, #tpu.memory_space<vmem_shared>>) offsets(%arg14 : memref<128xi32, #tpu.memory_space<vmem>>) semaphore(%arg20 : memref<!tpu.dma_semaphore, #tpu.memory_space<semaphore_mem>>) {add = true}
    }
    %scan3A_642 = arith.constant 41 : i32
    %dma_wait3A = tpu.memref_slice %arg3[%add3A] : memref<672000xi32, #tpu.memory_space<hbm>> -> memref<128xi32, #tpu.memory_space<hbm>>
    %dma_wait3A_643 = tpu.memref_slice %arg3[%add3A] : memref<672000xi32, #tpu.memory_space<hbm>> -> memref<128xi32, #tpu.memory_space<hbm>>
    tpu.wait_dma2 semaphore(%arg18 : memref<!tpu.dma_semaphore, #tpu.memory_space<semaphore_mem>>) src(%dma_wait3A_643 : memref<128xi32, #tpu.memory_space<hbm>>) dst(%arg7 : memref<128xi32, #tpu.memory_space<vmem>>)
    %dma_wait3A_644 = tpu.memref_slice %arg3[%add3A] : memref<672000xi32, #tpu.memory_space<hbm>> -> memref<128xi32, #tpu.memory_space<hbm>>
    %dma_wait3A_645 = tpu.memref_slice %arg3[%add3A] : memref<672000xi32, #tpu.memory_space<hbm>> -> memref<128xi32, #tpu.memory_space<hbm>>
    tpu.wait_dma2 semaphore(%arg18 : memref<!tpu.dma_semaphore, #tpu.memory_space<semaphore_mem>>) src(%dma_wait3A_645 : memref<128xi32, #tpu.memory_space<hbm>>) dst(%arg7 : memref<128xi32, #tpu.memory_space<vmem>>)
    %dma_wait3A_646 = tpu.memref_slice %arg3[%add3A] : memref<672000xi32, #tpu.memory_space<hbm>> -> memref<128xi32, #tpu.memory_space<hbm>>
    %dma_wait3A_647 = tpu.memref_slice %arg3[%add3A] : memref<672000xi32, #tpu.memory_space<hbm>> -> memref<128xi32, #tpu.memory_space<hbm>>
    tpu.wait_dma2 semaphore(%arg18 : memref<!tpu.dma_semaphore, #tpu.memory_space<semaphore_mem>>) src(%dma_wait3A_647 : memref<128xi32, #tpu.memory_space<hbm>>) dst(%arg7 : memref<128xi32, #tpu.memory_space<vmem>>)
    %dma_wait3A_648 = tpu.memref_slice %arg3[%add3A] : memref<672000xi32, #tpu.memory_space<hbm>> -> memref<128xi32, #tpu.memory_space<hbm>>
    %dma_wait3A_649 = tpu.memref_slice %arg3[%add3A] : memref<672000xi32, #tpu.memory_space<hbm>> -> memref<128xi32, #tpu.memory_space<hbm>>
    tpu.wait_dma2 semaphore(%arg18 : memref<!tpu.dma_semaphore, #tpu.memory_space<semaphore_mem>>) src(%dma_wait3A_649 : memref<128xi32, #tpu.memory_space<hbm>>) dst(%arg7 : memref<128xi32, #tpu.memory_space<vmem>>)
    %dma_wait3A_650 = arith.constant 0 : i32
    %dma_wait3A_651 = arith.constant 0 : i32
    %dma_wait3A_652 = tpu.memref_slice %arg6[%dma_wait3A_650, %dma_wait3A_651] : memref<10112x128xf32, #tpu.memory_space<vmem_shared>> -> memref<10112x128xf32, #tpu.memory_space<vmem_shared>>
    tpu.wait_indirect_dma semaphore(%arg20 : memref<!tpu.dma_semaphore, #tpu.memory_space<semaphore_mem>>) src(%arg15 : memref<128x128xf32, #tpu.memory_space<vmem>>) dst(%dma_wait3A_652 : memref<10112x128xf32, #tpu.memory_space<vmem_shared>>)
    %dma_wait3A_653 = arith.constant 0 : i32
    %dma_wait3A_654 = arith.constant 0 : i32
    %dma_wait3A_655 = tpu.memref_slice %arg6[%dma_wait3A_653, %dma_wait3A_654] : memref<10112x128xf32, #tpu.memory_space<vmem_shared>> -> memref<10112x128xf32, #tpu.memory_space<vmem_shared>>
    tpu.wait_indirect_dma semaphore(%arg20 : memref<!tpu.dma_semaphore, #tpu.memory_space<semaphore_mem>>) src(%arg16 : memref<128x128xf32, #tpu.memory_space<vmem>>) dst(%dma_wait3A_655 : memref<10112x128xf32, #tpu.memory_space<vmem_shared>>)
    %barrier3A_656 = arith.constant 0 : index
    tpu.barrier barrier_id(%barrier3A_656)
    %mul3A_657 = arith.constant 632 : i32
    %mul3A_658 = arith.muli %arg1, %mul3A_657 : i32
    %mul3A_659 = arith.constant 10112 : i32
    %mul3A_660 = arith.muli %arg0, %mul3A_659 : i32
    %mul3A_661 = arith.constant 632 : i32
    %mul3A_662 = arith.muli %arg1, %mul3A_661 : i32
    %add3A_663 = arith.addi %mul3A_660, %mul3A_662 : i32
    "tpu.region"() ({
      %run_scoped3A = tpu.sem_alloc : memref<!tpu.dma_semaphore, #tpu.memory_space<semaphore_mem>>
      %dma_start3A_664 = arith.constant 0 : i32
      %dma_start3A_665 = tpu.memref_slice %arg5[%add3A_663, %dma_start3A_664] : memref<20224x128xf32, #tpu.memory_space<hbm>> -> memref<632x128xf32, #tpu.memory_space<hbm>>
      %dma_start3A_666 = arith.constant 0 : i32
      %dma_start3A_667 = tpu.memref_slice %arg6[%mul3A_658, %dma_start3A_666] : memref<10112x128xf32, #tpu.memory_space<vmem_shared>> -> memref<632x128xf32, #tpu.memory_space<vmem_shared>>
      tpu.enqueue_dma source(%dma_start3A_667 : memref<632x128xf32, #tpu.memory_space<vmem_shared>>) target(%dma_start3A_665 : memref<632x128xf32, #tpu.memory_space<hbm>>) target_semaphore(%run_scoped3A : memref<!tpu.dma_semaphore, #tpu.memory_space<semaphore_mem>>)
      %dma_wait3A_668 = arith.constant 0 : i32
      %dma_wait3A_669 = tpu.memref_slice %arg5[%add3A_663, %dma_wait3A_668] : memref<20224x128xf32, #tpu.memory_space<hbm>> -> memref<632x128xf32, #tpu.memory_space<hbm>>
      %dma_wait3A_670 = arith.constant 0 : i32
      %dma_wait3A_671 = tpu.memref_slice %arg6[%mul3A_658, %dma_wait3A_670] : memref<10112x128xf32, #tpu.memory_space<vmem_shared>> -> memref<632x128xf32, #tpu.memory_space<vmem_shared>>
      tpu.wait_dma2 semaphore(%run_scoped3A : memref<!tpu.dma_semaphore, #tpu.memory_space<semaphore_mem>>) src(%dma_wait3A_671 : memref<632x128xf32, #tpu.memory_space<vmem_shared>>) dst(%dma_wait3A_669 : memref<632x128xf32, #tpu.memory_space<hbm>>)
      tpu.yield
    }) : () -> ()
    return
  }
}

#map = affine_map<(d0, d1) -> (0, 0)>
#map1 = affine_map<(d0, d1) -> (0)>
module attributes {stable_mosaic.version = 14 : i64} {
  func.func @body(%arg0: i32, %arg1: i32, %arg2: memref<10112x128xf32, #tpu.memory_space<hbm>>, %arg3: memref<344320xi32, #tpu.memory_space<hbm>>, %arg4: memref<344320xi32, #tpu.memory_space<hbm>>, %arg5: memref<20224x128xf32, #tpu.memory_space<hbm>>, %arg6: memref<10112x128xf32, #tpu.memory_space<vmem_shared>>, %arg7: memref<128xi32, #tpu.memory_space<vmem>>, %arg8: memref<128xi32, #tpu.memory_space<vmem>>, %arg9: memref<128xi32, #tpu.memory_space<vmem>>, %arg10: memref<128xi32, #tpu.memory_space<vmem>>, %arg11: memref<128xi32, #tpu.memory_space<vmem>>, %arg12: memref<128xi32, #tpu.memory_space<vmem>>, %arg13: memref<128xi32, #tpu.memory_space<vmem>>, %arg14: memref<128xi32, #tpu.memory_space<vmem>>, %arg15: memref<128x128xf32, #tpu.memory_space<vmem>>, %arg16: memref<128x128xf32, #tpu.memory_space<vmem>>, %arg17: memref<8x128xf32, #tpu.memory_space<vmem>>, %arg18: memref<!tpu.dma_semaphore, #tpu.memory_space<semaphore_mem>>, %arg19: memref<!tpu.dma_semaphore, #tpu.memory_space<semaphore_mem>>, %arg20: memref<!tpu.dma_semaphore, #tpu.memory_space<semaphore_mem>>, %arg21: memref<!tpu.dma_semaphore, #tpu.memory_space<semaphore_mem>>) attributes {dimension_semantics = [#tpu.dimension_semantics<core_parallel>, #tpu.dimension_semantics<subcore_parallel>], iteration_bounds = array<i64: 2, 16>, scalar_prefetch = 0 : i64, scratch_operands = 16 : i64, tpu.core_type = #tpu.core_type<sc_vector_subcore>, window_params = [{transform_indices = #map}, {transform_indices = #map1}, {transform_indices = #map1}, {transform_indices = #map}]} {
    %mul3A = arith.constant 172032 : i32
    %mul3A_0 = arith.muli %arg0, %mul3A : i32
    %mul3A_1 = arith.constant 10752 : i32
    %mul3A_2 = arith.muli %arg1, %mul3A_1 : i32
    %add3A = arith.addi %mul3A_0, %mul3A_2 : i32
    %dma_start3A = tpu.memref_slice %arg3[%add3A] : memref<344320xi32, #tpu.memory_space<hbm>> -> memref<128xi32, #tpu.memory_space<hbm>>
    %dma_start3A_3 = tpu.memref_slice %arg3[%add3A] : memref<344320xi32, #tpu.memory_space<hbm>> -> memref<128xi32, #tpu.memory_space<hbm>>
    tpu.enqueue_dma source(%dma_start3A_3 : memref<128xi32, #tpu.memory_space<hbm>>) target(%arg7 : memref<128xi32, #tpu.memory_space<vmem>>) target_semaphore(%arg18 : memref<!tpu.dma_semaphore, #tpu.memory_space<semaphore_mem>>)
    %add3A_4 = arith.constant 128 : i32
    %add3A_5 = arith.addi %add3A, %add3A_4 : i32
    %dma_start3A_6 = tpu.memref_slice %arg3[%add3A_5] : memref<344320xi32, #tpu.memory_space<hbm>> -> memref<128xi32, #tpu.memory_space<hbm>>
    %dma_start3A_7 = tpu.memref_slice %arg3[%add3A_5] : memref<344320xi32, #tpu.memory_space<hbm>> -> memref<128xi32, #tpu.memory_space<hbm>>
    tpu.enqueue_dma source(%dma_start3A_7 : memref<128xi32, #tpu.memory_space<hbm>>) target(%arg8 : memref<128xi32, #tpu.memory_space<vmem>>) target_semaphore(%arg18 : memref<!tpu.dma_semaphore, #tpu.memory_space<semaphore_mem>>)
    %dma_start3A_8 = tpu.memref_slice %arg4[%add3A] : memref<344320xi32, #tpu.memory_space<hbm>> -> memref<128xi32, #tpu.memory_space<hbm>>
    %dma_start3A_9 = tpu.memref_slice %arg4[%add3A] : memref<344320xi32, #tpu.memory_space<hbm>> -> memref<128xi32, #tpu.memory_space<hbm>>
    tpu.enqueue_dma source(%dma_start3A_9 : memref<128xi32, #tpu.memory_space<hbm>>) target(%arg11 : memref<128xi32, #tpu.memory_space<vmem>>) target_semaphore(%arg18 : memref<!tpu.dma_semaphore, #tpu.memory_space<semaphore_mem>>)
    %add3A_10 = arith.constant 128 : i32
    %add3A_11 = arith.addi %add3A, %add3A_10 : i32
    %dma_start3A_12 = tpu.memref_slice %arg4[%add3A_11] : memref<344320xi32, #tpu.memory_space<hbm>> -> memref<128xi32, #tpu.memory_space<hbm>>
    %dma_start3A_13 = tpu.memref_slice %arg4[%add3A_11] : memref<344320xi32, #tpu.memory_space<hbm>> -> memref<128xi32, #tpu.memory_space<hbm>>
    tpu.enqueue_dma source(%dma_start3A_13 : memref<128xi32, #tpu.memory_space<hbm>>) target(%arg12 : memref<128xi32, #tpu.memory_space<vmem>>) target_semaphore(%arg18 : memref<!tpu.dma_semaphore, #tpu.memory_space<semaphore_mem>>)
    %broadcast_in_dim3A = arith.constant 0.000000e+00 : f32
    %broadcast_in_dim3A_14 = vector.broadcast %broadcast_in_dim3A : f32 to vector<16xf32>
    %swap3A = arith.constant 0 : i32
    %swap3A_15 = arith.index_cast %swap3A : i32 to index
    %swap3A_16 = arith.constant 0 : index
    %swap3A_17 = tpu.vector_load %arg17[%swap3A_15, %swap3A_16] {strides = array<i32>} : memref<8x128xf32, #tpu.memory_space<vmem>>, vector<1x16xf32>,
    %swap3A_18 = vector.shape_cast %swap3A_17 : vector<1x16xf32> to vector<16xf32>
    %swap3A_19 = vector.shape_cast %broadcast_in_dim3A_14 : vector<16xf32> to vector<1x16xf32>
    tpu.vector_store %arg17[%swap3A_15, %swap3A_16], %swap3A_19 {strides = array<i32>} : memref<8x128xf32, #tpu.memory_space<vmem>>, vector<1x16xf32>,
    %broadcast_in_dim3A_20 = arith.constant 0.000000e+00 : f32
    %broadcast_in_dim3A_21 = vector.broadcast %broadcast_in_dim3A_20 : f32 to vector<16xf32>
    %swap3A_22 = arith.constant 0 : i32
    %swap3A_23 = arith.index_cast %swap3A_22 : i32 to index
    %swap3A_24 = arith.constant 16 : index
    %swap3A_25 = tpu.vector_load %arg17[%swap3A_23, %swap3A_24] {strides = array<i32>} : memref<8x128xf32, #tpu.memory_space<vmem>>, vector<1x16xf32>,
    %swap3A_26 = vector.shape_cast %swap3A_25 : vector<1x16xf32> to vector<16xf32>
    %swap3A_27 = vector.shape_cast %broadcast_in_dim3A_21 : vector<16xf32> to vector<1x16xf32>
    tpu.vector_store %arg17[%swap3A_23, %swap3A_24], %swap3A_27 {strides = array<i32>} : memref<8x128xf32, #tpu.memory_space<vmem>>, vector<1x16xf32>,
    %broadcast_in_dim3A_28 = arith.constant 0.000000e+00 : f32
    %broadcast_in_dim3A_29 = vector.broadcast %broadcast_in_dim3A_28 : f32 to vector<16xf32>
    %swap3A_30 = arith.constant 0 : i32
    %swap3A_31 = arith.index_cast %swap3A_30 : i32 to index
    %swap3A_32 = arith.constant 32 : index
    %swap3A_33 = tpu.vector_load %arg17[%swap3A_31, %swap3A_32] {strides = array<i32>} : memref<8x128xf32, #tpu.memory_space<vmem>>, vector<1x16xf32>,
    %swap3A_34 = vector.shape_cast %swap3A_33 : vector<1x16xf32> to vector<16xf32>
    %swap3A_35 = vector.shape_cast %broadcast_in_dim3A_29 : vector<16xf32> to vector<1x16xf32>
    tpu.vector_store %arg17[%swap3A_31, %swap3A_32], %swap3A_35 {strides = array<i32>} : memref<8x128xf32, #tpu.memory_space<vmem>>, vector<1x16xf32>,
    %broadcast_in_dim3A_36 = arith.constant 0.000000e+00 : f32
    %broadcast_in_dim3A_37 = vector.broadcast %broadcast_in_dim3A_36 : f32 to vector<16xf32>
    %swap3A_38 = arith.constant 0 : i32
    %swap3A_39 = arith.index_cast %swap3A_38 : i32 to index
    %swap3A_40 = arith.constant 48 : index
    %swap3A_41 = tpu.vector_load %arg17[%swap3A_39, %swap3A_40] {strides = array<i32>} : memref<8x128xf32, #tpu.memory_space<vmem>>, vector<1x16xf32>,
    %swap3A_42 = vector.shape_cast %swap3A_41 : vector<1x16xf32> to vector<16xf32>
    %swap3A_43 = vector.shape_cast %broadcast_in_dim3A_37 : vector<16xf32> to vector<1x16xf32>
    tpu.vector_store %arg17[%swap3A_39, %swap3A_40], %swap3A_43 {strides = array<i32>} : memref<8x128xf32, #tpu.memory_space<vmem>>, vector<1x16xf32>,
    %broadcast_in_dim3A_44 = arith.constant 0.000000e+00 : f32
    %broadcast_in_dim3A_45 = vector.broadcast %broadcast_in_dim3A_44 : f32 to vector<16xf32>
    %swap3A_46 = arith.constant 0 : i32
    %swap3A_47 = arith.index_cast %swap3A_46 : i32 to index
    %swap3A_48 = arith.constant 64 : index
    %swap3A_49 = tpu.vector_load %arg17[%swap3A_47, %swap3A_48] {strides = array<i32>} : memref<8x128xf32, #tpu.memory_space<vmem>>, vector<1x16xf32>,
    %swap3A_50 = vector.shape_cast %swap3A_49 : vector<1x16xf32> to vector<16xf32>
    %swap3A_51 = vector.shape_cast %broadcast_in_dim3A_45 : vector<16xf32> to vector<1x16xf32>
    tpu.vector_store %arg17[%swap3A_47, %swap3A_48], %swap3A_51 {strides = array<i32>} : memref<8x128xf32, #tpu.memory_space<vmem>>, vector<1x16xf32>,
    %broadcast_in_dim3A_52 = arith.constant 0.000000e+00 : f32
    %broadcast_in_dim3A_53 = vector.broadcast %broadcast_in_dim3A_52 : f32 to vector<16xf32>
    %swap3A_54 = arith.constant 0 : i32
    %swap3A_55 = arith.index_cast %swap3A_54 : i32 to index
    %swap3A_56 = arith.constant 80 : index
    %swap3A_57 = tpu.vector_load %arg17[%swap3A_55, %swap3A_56] {strides = array<i32>} : memref<8x128xf32, #tpu.memory_space<vmem>>, vector<1x16xf32>,
    %swap3A_58 = vector.shape_cast %swap3A_57 : vector<1x16xf32> to vector<16xf32>
    %swap3A_59 = vector.shape_cast %broadcast_in_dim3A_53 : vector<16xf32> to vector<1x16xf32>
    tpu.vector_store %arg17[%swap3A_55, %swap3A_56], %swap3A_59 {strides = array<i32>} : memref<8x128xf32, #tpu.memory_space<vmem>>, vector<1x16xf32>,
    %broadcast_in_dim3A_60 = arith.constant 0.000000e+00 : f32
    %broadcast_in_dim3A_61 = vector.broadcast %broadcast_in_dim3A_60 : f32 to vector<16xf32>
    %swap3A_62 = arith.constant 0 : i32
    %swap3A_63 = arith.index_cast %swap3A_62 : i32 to index
    %swap3A_64 = arith.constant 96 : index
    %swap3A_65 = tpu.vector_load %arg17[%swap3A_63, %swap3A_64] {strides = array<i32>} : memref<8x128xf32, #tpu.memory_space<vmem>>, vector<1x16xf32>,
    %swap3A_66 = vector.shape_cast %swap3A_65 : vector<1x16xf32> to vector<16xf32>
    %swap3A_67 = vector.shape_cast %broadcast_in_dim3A_61 : vector<16xf32> to vector<1x16xf32>
    tpu.vector_store %arg17[%swap3A_63, %swap3A_64], %swap3A_67 {strides = array<i32>} : memref<8x128xf32, #tpu.memory_space<vmem>>, vector<1x16xf32>,
    %broadcast_in_dim3A_68 = arith.constant 0.000000e+00 : f32
    %broadcast_in_dim3A_69 = vector.broadcast %broadcast_in_dim3A_68 : f32 to vector<16xf32>
    %swap3A_70 = arith.constant 0 : i32
    %swap3A_71 = arith.index_cast %swap3A_70 : i32 to index
    %swap3A_72 = arith.constant 112 : index
    %swap3A_73 = tpu.vector_load %arg17[%swap3A_71, %swap3A_72] {strides = array<i32>} : memref<8x128xf32, #tpu.memory_space<vmem>>, vector<1x16xf32>,
    %swap3A_74 = vector.shape_cast %swap3A_73 : vector<1x16xf32> to vector<16xf32>
    %swap3A_75 = vector.shape_cast %broadcast_in_dim3A_69 : vector<16xf32> to vector<1x16xf32>
    tpu.vector_store %arg17[%swap3A_71, %swap3A_72], %swap3A_75 {strides = array<i32>} : memref<8x128xf32, #tpu.memory_space<vmem>>, vector<1x16xf32>,
    %broadcast_in_dim3A_76 = arith.constant 0.000000e+00 : f32
    %broadcast_in_dim3A_77 = vector.broadcast %broadcast_in_dim3A_76 : f32 to vector<16xf32>
    %swap3A_78 = arith.constant 1 : i32
    %swap3A_79 = arith.index_cast %swap3A_78 : i32 to index
    %swap3A_80 = arith.constant 0 : index
    %swap3A_81 = tpu.vector_load %arg17[%swap3A_79, %swap3A_80] {strides = array<i32>} : memref<8x128xf32, #tpu.memory_space<vmem>>, vector<1x16xf32>,
    %swap3A_82 = vector.shape_cast %swap3A_81 : vector<1x16xf32> to vector<16xf32>
    %swap3A_83 = vector.shape_cast %broadcast_in_dim3A_77 : vector<16xf32> to vector<1x16xf32>
    tpu.vector_store %arg17[%swap3A_79, %swap3A_80], %swap3A_83 {strides = array<i32>} : memref<8x128xf32, #tpu.memory_space<vmem>>, vector<1x16xf32>,
    %broadcast_in_dim3A_84 = arith.constant 0.000000e+00 : f32
    %broadcast_in_dim3A_85 = vector.broadcast %broadcast_in_dim3A_84 : f32 to vector<16xf32>
    %swap3A_86 = arith.constant 1 : i32
    %swap3A_87 = arith.index_cast %swap3A_86 : i32 to index
    %swap3A_88 = arith.constant 16 : index
    %swap3A_89 = tpu.vector_load %arg17[%swap3A_87, %swap3A_88] {strides = array<i32>} : memref<8x128xf32, #tpu.memory_space<vmem>>, vector<1x16xf32>,
    %swap3A_90 = vector.shape_cast %swap3A_89 : vector<1x16xf32> to vector<16xf32>
    %swap3A_91 = vector.shape_cast %broadcast_in_dim3A_85 : vector<16xf32> to vector<1x16xf32>
    tpu.vector_store %arg17[%swap3A_87, %swap3A_88], %swap3A_91 {strides = array<i32>} : memref<8x128xf32, #tpu.memory_space<vmem>>, vector<1x16xf32>,
    %broadcast_in_dim3A_92 = arith.constant 0.000000e+00 : f32
    %broadcast_in_dim3A_93 = vector.broadcast %broadcast_in_dim3A_92 : f32 to vector<16xf32>
    %swap3A_94 = arith.constant 1 : i32
    %swap3A_95 = arith.index_cast %swap3A_94 : i32 to index
    %swap3A_96 = arith.constant 32 : index
    %swap3A_97 = tpu.vector_load %arg17[%swap3A_95, %swap3A_96] {strides = array<i32>} : memref<8x128xf32, #tpu.memory_space<vmem>>, vector<1x16xf32>,
    %swap3A_98 = vector.shape_cast %swap3A_97 : vector<1x16xf32> to vector<16xf32>
    %swap3A_99 = vector.shape_cast %broadcast_in_dim3A_93 : vector<16xf32> to vector<1x16xf32>
    tpu.vector_store %arg17[%swap3A_95, %swap3A_96], %swap3A_99 {strides = array<i32>} : memref<8x128xf32, #tpu.memory_space<vmem>>, vector<1x16xf32>,
    %broadcast_in_dim3A_100 = arith.constant 0.000000e+00 : f32
    %broadcast_in_dim3A_101 = vector.broadcast %broadcast_in_dim3A_100 : f32 to vector<16xf32>
    %swap3A_102 = arith.constant 1 : i32
    %swap3A_103 = arith.index_cast %swap3A_102 : i32 to index
    %swap3A_104 = arith.constant 48 : index
    %swap3A_105 = tpu.vector_load %arg17[%swap3A_103, %swap3A_104] {strides = array<i32>} : memref<8x128xf32, #tpu.memory_space<vmem>>, vector<1x16xf32>,
    %swap3A_106 = vector.shape_cast %swap3A_105 : vector<1x16xf32> to vector<16xf32>
    %swap3A_107 = vector.shape_cast %broadcast_in_dim3A_101 : vector<16xf32> to vector<1x16xf32>
    tpu.vector_store %arg17[%swap3A_103, %swap3A_104], %swap3A_107 {strides = array<i32>} : memref<8x128xf32, #tpu.memory_space<vmem>>, vector<1x16xf32>,
    %broadcast_in_dim3A_108 = arith.constant 0.000000e+00 : f32
    %broadcast_in_dim3A_109 = vector.broadcast %broadcast_in_dim3A_108 : f32 to vector<16xf32>
    %swap3A_110 = arith.constant 1 : i32
    %swap3A_111 = arith.index_cast %swap3A_110 : i32 to index
    %swap3A_112 = arith.constant 64 : index
    %swap3A_113 = tpu.vector_load %arg17[%swap3A_111, %swap3A_112] {strides = array<i32>} : memref<8x128xf32, #tpu.memory_space<vmem>>, vector<1x16xf32>,
    %swap3A_114 = vector.shape_cast %swap3A_113 : vector<1x16xf32> to vector<16xf32>
    %swap3A_115 = vector.shape_cast %broadcast_in_dim3A_109 : vector<16xf32> to vector<1x16xf32>
    tpu.vector_store %arg17[%swap3A_111, %swap3A_112], %swap3A_115 {strides = array<i32>} : memref<8x128xf32, #tpu.memory_space<vmem>>, vector<1x16xf32>,
    %broadcast_in_dim3A_116 = arith.constant 0.000000e+00 : f32
    %broadcast_in_dim3A_117 = vector.broadcast %broadcast_in_dim3A_116 : f32 to vector<16xf32>
    %swap3A_118 = arith.constant 1 : i32
    %swap3A_119 = arith.index_cast %swap3A_118 : i32 to index
    %swap3A_120 = arith.constant 80 : index
    %swap3A_121 = tpu.vector_load %arg17[%swap3A_119, %swap3A_120] {strides = array<i32>} : memref<8x128xf32, #tpu.memory_space<vmem>>, vector<1x16xf32>,
    %swap3A_122 = vector.shape_cast %swap3A_121 : vector<1x16xf32> to vector<16xf32>
    %swap3A_123 = vector.shape_cast %broadcast_in_dim3A_117 : vector<16xf32> to vector<1x16xf32>
    tpu.vector_store %arg17[%swap3A_119, %swap3A_120], %swap3A_123 {strides = array<i32>} : memref<8x128xf32, #tpu.memory_space<vmem>>, vector<1x16xf32>,
    %broadcast_in_dim3A_124 = arith.constant 0.000000e+00 : f32
    %broadcast_in_dim3A_125 = vector.broadcast %broadcast_in_dim3A_124 : f32 to vector<16xf32>
    %swap3A_126 = arith.constant 1 : i32
    %swap3A_127 = arith.index_cast %swap3A_126 : i32 to index
    %swap3A_128 = arith.constant 96 : index
    %swap3A_129 = tpu.vector_load %arg17[%swap3A_127, %swap3A_128] {strides = array<i32>} : memref<8x128xf32, #tpu.memory_space<vmem>>, vector<1x16xf32>,
    %swap3A_130 = vector.shape_cast %swap3A_129 : vector<1x16xf32> to vector<16xf32>
    %swap3A_131 = vector.shape_cast %broadcast_in_dim3A_125 : vector<16xf32> to vector<1x16xf32>
    tpu.vector_store %arg17[%swap3A_127, %swap3A_128], %swap3A_131 {strides = array<i32>} : memref<8x128xf32, #tpu.memory_space<vmem>>, vector<1x16xf32>,
    %broadcast_in_dim3A_132 = arith.constant 0.000000e+00 : f32
    %broadcast_in_dim3A_133 = vector.broadcast %broadcast_in_dim3A_132 : f32 to vector<16xf32>
    %swap3A_134 = arith.constant 1 : i32
    %swap3A_135 = arith.index_cast %swap3A_134 : i32 to index
    %swap3A_136 = arith.constant 112 : index
    %swap3A_137 = tpu.vector_load %arg17[%swap3A_135, %swap3A_136] {strides = array<i32>} : memref<8x128xf32, #tpu.memory_space<vmem>>, vector<1x16xf32>,
    %swap3A_138 = vector.shape_cast %swap3A_137 : vector<1x16xf32> to vector<16xf32>
    %swap3A_139 = vector.shape_cast %broadcast_in_dim3A_133 : vector<16xf32> to vector<1x16xf32>
    tpu.vector_store %arg17[%swap3A_135, %swap3A_136], %swap3A_139 {strides = array<i32>} : memref<8x128xf32, #tpu.memory_space<vmem>>, vector<1x16xf32>,
    %broadcast_in_dim3A_140 = arith.constant 0.000000e+00 : f32
    %broadcast_in_dim3A_141 = vector.broadcast %broadcast_in_dim3A_140 : f32 to vector<16xf32>
    %swap3A_142 = arith.constant 2 : i32
    %swap3A_143 = arith.index_cast %swap3A_142 : i32 to index
    %swap3A_144 = arith.constant 0 : index
    %swap3A_145 = tpu.vector_load %arg17[%swap3A_143, %swap3A_144] {strides = array<i32>} : memref<8x128xf32, #tpu.memory_space<vmem>>, vector<1x16xf32>,
    %swap3A_146 = vector.shape_cast %swap3A_145 : vector<1x16xf32> to vector<16xf32>
    %swap3A_147 = vector.shape_cast %broadcast_in_dim3A_141 : vector<16xf32> to vector<1x16xf32>
    tpu.vector_store %arg17[%swap3A_143, %swap3A_144], %swap3A_147 {strides = array<i32>} : memref<8x128xf32, #tpu.memory_space<vmem>>, vector<1x16xf32>,
    %broadcast_in_dim3A_148 = arith.constant 0.000000e+00 : f32
    %broadcast_in_dim3A_149 = vector.broadcast %broadcast_in_dim3A_148 : f32 to vector<16xf32>
    %swap3A_150 = arith.constant 2 : i32
    %swap3A_151 = arith.index_cast %swap3A_150 : i32 to index
    %swap3A_152 = arith.constant 16 : index
    %swap3A_153 = tpu.vector_load %arg17[%swap3A_151, %swap3A_152] {strides = array<i32>} : memref<8x128xf32, #tpu.memory_space<vmem>>, vector<1x16xf32>,
    %swap3A_154 = vector.shape_cast %swap3A_153 : vector<1x16xf32> to vector<16xf32>
    %swap3A_155 = vector.shape_cast %broadcast_in_dim3A_149 : vector<16xf32> to vector<1x16xf32>
    tpu.vector_store %arg17[%swap3A_151, %swap3A_152], %swap3A_155 {strides = array<i32>} : memref<8x128xf32, #tpu.memory_space<vmem>>, vector<1x16xf32>,
    %broadcast_in_dim3A_156 = arith.constant 0.000000e+00 : f32
    %broadcast_in_dim3A_157 = vector.broadcast %broadcast_in_dim3A_156 : f32 to vector<16xf32>
    %swap3A_158 = arith.constant 2 : i32
    %swap3A_159 = arith.index_cast %swap3A_158 : i32 to index
    %swap3A_160 = arith.constant 32 : index
    %swap3A_161 = tpu.vector_load %arg17[%swap3A_159, %swap3A_160] {strides = array<i32>} : memref<8x128xf32, #tpu.memory_space<vmem>>, vector<1x16xf32>,
    %swap3A_162 = vector.shape_cast %swap3A_161 : vector<1x16xf32> to vector<16xf32>
    %swap3A_163 = vector.shape_cast %broadcast_in_dim3A_157 : vector<16xf32> to vector<1x16xf32>
    tpu.vector_store %arg17[%swap3A_159, %swap3A_160], %swap3A_163 {strides = array<i32>} : memref<8x128xf32, #tpu.memory_space<vmem>>, vector<1x16xf32>,
    %broadcast_in_dim3A_164 = arith.constant 0.000000e+00 : f32
    %broadcast_in_dim3A_165 = vector.broadcast %broadcast_in_dim3A_164 : f32 to vector<16xf32>
    %swap3A_166 = arith.constant 2 : i32
    %swap3A_167 = arith.index_cast %swap3A_166 : i32 to index
    %swap3A_168 = arith.constant 48 : index
    %swap3A_169 = tpu.vector_load %arg17[%swap3A_167, %swap3A_168] {strides = array<i32>} : memref<8x128xf32, #tpu.memory_space<vmem>>, vector<1x16xf32>,
    %swap3A_170 = vector.shape_cast %swap3A_169 : vector<1x16xf32> to vector<16xf32>
    %swap3A_171 = vector.shape_cast %broadcast_in_dim3A_165 : vector<16xf32> to vector<1x16xf32>
    tpu.vector_store %arg17[%swap3A_167, %swap3A_168], %swap3A_171 {strides = array<i32>} : memref<8x128xf32, #tpu.memory_space<vmem>>, vector<1x16xf32>,
    %broadcast_in_dim3A_172 = arith.constant 0.000000e+00 : f32
    %broadcast_in_dim3A_173 = vector.broadcast %broadcast_in_dim3A_172 : f32 to vector<16xf32>
    %swap3A_174 = arith.constant 2 : i32
    %swap3A_175 = arith.index_cast %swap3A_174 : i32 to index
    %swap3A_176 = arith.constant 64 : index
    %swap3A_177 = tpu.vector_load %arg17[%swap3A_175, %swap3A_176] {strides = array<i32>} : memref<8x128xf32, #tpu.memory_space<vmem>>, vector<1x16xf32>,
    %swap3A_178 = vector.shape_cast %swap3A_177 : vector<1x16xf32> to vector<16xf32>
    %swap3A_179 = vector.shape_cast %broadcast_in_dim3A_173 : vector<16xf32> to vector<1x16xf32>
    tpu.vector_store %arg17[%swap3A_175, %swap3A_176], %swap3A_179 {strides = array<i32>} : memref<8x128xf32, #tpu.memory_space<vmem>>, vector<1x16xf32>,
    %broadcast_in_dim3A_180 = arith.constant 0.000000e+00 : f32
    %broadcast_in_dim3A_181 = vector.broadcast %broadcast_in_dim3A_180 : f32 to vector<16xf32>
    %swap3A_182 = arith.constant 2 : i32
    %swap3A_183 = arith.index_cast %swap3A_182 : i32 to index
    %swap3A_184 = arith.constant 80 : index
    %swap3A_185 = tpu.vector_load %arg17[%swap3A_183, %swap3A_184] {strides = array<i32>} : memref<8x128xf32, #tpu.memory_space<vmem>>, vector<1x16xf32>,
    %swap3A_186 = vector.shape_cast %swap3A_185 : vector<1x16xf32> to vector<16xf32>
    %swap3A_187 = vector.shape_cast %broadcast_in_dim3A_181 : vector<16xf32> to vector<1x16xf32>
    tpu.vector_store %arg17[%swap3A_183, %swap3A_184], %swap3A_187 {strides = array<i32>} : memref<8x128xf32, #tpu.memory_space<vmem>>, vector<1x16xf32>,
    %broadcast_in_dim3A_188 = arith.constant 0.000000e+00 : f32
    %broadcast_in_dim3A_189 = vector.broadcast %broadcast_in_dim3A_188 : f32 to vector<16xf32>
    %swap3A_190 = arith.constant 2 : i32
    %swap3A_191 = arith.index_cast %swap3A_190 : i32 to index
    %swap3A_192 = arith.constant 96 : index
    %swap3A_193 = tpu.vector_load %arg17[%swap3A_191, %swap3A_192] {strides = array<i32>} : memref<8x128xf32, #tpu.memory_space<vmem>>, vector<1x16xf32>,
    %swap3A_194 = vector.shape_cast %swap3A_193 : vector<1x16xf32> to vector<16xf32>
    %swap3A_195 = vector.shape_cast %broadcast_in_dim3A_189 : vector<16xf32> to vector<1x16xf32>
    tpu.vector_store %arg17[%swap3A_191, %swap3A_192], %swap3A_195 {strides = array<i32>} : memref<8x128xf32, #tpu.memory_space<vmem>>, vector<1x16xf32>,
    %broadcast_in_dim3A_196 = arith.constant 0.000000e+00 : f32
    %broadcast_in_dim3A_197 = vector.broadcast %broadcast_in_dim3A_196 : f32 to vector<16xf32>
    %swap3A_198 = arith.constant 2 : i32
    %swap3A_199 = arith.index_cast %swap3A_198 : i32 to index
    %swap3A_200 = arith.constant 112 : index
    %swap3A_201 = tpu.vector_load %arg17[%swap3A_199, %swap3A_200] {strides = array<i32>} : memref<8x128xf32, #tpu.memory_space<vmem>>, vector<1x16xf32>,
    %swap3A_202 = vector.shape_cast %swap3A_201 : vector<1x16xf32> to vector<16xf32>
    %swap3A_203 = vector.shape_cast %broadcast_in_dim3A_197 : vector<16xf32> to vector<1x16xf32>
    tpu.vector_store %arg17[%swap3A_199, %swap3A_200], %swap3A_203 {strides = array<i32>} : memref<8x128xf32, #tpu.memory_space<vmem>>, vector<1x16xf32>,
    %broadcast_in_dim3A_204 = arith.constant 0.000000e+00 : f32
    %broadcast_in_dim3A_205 = vector.broadcast %broadcast_in_dim3A_204 : f32 to vector<16xf32>
    %swap3A_206 = arith.constant 3 : i32
    %swap3A_207 = arith.index_cast %swap3A_206 : i32 to index
    %swap3A_208 = arith.constant 0 : index
    %swap3A_209 = tpu.vector_load %arg17[%swap3A_207, %swap3A_208] {strides = array<i32>} : memref<8x128xf32, #tpu.memory_space<vmem>>, vector<1x16xf32>,
    %swap3A_210 = vector.shape_cast %swap3A_209 : vector<1x16xf32> to vector<16xf32>
    %swap3A_211 = vector.shape_cast %broadcast_in_dim3A_205 : vector<16xf32> to vector<1x16xf32>
    tpu.vector_store %arg17[%swap3A_207, %swap3A_208], %swap3A_211 {strides = array<i32>} : memref<8x128xf32, #tpu.memory_space<vmem>>, vector<1x16xf32>,
    %broadcast_in_dim3A_212 = arith.constant 0.000000e+00 : f32
    %broadcast_in_dim3A_213 = vector.broadcast %broadcast_in_dim3A_212 : f32 to vector<16xf32>
    %swap3A_214 = arith.constant 3 : i32
    %swap3A_215 = arith.index_cast %swap3A_214 : i32 to index
    %swap3A_216 = arith.constant 16 : index
    %swap3A_217 = tpu.vector_load %arg17[%swap3A_215, %swap3A_216] {strides = array<i32>} : memref<8x128xf32, #tpu.memory_space<vmem>>, vector<1x16xf32>,
    %swap3A_218 = vector.shape_cast %swap3A_217 : vector<1x16xf32> to vector<16xf32>
    %swap3A_219 = vector.shape_cast %broadcast_in_dim3A_213 : vector<16xf32> to vector<1x16xf32>
    tpu.vector_store %arg17[%swap3A_215, %swap3A_216], %swap3A_219 {strides = array<i32>} : memref<8x128xf32, #tpu.memory_space<vmem>>, vector<1x16xf32>,
    %broadcast_in_dim3A_220 = arith.constant 0.000000e+00 : f32
    %broadcast_in_dim3A_221 = vector.broadcast %broadcast_in_dim3A_220 : f32 to vector<16xf32>
    %swap3A_222 = arith.constant 3 : i32
    %swap3A_223 = arith.index_cast %swap3A_222 : i32 to index
    %swap3A_224 = arith.constant 32 : index
    %swap3A_225 = tpu.vector_load %arg17[%swap3A_223, %swap3A_224] {strides = array<i32>} : memref<8x128xf32, #tpu.memory_space<vmem>>, vector<1x16xf32>,
    %swap3A_226 = vector.shape_cast %swap3A_225 : vector<1x16xf32> to vector<16xf32>
    %swap3A_227 = vector.shape_cast %broadcast_in_dim3A_221 : vector<16xf32> to vector<1x16xf32>
    tpu.vector_store %arg17[%swap3A_223, %swap3A_224], %swap3A_227 {strides = array<i32>} : memref<8x128xf32, #tpu.memory_space<vmem>>, vector<1x16xf32>,
    %broadcast_in_dim3A_228 = arith.constant 0.000000e+00 : f32
    %broadcast_in_dim3A_229 = vector.broadcast %broadcast_in_dim3A_228 : f32 to vector<16xf32>
    %swap3A_230 = arith.constant 3 : i32
    %swap3A_231 = arith.index_cast %swap3A_230 : i32 to index
    %swap3A_232 = arith.constant 48 : index
    %swap3A_233 = tpu.vector_load %arg17[%swap3A_231, %swap3A_232] {strides = array<i32>} : memref<8x128xf32, #tpu.memory_space<vmem>>, vector<1x16xf32>,
    %swap3A_234 = vector.shape_cast %swap3A_233 : vector<1x16xf32> to vector<16xf32>
    %swap3A_235 = vector.shape_cast %broadcast_in_dim3A_229 : vector<16xf32> to vector<1x16xf32>
    tpu.vector_store %arg17[%swap3A_231, %swap3A_232], %swap3A_235 {strides = array<i32>} : memref<8x128xf32, #tpu.memory_space<vmem>>, vector<1x16xf32>,
    %broadcast_in_dim3A_236 = arith.constant 0.000000e+00 : f32
    %broadcast_in_dim3A_237 = vector.broadcast %broadcast_in_dim3A_236 : f32 to vector<16xf32>
    %swap3A_238 = arith.constant 3 : i32
    %swap3A_239 = arith.index_cast %swap3A_238 : i32 to index
    %swap3A_240 = arith.constant 64 : index
    %swap3A_241 = tpu.vector_load %arg17[%swap3A_239, %swap3A_240] {strides = array<i32>} : memref<8x128xf32, #tpu.memory_space<vmem>>, vector<1x16xf32>,
    %swap3A_242 = vector.shape_cast %swap3A_241 : vector<1x16xf32> to vector<16xf32>
    %swap3A_243 = vector.shape_cast %broadcast_in_dim3A_237 : vector<16xf32> to vector<1x16xf32>
    tpu.vector_store %arg17[%swap3A_239, %swap3A_240], %swap3A_243 {strides = array<i32>} : memref<8x128xf32, #tpu.memory_space<vmem>>, vector<1x16xf32>,
    %broadcast_in_dim3A_244 = arith.constant 0.000000e+00 : f32
    %broadcast_in_dim3A_245 = vector.broadcast %broadcast_in_dim3A_244 : f32 to vector<16xf32>
    %swap3A_246 = arith.constant 3 : i32
    %swap3A_247 = arith.index_cast %swap3A_246 : i32 to index
    %swap3A_248 = arith.constant 80 : index
    %swap3A_249 = tpu.vector_load %arg17[%swap3A_247, %swap3A_248] {strides = array<i32>} : memref<8x128xf32, #tpu.memory_space<vmem>>, vector<1x16xf32>,
    %swap3A_250 = vector.shape_cast %swap3A_249 : vector<1x16xf32> to vector<16xf32>
    %swap3A_251 = vector.shape_cast %broadcast_in_dim3A_245 : vector<16xf32> to vector<1x16xf32>
    tpu.vector_store %arg17[%swap3A_247, %swap3A_248], %swap3A_251 {strides = array<i32>} : memref<8x128xf32, #tpu.memory_space<vmem>>, vector<1x16xf32>,
    %broadcast_in_dim3A_252 = arith.constant 0.000000e+00 : f32
    %broadcast_in_dim3A_253 = vector.broadcast %broadcast_in_dim3A_252 : f32 to vector<16xf32>
    %swap3A_254 = arith.constant 3 : i32
    %swap3A_255 = arith.index_cast %swap3A_254 : i32 to index
    %swap3A_256 = arith.constant 96 : index
    %swap3A_257 = tpu.vector_load %arg17[%swap3A_255, %swap3A_256] {strides = array<i32>} : memref<8x128xf32, #tpu.memory_space<vmem>>, vector<1x16xf32>,
    %swap3A_258 = vector.shape_cast %swap3A_257 : vector<1x16xf32> to vector<16xf32>
    %swap3A_259 = vector.shape_cast %broadcast_in_dim3A_253 : vector<16xf32> to vector<1x16xf32>
    tpu.vector_store %arg17[%swap3A_255, %swap3A_256], %swap3A_259 {strides = array<i32>} : memref<8x128xf32, #tpu.memory_space<vmem>>, vector<1x16xf32>,
    %broadcast_in_dim3A_260 = arith.constant 0.000000e+00 : f32
    %broadcast_in_dim3A_261 = vector.broadcast %broadcast_in_dim3A_260 : f32 to vector<16xf32>
    %swap3A_262 = arith.constant 3 : i32
    %swap3A_263 = arith.index_cast %swap3A_262 : i32 to index
    %swap3A_264 = arith.constant 112 : index
    %swap3A_265 = tpu.vector_load %arg17[%swap3A_263, %swap3A_264] {strides = array<i32>} : memref<8x128xf32, #tpu.memory_space<vmem>>, vector<1x16xf32>,
    %swap3A_266 = vector.shape_cast %swap3A_265 : vector<1x16xf32> to vector<16xf32>
    %swap3A_267 = vector.shape_cast %broadcast_in_dim3A_261 : vector<16xf32> to vector<1x16xf32>
    tpu.vector_store %arg17[%swap3A_263, %swap3A_264], %swap3A_267 {strides = array<i32>} : memref<8x128xf32, #tpu.memory_space<vmem>>, vector<1x16xf32>,
    %broadcast_in_dim3A_268 = arith.constant 0.000000e+00 : f32
    %broadcast_in_dim3A_269 = vector.broadcast %broadcast_in_dim3A_268 : f32 to vector<16xf32>
    %swap3A_270 = arith.constant 4 : i32
    %swap3A_271 = arith.index_cast %swap3A_270 : i32 to index
    %swap3A_272 = arith.constant 0 : index
    %swap3A_273 = tpu.vector_load %arg17[%swap3A_271, %swap3A_272] {strides = array<i32>} : memref<8x128xf32, #tpu.memory_space<vmem>>, vector<1x16xf32>,
    %swap3A_274 = vector.shape_cast %swap3A_273 : vector<1x16xf32> to vector<16xf32>
    %swap3A_275 = vector.shape_cast %broadcast_in_dim3A_269 : vector<16xf32> to vector<1x16xf32>
    tpu.vector_store %arg17[%swap3A_271, %swap3A_272], %swap3A_275 {strides = array<i32>} : memref<8x128xf32, #tpu.memory_space<vmem>>, vector<1x16xf32>,
    %broadcast_in_dim3A_276 = arith.constant 0.000000e+00 : f32
    %broadcast_in_dim3A_277 = vector.broadcast %broadcast_in_dim3A_276 : f32 to vector<16xf32>
    %swap3A_278 = arith.constant 4 : i32
    %swap3A_279 = arith.index_cast %swap3A_278 : i32 to index
    %swap3A_280 = arith.constant 16 : index
    %swap3A_281 = tpu.vector_load %arg17[%swap3A_279, %swap3A_280] {strides = array<i32>} : memref<8x128xf32, #tpu.memory_space<vmem>>, vector<1x16xf32>,
    %swap3A_282 = vector.shape_cast %swap3A_281 : vector<1x16xf32> to vector<16xf32>
    %swap3A_283 = vector.shape_cast %broadcast_in_dim3A_277 : vector<16xf32> to vector<1x16xf32>
    tpu.vector_store %arg17[%swap3A_279, %swap3A_280], %swap3A_283 {strides = array<i32>} : memref<8x128xf32, #tpu.memory_space<vmem>>, vector<1x16xf32>,
    %broadcast_in_dim3A_284 = arith.constant 0.000000e+00 : f32
    %broadcast_in_dim3A_285 = vector.broadcast %broadcast_in_dim3A_284 : f32 to vector<16xf32>
    %swap3A_286 = arith.constant 4 : i32
    %swap3A_287 = arith.index_cast %swap3A_286 : i32 to index
    %swap3A_288 = arith.constant 32 : index
    %swap3A_289 = tpu.vector_load %arg17[%swap3A_287, %swap3A_288] {strides = array<i32>} : memref<8x128xf32, #tpu.memory_space<vmem>>, vector<1x16xf32>,
    %swap3A_290 = vector.shape_cast %swap3A_289 : vector<1x16xf32> to vector<16xf32>
    %swap3A_291 = vector.shape_cast %broadcast_in_dim3A_285 : vector<16xf32> to vector<1x16xf32>
    tpu.vector_store %arg17[%swap3A_287, %swap3A_288], %swap3A_291 {strides = array<i32>} : memref<8x128xf32, #tpu.memory_space<vmem>>, vector<1x16xf32>,
    %broadcast_in_dim3A_292 = arith.constant 0.000000e+00 : f32
    %broadcast_in_dim3A_293 = vector.broadcast %broadcast_in_dim3A_292 : f32 to vector<16xf32>
    %swap3A_294 = arith.constant 4 : i32
    %swap3A_295 = arith.index_cast %swap3A_294 : i32 to index
    %swap3A_296 = arith.constant 48 : index
    %swap3A_297 = tpu.vector_load %arg17[%swap3A_295, %swap3A_296] {strides = array<i32>} : memref<8x128xf32, #tpu.memory_space<vmem>>, vector<1x16xf32>,
    %swap3A_298 = vector.shape_cast %swap3A_297 : vector<1x16xf32> to vector<16xf32>
    %swap3A_299 = vector.shape_cast %broadcast_in_dim3A_293 : vector<16xf32> to vector<1x16xf32>
    tpu.vector_store %arg17[%swap3A_295, %swap3A_296], %swap3A_299 {strides = array<i32>} : memref<8x128xf32, #tpu.memory_space<vmem>>, vector<1x16xf32>,
    %broadcast_in_dim3A_300 = arith.constant 0.000000e+00 : f32
    %broadcast_in_dim3A_301 = vector.broadcast %broadcast_in_dim3A_300 : f32 to vector<16xf32>
    %swap3A_302 = arith.constant 4 : i32
    %swap3A_303 = arith.index_cast %swap3A_302 : i32 to index
    %swap3A_304 = arith.constant 64 : index
    %swap3A_305 = tpu.vector_load %arg17[%swap3A_303, %swap3A_304] {strides = array<i32>} : memref<8x128xf32, #tpu.memory_space<vmem>>, vector<1x16xf32>,
    %swap3A_306 = vector.shape_cast %swap3A_305 : vector<1x16xf32> to vector<16xf32>
    %swap3A_307 = vector.shape_cast %broadcast_in_dim3A_301 : vector<16xf32> to vector<1x16xf32>
    tpu.vector_store %arg17[%swap3A_303, %swap3A_304], %swap3A_307 {strides = array<i32>} : memref<8x128xf32, #tpu.memory_space<vmem>>, vector<1x16xf32>,
    %broadcast_in_dim3A_308 = arith.constant 0.000000e+00 : f32
    %broadcast_in_dim3A_309 = vector.broadcast %broadcast_in_dim3A_308 : f32 to vector<16xf32>
    %swap3A_310 = arith.constant 4 : i32
    %swap3A_311 = arith.index_cast %swap3A_310 : i32 to index
    %swap3A_312 = arith.constant 80 : index
    %swap3A_313 = tpu.vector_load %arg17[%swap3A_311, %swap3A_312] {strides = array<i32>} : memref<8x128xf32, #tpu.memory_space<vmem>>, vector<1x16xf32>,
    %swap3A_314 = vector.shape_cast %swap3A_313 : vector<1x16xf32> to vector<16xf32>
    %swap3A_315 = vector.shape_cast %broadcast_in_dim3A_309 : vector<16xf32> to vector<1x16xf32>
    tpu.vector_store %arg17[%swap3A_311, %swap3A_312], %swap3A_315 {strides = array<i32>} : memref<8x128xf32, #tpu.memory_space<vmem>>, vector<1x16xf32>,
    %broadcast_in_dim3A_316 = arith.constant 0.000000e+00 : f32
    %broadcast_in_dim3A_317 = vector.broadcast %broadcast_in_dim3A_316 : f32 to vector<16xf32>
    %swap3A_318 = arith.constant 4 : i32
    %swap3A_319 = arith.index_cast %swap3A_318 : i32 to index
    %swap3A_320 = arith.constant 96 : index
    %swap3A_321 = tpu.vector_load %arg17[%swap3A_319, %swap3A_320] {strides = array<i32>} : memref<8x128xf32, #tpu.memory_space<vmem>>, vector<1x16xf32>,
    %swap3A_322 = vector.shape_cast %swap3A_321 : vector<1x16xf32> to vector<16xf32>
    %swap3A_323 = vector.shape_cast %broadcast_in_dim3A_317 : vector<16xf32> to vector<1x16xf32>
    tpu.vector_store %arg17[%swap3A_319, %swap3A_320], %swap3A_323 {strides = array<i32>} : memref<8x128xf32, #tpu.memory_space<vmem>>, vector<1x16xf32>,
    %broadcast_in_dim3A_324 = arith.constant 0.000000e+00 : f32
    %broadcast_in_dim3A_325 = vector.broadcast %broadcast_in_dim3A_324 : f32 to vector<16xf32>
    %swap3A_326 = arith.constant 4 : i32
    %swap3A_327 = arith.index_cast %swap3A_326 : i32 to index
    %swap3A_328 = arith.constant 112 : index
    %swap3A_329 = tpu.vector_load %arg17[%swap3A_327, %swap3A_328] {strides = array<i32>} : memref<8x128xf32, #tpu.memory_space<vmem>>, vector<1x16xf32>,
    %swap3A_330 = vector.shape_cast %swap3A_329 : vector<1x16xf32> to vector<16xf32>
    %swap3A_331 = vector.shape_cast %broadcast_in_dim3A_325 : vector<16xf32> to vector<1x16xf32>
    tpu.vector_store %arg17[%swap3A_327, %swap3A_328], %swap3A_331 {strides = array<i32>} : memref<8x128xf32, #tpu.memory_space<vmem>>, vector<1x16xf32>,
    %broadcast_in_dim3A_332 = arith.constant 0.000000e+00 : f32
    %broadcast_in_dim3A_333 = vector.broadcast %broadcast_in_dim3A_332 : f32 to vector<16xf32>
    %swap3A_334 = arith.constant 5 : i32
    %swap3A_335 = arith.index_cast %swap3A_334 : i32 to index
    %swap3A_336 = arith.constant 0 : index
    %swap3A_337 = tpu.vector_load %arg17[%swap3A_335, %swap3A_336] {strides = array<i32>} : memref<8x128xf32, #tpu.memory_space<vmem>>, vector<1x16xf32>,
    %swap3A_338 = vector.shape_cast %swap3A_337 : vector<1x16xf32> to vector<16xf32>
    %swap3A_339 = vector.shape_cast %broadcast_in_dim3A_333 : vector<16xf32> to vector<1x16xf32>
    tpu.vector_store %arg17[%swap3A_335, %swap3A_336], %swap3A_339 {strides = array<i32>} : memref<8x128xf32, #tpu.memory_space<vmem>>, vector<1x16xf32>,
    %broadcast_in_dim3A_340 = arith.constant 0.000000e+00 : f32
    %broadcast_in_dim3A_341 = vector.broadcast %broadcast_in_dim3A_340 : f32 to vector<16xf32>
    %swap3A_342 = arith.constant 5 : i32
    %swap3A_343 = arith.index_cast %swap3A_342 : i32 to index
    %swap3A_344 = arith.constant 16 : index
    %swap3A_345 = tpu.vector_load %arg17[%swap3A_343, %swap3A_344] {strides = array<i32>} : memref<8x128xf32, #tpu.memory_space<vmem>>, vector<1x16xf32>,
    %swap3A_346 = vector.shape_cast %swap3A_345 : vector<1x16xf32> to vector<16xf32>
    %swap3A_347 = vector.shape_cast %broadcast_in_dim3A_341 : vector<16xf32> to vector<1x16xf32>
    tpu.vector_store %arg17[%swap3A_343, %swap3A_344], %swap3A_347 {strides = array<i32>} : memref<8x128xf32, #tpu.memory_space<vmem>>, vector<1x16xf32>,
    %broadcast_in_dim3A_348 = arith.constant 0.000000e+00 : f32
    %broadcast_in_dim3A_349 = vector.broadcast %broadcast_in_dim3A_348 : f32 to vector<16xf32>
    %swap3A_350 = arith.constant 5 : i32
    %swap3A_351 = arith.index_cast %swap3A_350 : i32 to index
    %swap3A_352 = arith.constant 32 : index
    %swap3A_353 = tpu.vector_load %arg17[%swap3A_351, %swap3A_352] {strides = array<i32>} : memref<8x128xf32, #tpu.memory_space<vmem>>, vector<1x16xf32>,
    %swap3A_354 = vector.shape_cast %swap3A_353 : vector<1x16xf32> to vector<16xf32>
    %swap3A_355 = vector.shape_cast %broadcast_in_dim3A_349 : vector<16xf32> to vector<1x16xf32>
    tpu.vector_store %arg17[%swap3A_351, %swap3A_352], %swap3A_355 {strides = array<i32>} : memref<8x128xf32, #tpu.memory_space<vmem>>, vector<1x16xf32>,
    %broadcast_in_dim3A_356 = arith.constant 0.000000e+00 : f32
    %broadcast_in_dim3A_357 = vector.broadcast %broadcast_in_dim3A_356 : f32 to vector<16xf32>
    %swap3A_358 = arith.constant 5 : i32
    %swap3A_359 = arith.index_cast %swap3A_358 : i32 to index
    %swap3A_360 = arith.constant 48 : index
    %swap3A_361 = tpu.vector_load %arg17[%swap3A_359, %swap3A_360] {strides = array<i32>} : memref<8x128xf32, #tpu.memory_space<vmem>>, vector<1x16xf32>,
    %swap3A_362 = vector.shape_cast %swap3A_361 : vector<1x16xf32> to vector<16xf32>
    %swap3A_363 = vector.shape_cast %broadcast_in_dim3A_357 : vector<16xf32> to vector<1x16xf32>
    tpu.vector_store %arg17[%swap3A_359, %swap3A_360], %swap3A_363 {strides = array<i32>} : memref<8x128xf32, #tpu.memory_space<vmem>>, vector<1x16xf32>,
    %broadcast_in_dim3A_364 = arith.constant 0.000000e+00 : f32
    %broadcast_in_dim3A_365 = vector.broadcast %broadcast_in_dim3A_364 : f32 to vector<16xf32>
    %swap3A_366 = arith.constant 5 : i32
    %swap3A_367 = arith.index_cast %swap3A_366 : i32 to index
    %swap3A_368 = arith.constant 64 : index
    %swap3A_369 = tpu.vector_load %arg17[%swap3A_367, %swap3A_368] {strides = array<i32>} : memref<8x128xf32, #tpu.memory_space<vmem>>, vector<1x16xf32>,
    %swap3A_370 = vector.shape_cast %swap3A_369 : vector<1x16xf32> to vector<16xf32>
    %swap3A_371 = vector.shape_cast %broadcast_in_dim3A_365 : vector<16xf32> to vector<1x16xf32>
    tpu.vector_store %arg17[%swap3A_367, %swap3A_368], %swap3A_371 {strides = array<i32>} : memref<8x128xf32, #tpu.memory_space<vmem>>, vector<1x16xf32>,
    %broadcast_in_dim3A_372 = arith.constant 0.000000e+00 : f32
    %broadcast_in_dim3A_373 = vector.broadcast %broadcast_in_dim3A_372 : f32 to vector<16xf32>
    %swap3A_374 = arith.constant 5 : i32
    %swap3A_375 = arith.index_cast %swap3A_374 : i32 to index
    %swap3A_376 = arith.constant 80 : index
    %swap3A_377 = tpu.vector_load %arg17[%swap3A_375, %swap3A_376] {strides = array<i32>} : memref<8x128xf32, #tpu.memory_space<vmem>>, vector<1x16xf32>,
    %swap3A_378 = vector.shape_cast %swap3A_377 : vector<1x16xf32> to vector<16xf32>
    %swap3A_379 = vector.shape_cast %broadcast_in_dim3A_373 : vector<16xf32> to vector<1x16xf32>
    tpu.vector_store %arg17[%swap3A_375, %swap3A_376], %swap3A_379 {strides = array<i32>} : memref<8x128xf32, #tpu.memory_space<vmem>>, vector<1x16xf32>,
    %broadcast_in_dim3A_380 = arith.constant 0.000000e+00 : f32
    %broadcast_in_dim3A_381 = vector.broadcast %broadcast_in_dim3A_380 : f32 to vector<16xf32>
    %swap3A_382 = arith.constant 5 : i32
    %swap3A_383 = arith.index_cast %swap3A_382 : i32 to index
    %swap3A_384 = arith.constant 96 : index
    %swap3A_385 = tpu.vector_load %arg17[%swap3A_383, %swap3A_384] {strides = array<i32>} : memref<8x128xf32, #tpu.memory_space<vmem>>, vector<1x16xf32>,
    %swap3A_386 = vector.shape_cast %swap3A_385 : vector<1x16xf32> to vector<16xf32>
    %swap3A_387 = vector.shape_cast %broadcast_in_dim3A_381 : vector<16xf32> to vector<1x16xf32>
    tpu.vector_store %arg17[%swap3A_383, %swap3A_384], %swap3A_387 {strides = array<i32>} : memref<8x128xf32, #tpu.memory_space<vmem>>, vector<1x16xf32>,
    %broadcast_in_dim3A_388 = arith.constant 0.000000e+00 : f32
    %broadcast_in_dim3A_389 = vector.broadcast %broadcast_in_dim3A_388 : f32 to vector<16xf32>
    %swap3A_390 = arith.constant 5 : i32
    %swap3A_391 = arith.index_cast %swap3A_390 : i32 to index
    %swap3A_392 = arith.constant 112 : index
    %swap3A_393 = tpu.vector_load %arg17[%swap3A_391, %swap3A_392] {strides = array<i32>} : memref<8x128xf32, #tpu.memory_space<vmem>>, vector<1x16xf32>,
    %swap3A_394 = vector.shape_cast %swap3A_393 : vector<1x16xf32> to vector<16xf32>
    %swap3A_395 = vector.shape_cast %broadcast_in_dim3A_389 : vector<16xf32> to vector<1x16xf32>
    tpu.vector_store %arg17[%swap3A_391, %swap3A_392], %swap3A_395 {strides = array<i32>} : memref<8x128xf32, #tpu.memory_space<vmem>>, vector<1x16xf32>,
    %broadcast_in_dim3A_396 = arith.constant 0.000000e+00 : f32
    %broadcast_in_dim3A_397 = vector.broadcast %broadcast_in_dim3A_396 : f32 to vector<16xf32>
    %swap3A_398 = arith.constant 6 : i32
    %swap3A_399 = arith.index_cast %swap3A_398 : i32 to index
    %swap3A_400 = arith.constant 0 : index
    %swap3A_401 = tpu.vector_load %arg17[%swap3A_399, %swap3A_400] {strides = array<i32>} : memref<8x128xf32, #tpu.memory_space<vmem>>, vector<1x16xf32>,
    %swap3A_402 = vector.shape_cast %swap3A_401 : vector<1x16xf32> to vector<16xf32>
    %swap3A_403 = vector.shape_cast %broadcast_in_dim3A_397 : vector<16xf32> to vector<1x16xf32>
    tpu.vector_store %arg17[%swap3A_399, %swap3A_400], %swap3A_403 {strides = array<i32>} : memref<8x128xf32, #tpu.memory_space<vmem>>, vector<1x16xf32>,
    %broadcast_in_dim3A_404 = arith.constant 0.000000e+00 : f32
    %broadcast_in_dim3A_405 = vector.broadcast %broadcast_in_dim3A_404 : f32 to vector<16xf32>
    %swap3A_406 = arith.constant 6 : i32
    %swap3A_407 = arith.index_cast %swap3A_406 : i32 to index
    %swap3A_408 = arith.constant 16 : index
    %swap3A_409 = tpu.vector_load %arg17[%swap3A_407, %swap3A_408] {strides = array<i32>} : memref<8x128xf32, #tpu.memory_space<vmem>>, vector<1x16xf32>,
    %swap3A_410 = vector.shape_cast %swap3A_409 : vector<1x16xf32> to vector<16xf32>
    %swap3A_411 = vector.shape_cast %broadcast_in_dim3A_405 : vector<16xf32> to vector<1x16xf32>
    tpu.vector_store %arg17[%swap3A_407, %swap3A_408], %swap3A_411 {strides = array<i32>} : memref<8x128xf32, #tpu.memory_space<vmem>>, vector<1x16xf32>,
    %broadcast_in_dim3A_412 = arith.constant 0.000000e+00 : f32
    %broadcast_in_dim3A_413 = vector.broadcast %broadcast_in_dim3A_412 : f32 to vector<16xf32>
    %swap3A_414 = arith.constant 6 : i32
    %swap3A_415 = arith.index_cast %swap3A_414 : i32 to index
    %swap3A_416 = arith.constant 32 : index
    %swap3A_417 = tpu.vector_load %arg17[%swap3A_415, %swap3A_416] {strides = array<i32>} : memref<8x128xf32, #tpu.memory_space<vmem>>, vector<1x16xf32>,
    %swap3A_418 = vector.shape_cast %swap3A_417 : vector<1x16xf32> to vector<16xf32>
    %swap3A_419 = vector.shape_cast %broadcast_in_dim3A_413 : vector<16xf32> to vector<1x16xf32>
    tpu.vector_store %arg17[%swap3A_415, %swap3A_416], %swap3A_419 {strides = array<i32>} : memref<8x128xf32, #tpu.memory_space<vmem>>, vector<1x16xf32>,
    %broadcast_in_dim3A_420 = arith.constant 0.000000e+00 : f32
    %broadcast_in_dim3A_421 = vector.broadcast %broadcast_in_dim3A_420 : f32 to vector<16xf32>
    %swap3A_422 = arith.constant 6 : i32
    %swap3A_423 = arith.index_cast %swap3A_422 : i32 to index
    %swap3A_424 = arith.constant 48 : index
    %swap3A_425 = tpu.vector_load %arg17[%swap3A_423, %swap3A_424] {strides = array<i32>} : memref<8x128xf32, #tpu.memory_space<vmem>>, vector<1x16xf32>,
    %swap3A_426 = vector.shape_cast %swap3A_425 : vector<1x16xf32> to vector<16xf32>
    %swap3A_427 = vector.shape_cast %broadcast_in_dim3A_421 : vector<16xf32> to vector<1x16xf32>
    tpu.vector_store %arg17[%swap3A_423, %swap3A_424], %swap3A_427 {strides = array<i32>} : memref<8x128xf32, #tpu.memory_space<vmem>>, vector<1x16xf32>,
    %broadcast_in_dim3A_428 = arith.constant 0.000000e+00 : f32
    %broadcast_in_dim3A_429 = vector.broadcast %broadcast_in_dim3A_428 : f32 to vector<16xf32>
    %swap3A_430 = arith.constant 6 : i32
    %swap3A_431 = arith.index_cast %swap3A_430 : i32 to index
    %swap3A_432 = arith.constant 64 : index
    %swap3A_433 = tpu.vector_load %arg17[%swap3A_431, %swap3A_432] {strides = array<i32>} : memref<8x128xf32, #tpu.memory_space<vmem>>, vector<1x16xf32>,
    %swap3A_434 = vector.shape_cast %swap3A_433 : vector<1x16xf32> to vector<16xf32>
    %swap3A_435 = vector.shape_cast %broadcast_in_dim3A_429 : vector<16xf32> to vector<1x16xf32>
    tpu.vector_store %arg17[%swap3A_431, %swap3A_432], %swap3A_435 {strides = array<i32>} : memref<8x128xf32, #tpu.memory_space<vmem>>, vector<1x16xf32>,
    %broadcast_in_dim3A_436 = arith.constant 0.000000e+00 : f32
    %broadcast_in_dim3A_437 = vector.broadcast %broadcast_in_dim3A_436 : f32 to vector<16xf32>
    %swap3A_438 = arith.constant 6 : i32
    %swap3A_439 = arith.index_cast %swap3A_438 : i32 to index
    %swap3A_440 = arith.constant 80 : index
    %swap3A_441 = tpu.vector_load %arg17[%swap3A_439, %swap3A_440] {strides = array<i32>} : memref<8x128xf32, #tpu.memory_space<vmem>>, vector<1x16xf32>,
    %swap3A_442 = vector.shape_cast %swap3A_441 : vector<1x16xf32> to vector<16xf32>
    %swap3A_443 = vector.shape_cast %broadcast_in_dim3A_437 : vector<16xf32> to vector<1x16xf32>
    tpu.vector_store %arg17[%swap3A_439, %swap3A_440], %swap3A_443 {strides = array<i32>} : memref<8x128xf32, #tpu.memory_space<vmem>>, vector<1x16xf32>,
    %broadcast_in_dim3A_444 = arith.constant 0.000000e+00 : f32
    %broadcast_in_dim3A_445 = vector.broadcast %broadcast_in_dim3A_444 : f32 to vector<16xf32>
    %swap3A_446 = arith.constant 6 : i32
    %swap3A_447 = arith.index_cast %swap3A_446 : i32 to index
    %swap3A_448 = arith.constant 96 : index
    %swap3A_449 = tpu.vector_load %arg17[%swap3A_447, %swap3A_448] {strides = array<i32>} : memref<8x128xf32, #tpu.memory_space<vmem>>, vector<1x16xf32>,
    %swap3A_450 = vector.shape_cast %swap3A_449 : vector<1x16xf32> to vector<16xf32>
    %swap3A_451 = vector.shape_cast %broadcast_in_dim3A_445 : vector<16xf32> to vector<1x16xf32>
    tpu.vector_store %arg17[%swap3A_447, %swap3A_448], %swap3A_451 {strides = array<i32>} : memref<8x128xf32, #tpu.memory_space<vmem>>, vector<1x16xf32>,
    %broadcast_in_dim3A_452 = arith.constant 0.000000e+00 : f32
    %broadcast_in_dim3A_453 = vector.broadcast %broadcast_in_dim3A_452 : f32 to vector<16xf32>
    %swap3A_454 = arith.constant 6 : i32
    %swap3A_455 = arith.index_cast %swap3A_454 : i32 to index
    %swap3A_456 = arith.constant 112 : index
    %swap3A_457 = tpu.vector_load %arg17[%swap3A_455, %swap3A_456] {strides = array<i32>} : memref<8x128xf32, #tpu.memory_space<vmem>>, vector<1x16xf32>,
    %swap3A_458 = vector.shape_cast %swap3A_457 : vector<1x16xf32> to vector<16xf32>
    %swap3A_459 = vector.shape_cast %broadcast_in_dim3A_453 : vector<16xf32> to vector<1x16xf32>
    tpu.vector_store %arg17[%swap3A_455, %swap3A_456], %swap3A_459 {strides = array<i32>} : memref<8x128xf32, #tpu.memory_space<vmem>>, vector<1x16xf32>,
    %broadcast_in_dim3A_460 = arith.constant 0.000000e+00 : f32
    %broadcast_in_dim3A_461 = vector.broadcast %broadcast_in_dim3A_460 : f32 to vector<16xf32>
    %swap3A_462 = arith.constant 7 : i32
    %swap3A_463 = arith.index_cast %swap3A_462 : i32 to index
    %swap3A_464 = arith.constant 0 : index
    %swap3A_465 = tpu.vector_load %arg17[%swap3A_463, %swap3A_464] {strides = array<i32>} : memref<8x128xf32, #tpu.memory_space<vmem>>, vector<1x16xf32>,
    %swap3A_466 = vector.shape_cast %swap3A_465 : vector<1x16xf32> to vector<16xf32>
    %swap3A_467 = vector.shape_cast %broadcast_in_dim3A_461 : vector<16xf32> to vector<1x16xf32>
    tpu.vector_store %arg17[%swap3A_463, %swap3A_464], %swap3A_467 {strides = array<i32>} : memref<8x128xf32, #tpu.memory_space<vmem>>, vector<1x16xf32>,
    %broadcast_in_dim3A_468 = arith.constant 0.000000e+00 : f32
    %broadcast_in_dim3A_469 = vector.broadcast %broadcast_in_dim3A_468 : f32 to vector<16xf32>
    %swap3A_470 = arith.constant 7 : i32
    %swap3A_471 = arith.index_cast %swap3A_470 : i32 to index
    %swap3A_472 = arith.constant 16 : index
    %swap3A_473 = tpu.vector_load %arg17[%swap3A_471, %swap3A_472] {strides = array<i32>} : memref<8x128xf32, #tpu.memory_space<vmem>>, vector<1x16xf32>,
    %swap3A_474 = vector.shape_cast %swap3A_473 : vector<1x16xf32> to vector<16xf32>
    %swap3A_475 = vector.shape_cast %broadcast_in_dim3A_469 : vector<16xf32> to vector<1x16xf32>
    tpu.vector_store %arg17[%swap3A_471, %swap3A_472], %swap3A_475 {strides = array<i32>} : memref<8x128xf32, #tpu.memory_space<vmem>>, vector<1x16xf32>,
    %broadcast_in_dim3A_476 = arith.constant 0.000000e+00 : f32
    %broadcast_in_dim3A_477 = vector.broadcast %broadcast_in_dim3A_476 : f32 to vector<16xf32>
    %swap3A_478 = arith.constant 7 : i32
    %swap3A_479 = arith.index_cast %swap3A_478 : i32 to index
    %swap3A_480 = arith.constant 32 : index
    %swap3A_481 = tpu.vector_load %arg17[%swap3A_479, %swap3A_480] {strides = array<i32>} : memref<8x128xf32, #tpu.memory_space<vmem>>, vector<1x16xf32>,
    %swap3A_482 = vector.shape_cast %swap3A_481 : vector<1x16xf32> to vector<16xf32>
    %swap3A_483 = vector.shape_cast %broadcast_in_dim3A_477 : vector<16xf32> to vector<1x16xf32>
    tpu.vector_store %arg17[%swap3A_479, %swap3A_480], %swap3A_483 {strides = array<i32>} : memref<8x128xf32, #tpu.memory_space<vmem>>, vector<1x16xf32>,
    %broadcast_in_dim3A_484 = arith.constant 0.000000e+00 : f32
    %broadcast_in_dim3A_485 = vector.broadcast %broadcast_in_dim3A_484 : f32 to vector<16xf32>
    %swap3A_486 = arith.constant 7 : i32
    %swap3A_487 = arith.index_cast %swap3A_486 : i32 to index
    %swap3A_488 = arith.constant 48 : index
    %swap3A_489 = tpu.vector_load %arg17[%swap3A_487, %swap3A_488] {strides = array<i32>} : memref<8x128xf32, #tpu.memory_space<vmem>>, vector<1x16xf32>,
    %swap3A_490 = vector.shape_cast %swap3A_489 : vector<1x16xf32> to vector<16xf32>
    %swap3A_491 = vector.shape_cast %broadcast_in_dim3A_485 : vector<16xf32> to vector<1x16xf32>
    tpu.vector_store %arg17[%swap3A_487, %swap3A_488], %swap3A_491 {strides = array<i32>} : memref<8x128xf32, #tpu.memory_space<vmem>>, vector<1x16xf32>,
    %broadcast_in_dim3A_492 = arith.constant 0.000000e+00 : f32
    %broadcast_in_dim3A_493 = vector.broadcast %broadcast_in_dim3A_492 : f32 to vector<16xf32>
    %swap3A_494 = arith.constant 7 : i32
    %swap3A_495 = arith.index_cast %swap3A_494 : i32 to index
    %swap3A_496 = arith.constant 64 : index
    %swap3A_497 = tpu.vector_load %arg17[%swap3A_495, %swap3A_496] {strides = array<i32>} : memref<8x128xf32, #tpu.memory_space<vmem>>, vector<1x16xf32>,
    %swap3A_498 = vector.shape_cast %swap3A_497 : vector<1x16xf32> to vector<16xf32>
    %swap3A_499 = vector.shape_cast %broadcast_in_dim3A_493 : vector<16xf32> to vector<1x16xf32>
    tpu.vector_store %arg17[%swap3A_495, %swap3A_496], %swap3A_499 {strides = array<i32>} : memref<8x128xf32, #tpu.memory_space<vmem>>, vector<1x16xf32>,
    %broadcast_in_dim3A_500 = arith.constant 0.000000e+00 : f32
    %broadcast_in_dim3A_501 = vector.broadcast %broadcast_in_dim3A_500 : f32 to vector<16xf32>
    %swap3A_502 = arith.constant 7 : i32
    %swap3A_503 = arith.index_cast %swap3A_502 : i32 to index
    %swap3A_504 = arith.constant 80 : index
    %swap3A_505 = tpu.vector_load %arg17[%swap3A_503, %swap3A_504] {strides = array<i32>} : memref<8x128xf32, #tpu.memory_space<vmem>>, vector<1x16xf32>,
    %swap3A_506 = vector.shape_cast %swap3A_505 : vector<1x16xf32> to vector<16xf32>
    %swap3A_507 = vector.shape_cast %broadcast_in_dim3A_501 : vector<16xf32> to vector<1x16xf32>
    tpu.vector_store %arg17[%swap3A_503, %swap3A_504], %swap3A_507 {strides = array<i32>} : memref<8x128xf32, #tpu.memory_space<vmem>>, vector<1x16xf32>,
    %broadcast_in_dim3A_508 = arith.constant 0.000000e+00 : f32
    %broadcast_in_dim3A_509 = vector.broadcast %broadcast_in_dim3A_508 : f32 to vector<16xf32>
    %swap3A_510 = arith.constant 7 : i32
    %swap3A_511 = arith.index_cast %swap3A_510 : i32 to index
    %swap3A_512 = arith.constant 96 : index
    %swap3A_513 = tpu.vector_load %arg17[%swap3A_511, %swap3A_512] {strides = array<i32>} : memref<8x128xf32, #tpu.memory_space<vmem>>, vector<1x16xf32>,
    %swap3A_514 = vector.shape_cast %swap3A_513 : vector<1x16xf32> to vector<16xf32>
    %swap3A_515 = vector.shape_cast %broadcast_in_dim3A_509 : vector<16xf32> to vector<1x16xf32>
    tpu.vector_store %arg17[%swap3A_511, %swap3A_512], %swap3A_515 {strides = array<i32>} : memref<8x128xf32, #tpu.memory_space<vmem>>, vector<1x16xf32>,
    %broadcast_in_dim3A_516 = arith.constant 0.000000e+00 : f32
    %broadcast_in_dim3A_517 = vector.broadcast %broadcast_in_dim3A_516 : f32 to vector<16xf32>
    %swap3A_518 = arith.constant 7 : i32
    %swap3A_519 = arith.index_cast %swap3A_518 : i32 to index
    %swap3A_520 = arith.constant 112 : index
    %swap3A_521 = tpu.vector_load %arg17[%swap3A_519, %swap3A_520] {strides = array<i32>} : memref<8x128xf32, #tpu.memory_space<vmem>>, vector<1x16xf32>,
    %swap3A_522 = vector.shape_cast %swap3A_521 : vector<1x16xf32> to vector<16xf32>
    %swap3A_523 = vector.shape_cast %broadcast_in_dim3A_517 : vector<16xf32> to vector<1x16xf32>
    tpu.vector_store %arg17[%swap3A_519, %swap3A_520], %swap3A_523 {strides = array<i32>} : memref<8x128xf32, #tpu.memory_space<vmem>>, vector<1x16xf32>,
    %scan3A = arith.constant 0 : i32
    %scan3A_524 = arith.constant 0 : i32
    %scan3A_525 = arith.constant 79 : i32
    %scan3A_526 = arith.addi %scan3A_524, %scan3A_525 : i32
    %scan3A_527 = arith.constant 1 : i32
    scf.for %scan3A_664 = %scan3A_524 to %scan3A_526 step %scan3A_527  : i32 {
      %mul3A_665 = arith.constant 632 : i32
      %mul3A_666 = arith.muli %arg1, %mul3A_665 : i32
      %mul3A_667 = arith.constant 8 : i32
      %mul3A_668 = arith.muli %scan3A_664, %mul3A_667 : i32
      %add3A_669 = arith.addi %mul3A_666, %mul3A_668 : i32
      %dma_start3A_670 = arith.constant 0 : i32
      %dma_start3A_671 = tpu.memref_slice %arg6[%add3A_669, %dma_start3A_670] : memref<10112x128xf32, #tpu.memory_space<vmem_shared>> -> memref<8x128xf32, #tpu.memory_space<vmem_shared>>
      %dma_start3A_672 = arith.constant 0 : i32
      %dma_start3A_673 = tpu.memref_slice %arg6[%add3A_669, %dma_start3A_672] : memref<10112x128xf32, #tpu.memory_space<vmem_shared>> -> memref<8x128xf32, #tpu.memory_space<vmem_shared>>
      tpu.enqueue_dma source(%arg17 : memref<8x128xf32, #tpu.memory_space<vmem>>) target(%dma_start3A_673 : memref<8x128xf32, #tpu.memory_space<vmem_shared>>) target_semaphore(%arg21 : memref<!tpu.dma_semaphore, #tpu.memory_space<semaphore_mem>>)
    }
    %scan3A_528 = arith.constant 79 : i32
    %scan3A_529 = arith.constant 0 : i32
    %scan3A_530 = arith.constant 0 : i32
    %scan3A_531 = arith.constant 79 : i32
    %scan3A_532 = arith.addi %scan3A_530, %scan3A_531 : i32
    %scan3A_533 = arith.constant 1 : i32
    scf.for %scan3A_664 = %scan3A_530 to %scan3A_532 step %scan3A_533  : i32 {
      %mul3A_665 = arith.constant 632 : i32
      %mul3A_666 = arith.muli %arg1, %mul3A_665 : i32
      %dma_wait3A_667 = arith.constant 0 : i32
      %dma_wait3A_668 = tpu.memref_slice %arg6[%mul3A_666, %dma_wait3A_667] : memref<10112x128xf32, #tpu.memory_space<vmem_shared>> -> memref<8x128xf32, #tpu.memory_space<vmem_shared>>
      %dma_wait3A_669 = arith.constant 0 : i32
      %dma_wait3A_670 = tpu.memref_slice %arg6[%mul3A_666, %dma_wait3A_669] : memref<10112x128xf32, #tpu.memory_space<vmem_shared>> -> memref<8x128xf32, #tpu.memory_space<vmem_shared>>
      tpu.wait_dma2 semaphore(%arg21 : memref<!tpu.dma_semaphore, #tpu.memory_space<semaphore_mem>>) src(%arg17 : memref<8x128xf32, #tpu.memory_space<vmem>>) dst(%dma_wait3A_670 : memref<8x128xf32, #tpu.memory_space<vmem_shared>>)
    }
    %scan3A_534 = arith.constant 79 : i32
    %barrier3A = arith.constant 0 : index
    tpu.barrier barrier_id(%barrier3A)
    %broadcast_in_dim3A_535 = arith.constant 10000 : i32
    %broadcast_in_dim3A_536 = vector.broadcast %broadcast_in_dim3A_535 : i32 to vector<16xi32>
    %swap3A_537 = arith.constant 0 : index
    %swap3A_538 = tpu.vector_load %arg13[%swap3A_537] {strides = array<i32>} : memref<128xi32, #tpu.memory_space<vmem>>, vector<16xi32>,
    %swap3A_539 = vector.shape_cast %swap3A_538 : vector<16xi32> to vector<16xi32>
    %swap3A_540 = vector.shape_cast %broadcast_in_dim3A_536 : vector<16xi32> to vector<16xi32>
    tpu.vector_store %arg13[%swap3A_537], %swap3A_540 {strides = array<i32>} : memref<128xi32, #tpu.memory_space<vmem>>, vector<16xi32>,
    %broadcast_in_dim3A_541 = arith.constant 10000 : i32
    %broadcast_in_dim3A_542 = vector.broadcast %broadcast_in_dim3A_541 : i32 to vector<16xi32>
    %swap3A_543 = arith.constant 0 : index
    %swap3A_544 = tpu.vector_load %arg14[%swap3A_543] {strides = array<i32>} : memref<128xi32, #tpu.memory_space<vmem>>, vector<16xi32>,
    %swap3A_545 = vector.shape_cast %swap3A_544 : vector<16xi32> to vector<16xi32>
    %swap3A_546 = vector.shape_cast %broadcast_in_dim3A_542 : vector<16xi32> to vector<16xi32>
    tpu.vector_store %arg14[%swap3A_543], %swap3A_546 {strides = array<i32>} : memref<128xi32, #tpu.memory_space<vmem>>, vector<16xi32>,
    %broadcast_in_dim3A_547 = arith.constant 10000 : i32
    %broadcast_in_dim3A_548 = vector.broadcast %broadcast_in_dim3A_547 : i32 to vector<16xi32>
    %swap3A_549 = arith.constant 16 : index
    %swap3A_550 = tpu.vector_load %arg13[%swap3A_549] {strides = array<i32>} : memref<128xi32, #tpu.memory_space<vmem>>, vector<16xi32>,
    %swap3A_551 = vector.shape_cast %swap3A_550 : vector<16xi32> to vector<16xi32>
    %swap3A_552 = vector.shape_cast %broadcast_in_dim3A_548 : vector<16xi32> to vector<16xi32>
    tpu.vector_store %arg13[%swap3A_549], %swap3A_552 {strides = array<i32>} : memref<128xi32, #tpu.memory_space<vmem>>, vector<16xi32>,
    %broadcast_in_dim3A_553 = arith.constant 10000 : i32
    %broadcast_in_dim3A_554 = vector.broadcast %broadcast_in_dim3A_553 : i32 to vector<16xi32>
    %swap3A_555 = arith.constant 16 : index
    %swap3A_556 = tpu.vector_load %arg14[%swap3A_555] {strides = array<i32>} : memref<128xi32, #tpu.memory_space<vmem>>, vector<16xi32>,
    %swap3A_557 = vector.shape_cast %swap3A_556 : vector<16xi32> to vector<16xi32>
    %swap3A_558 = vector.shape_cast %broadcast_in_dim3A_554 : vector<16xi32> to vector<16xi32>
    tpu.vector_store %arg14[%swap3A_555], %swap3A_558 {strides = array<i32>} : memref<128xi32, #tpu.memory_space<vmem>>, vector<16xi32>,
    %broadcast_in_dim3A_559 = arith.constant 10000 : i32
    %broadcast_in_dim3A_560 = vector.broadcast %broadcast_in_dim3A_559 : i32 to vector<16xi32>
    %swap3A_561 = arith.constant 32 : index
    %swap3A_562 = tpu.vector_load %arg13[%swap3A_561] {strides = array<i32>} : memref<128xi32, #tpu.memory_space<vmem>>, vector<16xi32>,
    %swap3A_563 = vector.shape_cast %swap3A_562 : vector<16xi32> to vector<16xi32>
    %swap3A_564 = vector.shape_cast %broadcast_in_dim3A_560 : vector<16xi32> to vector<16xi32>
    tpu.vector_store %arg13[%swap3A_561], %swap3A_564 {strides = array<i32>} : memref<128xi32, #tpu.memory_space<vmem>>, vector<16xi32>,
    %broadcast_in_dim3A_565 = arith.constant 10000 : i32
    %broadcast_in_dim3A_566 = vector.broadcast %broadcast_in_dim3A_565 : i32 to vector<16xi32>
    %swap3A_567 = arith.constant 32 : index
    %swap3A_568 = tpu.vector_load %arg14[%swap3A_567] {strides = array<i32>} : memref<128xi32, #tpu.memory_space<vmem>>, vector<16xi32>,
    %swap3A_569 = vector.shape_cast %swap3A_568 : vector<16xi32> to vector<16xi32>
    %swap3A_570 = vector.shape_cast %broadcast_in_dim3A_566 : vector<16xi32> to vector<16xi32>
    tpu.vector_store %arg14[%swap3A_567], %swap3A_570 {strides = array<i32>} : memref<128xi32, #tpu.memory_space<vmem>>, vector<16xi32>,
    %broadcast_in_dim3A_571 = arith.constant 10000 : i32
    %broadcast_in_dim3A_572 = vector.broadcast %broadcast_in_dim3A_571 : i32 to vector<16xi32>
    %swap3A_573 = arith.constant 48 : index
    %swap3A_574 = tpu.vector_load %arg13[%swap3A_573] {strides = array<i32>} : memref<128xi32, #tpu.memory_space<vmem>>, vector<16xi32>,
    %swap3A_575 = vector.shape_cast %swap3A_574 : vector<16xi32> to vector<16xi32>
    %swap3A_576 = vector.shape_cast %broadcast_in_dim3A_572 : vector<16xi32> to vector<16xi32>
    tpu.vector_store %arg13[%swap3A_573], %swap3A_576 {strides = array<i32>} : memref<128xi32, #tpu.memory_space<vmem>>, vector<16xi32>,
    %broadcast_in_dim3A_577 = arith.constant 10000 : i32
    %broadcast_in_dim3A_578 = vector.broadcast %broadcast_in_dim3A_577 : i32 to vector<16xi32>
    %swap3A_579 = arith.constant 48 : index
    %swap3A_580 = tpu.vector_load %arg14[%swap3A_579] {strides = array<i32>} : memref<128xi32, #tpu.memory_space<vmem>>, vector<16xi32>,
    %swap3A_581 = vector.shape_cast %swap3A_580 : vector<16xi32> to vector<16xi32>
    %swap3A_582 = vector.shape_cast %broadcast_in_dim3A_578 : vector<16xi32> to vector<16xi32>
    tpu.vector_store %arg14[%swap3A_579], %swap3A_582 {strides = array<i32>} : memref<128xi32, #tpu.memory_space<vmem>>, vector<16xi32>,
    %broadcast_in_dim3A_583 = arith.constant 10000 : i32
    %broadcast_in_dim3A_584 = vector.broadcast %broadcast_in_dim3A_583 : i32 to vector<16xi32>
    %swap3A_585 = arith.constant 64 : index
    %swap3A_586 = tpu.vector_load %arg13[%swap3A_585] {strides = array<i32>} : memref<128xi32, #tpu.memory_space<vmem>>, vector<16xi32>,
    %swap3A_587 = vector.shape_cast %swap3A_586 : vector<16xi32> to vector<16xi32>
    %swap3A_588 = vector.shape_cast %broadcast_in_dim3A_584 : vector<16xi32> to vector<16xi32>
    tpu.vector_store %arg13[%swap3A_585], %swap3A_588 {strides = array<i32>} : memref<128xi32, #tpu.memory_space<vmem>>, vector<16xi32>,
    %broadcast_in_dim3A_589 = arith.constant 10000 : i32
    %broadcast_in_dim3A_590 = vector.broadcast %broadcast_in_dim3A_589 : i32 to vector<16xi32>
    %swap3A_591 = arith.constant 64 : index
    %swap3A_592 = tpu.vector_load %arg14[%swap3A_591] {strides = array<i32>} : memref<128xi32, #tpu.memory_space<vmem>>, vector<16xi32>,
    %swap3A_593 = vector.shape_cast %swap3A_592 : vector<16xi32> to vector<16xi32>
    %swap3A_594 = vector.shape_cast %broadcast_in_dim3A_590 : vector<16xi32> to vector<16xi32>
    tpu.vector_store %arg14[%swap3A_591], %swap3A_594 {strides = array<i32>} : memref<128xi32, #tpu.memory_space<vmem>>, vector<16xi32>,
    %broadcast_in_dim3A_595 = arith.constant 10000 : i32
    %broadcast_in_dim3A_596 = vector.broadcast %broadcast_in_dim3A_595 : i32 to vector<16xi32>
    %swap3A_597 = arith.constant 80 : index
    %swap3A_598 = tpu.vector_load %arg13[%swap3A_597] {strides = array<i32>} : memref<128xi32, #tpu.memory_space<vmem>>, vector<16xi32>,
    %swap3A_599 = vector.shape_cast %swap3A_598 : vector<16xi32> to vector<16xi32>
    %swap3A_600 = vector.shape_cast %broadcast_in_dim3A_596 : vector<16xi32> to vector<16xi32>
    tpu.vector_store %arg13[%swap3A_597], %swap3A_600 {strides = array<i32>} : memref<128xi32, #tpu.memory_space<vmem>>, vector<16xi32>,
    %broadcast_in_dim3A_601 = arith.constant 10000 : i32
    %broadcast_in_dim3A_602 = vector.broadcast %broadcast_in_dim3A_601 : i32 to vector<16xi32>
    %swap3A_603 = arith.constant 80 : index
    %swap3A_604 = tpu.vector_load %arg14[%swap3A_603] {strides = array<i32>} : memref<128xi32, #tpu.memory_space<vmem>>, vector<16xi32>,
    %swap3A_605 = vector.shape_cast %swap3A_604 : vector<16xi32> to vector<16xi32>
    %swap3A_606 = vector.shape_cast %broadcast_in_dim3A_602 : vector<16xi32> to vector<16xi32>
    tpu.vector_store %arg14[%swap3A_603], %swap3A_606 {strides = array<i32>} : memref<128xi32, #tpu.memory_space<vmem>>, vector<16xi32>,
    %broadcast_in_dim3A_607 = arith.constant 10000 : i32
    %broadcast_in_dim3A_608 = vector.broadcast %broadcast_in_dim3A_607 : i32 to vector<16xi32>
    %swap3A_609 = arith.constant 96 : index
    %swap3A_610 = tpu.vector_load %arg13[%swap3A_609] {strides = array<i32>} : memref<128xi32, #tpu.memory_space<vmem>>, vector<16xi32>,
    %swap3A_611 = vector.shape_cast %swap3A_610 : vector<16xi32> to vector<16xi32>
    %swap3A_612 = vector.shape_cast %broadcast_in_dim3A_608 : vector<16xi32> to vector<16xi32>
    tpu.vector_store %arg13[%swap3A_609], %swap3A_612 {strides = array<i32>} : memref<128xi32, #tpu.memory_space<vmem>>, vector<16xi32>,
    %broadcast_in_dim3A_613 = arith.constant 10000 : i32
    %broadcast_in_dim3A_614 = vector.broadcast %broadcast_in_dim3A_613 : i32 to vector<16xi32>
    %swap3A_615 = arith.constant 96 : index
    %swap3A_616 = tpu.vector_load %arg14[%swap3A_615] {strides = array<i32>} : memref<128xi32, #tpu.memory_space<vmem>>, vector<16xi32>,
    %swap3A_617 = vector.shape_cast %swap3A_616 : vector<16xi32> to vector<16xi32>
    %swap3A_618 = vector.shape_cast %broadcast_in_dim3A_614 : vector<16xi32> to vector<16xi32>
    tpu.vector_store %arg14[%swap3A_615], %swap3A_618 {strides = array<i32>} : memref<128xi32, #tpu.memory_space<vmem>>, vector<16xi32>,
    %broadcast_in_dim3A_619 = arith.constant 10000 : i32
    %broadcast_in_dim3A_620 = vector.broadcast %broadcast_in_dim3A_619 : i32 to vector<16xi32>
    %swap3A_621 = arith.constant 112 : index
    %swap3A_622 = tpu.vector_load %arg13[%swap3A_621] {strides = array<i32>} : memref<128xi32, #tpu.memory_space<vmem>>, vector<16xi32>,
    %swap3A_623 = vector.shape_cast %swap3A_622 : vector<16xi32> to vector<16xi32>
    %swap3A_624 = vector.shape_cast %broadcast_in_dim3A_620 : vector<16xi32> to vector<16xi32>
    tpu.vector_store %arg13[%swap3A_621], %swap3A_624 {strides = array<i32>} : memref<128xi32, #tpu.memory_space<vmem>>, vector<16xi32>,
    %broadcast_in_dim3A_625 = arith.constant 10000 : i32
    %broadcast_in_dim3A_626 = vector.broadcast %broadcast_in_dim3A_625 : i32 to vector<16xi32>
    %swap3A_627 = arith.constant 112 : index
    %swap3A_628 = tpu.vector_load %arg14[%swap3A_627] {strides = array<i32>} : memref<128xi32, #tpu.memory_space<vmem>>, vector<16xi32>,
    %swap3A_629 = vector.shape_cast %swap3A_628 : vector<16xi32> to vector<16xi32>
    %swap3A_630 = vector.shape_cast %broadcast_in_dim3A_626 : vector<16xi32> to vector<16xi32>
    tpu.vector_store %arg14[%swap3A_627], %swap3A_630 {strides = array<i32>} : memref<128xi32, #tpu.memory_space<vmem>>, vector<16xi32>,
    %dma_start3A_631 = arith.constant 0 : i32
    %dma_start3A_632 = arith.constant 0 : i32
    %dma_start3A_633 = tpu.memref_slice %arg6[%dma_start3A_631, %dma_start3A_632] : memref<10112x128xf32, #tpu.memory_space<vmem_shared>> -> memref<10112x128xf32, #tpu.memory_space<vmem_shared>>
    tpu.enqueue_indirect_dma source(%arg15 : memref<128x128xf32, #tpu.memory_space<vmem>>) target(%dma_start3A_633 : memref<10112x128xf32, #tpu.memory_space<vmem_shared>>) offsets(%arg13 : memref<128xi32, #tpu.memory_space<vmem>>) semaphore(%arg20 : memref<!tpu.dma_semaphore, #tpu.memory_space<semaphore_mem>>) {add = true}
    %dma_start3A_634 = arith.constant 0 : i32
    %dma_start3A_635 = arith.constant 0 : i32
    %dma_start3A_636 = tpu.memref_slice %arg6[%dma_start3A_634, %dma_start3A_635] : memref<10112x128xf32, #tpu.memory_space<vmem_shared>> -> memref<10112x128xf32, #tpu.memory_space<vmem_shared>>
    tpu.enqueue_indirect_dma source(%arg16 : memref<128x128xf32, #tpu.memory_space<vmem>>) target(%dma_start3A_636 : memref<10112x128xf32, #tpu.memory_space<vmem_shared>>) offsets(%arg14 : memref<128xi32, #tpu.memory_space<vmem>>) semaphore(%arg20 : memref<!tpu.dma_semaphore, #tpu.memory_space<semaphore_mem>>) {add = true}
    %scan3A_637 = arith.constant 0 : i32
    %scan3A_638 = arith.constant 0 : i32
    %scan3A_639 = arith.constant 21 : i32
    %scan3A_640 = arith.addi %scan3A_638, %scan3A_639 : i32
    %scan3A_641 = arith.constant 1 : i32
    scf.for %scan3A_664 = %scan3A_638 to %scan3A_640 step %scan3A_641  : i32 {
      %mul3A_665 = arith.constant 4 : i32
      %mul3A_666 = arith.muli %scan3A_664, %mul3A_665 : i32
      %mul3A_667 = arith.constant 128 : i32
      %mul3A_668 = arith.muli %mul3A_666, %mul3A_667 : i32
      %add3A_669 = arith.addi %add3A, %mul3A_668 : i32
      %dma_wait3A_670 = tpu.memref_slice %arg3[%add3A] : memref<344320xi32, #tpu.memory_space<hbm>> -> memref<128xi32, #tpu.memory_space<hbm>>
      %dma_wait3A_671 = tpu.memref_slice %arg3[%add3A] : memref<344320xi32, #tpu.memory_space<hbm>> -> memref<128xi32, #tpu.memory_space<hbm>>
      tpu.wait_dma2 semaphore(%arg18 : memref<!tpu.dma_semaphore, #tpu.memory_space<semaphore_mem>>) src(%dma_wait3A_671 : memref<128xi32, #tpu.memory_space<hbm>>) dst(%arg7 : memref<128xi32, #tpu.memory_space<vmem>>)
      %dma_wait3A_672 = tpu.memref_slice %arg3[%add3A] : memref<344320xi32, #tpu.memory_space<hbm>> -> memref<128xi32, #tpu.memory_space<hbm>>
      %dma_wait3A_673 = tpu.memref_slice %arg3[%add3A] : memref<344320xi32, #tpu.memory_space<hbm>> -> memref<128xi32, #tpu.memory_space<hbm>>
      tpu.wait_dma2 semaphore(%arg18 : memref<!tpu.dma_semaphore, #tpu.memory_space<semaphore_mem>>) src(%dma_wait3A_673 : memref<128xi32, #tpu.memory_space<hbm>>) dst(%arg7 : memref<128xi32, #tpu.memory_space<vmem>>)
      %dma_wait3A_674 = tpu.memref_slice %arg3[%add3A] : memref<344320xi32, #tpu.memory_space<hbm>> -> memref<128xi32, #tpu.memory_space<hbm>>
      %dma_wait3A_675 = tpu.memref_slice %arg3[%add3A] : memref<344320xi32, #tpu.memory_space<hbm>> -> memref<128xi32, #tpu.memory_space<hbm>>
      tpu.wait_dma2 semaphore(%arg18 : memref<!tpu.dma_semaphore, #tpu.memory_space<semaphore_mem>>) src(%dma_wait3A_675 : memref<128xi32, #tpu.memory_space<hbm>>) dst(%arg7 : memref<128xi32, #tpu.memory_space<vmem>>)
      %dma_wait3A_676 = tpu.memref_slice %arg3[%add3A] : memref<344320xi32, #tpu.memory_space<hbm>> -> memref<128xi32, #tpu.memory_space<hbm>>
      %dma_wait3A_677 = tpu.memref_slice %arg3[%add3A] : memref<344320xi32, #tpu.memory_space<hbm>> -> memref<128xi32, #tpu.memory_space<hbm>>
      tpu.wait_dma2 semaphore(%arg18 : memref<!tpu.dma_semaphore, #tpu.memory_space<semaphore_mem>>) src(%dma_wait3A_677 : memref<128xi32, #tpu.memory_space<hbm>>) dst(%arg7 : memref<128xi32, #tpu.memory_space<vmem>>)
      %dma_wait3A_678 = arith.constant 0 : i32
      %dma_wait3A_679 = arith.constant 0 : i32
      %dma_wait3A_680 = tpu.memref_slice %arg6[%dma_wait3A_678, %dma_wait3A_679] : memref<10112x128xf32, #tpu.memory_space<vmem_shared>> -> memref<10112x128xf32, #tpu.memory_space<vmem_shared>>
      tpu.wait_indirect_dma semaphore(%arg20 : memref<!tpu.dma_semaphore, #tpu.memory_space<semaphore_mem>>) src(%arg15 : memref<128x128xf32, #tpu.memory_space<vmem>>) dst(%dma_wait3A_680 : memref<10112x128xf32, #tpu.memory_space<vmem_shared>>)
      %dma_wait3A_681 = arith.constant 0 : i32
      %dma_wait3A_682 = arith.constant 0 : i32
      %dma_wait3A_683 = tpu.memref_slice %arg6[%dma_wait3A_681, %dma_wait3A_682] : memref<10112x128xf32, #tpu.memory_space<vmem_shared>> -> memref<10112x128xf32, #tpu.memory_space<vmem_shared>>
      tpu.wait_indirect_dma semaphore(%arg20 : memref<!tpu.dma_semaphore, #tpu.memory_space<semaphore_mem>>) src(%arg16 : memref<128x128xf32, #tpu.memory_space<vmem>>) dst(%dma_wait3A_683 : memref<10112x128xf32, #tpu.memory_space<vmem_shared>>)
      %add3A_684 = arith.constant 256 : i32
      %add3A_685 = arith.addi %add3A_669, %add3A_684 : i32
      %dma_start3A_686 = tpu.memref_slice %arg3[%add3A_685] : memref<344320xi32, #tpu.memory_space<hbm>> -> memref<128xi32, #tpu.memory_space<hbm>>
      %dma_start3A_687 = tpu.memref_slice %arg3[%add3A_685] : memref<344320xi32, #tpu.memory_space<hbm>> -> memref<128xi32, #tpu.memory_space<hbm>>
      tpu.enqueue_dma source(%dma_start3A_687 : memref<128xi32, #tpu.memory_space<hbm>>) target(%arg9 : memref<128xi32, #tpu.memory_space<vmem>>) target_semaphore(%arg18 : memref<!tpu.dma_semaphore, #tpu.memory_space<semaphore_mem>>)
      %add3A_688 = arith.constant 384 : i32
      %add3A_689 = arith.addi %add3A_669, %add3A_688 : i32
      %dma_start3A_690 = tpu.memref_slice %arg3[%add3A_689] : memref<344320xi32, #tpu.memory_space<hbm>> -> memref<128xi32, #tpu.memory_space<hbm>>
      %dma_start3A_691 = tpu.memref_slice %arg3[%add3A_689] : memref<344320xi32, #tpu.memory_space<hbm>> -> memref<128xi32, #tpu.memory_space<hbm>>
      tpu.enqueue_dma source(%dma_start3A_691 : memref<128xi32, #tpu.memory_space<hbm>>) target(%arg10 : memref<128xi32, #tpu.memory_space<vmem>>) target_semaphore(%arg18 : memref<!tpu.dma_semaphore, #tpu.memory_space<semaphore_mem>>)
      %add3A_692 = arith.constant 256 : i32
      %add3A_693 = arith.addi %add3A_669, %add3A_692 : i32
      %dma_start3A_694 = tpu.memref_slice %arg4[%add3A_693] : memref<344320xi32, #tpu.memory_space<hbm>> -> memref<128xi32, #tpu.memory_space<hbm>>
      %dma_start3A_695 = tpu.memref_slice %arg4[%add3A_693] : memref<344320xi32, #tpu.memory_space<hbm>> -> memref<128xi32, #tpu.memory_space<hbm>>
      tpu.enqueue_dma source(%dma_start3A_695 : memref<128xi32, #tpu.memory_space<hbm>>) target(%arg13 : memref<128xi32, #tpu.memory_space<vmem>>) target_semaphore(%arg18 : memref<!tpu.dma_semaphore, #tpu.memory_space<semaphore_mem>>)
      %add3A_696 = arith.constant 384 : i32
      %add3A_697 = arith.addi %add3A_669, %add3A_696 : i32
      %dma_start3A_698 = tpu.memref_slice %arg4[%add3A_697] : memref<344320xi32, #tpu.memory_space<hbm>> -> memref<128xi32, #tpu.memory_space<hbm>>
      %dma_start3A_699 = tpu.memref_slice %arg4[%add3A_697] : memref<344320xi32, #tpu.memory_space<hbm>> -> memref<128xi32, #tpu.memory_space<hbm>>
      tpu.enqueue_dma source(%dma_start3A_699 : memref<128xi32, #tpu.memory_space<hbm>>) target(%arg14 : memref<128xi32, #tpu.memory_space<vmem>>) target_semaphore(%arg18 : memref<!tpu.dma_semaphore, #tpu.memory_space<semaphore_mem>>)
      %dma_start3A_700 = arith.constant 0 : i32
      %dma_start3A_701 = arith.constant 0 : i32
      %dma_start3A_702 = tpu.memref_slice %arg2[%dma_start3A_700, %dma_start3A_701] : memref<10112x128xf32, #tpu.memory_space<hbm>> -> memref<10112x128xf32, #tpu.memory_space<hbm>>
      tpu.enqueue_indirect_dma source(%dma_start3A_702 : memref<10112x128xf32, #tpu.memory_space<hbm>>) target(%arg15 : memref<128x128xf32, #tpu.memory_space<vmem>>) offsets(%arg7 : memref<128xi32, #tpu.memory_space<vmem>>) semaphore(%arg19 : memref<!tpu.dma_semaphore, #tpu.memory_space<semaphore_mem>>)
      %dma_start3A_703 = arith.constant 0 : i32
      %dma_start3A_704 = arith.constant 0 : i32
      %dma_start3A_705 = tpu.memref_slice %arg2[%dma_start3A_703, %dma_start3A_704] : memref<10112x128xf32, #tpu.memory_space<hbm>> -> memref<10112x128xf32, #tpu.memory_space<hbm>>
      tpu.enqueue_indirect_dma source(%dma_start3A_705 : memref<10112x128xf32, #tpu.memory_space<hbm>>) target(%arg16 : memref<128x128xf32, #tpu.memory_space<vmem>>) offsets(%arg8 : memref<128xi32, #tpu.memory_space<vmem>>) semaphore(%arg19 : memref<!tpu.dma_semaphore, #tpu.memory_space<semaphore_mem>>)
      %dma_wait3A_706 = arith.constant 0 : i32
      %dma_wait3A_707 = arith.constant 0 : i32
      %dma_wait3A_708 = tpu.memref_slice %arg2[%dma_wait3A_706, %dma_wait3A_707] : memref<10112x128xf32, #tpu.memory_space<hbm>> -> memref<10112x128xf32, #tpu.memory_space<hbm>>
      tpu.wait_indirect_dma semaphore(%arg19 : memref<!tpu.dma_semaphore, #tpu.memory_space<semaphore_mem>>) src(%dma_wait3A_708 : memref<10112x128xf32, #tpu.memory_space<hbm>>) dst(%arg15 : memref<128x128xf32, #tpu.memory_space<vmem>>)
      %dma_start3A_709 = arith.constant 0 : i32
      %dma_start3A_710 = arith.constant 0 : i32
      %dma_start3A_711 = tpu.memref_slice %arg6[%dma_start3A_709, %dma_start3A_710] : memref<10112x128xf32, #tpu.memory_space<vmem_shared>> -> memref<10112x128xf32, #tpu.memory_space<vmem_shared>>
      tpu.enqueue_indirect_dma source(%arg15 : memref<128x128xf32, #tpu.memory_space<vmem>>) target(%dma_start3A_711 : memref<10112x128xf32, #tpu.memory_space<vmem_shared>>) offsets(%arg11 : memref<128xi32, #tpu.memory_space<vmem>>) semaphore(%arg20 : memref<!tpu.dma_semaphore, #tpu.memory_space<semaphore_mem>>) {add = true}
      %dma_wait3A_712 = arith.constant 0 : i32
      %dma_wait3A_713 = arith.constant 0 : i32
      %dma_wait3A_714 = tpu.memref_slice %arg2[%dma_wait3A_712, %dma_wait3A_713] : memref<10112x128xf32, #tpu.memory_space<hbm>> -> memref<10112x128xf32, #tpu.memory_space<hbm>>
      tpu.wait_indirect_dma semaphore(%arg19 : memref<!tpu.dma_semaphore, #tpu.memory_space<semaphore_mem>>) src(%dma_wait3A_714 : memref<10112x128xf32, #tpu.memory_space<hbm>>) dst(%arg16 : memref<128x128xf32, #tpu.memory_space<vmem>>)
      %dma_start3A_715 = arith.constant 0 : i32
      %dma_start3A_716 = arith.constant 0 : i32
      %dma_start3A_717 = tpu.memref_slice %arg6[%dma_start3A_715, %dma_start3A_716] : memref<10112x128xf32, #tpu.memory_space<vmem_shared>> -> memref<10112x128xf32, #tpu.memory_space<vmem_shared>>
      tpu.enqueue_indirect_dma source(%arg16 : memref<128x128xf32, #tpu.memory_space<vmem>>) target(%dma_start3A_717 : memref<10112x128xf32, #tpu.memory_space<vmem_shared>>) offsets(%arg12 : memref<128xi32, #tpu.memory_space<vmem>>) semaphore(%arg20 : memref<!tpu.dma_semaphore, #tpu.memory_space<semaphore_mem>>) {add = true}
      %add3A_718 = arith.constant 256 : i32
      %add3A_719 = arith.addi %add3A_669, %add3A_718 : i32
      %dma_wait3A_720 = tpu.memref_slice %arg3[%add3A] : memref<344320xi32, #tpu.memory_space<hbm>> -> memref<128xi32, #tpu.memory_space<hbm>>
      %dma_wait3A_721 = tpu.memref_slice %arg3[%add3A] : memref<344320xi32, #tpu.memory_space<hbm>> -> memref<128xi32, #tpu.memory_space<hbm>>
      tpu.wait_dma2 semaphore(%arg18 : memref<!tpu.dma_semaphore, #tpu.memory_space<semaphore_mem>>) src(%dma_wait3A_721 : memref<128xi32, #tpu.memory_space<hbm>>) dst(%arg7 : memref<128xi32, #tpu.memory_space<vmem>>)
      %dma_wait3A_722 = tpu.memref_slice %arg3[%add3A] : memref<344320xi32, #tpu.memory_space<hbm>> -> memref<128xi32, #tpu.memory_space<hbm>>
      %dma_wait3A_723 = tpu.memref_slice %arg3[%add3A] : memref<344320xi32, #tpu.memory_space<hbm>> -> memref<128xi32, #tpu.memory_space<hbm>>
      tpu.wait_dma2 semaphore(%arg18 : memref<!tpu.dma_semaphore, #tpu.memory_space<semaphore_mem>>) src(%dma_wait3A_723 : memref<128xi32, #tpu.memory_space<hbm>>) dst(%arg7 : memref<128xi32, #tpu.memory_space<vmem>>)
      %dma_wait3A_724 = tpu.memref_slice %arg3[%add3A] : memref<344320xi32, #tpu.memory_space<hbm>> -> memref<128xi32, #tpu.memory_space<hbm>>
      %dma_wait3A_725 = tpu.memref_slice %arg3[%add3A] : memref<344320xi32, #tpu.memory_space<hbm>> -> memref<128xi32, #tpu.memory_space<hbm>>
      tpu.wait_dma2 semaphore(%arg18 : memref<!tpu.dma_semaphore, #tpu.memory_space<semaphore_mem>>) src(%dma_wait3A_725 : memref<128xi32, #tpu.memory_space<hbm>>) dst(%arg7 : memref<128xi32, #tpu.memory_space<vmem>>)
      %dma_wait3A_726 = tpu.memref_slice %arg3[%add3A] : memref<344320xi32, #tpu.memory_space<hbm>> -> memref<128xi32, #tpu.memory_space<hbm>>
      %dma_wait3A_727 = tpu.memref_slice %arg3[%add3A] : memref<344320xi32, #tpu.memory_space<hbm>> -> memref<128xi32, #tpu.memory_space<hbm>>
      tpu.wait_dma2 semaphore(%arg18 : memref<!tpu.dma_semaphore, #tpu.memory_space<semaphore_mem>>) src(%dma_wait3A_727 : memref<128xi32, #tpu.memory_space<hbm>>) dst(%arg7 : memref<128xi32, #tpu.memory_space<vmem>>)
      %dma_wait3A_728 = arith.constant 0 : i32
      %dma_wait3A_729 = arith.constant 0 : i32
      %dma_wait3A_730 = tpu.memref_slice %arg6[%dma_wait3A_728, %dma_wait3A_729] : memref<10112x128xf32, #tpu.memory_space<vmem_shared>> -> memref<10112x128xf32, #tpu.memory_space<vmem_shared>>
      tpu.wait_indirect_dma semaphore(%arg20 : memref<!tpu.dma_semaphore, #tpu.memory_space<semaphore_mem>>) src(%arg15 : memref<128x128xf32, #tpu.memory_space<vmem>>) dst(%dma_wait3A_730 : memref<10112x128xf32, #tpu.memory_space<vmem_shared>>)
      %dma_wait3A_731 = arith.constant 0 : i32
      %dma_wait3A_732 = arith.constant 0 : i32
      %dma_wait3A_733 = tpu.memref_slice %arg6[%dma_wait3A_731, %dma_wait3A_732] : memref<10112x128xf32, #tpu.memory_space<vmem_shared>> -> memref<10112x128xf32, #tpu.memory_space<vmem_shared>>
      tpu.wait_indirect_dma semaphore(%arg20 : memref<!tpu.dma_semaphore, #tpu.memory_space<semaphore_mem>>) src(%arg16 : memref<128x128xf32, #tpu.memory_space<vmem>>) dst(%dma_wait3A_733 : memref<10112x128xf32, #tpu.memory_space<vmem_shared>>)
      %add3A_734 = arith.constant 256 : i32
      %add3A_735 = arith.addi %add3A_719, %add3A_734 : i32
      %dma_start3A_736 = tpu.memref_slice %arg3[%add3A_735] : memref<344320xi32, #tpu.memory_space<hbm>> -> memref<128xi32, #tpu.memory_space<hbm>>
      %dma_start3A_737 = tpu.memref_slice %arg3[%add3A_735] : memref<344320xi32, #tpu.memory_space<hbm>> -> memref<128xi32, #tpu.memory_space<hbm>>
      tpu.enqueue_dma source(%dma_start3A_737 : memref<128xi32, #tpu.memory_space<hbm>>) target(%arg7 : memref<128xi32, #tpu.memory_space<vmem>>) target_semaphore(%arg18 : memref<!tpu.dma_semaphore, #tpu.memory_space<semaphore_mem>>)
      %add3A_738 = arith.constant 384 : i32
      %add3A_739 = arith.addi %add3A_719, %add3A_738 : i32
      %dma_start3A_740 = tpu.memref_slice %arg3[%add3A_739] : memref<344320xi32, #tpu.memory_space<hbm>> -> memref<128xi32, #tpu.memory_space<hbm>>
      %dma_start3A_741 = tpu.memref_slice %arg3[%add3A_739] : memref<344320xi32, #tpu.memory_space<hbm>> -> memref<128xi32, #tpu.memory_space<hbm>>
      tpu.enqueue_dma source(%dma_start3A_741 : memref<128xi32, #tpu.memory_space<hbm>>) target(%arg8 : memref<128xi32, #tpu.memory_space<vmem>>) target_semaphore(%arg18 : memref<!tpu.dma_semaphore, #tpu.memory_space<semaphore_mem>>)
      %add3A_742 = arith.constant 256 : i32
      %add3A_743 = arith.addi %add3A_719, %add3A_742 : i32
      %dma_start3A_744 = tpu.memref_slice %arg4[%add3A_743] : memref<344320xi32, #tpu.memory_space<hbm>> -> memref<128xi32, #tpu.memory_space<hbm>>
      %dma_start3A_745 = tpu.memref_slice %arg4[%add3A_743] : memref<344320xi32, #tpu.memory_space<hbm>> -> memref<128xi32, #tpu.memory_space<hbm>>
      tpu.enqueue_dma source(%dma_start3A_745 : memref<128xi32, #tpu.memory_space<hbm>>) target(%arg11 : memref<128xi32, #tpu.memory_space<vmem>>) target_semaphore(%arg18 : memref<!tpu.dma_semaphore, #tpu.memory_space<semaphore_mem>>)
      %add3A_746 = arith.constant 384 : i32
      %add3A_747 = arith.addi %add3A_719, %add3A_746 : i32
      %dma_start3A_748 = tpu.memref_slice %arg4[%add3A_747] : memref<344320xi32, #tpu.memory_space<hbm>> -> memref<128xi32, #tpu.memory_space<hbm>>
      %dma_start3A_749 = tpu.memref_slice %arg4[%add3A_747] : memref<344320xi32, #tpu.memory_space<hbm>> -> memref<128xi32, #tpu.memory_space<hbm>>
      tpu.enqueue_dma source(%dma_start3A_749 : memref<128xi32, #tpu.memory_space<hbm>>) target(%arg12 : memref<128xi32, #tpu.memory_space<vmem>>) target_semaphore(%arg18 : memref<!tpu.dma_semaphore, #tpu.memory_space<semaphore_mem>>)
      %dma_start3A_750 = arith.constant 0 : i32
      %dma_start3A_751 = arith.constant 0 : i32
      %dma_start3A_752 = tpu.memref_slice %arg2[%dma_start3A_750, %dma_start3A_751] : memref<10112x128xf32, #tpu.memory_space<hbm>> -> memref<10112x128xf32, #tpu.memory_space<hbm>>
      tpu.enqueue_indirect_dma source(%dma_start3A_752 : memref<10112x128xf32, #tpu.memory_space<hbm>>) target(%arg15 : memref<128x128xf32, #tpu.memory_space<vmem>>) offsets(%arg9 : memref<128xi32, #tpu.memory_space<vmem>>) semaphore(%arg19 : memref<!tpu.dma_semaphore, #tpu.memory_space<semaphore_mem>>)
      %dma_start3A_753 = arith.constant 0 : i32
      %dma_start3A_754 = arith.constant 0 : i32
      %dma_start3A_755 = tpu.memref_slice %arg2[%dma_start3A_753, %dma_start3A_754] : memref<10112x128xf32, #tpu.memory_space<hbm>> -> memref<10112x128xf32, #tpu.memory_space<hbm>>
      tpu.enqueue_indirect_dma source(%dma_start3A_755 : memref<10112x128xf32, #tpu.memory_space<hbm>>) target(%arg16 : memref<128x128xf32, #tpu.memory_space<vmem>>) offsets(%arg10 : memref<128xi32, #tpu.memory_space<vmem>>) semaphore(%arg19 : memref<!tpu.dma_semaphore, #tpu.memory_space<semaphore_mem>>)
      %dma_wait3A_756 = arith.constant 0 : i32
      %dma_wait3A_757 = arith.constant 0 : i32
      %dma_wait3A_758 = tpu.memref_slice %arg2[%dma_wait3A_756, %dma_wait3A_757] : memref<10112x128xf32, #tpu.memory_space<hbm>> -> memref<10112x128xf32, #tpu.memory_space<hbm>>
      tpu.wait_indirect_dma semaphore(%arg19 : memref<!tpu.dma_semaphore, #tpu.memory_space<semaphore_mem>>) src(%dma_wait3A_758 : memref<10112x128xf32, #tpu.memory_space<hbm>>) dst(%arg15 : memref<128x128xf32, #tpu.memory_space<vmem>>)
      %dma_start3A_759 = arith.constant 0 : i32
      %dma_start3A_760 = arith.constant 0 : i32
      %dma_start3A_761 = tpu.memref_slice %arg6[%dma_start3A_759, %dma_start3A_760] : memref<10112x128xf32, #tpu.memory_space<vmem_shared>> -> memref<10112x128xf32, #tpu.memory_space<vmem_shared>>
      tpu.enqueue_indirect_dma source(%arg15 : memref<128x128xf32, #tpu.memory_space<vmem>>) target(%dma_start3A_761 : memref<10112x128xf32, #tpu.memory_space<vmem_shared>>) offsets(%arg13 : memref<128xi32, #tpu.memory_space<vmem>>) semaphore(%arg20 : memref<!tpu.dma_semaphore, #tpu.memory_space<semaphore_mem>>) {add = true}
      %dma_wait3A_762 = arith.constant 0 : i32
      %dma_wait3A_763 = arith.constant 0 : i32
      %dma_wait3A_764 = tpu.memref_slice %arg2[%dma_wait3A_762, %dma_wait3A_763] : memref<10112x128xf32, #tpu.memory_space<hbm>> -> memref<10112x128xf32, #tpu.memory_space<hbm>>
      tpu.wait_indirect_dma semaphore(%arg19 : memref<!tpu.dma_semaphore, #tpu.memory_space<semaphore_mem>>) src(%dma_wait3A_764 : memref<10112x128xf32, #tpu.memory_space<hbm>>) dst(%arg16 : memref<128x128xf32, #tpu.memory_space<vmem>>)
      %dma_start3A_765 = arith.constant 0 : i32
      %dma_start3A_766 = arith.constant 0 : i32
      %dma_start3A_767 = tpu.memref_slice %arg6[%dma_start3A_765, %dma_start3A_766] : memref<10112x128xf32, #tpu.memory_space<vmem_shared>> -> memref<10112x128xf32, #tpu.memory_space<vmem_shared>>
      tpu.enqueue_indirect_dma source(%arg16 : memref<128x128xf32, #tpu.memory_space<vmem>>) target(%dma_start3A_767 : memref<10112x128xf32, #tpu.memory_space<vmem_shared>>) offsets(%arg14 : memref<128xi32, #tpu.memory_space<vmem>>) semaphore(%arg20 : memref<!tpu.dma_semaphore, #tpu.memory_space<semaphore_mem>>) {add = true}
    }
    %scan3A_642 = arith.constant 21 : i32
    %dma_wait3A = tpu.memref_slice %arg3[%add3A] : memref<344320xi32, #tpu.memory_space<hbm>> -> memref<128xi32, #tpu.memory_space<hbm>>
    %dma_wait3A_643 = tpu.memref_slice %arg3[%add3A] : memref<344320xi32, #tpu.memory_space<hbm>> -> memref<128xi32, #tpu.memory_space<hbm>>
    tpu.wait_dma2 semaphore(%arg18 : memref<!tpu.dma_semaphore, #tpu.memory_space<semaphore_mem>>) src(%dma_wait3A_643 : memref<128xi32, #tpu.memory_space<hbm>>) dst(%arg7 : memref<128xi32, #tpu.memory_space<vmem>>)
    %dma_wait3A_644 = tpu.memref_slice %arg3[%add3A] : memref<344320xi32, #tpu.memory_space<hbm>> -> memref<128xi32, #tpu.memory_space<hbm>>
    %dma_wait3A_645 = tpu.memref_slice %arg3[%add3A] : memref<344320xi32, #tpu.memory_space<hbm>> -> memref<128xi32, #tpu.memory_space<hbm>>
    tpu.wait_dma2 semaphore(%arg18 : memref<!tpu.dma_semaphore, #tpu.memory_space<semaphore_mem>>) src(%dma_wait3A_645 : memref<128xi32, #tpu.memory_space<hbm>>) dst(%arg7 : memref<128xi32, #tpu.memory_space<vmem>>)
    %dma_wait3A_646 = tpu.memref_slice %arg3[%add3A] : memref<344320xi32, #tpu.memory_space<hbm>> -> memref<128xi32, #tpu.memory_space<hbm>>
    %dma_wait3A_647 = tpu.memref_slice %arg3[%add3A] : memref<344320xi32, #tpu.memory_space<hbm>> -> memref<128xi32, #tpu.memory_space<hbm>>
    tpu.wait_dma2 semaphore(%arg18 : memref<!tpu.dma_semaphore, #tpu.memory_space<semaphore_mem>>) src(%dma_wait3A_647 : memref<128xi32, #tpu.memory_space<hbm>>) dst(%arg7 : memref<128xi32, #tpu.memory_space<vmem>>)
    %dma_wait3A_648 = tpu.memref_slice %arg3[%add3A] : memref<344320xi32, #tpu.memory_space<hbm>> -> memref<128xi32, #tpu.memory_space<hbm>>
    %dma_wait3A_649 = tpu.memref_slice %arg3[%add3A] : memref<344320xi32, #tpu.memory_space<hbm>> -> memref<128xi32, #tpu.memory_space<hbm>>
    tpu.wait_dma2 semaphore(%arg18 : memref<!tpu.dma_semaphore, #tpu.memory_space<semaphore_mem>>) src(%dma_wait3A_649 : memref<128xi32, #tpu.memory_space<hbm>>) dst(%arg7 : memref<128xi32, #tpu.memory_space<vmem>>)
    %dma_wait3A_650 = arith.constant 0 : i32
    %dma_wait3A_651 = arith.constant 0 : i32
    %dma_wait3A_652 = tpu.memref_slice %arg6[%dma_wait3A_650, %dma_wait3A_651] : memref<10112x128xf32, #tpu.memory_space<vmem_shared>> -> memref<10112x128xf32, #tpu.memory_space<vmem_shared>>
    tpu.wait_indirect_dma semaphore(%arg20 : memref<!tpu.dma_semaphore, #tpu.memory_space<semaphore_mem>>) src(%arg15 : memref<128x128xf32, #tpu.memory_space<vmem>>) dst(%dma_wait3A_652 : memref<10112x128xf32, #tpu.memory_space<vmem_shared>>)
    %dma_wait3A_653 = arith.constant 0 : i32
    %dma_wait3A_654 = arith.constant 0 : i32
    %dma_wait3A_655 = tpu.memref_slice %arg6[%dma_wait3A_653, %dma_wait3A_654] : memref<10112x128xf32, #tpu.memory_space<vmem_shared>> -> memref<10112x128xf32, #tpu.memory_space<vmem_shared>>
    tpu.wait_indirect_dma semaphore(%arg20 : memref<!tpu.dma_semaphore, #tpu.memory_space<semaphore_mem>>) src(%arg16 : memref<128x128xf32, #tpu.memory_space<vmem>>) dst(%dma_wait3A_655 : memref<10112x128xf32, #tpu.memory_space<vmem_shared>>)
    %barrier3A_656 = arith.constant 0 : index
    tpu.barrier barrier_id(%barrier3A_656)
    %mul3A_657 = arith.constant 632 : i32
    %mul3A_658 = arith.muli %arg1, %mul3A_657 : i32
    %mul3A_659 = arith.constant 10112 : i32
    %mul3A_660 = arith.muli %arg0, %mul3A_659 : i32
    %mul3A_661 = arith.constant 632 : i32
    %mul3A_662 = arith.muli %arg1, %mul3A_661 : i32
    %add3A_663 = arith.addi %mul3A_660, %mul3A_662 : i32
    "tpu.region"() ({
      %run_scoped3A = tpu.sem_alloc : memref<!tpu.dma_semaphore, #tpu.memory_space<semaphore_mem>>
      %dma_start3A_664 = arith.constant 0 : i32
      %dma_start3A_665 = tpu.memref_slice %arg5[%add3A_663, %dma_start3A_664] : memref<20224x128xf32, #tpu.memory_space<hbm>> -> memref<632x128xf32, #tpu.memory_space<hbm>>
      %dma_start3A_666 = arith.constant 0 : i32
      %dma_start3A_667 = tpu.memref_slice %arg6[%mul3A_658, %dma_start3A_666] : memref<10112x128xf32, #tpu.memory_space<vmem_shared>> -> memref<632x128xf32, #tpu.memory_space<vmem_shared>>
      tpu.enqueue_dma source(%dma_start3A_667 : memref<632x128xf32, #tpu.memory_space<vmem_shared>>) target(%dma_start3A_665 : memref<632x128xf32, #tpu.memory_space<hbm>>) target_semaphore(%run_scoped3A : memref<!tpu.dma_semaphore, #tpu.memory_space<semaphore_mem>>)
      %dma_wait3A_668 = arith.constant 0 : i32
      %dma_wait3A_669 = tpu.memref_slice %arg5[%add3A_663, %dma_wait3A_668] : memref<20224x128xf32, #tpu.memory_space<hbm>> -> memref<632x128xf32, #tpu.memory_space<hbm>>
      %dma_wait3A_670 = arith.constant 0 : i32
      %dma_wait3A_671 = tpu.memref_slice %arg6[%mul3A_658, %dma_wait3A_670] : memref<10112x128xf32, #tpu.memory_space<vmem_shared>> -> memref<632x128xf32, #tpu.memory_space<vmem_shared>>
      tpu.wait_dma2 semaphore(%run_scoped3A : memref<!tpu.dma_semaphore, #tpu.memory_space<semaphore_mem>>) src(%dma_wait3A_671 : memref<632x128xf32, #tpu.memory_space<vmem_shared>>) dst(%dma_wait3A_669 : memref<632x128xf32, #tpu.memory_space<hbm>>)
      tpu.yield
    }) : () -> ()
    return
  }
}

#map = affine_map<(d0, d1) -> (0, 0)>
#map1 = affine_map<(d0, d1) -> (0)>
module attributes {stable_mosaic.version = 14 : i64} {
  func.func @body(%arg0: i32, %arg1: i32, %arg2: memref<10112x128xf32, #tpu.memory_space<hbm>>, %arg3: memref<344320xi32, #tpu.memory_space<hbm>>, %arg4: memref<344320xi32, #tpu.memory_space<hbm>>, %arg5: memref<20224x128xf32, #tpu.memory_space<hbm>>, %arg6: memref<10112x128xf32, #tpu.memory_space<vmem_shared>>, %arg7: memref<128xi32, #tpu.memory_space<vmem>>, %arg8: memref<128xi32, #tpu.memory_space<vmem>>, %arg9: memref<128xi32, #tpu.memory_space<vmem>>, %arg10: memref<128xi32, #tpu.memory_space<vmem>>, %arg11: memref<128xi32, #tpu.memory_space<vmem>>, %arg12: memref<128xi32, #tpu.memory_space<vmem>>, %arg13: memref<128xi32, #tpu.memory_space<vmem>>, %arg14: memref<128xi32, #tpu.memory_space<vmem>>, %arg15: memref<128x128xf32, #tpu.memory_space<vmem>>, %arg16: memref<128x128xf32, #tpu.memory_space<vmem>>, %arg17: memref<8x128xf32, #tpu.memory_space<vmem>>, %arg18: memref<!tpu.dma_semaphore, #tpu.memory_space<semaphore_mem>>, %arg19: memref<!tpu.dma_semaphore, #tpu.memory_space<semaphore_mem>>, %arg20: memref<!tpu.dma_semaphore, #tpu.memory_space<semaphore_mem>>, %arg21: memref<!tpu.dma_semaphore, #tpu.memory_space<semaphore_mem>>) attributes {dimension_semantics = [#tpu.dimension_semantics<core_parallel>, #tpu.dimension_semantics<subcore_parallel>], iteration_bounds = array<i64: 2, 16>, scalar_prefetch = 0 : i64, scratch_operands = 16 : i64, tpu.core_type = #tpu.core_type<sc_vector_subcore>, window_params = [{transform_indices = #map}, {transform_indices = #map1}, {transform_indices = #map1}, {transform_indices = #map}]} {
    %mul3A = arith.constant 172032 : i32
    %mul3A_0 = arith.muli %arg0, %mul3A : i32
    %mul3A_1 = arith.constant 10752 : i32
    %mul3A_2 = arith.muli %arg1, %mul3A_1 : i32
    %add3A = arith.addi %mul3A_0, %mul3A_2 : i32
    %dma_start3A = tpu.memref_slice %arg3[%add3A] : memref<344320xi32, #tpu.memory_space<hbm>> -> memref<128xi32, #tpu.memory_space<hbm>>
    %dma_start3A_3 = tpu.memref_slice %arg3[%add3A] : memref<344320xi32, #tpu.memory_space<hbm>> -> memref<128xi32, #tpu.memory_space<hbm>>
    tpu.enqueue_dma source(%dma_start3A_3 : memref<128xi32, #tpu.memory_space<hbm>>) target(%arg7 : memref<128xi32, #tpu.memory_space<vmem>>) target_semaphore(%arg18 : memref<!tpu.dma_semaphore, #tpu.memory_space<semaphore_mem>>)
    %add3A_4 = arith.constant 128 : i32
    %add3A_5 = arith.addi %add3A, %add3A_4 : i32
    %dma_start3A_6 = tpu.memref_slice %arg3[%add3A_5] : memref<344320xi32, #tpu.memory_space<hbm>> -> memref<128xi32, #tpu.memory_space<hbm>>
    %dma_start3A_7 = tpu.memref_slice %arg3[%add3A_5] : memref<344320xi32, #tpu.memory_space<hbm>> -> memref<128xi32, #tpu.memory_space<hbm>>
    tpu.enqueue_dma source(%dma_start3A_7 : memref<128xi32, #tpu.memory_space<hbm>>) target(%arg8 : memref<128xi32, #tpu.memory_space<vmem>>) target_semaphore(%arg18 : memref<!tpu.dma_semaphore, #tpu.memory_space<semaphore_mem>>)
    %dma_start3A_8 = tpu.memref_slice %arg4[%add3A] : memref<344320xi32, #tpu.memory_space<hbm>> -> memref<128xi32, #tpu.memory_space<hbm>>
    %dma_start3A_9 = tpu.memref_slice %arg4[%add3A] : memref<344320xi32, #tpu.memory_space<hbm>> -> memref<128xi32, #tpu.memory_space<hbm>>
    tpu.enqueue_dma source(%dma_start3A_9 : memref<128xi32, #tpu.memory_space<hbm>>) target(%arg11 : memref<128xi32, #tpu.memory_space<vmem>>) target_semaphore(%arg18 : memref<!tpu.dma_semaphore, #tpu.memory_space<semaphore_mem>>)
    %add3A_10 = arith.constant 128 : i32
    %add3A_11 = arith.addi %add3A, %add3A_10 : i32
    %dma_start3A_12 = tpu.memref_slice %arg4[%add3A_11] : memref<344320xi32, #tpu.memory_space<hbm>> -> memref<128xi32, #tpu.memory_space<hbm>>
    %dma_start3A_13 = tpu.memref_slice %arg4[%add3A_11] : memref<344320xi32, #tpu.memory_space<hbm>> -> memref<128xi32, #tpu.memory_space<hbm>>
    tpu.enqueue_dma source(%dma_start3A_13 : memref<128xi32, #tpu.memory_space<hbm>>) target(%arg12 : memref<128xi32, #tpu.memory_space<vmem>>) target_semaphore(%arg18 : memref<!tpu.dma_semaphore, #tpu.memory_space<semaphore_mem>>)
    %broadcast_in_dim3A = arith.constant 0.000000e+00 : f32
    %broadcast_in_dim3A_14 = vector.broadcast %broadcast_in_dim3A : f32 to vector<16xf32>
    %swap3A = arith.constant 0 : i32
    %swap3A_15 = arith.index_cast %swap3A : i32 to index
    %swap3A_16 = arith.constant 0 : index
    %swap3A_17 = tpu.vector_load %arg17[%swap3A_15, %swap3A_16] {strides = array<i32>} : memref<8x128xf32, #tpu.memory_space<vmem>>, vector<1x16xf32>,
    %swap3A_18 = vector.shape_cast %swap3A_17 : vector<1x16xf32> to vector<16xf32>
    %swap3A_19 = vector.shape_cast %broadcast_in_dim3A_14 : vector<16xf32> to vector<1x16xf32>
    tpu.vector_store %arg17[%swap3A_15, %swap3A_16], %swap3A_19 {strides = array<i32>} : memref<8x128xf32, #tpu.memory_space<vmem>>, vector<1x16xf32>,
    %broadcast_in_dim3A_20 = arith.constant 0.000000e+00 : f32
    %broadcast_in_dim3A_21 = vector.broadcast %broadcast_in_dim3A_20 : f32 to vector<16xf32>
    %swap3A_22 = arith.constant 0 : i32
    %swap3A_23 = arith.index_cast %swap3A_22 : i32 to index
    %swap3A_24 = arith.constant 16 : index
    %swap3A_25 = tpu.vector_load %arg17[%swap3A_23, %swap3A_24] {strides = array<i32>} : memref<8x128xf32, #tpu.memory_space<vmem>>, vector<1x16xf32>,
    %swap3A_26 = vector.shape_cast %swap3A_25 : vector<1x16xf32> to vector<16xf32>
    %swap3A_27 = vector.shape_cast %broadcast_in_dim3A_21 : vector<16xf32> to vector<1x16xf32>
    tpu.vector_store %arg17[%swap3A_23, %swap3A_24], %swap3A_27 {strides = array<i32>} : memref<8x128xf32, #tpu.memory_space<vmem>>, vector<1x16xf32>,
    %broadcast_in_dim3A_28 = arith.constant 0.000000e+00 : f32
    %broadcast_in_dim3A_29 = vector.broadcast %broadcast_in_dim3A_28 : f32 to vector<16xf32>
    %swap3A_30 = arith.constant 0 : i32
    %swap3A_31 = arith.index_cast %swap3A_30 : i32 to index
    %swap3A_32 = arith.constant 32 : index
    %swap3A_33 = tpu.vector_load %arg17[%swap3A_31, %swap3A_32] {strides = array<i32>} : memref<8x128xf32, #tpu.memory_space<vmem>>, vector<1x16xf32>,
    %swap3A_34 = vector.shape_cast %swap3A_33 : vector<1x16xf32> to vector<16xf32>
    %swap3A_35 = vector.shape_cast %broadcast_in_dim3A_29 : vector<16xf32> to vector<1x16xf32>
    tpu.vector_store %arg17[%swap3A_31, %swap3A_32], %swap3A_35 {strides = array<i32>} : memref<8x128xf32, #tpu.memory_space<vmem>>, vector<1x16xf32>,
    %broadcast_in_dim3A_36 = arith.constant 0.000000e+00 : f32
    %broadcast_in_dim3A_37 = vector.broadcast %broadcast_in_dim3A_36 : f32 to vector<16xf32>
    %swap3A_38 = arith.constant 0 : i32
    %swap3A_39 = arith.index_cast %swap3A_38 : i32 to index
    %swap3A_40 = arith.constant 48 : index
    %swap3A_41 = tpu.vector_load %arg17[%swap3A_39, %swap3A_40] {strides = array<i32>} : memref<8x128xf32, #tpu.memory_space<vmem>>, vector<1x16xf32>,
    %swap3A_42 = vector.shape_cast %swap3A_41 : vector<1x16xf32> to vector<16xf32>
    %swap3A_43 = vector.shape_cast %broadcast_in_dim3A_37 : vector<16xf32> to vector<1x16xf32>
    tpu.vector_store %arg17[%swap3A_39, %swap3A_40], %swap3A_43 {strides = array<i32>} : memref<8x128xf32, #tpu.memory_space<vmem>>, vector<1x16xf32>,
    %broadcast_in_dim3A_44 = arith.constant 0.000000e+00 : f32
    %broadcast_in_dim3A_45 = vector.broadcast %broadcast_in_dim3A_44 : f32 to vector<16xf32>
    %swap3A_46 = arith.constant 0 : i32
    %swap3A_47 = arith.index_cast %swap3A_46 : i32 to index
    %swap3A_48 = arith.constant 64 : index
    %swap3A_49 = tpu.vector_load %arg17[%swap3A_47, %swap3A_48] {strides = array<i32>} : memref<8x128xf32, #tpu.memory_space<vmem>>, vector<1x16xf32>,
    %swap3A_50 = vector.shape_cast %swap3A_49 : vector<1x16xf32> to vector<16xf32>
    %swap3A_51 = vector.shape_cast %broadcast_in_dim3A_45 : vector<16xf32> to vector<1x16xf32>
    tpu.vector_store %arg17[%swap3A_47, %swap3A_48], %swap3A_51 {strides = array<i32>} : memref<8x128xf32, #tpu.memory_space<vmem>>, vector<1x16xf32>,
    %broadcast_in_dim3A_52 = arith.constant 0.000000e+00 : f32
    %broadcast_in_dim3A_53 = vector.broadcast %broadcast_in_dim3A_52 : f32 to vector<16xf32>
    %swap3A_54 = arith.constant 0 : i32
    %swap3A_55 = arith.index_cast %swap3A_54 : i32 to index
    %swap3A_56 = arith.constant 80 : index
    %swap3A_57 = tpu.vector_load %arg17[%swap3A_55, %swap3A_56] {strides = array<i32>} : memref<8x128xf32, #tpu.memory_space<vmem>>, vector<1x16xf32>,
    %swap3A_58 = vector.shape_cast %swap3A_57 : vector<1x16xf32> to vector<16xf32>
    %swap3A_59 = vector.shape_cast %broadcast_in_dim3A_53 : vector<16xf32> to vector<1x16xf32>
    tpu.vector_store %arg17[%swap3A_55, %swap3A_56], %swap3A_59 {strides = array<i32>} : memref<8x128xf32, #tpu.memory_space<vmem>>, vector<1x16xf32>,
    %broadcast_in_dim3A_60 = arith.constant 0.000000e+00 : f32
    %broadcast_in_dim3A_61 = vector.broadcast %broadcast_in_dim3A_60 : f32 to vector<16xf32>
    %swap3A_62 = arith.constant 0 : i32
    %swap3A_63 = arith.index_cast %swap3A_62 : i32 to index
    %swap3A_64 = arith.constant 96 : index
    %swap3A_65 = tpu.vector_load %arg17[%swap3A_63, %swap3A_64] {strides = array<i32>} : memref<8x128xf32, #tpu.memory_space<vmem>>, vector<1x16xf32>,
    %swap3A_66 = vector.shape_cast %swap3A_65 : vector<1x16xf32> to vector<16xf32>
    %swap3A_67 = vector.shape_cast %broadcast_in_dim3A_61 : vector<16xf32> to vector<1x16xf32>
    tpu.vector_store %arg17[%swap3A_63, %swap3A_64], %swap3A_67 {strides = array<i32>} : memref<8x128xf32, #tpu.memory_space<vmem>>, vector<1x16xf32>,
    %broadcast_in_dim3A_68 = arith.constant 0.000000e+00 : f32
    %broadcast_in_dim3A_69 = vector.broadcast %broadcast_in_dim3A_68 : f32 to vector<16xf32>
    %swap3A_70 = arith.constant 0 : i32
    %swap3A_71 = arith.index_cast %swap3A_70 : i32 to index
    %swap3A_72 = arith.constant 112 : index
    %swap3A_73 = tpu.vector_load %arg17[%swap3A_71, %swap3A_72] {strides = array<i32>} : memref<8x128xf32, #tpu.memory_space<vmem>>, vector<1x16xf32>,
    %swap3A_74 = vector.shape_cast %swap3A_73 : vector<1x16xf32> to vector<16xf32>
    %swap3A_75 = vector.shape_cast %broadcast_in_dim3A_69 : vector<16xf32> to vector<1x16xf32>
    tpu.vector_store %arg17[%swap3A_71, %swap3A_72], %swap3A_75 {strides = array<i32>} : memref<8x128xf32, #tpu.memory_space<vmem>>, vector<1x16xf32>,
    %broadcast_in_dim3A_76 = arith.constant 0.000000e+00 : f32
    %broadcast_in_dim3A_77 = vector.broadcast %broadcast_in_dim3A_76 : f32 to vector<16xf32>
    %swap3A_78 = arith.constant 1 : i32
    %swap3A_79 = arith.index_cast %swap3A_78 : i32 to index
    %swap3A_80 = arith.constant 0 : index
    %swap3A_81 = tpu.vector_load %arg17[%swap3A_79, %swap3A_80] {strides = array<i32>} : memref<8x128xf32, #tpu.memory_space<vmem>>, vector<1x16xf32>,
    %swap3A_82 = vector.shape_cast %swap3A_81 : vector<1x16xf32> to vector<16xf32>
    %swap3A_83 = vector.shape_cast %broadcast_in_dim3A_77 : vector<16xf32> to vector<1x16xf32>
    tpu.vector_store %arg17[%swap3A_79, %swap3A_80], %swap3A_83 {strides = array<i32>} : memref<8x128xf32, #tpu.memory_space<vmem>>, vector<1x16xf32>,
    %broadcast_in_dim3A_84 = arith.constant 0.000000e+00 : f32
    %broadcast_in_dim3A_85 = vector.broadcast %broadcast_in_dim3A_84 : f32 to vector<16xf32>
    %swap3A_86 = arith.constant 1 : i32
    %swap3A_87 = arith.index_cast %swap3A_86 : i32 to index
    %swap3A_88 = arith.constant 16 : index
    %swap3A_89 = tpu.vector_load %arg17[%swap3A_87, %swap3A_88] {strides = array<i32>} : memref<8x128xf32, #tpu.memory_space<vmem>>, vector<1x16xf32>,
    %swap3A_90 = vector.shape_cast %swap3A_89 : vector<1x16xf32> to vector<16xf32>
    %swap3A_91 = vector.shape_cast %broadcast_in_dim3A_85 : vector<16xf32> to vector<1x16xf32>
    tpu.vector_store %arg17[%swap3A_87, %swap3A_88], %swap3A_91 {strides = array<i32>} : memref<8x128xf32, #tpu.memory_space<vmem>>, vector<1x16xf32>,
    %broadcast_in_dim3A_92 = arith.constant 0.000000e+00 : f32
    %broadcast_in_dim3A_93 = vector.broadcast %broadcast_in_dim3A_92 : f32 to vector<16xf32>
    %swap3A_94 = arith.constant 1 : i32
    %swap3A_95 = arith.index_cast %swap3A_94 : i32 to index
    %swap3A_96 = arith.constant 32 : index
    %swap3A_97 = tpu.vector_load %arg17[%swap3A_95, %swap3A_96] {strides = array<i32>} : memref<8x128xf32, #tpu.memory_space<vmem>>, vector<1x16xf32>,
    %swap3A_98 = vector.shape_cast %swap3A_97 : vector<1x16xf32> to vector<16xf32>
    %swap3A_99 = vector.shape_cast %broadcast_in_dim3A_93 : vector<16xf32> to vector<1x16xf32>
    tpu.vector_store %arg17[%swap3A_95, %swap3A_96], %swap3A_99 {strides = array<i32>} : memref<8x128xf32, #tpu.memory_space<vmem>>, vector<1x16xf32>,
    %broadcast_in_dim3A_100 = arith.constant 0.000000e+00 : f32
    %broadcast_in_dim3A_101 = vector.broadcast %broadcast_in_dim3A_100 : f32 to vector<16xf32>
    %swap3A_102 = arith.constant 1 : i32
    %swap3A_103 = arith.index_cast %swap3A_102 : i32 to index
    %swap3A_104 = arith.constant 48 : index
    %swap3A_105 = tpu.vector_load %arg17[%swap3A_103, %swap3A_104] {strides = array<i32>} : memref<8x128xf32, #tpu.memory_space<vmem>>, vector<1x16xf32>,
    %swap3A_106 = vector.shape_cast %swap3A_105 : vector<1x16xf32> to vector<16xf32>
    %swap3A_107 = vector.shape_cast %broadcast_in_dim3A_101 : vector<16xf32> to vector<1x16xf32>
    tpu.vector_store %arg17[%swap3A_103, %swap3A_104], %swap3A_107 {strides = array<i32>} : memref<8x128xf32, #tpu.memory_space<vmem>>, vector<1x16xf32>,
    %broadcast_in_dim3A_108 = arith.constant 0.000000e+00 : f32
    %broadcast_in_dim3A_109 = vector.broadcast %broadcast_in_dim3A_108 : f32 to vector<16xf32>
    %swap3A_110 = arith.constant 1 : i32
    %swap3A_111 = arith.index_cast %swap3A_110 : i32 to index
    %swap3A_112 = arith.constant 64 : index
    %swap3A_113 = tpu.vector_load %arg17[%swap3A_111, %swap3A_112] {strides = array<i32>} : memref<8x128xf32, #tpu.memory_space<vmem>>, vector<1x16xf32>,
    %swap3A_114 = vector.shape_cast %swap3A_113 : vector<1x16xf32> to vector<16xf32>
    %swap3A_115 = vector.shape_cast %broadcast_in_dim3A_109 : vector<16xf32> to vector<1x16xf32>
    tpu.vector_store %arg17[%swap3A_111, %swap3A_112], %swap3A_115 {strides = array<i32>} : memref<8x128xf32, #tpu.memory_space<vmem>>, vector<1x16xf32>,
    %broadcast_in_dim3A_116 = arith.constant 0.000000e+00 : f32
    %broadcast_in_dim3A_117 = vector.broadcast %broadcast_in_dim3A_116 : f32 to vector<16xf32>
    %swap3A_118 = arith.constant 1 : i32
    %swap3A_119 = arith.index_cast %swap3A_118 : i32 to index
    %swap3A_120 = arith.constant 80 : index
    %swap3A_121 = tpu.vector_load %arg17[%swap3A_119, %swap3A_120] {strides = array<i32>} : memref<8x128xf32, #tpu.memory_space<vmem>>, vector<1x16xf32>,
    %swap3A_122 = vector.shape_cast %swap3A_121 : vector<1x16xf32> to vector<16xf32>
    %swap3A_123 = vector.shape_cast %broadcast_in_dim3A_117 : vector<16xf32> to vector<1x16xf32>
    tpu.vector_store %arg17[%swap3A_119, %swap3A_120], %swap3A_123 {strides = array<i32>} : memref<8x128xf32, #tpu.memory_space<vmem>>, vector<1x16xf32>,
    %broadcast_in_dim3A_124 = arith.constant 0.000000e+00 : f32
    %broadcast_in_dim3A_125 = vector.broadcast %broadcast_in_dim3A_124 : f32 to vector<16xf32>
    %swap3A_126 = arith.constant 1 : i32
    %swap3A_127 = arith.index_cast %swap3A_126 : i32 to index
    %swap3A_128 = arith.constant 96 : index
    %swap3A_129 = tpu.vector_load %arg17[%swap3A_127, %swap3A_128] {strides = array<i32>} : memref<8x128xf32, #tpu.memory_space<vmem>>, vector<1x16xf32>,
    %swap3A_130 = vector.shape_cast %swap3A_129 : vector<1x16xf32> to vector<16xf32>
    %swap3A_131 = vector.shape_cast %broadcast_in_dim3A_125 : vector<16xf32> to vector<1x16xf32>
    tpu.vector_store %arg17[%swap3A_127, %swap3A_128], %swap3A_131 {strides = array<i32>} : memref<8x128xf32, #tpu.memory_space<vmem>>, vector<1x16xf32>,
    %broadcast_in_dim3A_132 = arith.constant 0.000000e+00 : f32
    %broadcast_in_dim3A_133 = vector.broadcast %broadcast_in_dim3A_132 : f32 to vector<16xf32>
    %swap3A_134 = arith.constant 1 : i32
    %swap3A_135 = arith.index_cast %swap3A_134 : i32 to index
    %swap3A_136 = arith.constant 112 : index
    %swap3A_137 = tpu.vector_load %arg17[%swap3A_135, %swap3A_136] {strides = array<i32>} : memref<8x128xf32, #tpu.memory_space<vmem>>, vector<1x16xf32>,
    %swap3A_138 = vector.shape_cast %swap3A_137 : vector<1x16xf32> to vector<16xf32>
    %swap3A_139 = vector.shape_cast %broadcast_in_dim3A_133 : vector<16xf32> to vector<1x16xf32>
    tpu.vector_store %arg17[%swap3A_135, %swap3A_136], %swap3A_139 {strides = array<i32>} : memref<8x128xf32, #tpu.memory_space<vmem>>, vector<1x16xf32>,
    %broadcast_in_dim3A_140 = arith.constant 0.000000e+00 : f32
    %broadcast_in_dim3A_141 = vector.broadcast %broadcast_in_dim3A_140 : f32 to vector<16xf32>
    %swap3A_142 = arith.constant 2 : i32
    %swap3A_143 = arith.index_cast %swap3A_142 : i32 to index
    %swap3A_144 = arith.constant 0 : index
    %swap3A_145 = tpu.vector_load %arg17[%swap3A_143, %swap3A_144] {strides = array<i32>} : memref<8x128xf32, #tpu.memory_space<vmem>>, vector<1x16xf32>,
    %swap3A_146 = vector.shape_cast %swap3A_145 : vector<1x16xf32> to vector<16xf32>
    %swap3A_147 = vector.shape_cast %broadcast_in_dim3A_141 : vector<16xf32> to vector<1x16xf32>
    tpu.vector_store %arg17[%swap3A_143, %swap3A_144], %swap3A_147 {strides = array<i32>} : memref<8x128xf32, #tpu.memory_space<vmem>>, vector<1x16xf32>,
    %broadcast_in_dim3A_148 = arith.constant 0.000000e+00 : f32
    %broadcast_in_dim3A_149 = vector.broadcast %broadcast_in_dim3A_148 : f32 to vector<16xf32>
    %swap3A_150 = arith.constant 2 : i32
    %swap3A_151 = arith.index_cast %swap3A_150 : i32 to index
    %swap3A_152 = arith.constant 16 : index
    %swap3A_153 = tpu.vector_load %arg17[%swap3A_151, %swap3A_152] {strides = array<i32>} : memref<8x128xf32, #tpu.memory_space<vmem>>, vector<1x16xf32>,
    %swap3A_154 = vector.shape_cast %swap3A_153 : vector<1x16xf32> to vector<16xf32>
    %swap3A_155 = vector.shape_cast %broadcast_in_dim3A_149 : vector<16xf32> to vector<1x16xf32>
    tpu.vector_store %arg17[%swap3A_151, %swap3A_152], %swap3A_155 {strides = array<i32>} : memref<8x128xf32, #tpu.memory_space<vmem>>, vector<1x16xf32>,
    %broadcast_in_dim3A_156 = arith.constant 0.000000e+00 : f32
    %broadcast_in_dim3A_157 = vector.broadcast %broadcast_in_dim3A_156 : f32 to vector<16xf32>
    %swap3A_158 = arith.constant 2 : i32
    %swap3A_159 = arith.index_cast %swap3A_158 : i32 to index
    %swap3A_160 = arith.constant 32 : index
    %swap3A_161 = tpu.vector_load %arg17[%swap3A_159, %swap3A_160] {strides = array<i32>} : memref<8x128xf32, #tpu.memory_space<vmem>>, vector<1x16xf32>,
    %swap3A_162 = vector.shape_cast %swap3A_161 : vector<1x16xf32> to vector<16xf32>
    %swap3A_163 = vector.shape_cast %broadcast_in_dim3A_157 : vector<16xf32> to vector<1x16xf32>
    tpu.vector_store %arg17[%swap3A_159, %swap3A_160], %swap3A_163 {strides = array<i32>} : memref<8x128xf32, #tpu.memory_space<vmem>>, vector<1x16xf32>,
    %broadcast_in_dim3A_164 = arith.constant 0.000000e+00 : f32
    %broadcast_in_dim3A_165 = vector.broadcast %broadcast_in_dim3A_164 : f32 to vector<16xf32>
    %swap3A_166 = arith.constant 2 : i32
    %swap3A_167 = arith.index_cast %swap3A_166 : i32 to index
    %swap3A_168 = arith.constant 48 : index
    %swap3A_169 = tpu.vector_load %arg17[%swap3A_167, %swap3A_168] {strides = array<i32>} : memref<8x128xf32, #tpu.memory_space<vmem>>, vector<1x16xf32>,
    %swap3A_170 = vector.shape_cast %swap3A_169 : vector<1x16xf32> to vector<16xf32>
    %swap3A_171 = vector.shape_cast %broadcast_in_dim3A_165 : vector<16xf32> to vector<1x16xf32>
    tpu.vector_store %arg17[%swap3A_167, %swap3A_168], %swap3A_171 {strides = array<i32>} : memref<8x128xf32, #tpu.memory_space<vmem>>, vector<1x16xf32>,
    %broadcast_in_dim3A_172 = arith.constant 0.000000e+00 : f32
    %broadcast_in_dim3A_173 = vector.broadcast %broadcast_in_dim3A_172 : f32 to vector<16xf32>
    %swap3A_174 = arith.constant 2 : i32
    %swap3A_175 = arith.index_cast %swap3A_174 : i32 to index
    %swap3A_176 = arith.constant 64 : index
    %swap3A_177 = tpu.vector_load %arg17[%swap3A_175, %swap3A_176] {strides = array<i32>} : memref<8x128xf32, #tpu.memory_space<vmem>>, vector<1x16xf32>,
    %swap3A_178 = vector.shape_cast %swap3A_177 : vector<1x16xf32> to vector<16xf32>
    %swap3A_179 = vector.shape_cast %broadcast_in_dim3A_173 : vector<16xf32> to vector<1x16xf32>
    tpu.vector_store %arg17[%swap3A_175, %swap3A_176], %swap3A_179 {strides = array<i32>} : memref<8x128xf32, #tpu.memory_space<vmem>>, vector<1x16xf32>,
    %broadcast_in_dim3A_180 = arith.constant 0.000000e+00 : f32
    %broadcast_in_dim3A_181 = vector.broadcast %broadcast_in_dim3A_180 : f32 to vector<16xf32>
    %swap3A_182 = arith.constant 2 : i32
    %swap3A_183 = arith.index_cast %swap3A_182 : i32 to index
    %swap3A_184 = arith.constant 80 : index
    %swap3A_185 = tpu.vector_load %arg17[%swap3A_183, %swap3A_184] {strides = array<i32>} : memref<8x128xf32, #tpu.memory_space<vmem>>, vector<1x16xf32>,
    %swap3A_186 = vector.shape_cast %swap3A_185 : vector<1x16xf32> to vector<16xf32>
    %swap3A_187 = vector.shape_cast %broadcast_in_dim3A_181 : vector<16xf32> to vector<1x16xf32>
    tpu.vector_store %arg17[%swap3A_183, %swap3A_184], %swap3A_187 {strides = array<i32>} : memref<8x128xf32, #tpu.memory_space<vmem>>, vector<1x16xf32>,
    %broadcast_in_dim3A_188 = arith.constant 0.000000e+00 : f32
    %broadcast_in_dim3A_189 = vector.broadcast %broadcast_in_dim3A_188 : f32 to vector<16xf32>
    %swap3A_190 = arith.constant 2 : i32
    %swap3A_191 = arith.index_cast %swap3A_190 : i32 to index
    %swap3A_192 = arith.constant 96 : index
    %swap3A_193 = tpu.vector_load %arg17[%swap3A_191, %swap3A_192] {strides = array<i32>} : memref<8x128xf32, #tpu.memory_space<vmem>>, vector<1x16xf32>,
    %swap3A_194 = vector.shape_cast %swap3A_193 : vector<1x16xf32> to vector<16xf32>
    %swap3A_195 = vector.shape_cast %broadcast_in_dim3A_189 : vector<16xf32> to vector<1x16xf32>
    tpu.vector_store %arg17[%swap3A_191, %swap3A_192], %swap3A_195 {strides = array<i32>} : memref<8x128xf32, #tpu.memory_space<vmem>>, vector<1x16xf32>,
    %broadcast_in_dim3A_196 = arith.constant 0.000000e+00 : f32
    %broadcast_in_dim3A_197 = vector.broadcast %broadcast_in_dim3A_196 : f32 to vector<16xf32>
    %swap3A_198 = arith.constant 2 : i32
    %swap3A_199 = arith.index_cast %swap3A_198 : i32 to index
    %swap3A_200 = arith.constant 112 : index
    %swap3A_201 = tpu.vector_load %arg17[%swap3A_199, %swap3A_200] {strides = array<i32>} : memref<8x128xf32, #tpu.memory_space<vmem>>, vector<1x16xf32>,
    %swap3A_202 = vector.shape_cast %swap3A_201 : vector<1x16xf32> to vector<16xf32>
    %swap3A_203 = vector.shape_cast %broadcast_in_dim3A_197 : vector<16xf32> to vector<1x16xf32>
    tpu.vector_store %arg17[%swap3A_199, %swap3A_200], %swap3A_203 {strides = array<i32>} : memref<8x128xf32, #tpu.memory_space<vmem>>, vector<1x16xf32>,
    %broadcast_in_dim3A_204 = arith.constant 0.000000e+00 : f32
    %broadcast_in_dim3A_205 = vector.broadcast %broadcast_in_dim3A_204 : f32 to vector<16xf32>
    %swap3A_206 = arith.constant 3 : i32
    %swap3A_207 = arith.index_cast %swap3A_206 : i32 to index
    %swap3A_208 = arith.constant 0 : index
    %swap3A_209 = tpu.vector_load %arg17[%swap3A_207, %swap3A_208] {strides = array<i32>} : memref<8x128xf32, #tpu.memory_space<vmem>>, vector<1x16xf32>,
    %swap3A_210 = vector.shape_cast %swap3A_209 : vector<1x16xf32> to vector<16xf32>
    %swap3A_211 = vector.shape_cast %broadcast_in_dim3A_205 : vector<16xf32> to vector<1x16xf32>
    tpu.vector_store %arg17[%swap3A_207, %swap3A_208], %swap3A_211 {strides = array<i32>} : memref<8x128xf32, #tpu.memory_space<vmem>>, vector<1x16xf32>,
    %broadcast_in_dim3A_212 = arith.constant 0.000000e+00 : f32
    %broadcast_in_dim3A_213 = vector.broadcast %broadcast_in_dim3A_212 : f32 to vector<16xf32>
    %swap3A_214 = arith.constant 3 : i32
    %swap3A_215 = arith.index_cast %swap3A_214 : i32 to index
    %swap3A_216 = arith.constant 16 : index
    %swap3A_217 = tpu.vector_load %arg17[%swap3A_215, %swap3A_216] {strides = array<i32>} : memref<8x128xf32, #tpu.memory_space<vmem>>, vector<1x16xf32>,
    %swap3A_218 = vector.shape_cast %swap3A_217 : vector<1x16xf32> to vector<16xf32>
    %swap3A_219 = vector.shape_cast %broadcast_in_dim3A_213 : vector<16xf32> to vector<1x16xf32>
    tpu.vector_store %arg17[%swap3A_215, %swap3A_216], %swap3A_219 {strides = array<i32>} : memref<8x128xf32, #tpu.memory_space<vmem>>, vector<1x16xf32>,
    %broadcast_in_dim3A_220 = arith.constant 0.000000e+00 : f32
    %broadcast_in_dim3A_221 = vector.broadcast %broadcast_in_dim3A_220 : f32 to vector<16xf32>
    %swap3A_222 = arith.constant 3 : i32
    %swap3A_223 = arith.index_cast %swap3A_222 : i32 to index
    %swap3A_224 = arith.constant 32 : index
    %swap3A_225 = tpu.vector_load %arg17[%swap3A_223, %swap3A_224] {strides = array<i32>} : memref<8x128xf32, #tpu.memory_space<vmem>>, vector<1x16xf32>,
    %swap3A_226 = vector.shape_cast %swap3A_225 : vector<1x16xf32> to vector<16xf32>
    %swap3A_227 = vector.shape_cast %broadcast_in_dim3A_221 : vector<16xf32> to vector<1x16xf32>
    tpu.vector_store %arg17[%swap3A_223, %swap3A_224], %swap3A_227 {strides = array<i32>} : memref<8x128xf32, #tpu.memory_space<vmem>>, vector<1x16xf32>,
    %broadcast_in_dim3A_228 = arith.constant 0.000000e+00 : f32
    %broadcast_in_dim3A_229 = vector.broadcast %broadcast_in_dim3A_228 : f32 to vector<16xf32>
    %swap3A_230 = arith.constant 3 : i32
    %swap3A_231 = arith.index_cast %swap3A_230 : i32 to index
    %swap3A_232 = arith.constant 48 : index
    %swap3A_233 = tpu.vector_load %arg17[%swap3A_231, %swap3A_232] {strides = array<i32>} : memref<8x128xf32, #tpu.memory_space<vmem>>, vector<1x16xf32>,
    %swap3A_234 = vector.shape_cast %swap3A_233 : vector<1x16xf32> to vector<16xf32>
    %swap3A_235 = vector.shape_cast %broadcast_in_dim3A_229 : vector<16xf32> to vector<1x16xf32>
    tpu.vector_store %arg17[%swap3A_231, %swap3A_232], %swap3A_235 {strides = array<i32>} : memref<8x128xf32, #tpu.memory_space<vmem>>, vector<1x16xf32>,
    %broadcast_in_dim3A_236 = arith.constant 0.000000e+00 : f32
    %broadcast_in_dim3A_237 = vector.broadcast %broadcast_in_dim3A_236 : f32 to vector<16xf32>
    %swap3A_238 = arith.constant 3 : i32
    %swap3A_239 = arith.index_cast %swap3A_238 : i32 to index
    %swap3A_240 = arith.constant 64 : index
    %swap3A_241 = tpu.vector_load %arg17[%swap3A_239, %swap3A_240] {strides = array<i32>} : memref<8x128xf32, #tpu.memory_space<vmem>>, vector<1x16xf32>,
    %swap3A_242 = vector.shape_cast %swap3A_241 : vector<1x16xf32> to vector<16xf32>
    %swap3A_243 = vector.shape_cast %broadcast_in_dim3A_237 : vector<16xf32> to vector<1x16xf32>
    tpu.vector_store %arg17[%swap3A_239, %swap3A_240], %swap3A_243 {strides = array<i32>} : memref<8x128xf32, #tpu.memory_space<vmem>>, vector<1x16xf32>,
    %broadcast_in_dim3A_244 = arith.constant 0.000000e+00 : f32
    %broadcast_in_dim3A_245 = vector.broadcast %broadcast_in_dim3A_244 : f32 to vector<16xf32>
    %swap3A_246 = arith.constant 3 : i32
    %swap3A_247 = arith.index_cast %swap3A_246 : i32 to index
    %swap3A_248 = arith.constant 80 : index
    %swap3A_249 = tpu.vector_load %arg17[%swap3A_247, %swap3A_248] {strides = array<i32>} : memref<8x128xf32, #tpu.memory_space<vmem>>, vector<1x16xf32>,
    %swap3A_250 = vector.shape_cast %swap3A_249 : vector<1x16xf32> to vector<16xf32>
    %swap3A_251 = vector.shape_cast %broadcast_in_dim3A_245 : vector<16xf32> to vector<1x16xf32>
    tpu.vector_store %arg17[%swap3A_247, %swap3A_248], %swap3A_251 {strides = array<i32>} : memref<8x128xf32, #tpu.memory_space<vmem>>, vector<1x16xf32>,
    %broadcast_in_dim3A_252 = arith.constant 0.000000e+00 : f32
    %broadcast_in_dim3A_253 = vector.broadcast %broadcast_in_dim3A_252 : f32 to vector<16xf32>
    %swap3A_254 = arith.constant 3 : i32
    %swap3A_255 = arith.index_cast %swap3A_254 : i32 to index
    %swap3A_256 = arith.constant 96 : index
    %swap3A_257 = tpu.vector_load %arg17[%swap3A_255, %swap3A_256] {strides = array<i32>} : memref<8x128xf32, #tpu.memory_space<vmem>>, vector<1x16xf32>,
    %swap3A_258 = vector.shape_cast %swap3A_257 : vector<1x16xf32> to vector<16xf32>
    %swap3A_259 = vector.shape_cast %broadcast_in_dim3A_253 : vector<16xf32> to vector<1x16xf32>
    tpu.vector_store %arg17[%swap3A_255, %swap3A_256], %swap3A_259 {strides = array<i32>} : memref<8x128xf32, #tpu.memory_space<vmem>>, vector<1x16xf32>,
    %broadcast_in_dim3A_260 = arith.constant 0.000000e+00 : f32
    %broadcast_in_dim3A_261 = vector.broadcast %broadcast_in_dim3A_260 : f32 to vector<16xf32>
    %swap3A_262 = arith.constant 3 : i32
    %swap3A_263 = arith.index_cast %swap3A_262 : i32 to index
    %swap3A_264 = arith.constant 112 : index
    %swap3A_265 = tpu.vector_load %arg17[%swap3A_263, %swap3A_264] {strides = array<i32>} : memref<8x128xf32, #tpu.memory_space<vmem>>, vector<1x16xf32>,
    %swap3A_266 = vector.shape_cast %swap3A_265 : vector<1x16xf32> to vector<16xf32>
    %swap3A_267 = vector.shape_cast %broadcast_in_dim3A_261 : vector<16xf32> to vector<1x16xf32>
    tpu.vector_store %arg17[%swap3A_263, %swap3A_264], %swap3A_267 {strides = array<i32>} : memref<8x128xf32, #tpu.memory_space<vmem>>, vector<1x16xf32>,
    %broadcast_in_dim3A_268 = arith.constant 0.000000e+00 : f32
    %broadcast_in_dim3A_269 = vector.broadcast %broadcast_in_dim3A_268 : f32 to vector<16xf32>
    %swap3A_270 = arith.constant 4 : i32
    %swap3A_271 = arith.index_cast %swap3A_270 : i32 to index
    %swap3A_272 = arith.constant 0 : index
    %swap3A_273 = tpu.vector_load %arg17[%swap3A_271, %swap3A_272] {strides = array<i32>} : memref<8x128xf32, #tpu.memory_space<vmem>>, vector<1x16xf32>,
    %swap3A_274 = vector.shape_cast %swap3A_273 : vector<1x16xf32> to vector<16xf32>
    %swap3A_275 = vector.shape_cast %broadcast_in_dim3A_269 : vector<16xf32> to vector<1x16xf32>
    tpu.vector_store %arg17[%swap3A_271, %swap3A_272], %swap3A_275 {strides = array<i32>} : memref<8x128xf32, #tpu.memory_space<vmem>>, vector<1x16xf32>,
    %broadcast_in_dim3A_276 = arith.constant 0.000000e+00 : f32
    %broadcast_in_dim3A_277 = vector.broadcast %broadcast_in_dim3A_276 : f32 to vector<16xf32>
    %swap3A_278 = arith.constant 4 : i32
    %swap3A_279 = arith.index_cast %swap3A_278 : i32 to index
    %swap3A_280 = arith.constant 16 : index
    %swap3A_281 = tpu.vector_load %arg17[%swap3A_279, %swap3A_280] {strides = array<i32>} : memref<8x128xf32, #tpu.memory_space<vmem>>, vector<1x16xf32>,
    %swap3A_282 = vector.shape_cast %swap3A_281 : vector<1x16xf32> to vector<16xf32>
    %swap3A_283 = vector.shape_cast %broadcast_in_dim3A_277 : vector<16xf32> to vector<1x16xf32>
    tpu.vector_store %arg17[%swap3A_279, %swap3A_280], %swap3A_283 {strides = array<i32>} : memref<8x128xf32, #tpu.memory_space<vmem>>, vector<1x16xf32>,
    %broadcast_in_dim3A_284 = arith.constant 0.000000e+00 : f32
    %broadcast_in_dim3A_285 = vector.broadcast %broadcast_in_dim3A_284 : f32 to vector<16xf32>
    %swap3A_286 = arith.constant 4 : i32
    %swap3A_287 = arith.index_cast %swap3A_286 : i32 to index
    %swap3A_288 = arith.constant 32 : index
    %swap3A_289 = tpu.vector_load %arg17[%swap3A_287, %swap3A_288] {strides = array<i32>} : memref<8x128xf32, #tpu.memory_space<vmem>>, vector<1x16xf32>,
    %swap3A_290 = vector.shape_cast %swap3A_289 : vector<1x16xf32> to vector<16xf32>
    %swap3A_291 = vector.shape_cast %broadcast_in_dim3A_285 : vector<16xf32> to vector<1x16xf32>
    tpu.vector_store %arg17[%swap3A_287, %swap3A_288], %swap3A_291 {strides = array<i32>} : memref<8x128xf32, #tpu.memory_space<vmem>>, vector<1x16xf32>,
    %broadcast_in_dim3A_292 = arith.constant 0.000000e+00 : f32
    %broadcast_in_dim3A_293 = vector.broadcast %broadcast_in_dim3A_292 : f32 to vector<16xf32>
    %swap3A_294 = arith.constant 4 : i32
    %swap3A_295 = arith.index_cast %swap3A_294 : i32 to index
    %swap3A_296 = arith.constant 48 : index
    %swap3A_297 = tpu.vector_load %arg17[%swap3A_295, %swap3A_296] {strides = array<i32>} : memref<8x128xf32, #tpu.memory_space<vmem>>, vector<1x16xf32>,
    %swap3A_298 = vector.shape_cast %swap3A_297 : vector<1x16xf32> to vector<16xf32>
    %swap3A_299 = vector.shape_cast %broadcast_in_dim3A_293 : vector<16xf32> to vector<1x16xf32>
    tpu.vector_store %arg17[%swap3A_295, %swap3A_296], %swap3A_299 {strides = array<i32>} : memref<8x128xf32, #tpu.memory_space<vmem>>, vector<1x16xf32>,
    %broadcast_in_dim3A_300 = arith.constant 0.000000e+00 : f32
    %broadcast_in_dim3A_301 = vector.broadcast %broadcast_in_dim3A_300 : f32 to vector<16xf32>
    %swap3A_302 = arith.constant 4 : i32
    %swap3A_303 = arith.index_cast %swap3A_302 : i32 to index
    %swap3A_304 = arith.constant 64 : index
    %swap3A_305 = tpu.vector_load %arg17[%swap3A_303, %swap3A_304] {strides = array<i32>} : memref<8x128xf32, #tpu.memory_space<vmem>>, vector<1x16xf32>,
    %swap3A_306 = vector.shape_cast %swap3A_305 : vector<1x16xf32> to vector<16xf32>
    %swap3A_307 = vector.shape_cast %broadcast_in_dim3A_301 : vector<16xf32> to vector<1x16xf32>
    tpu.vector_store %arg17[%swap3A_303, %swap3A_304], %swap3A_307 {strides = array<i32>} : memref<8x128xf32, #tpu.memory_space<vmem>>, vector<1x16xf32>,
    %broadcast_in_dim3A_308 = arith.constant 0.000000e+00 : f32
    %broadcast_in_dim3A_309 = vector.broadcast %broadcast_in_dim3A_308 : f32 to vector<16xf32>
    %swap3A_310 = arith.constant 4 : i32
    %swap3A_311 = arith.index_cast %swap3A_310 : i32 to index
    %swap3A_312 = arith.constant 80 : index
    %swap3A_313 = tpu.vector_load %arg17[%swap3A_311, %swap3A_312] {strides = array<i32>} : memref<8x128xf32, #tpu.memory_space<vmem>>, vector<1x16xf32>,
    %swap3A_314 = vector.shape_cast %swap3A_313 : vector<1x16xf32> to vector<16xf32>
    %swap3A_315 = vector.shape_cast %broadcast_in_dim3A_309 : vector<16xf32> to vector<1x16xf32>
    tpu.vector_store %arg17[%swap3A_311, %swap3A_312], %swap3A_315 {strides = array<i32>} : memref<8x128xf32, #tpu.memory_space<vmem>>, vector<1x16xf32>,
    %broadcast_in_dim3A_316 = arith.constant 0.000000e+00 : f32
    %broadcast_in_dim3A_317 = vector.broadcast %broadcast_in_dim3A_316 : f32 to vector<16xf32>
    %swap3A_318 = arith.constant 4 : i32
    %swap3A_319 = arith.index_cast %swap3A_318 : i32 to index
    %swap3A_320 = arith.constant 96 : index
    %swap3A_321 = tpu.vector_load %arg17[%swap3A_319, %swap3A_320] {strides = array<i32>} : memref<8x128xf32, #tpu.memory_space<vmem>>, vector<1x16xf32>,
    %swap3A_322 = vector.shape_cast %swap3A_321 : vector<1x16xf32> to vector<16xf32>
    %swap3A_323 = vector.shape_cast %broadcast_in_dim3A_317 : vector<16xf32> to vector<1x16xf32>
    tpu.vector_store %arg17[%swap3A_319, %swap3A_320], %swap3A_323 {strides = array<i32>} : memref<8x128xf32, #tpu.memory_space<vmem>>, vector<1x16xf32>,
    %broadcast_in_dim3A_324 = arith.constant 0.000000e+00 : f32
    %broadcast_in_dim3A_325 = vector.broadcast %broadcast_in_dim3A_324 : f32 to vector<16xf32>
    %swap3A_326 = arith.constant 4 : i32
    %swap3A_327 = arith.index_cast %swap3A_326 : i32 to index
    %swap3A_328 = arith.constant 112 : index
    %swap3A_329 = tpu.vector_load %arg17[%swap3A_327, %swap3A_328] {strides = array<i32>} : memref<8x128xf32, #tpu.memory_space<vmem>>, vector<1x16xf32>,
    %swap3A_330 = vector.shape_cast %swap3A_329 : vector<1x16xf32> to vector<16xf32>
    %swap3A_331 = vector.shape_cast %broadcast_in_dim3A_325 : vector<16xf32> to vector<1x16xf32>
    tpu.vector_store %arg17[%swap3A_327, %swap3A_328], %swap3A_331 {strides = array<i32>} : memref<8x128xf32, #tpu.memory_space<vmem>>, vector<1x16xf32>,
    %broadcast_in_dim3A_332 = arith.constant 0.000000e+00 : f32
    %broadcast_in_dim3A_333 = vector.broadcast %broadcast_in_dim3A_332 : f32 to vector<16xf32>
    %swap3A_334 = arith.constant 5 : i32
    %swap3A_335 = arith.index_cast %swap3A_334 : i32 to index
    %swap3A_336 = arith.constant 0 : index
    %swap3A_337 = tpu.vector_load %arg17[%swap3A_335, %swap3A_336] {strides = array<i32>} : memref<8x128xf32, #tpu.memory_space<vmem>>, vector<1x16xf32>,
    %swap3A_338 = vector.shape_cast %swap3A_337 : vector<1x16xf32> to vector<16xf32>
    %swap3A_339 = vector.shape_cast %broadcast_in_dim3A_333 : vector<16xf32> to vector<1x16xf32>
    tpu.vector_store %arg17[%swap3A_335, %swap3A_336], %swap3A_339 {strides = array<i32>} : memref<8x128xf32, #tpu.memory_space<vmem>>, vector<1x16xf32>,
    %broadcast_in_dim3A_340 = arith.constant 0.000000e+00 : f32
    %broadcast_in_dim3A_341 = vector.broadcast %broadcast_in_dim3A_340 : f32 to vector<16xf32>
    %swap3A_342 = arith.constant 5 : i32
    %swap3A_343 = arith.index_cast %swap3A_342 : i32 to index
    %swap3A_344 = arith.constant 16 : index
    %swap3A_345 = tpu.vector_load %arg17[%swap3A_343, %swap3A_344] {strides = array<i32>} : memref<8x128xf32, #tpu.memory_space<vmem>>, vector<1x16xf32>,
    %swap3A_346 = vector.shape_cast %swap3A_345 : vector<1x16xf32> to vector<16xf32>
    %swap3A_347 = vector.shape_cast %broadcast_in_dim3A_341 : vector<16xf32> to vector<1x16xf32>
    tpu.vector_store %arg17[%swap3A_343, %swap3A_344], %swap3A_347 {strides = array<i32>} : memref<8x128xf32, #tpu.memory_space<vmem>>, vector<1x16xf32>,
    %broadcast_in_dim3A_348 = arith.constant 0.000000e+00 : f32
    %broadcast_in_dim3A_349 = vector.broadcast %broadcast_in_dim3A_348 : f32 to vector<16xf32>
    %swap3A_350 = arith.constant 5 : i32
    %swap3A_351 = arith.index_cast %swap3A_350 : i32 to index
    %swap3A_352 = arith.constant 32 : index
    %swap3A_353 = tpu.vector_load %arg17[%swap3A_351, %swap3A_352] {strides = array<i32>} : memref<8x128xf32, #tpu.memory_space<vmem>>, vector<1x16xf32>,
    %swap3A_354 = vector.shape_cast %swap3A_353 : vector<1x16xf32> to vector<16xf32>
    %swap3A_355 = vector.shape_cast %broadcast_in_dim3A_349 : vector<16xf32> to vector<1x16xf32>
    tpu.vector_store %arg17[%swap3A_351, %swap3A_352], %swap3A_355 {strides = array<i32>} : memref<8x128xf32, #tpu.memory_space<vmem>>, vector<1x16xf32>,
    %broadcast_in_dim3A_356 = arith.constant 0.000000e+00 : f32
    %broadcast_in_dim3A_357 = vector.broadcast %broadcast_in_dim3A_356 : f32 to vector<16xf32>
    %swap3A_358 = arith.constant 5 : i32
    %swap3A_359 = arith.index_cast %swap3A_358 : i32 to index
    %swap3A_360 = arith.constant 48 : index
    %swap3A_361 = tpu.vector_load %arg17[%swap3A_359, %swap3A_360] {strides = array<i32>} : memref<8x128xf32, #tpu.memory_space<vmem>>, vector<1x16xf32>,
    %swap3A_362 = vector.shape_cast %swap3A_361 : vector<1x16xf32> to vector<16xf32>
    %swap3A_363 = vector.shape_cast %broadcast_in_dim3A_357 : vector<16xf32> to vector<1x16xf32>
    tpu.vector_store %arg17[%swap3A_359, %swap3A_360], %swap3A_363 {strides = array<i32>} : memref<8x128xf32, #tpu.memory_space<vmem>>, vector<1x16xf32>,
    %broadcast_in_dim3A_364 = arith.constant 0.000000e+00 : f32
    %broadcast_in_dim3A_365 = vector.broadcast %broadcast_in_dim3A_364 : f32 to vector<16xf32>
    %swap3A_366 = arith.constant 5 : i32
    %swap3A_367 = arith.index_cast %swap3A_366 : i32 to index
    %swap3A_368 = arith.constant 64 : index
    %swap3A_369 = tpu.vector_load %arg17[%swap3A_367, %swap3A_368] {strides = array<i32>} : memref<8x128xf32, #tpu.memory_space<vmem>>, vector<1x16xf32>,
    %swap3A_370 = vector.shape_cast %swap3A_369 : vector<1x16xf32> to vector<16xf32>
    %swap3A_371 = vector.shape_cast %broadcast_in_dim3A_365 : vector<16xf32> to vector<1x16xf32>
    tpu.vector_store %arg17[%swap3A_367, %swap3A_368], %swap3A_371 {strides = array<i32>} : memref<8x128xf32, #tpu.memory_space<vmem>>, vector<1x16xf32>,
    %broadcast_in_dim3A_372 = arith.constant 0.000000e+00 : f32
    %broadcast_in_dim3A_373 = vector.broadcast %broadcast_in_dim3A_372 : f32 to vector<16xf32>
    %swap3A_374 = arith.constant 5 : i32
    %swap3A_375 = arith.index_cast %swap3A_374 : i32 to index
    %swap3A_376 = arith.constant 80 : index
    %swap3A_377 = tpu.vector_load %arg17[%swap3A_375, %swap3A_376] {strides = array<i32>} : memref<8x128xf32, #tpu.memory_space<vmem>>, vector<1x16xf32>,
    %swap3A_378 = vector.shape_cast %swap3A_377 : vector<1x16xf32> to vector<16xf32>
    %swap3A_379 = vector.shape_cast %broadcast_in_dim3A_373 : vector<16xf32> to vector<1x16xf32>
    tpu.vector_store %arg17[%swap3A_375, %swap3A_376], %swap3A_379 {strides = array<i32>} : memref<8x128xf32, #tpu.memory_space<vmem>>, vector<1x16xf32>,
    %broadcast_in_dim3A_380 = arith.constant 0.000000e+00 : f32
    %broadcast_in_dim3A_381 = vector.broadcast %broadcast_in_dim3A_380 : f32 to vector<16xf32>
    %swap3A_382 = arith.constant 5 : i32
    %swap3A_383 = arith.index_cast %swap3A_382 : i32 to index
    %swap3A_384 = arith.constant 96 : index
    %swap3A_385 = tpu.vector_load %arg17[%swap3A_383, %swap3A_384] {strides = array<i32>} : memref<8x128xf32, #tpu.memory_space<vmem>>, vector<1x16xf32>,
    %swap3A_386 = vector.shape_cast %swap3A_385 : vector<1x16xf32> to vector<16xf32>
    %swap3A_387 = vector.shape_cast %broadcast_in_dim3A_381 : vector<16xf32> to vector<1x16xf32>
    tpu.vector_store %arg17[%swap3A_383, %swap3A_384], %swap3A_387 {strides = array<i32>} : memref<8x128xf32, #tpu.memory_space<vmem>>, vector<1x16xf32>,
    %broadcast_in_dim3A_388 = arith.constant 0.000000e+00 : f32
    %broadcast_in_dim3A_389 = vector.broadcast %broadcast_in_dim3A_388 : f32 to vector<16xf32>
    %swap3A_390 = arith.constant 5 : i32
    %swap3A_391 = arith.index_cast %swap3A_390 : i32 to index
    %swap3A_392 = arith.constant 112 : index
    %swap3A_393 = tpu.vector_load %arg17[%swap3A_391, %swap3A_392] {strides = array<i32>} : memref<8x128xf32, #tpu.memory_space<vmem>>, vector<1x16xf32>,
    %swap3A_394 = vector.shape_cast %swap3A_393 : vector<1x16xf32> to vector<16xf32>
    %swap3A_395 = vector.shape_cast %broadcast_in_dim3A_389 : vector<16xf32> to vector<1x16xf32>
    tpu.vector_store %arg17[%swap3A_391, %swap3A_392], %swap3A_395 {strides = array<i32>} : memref<8x128xf32, #tpu.memory_space<vmem>>, vector<1x16xf32>,
    %broadcast_in_dim3A_396 = arith.constant 0.000000e+00 : f32
    %broadcast_in_dim3A_397 = vector.broadcast %broadcast_in_dim3A_396 : f32 to vector<16xf32>
    %swap3A_398 = arith.constant 6 : i32
    %swap3A_399 = arith.index_cast %swap3A_398 : i32 to index
    %swap3A_400 = arith.constant 0 : index
    %swap3A_401 = tpu.vector_load %arg17[%swap3A_399, %swap3A_400] {strides = array<i32>} : memref<8x128xf32, #tpu.memory_space<vmem>>, vector<1x16xf32>,
    %swap3A_402 = vector.shape_cast %swap3A_401 : vector<1x16xf32> to vector<16xf32>
    %swap3A_403 = vector.shape_cast %broadcast_in_dim3A_397 : vector<16xf32> to vector<1x16xf32>
    tpu.vector_store %arg17[%swap3A_399, %swap3A_400], %swap3A_403 {strides = array<i32>} : memref<8x128xf32, #tpu.memory_space<vmem>>, vector<1x16xf32>,
    %broadcast_in_dim3A_404 = arith.constant 0.000000e+00 : f32
    %broadcast_in_dim3A_405 = vector.broadcast %broadcast_in_dim3A_404 : f32 to vector<16xf32>
    %swap3A_406 = arith.constant 6 : i32
    %swap3A_407 = arith.index_cast %swap3A_406 : i32 to index
    %swap3A_408 = arith.constant 16 : index
    %swap3A_409 = tpu.vector_load %arg17[%swap3A_407, %swap3A_408] {strides = array<i32>} : memref<8x128xf32, #tpu.memory_space<vmem>>, vector<1x16xf32>,
    %swap3A_410 = vector.shape_cast %swap3A_409 : vector<1x16xf32> to vector<16xf32>
    %swap3A_411 = vector.shape_cast %broadcast_in_dim3A_405 : vector<16xf32> to vector<1x16xf32>
    tpu.vector_store %arg17[%swap3A_407, %swap3A_408], %swap3A_411 {strides = array<i32>} : memref<8x128xf32, #tpu.memory_space<vmem>>, vector<1x16xf32>,
    %broadcast_in_dim3A_412 = arith.constant 0.000000e+00 : f32
    %broadcast_in_dim3A_413 = vector.broadcast %broadcast_in_dim3A_412 : f32 to vector<16xf32>
    %swap3A_414 = arith.constant 6 : i32
    %swap3A_415 = arith.index_cast %swap3A_414 : i32 to index
    %swap3A_416 = arith.constant 32 : index
    %swap3A_417 = tpu.vector_load %arg17[%swap3A_415, %swap3A_416] {strides = array<i32>} : memref<8x128xf32, #tpu.memory_space<vmem>>, vector<1x16xf32>,
    %swap3A_418 = vector.shape_cast %swap3A_417 : vector<1x16xf32> to vector<16xf32>
    %swap3A_419 = vector.shape_cast %broadcast_in_dim3A_413 : vector<16xf32> to vector<1x16xf32>
    tpu.vector_store %arg17[%swap3A_415, %swap3A_416], %swap3A_419 {strides = array<i32>} : memref<8x128xf32, #tpu.memory_space<vmem>>, vector<1x16xf32>,
    %broadcast_in_dim3A_420 = arith.constant 0.000000e+00 : f32
    %broadcast_in_dim3A_421 = vector.broadcast %broadcast_in_dim3A_420 : f32 to vector<16xf32>
    %swap3A_422 = arith.constant 6 : i32
    %swap3A_423 = arith.index_cast %swap3A_422 : i32 to index
    %swap3A_424 = arith.constant 48 : index
    %swap3A_425 = tpu.vector_load %arg17[%swap3A_423, %swap3A_424] {strides = array<i32>} : memref<8x128xf32, #tpu.memory_space<vmem>>, vector<1x16xf32>,
    %swap3A_426 = vector.shape_cast %swap3A_425 : vector<1x16xf32> to vector<16xf32>
    %swap3A_427 = vector.shape_cast %broadcast_in_dim3A_421 : vector<16xf32> to vector<1x16xf32>
    tpu.vector_store %arg17[%swap3A_423, %swap3A_424], %swap3A_427 {strides = array<i32>} : memref<8x128xf32, #tpu.memory_space<vmem>>, vector<1x16xf32>,
    %broadcast_in_dim3A_428 = arith.constant 0.000000e+00 : f32
    %broadcast_in_dim3A_429 = vector.broadcast %broadcast_in_dim3A_428 : f32 to vector<16xf32>
    %swap3A_430 = arith.constant 6 : i32
    %swap3A_431 = arith.index_cast %swap3A_430 : i32 to index
    %swap3A_432 = arith.constant 64 : index
    %swap3A_433 = tpu.vector_load %arg17[%swap3A_431, %swap3A_432] {strides = array<i32>} : memref<8x128xf32, #tpu.memory_space<vmem>>, vector<1x16xf32>,
    %swap3A_434 = vector.shape_cast %swap3A_433 : vector<1x16xf32> to vector<16xf32>
    %swap3A_435 = vector.shape_cast %broadcast_in_dim3A_429 : vector<16xf32> to vector<1x16xf32>
    tpu.vector_store %arg17[%swap3A_431, %swap3A_432], %swap3A_435 {strides = array<i32>} : memref<8x128xf32, #tpu.memory_space<vmem>>, vector<1x16xf32>,
    %broadcast_in_dim3A_436 = arith.constant 0.000000e+00 : f32
    %broadcast_in_dim3A_437 = vector.broadcast %broadcast_in_dim3A_436 : f32 to vector<16xf32>
    %swap3A_438 = arith.constant 6 : i32
    %swap3A_439 = arith.index_cast %swap3A_438 : i32 to index
    %swap3A_440 = arith.constant 80 : index
    %swap3A_441 = tpu.vector_load %arg17[%swap3A_439, %swap3A_440] {strides = array<i32>} : memref<8x128xf32, #tpu.memory_space<vmem>>, vector<1x16xf32>,
    %swap3A_442 = vector.shape_cast %swap3A_441 : vector<1x16xf32> to vector<16xf32>
    %swap3A_443 = vector.shape_cast %broadcast_in_dim3A_437 : vector<16xf32> to vector<1x16xf32>
    tpu.vector_store %arg17[%swap3A_439, %swap3A_440], %swap3A_443 {strides = array<i32>} : memref<8x128xf32, #tpu.memory_space<vmem>>, vector<1x16xf32>,
    %broadcast_in_dim3A_444 = arith.constant 0.000000e+00 : f32
    %broadcast_in_dim3A_445 = vector.broadcast %broadcast_in_dim3A_444 : f32 to vector<16xf32>
    %swap3A_446 = arith.constant 6 : i32
    %swap3A_447 = arith.index_cast %swap3A_446 : i32 to index
    %swap3A_448 = arith.constant 96 : index
    %swap3A_449 = tpu.vector_load %arg17[%swap3A_447, %swap3A_448] {strides = array<i32>} : memref<8x128xf32, #tpu.memory_space<vmem>>, vector<1x16xf32>,
    %swap3A_450 = vector.shape_cast %swap3A_449 : vector<1x16xf32> to vector<16xf32>
    %swap3A_451 = vector.shape_cast %broadcast_in_dim3A_445 : vector<16xf32> to vector<1x16xf32>
    tpu.vector_store %arg17[%swap3A_447, %swap3A_448], %swap3A_451 {strides = array<i32>} : memref<8x128xf32, #tpu.memory_space<vmem>>, vector<1x16xf32>,
    %broadcast_in_dim3A_452 = arith.constant 0.000000e+00 : f32
    %broadcast_in_dim3A_453 = vector.broadcast %broadcast_in_dim3A_452 : f32 to vector<16xf32>
    %swap3A_454 = arith.constant 6 : i32
    %swap3A_455 = arith.index_cast %swap3A_454 : i32 to index
    %swap3A_456 = arith.constant 112 : index
    %swap3A_457 = tpu.vector_load %arg17[%swap3A_455, %swap3A_456] {strides = array<i32>} : memref<8x128xf32, #tpu.memory_space<vmem>>, vector<1x16xf32>,
    %swap3A_458 = vector.shape_cast %swap3A_457 : vector<1x16xf32> to vector<16xf32>
    %swap3A_459 = vector.shape_cast %broadcast_in_dim3A_453 : vector<16xf32> to vector<1x16xf32>
    tpu.vector_store %arg17[%swap3A_455, %swap3A_456], %swap3A_459 {strides = array<i32>} : memref<8x128xf32, #tpu.memory_space<vmem>>, vector<1x16xf32>,
    %broadcast_in_dim3A_460 = arith.constant 0.000000e+00 : f32
    %broadcast_in_dim3A_461 = vector.broadcast %broadcast_in_dim3A_460 : f32 to vector<16xf32>
    %swap3A_462 = arith.constant 7 : i32
    %swap3A_463 = arith.index_cast %swap3A_462 : i32 to index
    %swap3A_464 = arith.constant 0 : index
    %swap3A_465 = tpu.vector_load %arg17[%swap3A_463, %swap3A_464] {strides = array<i32>} : memref<8x128xf32, #tpu.memory_space<vmem>>, vector<1x16xf32>,
    %swap3A_466 = vector.shape_cast %swap3A_465 : vector<1x16xf32> to vector<16xf32>
    %swap3A_467 = vector.shape_cast %broadcast_in_dim3A_461 : vector<16xf32> to vector<1x16xf32>
    tpu.vector_store %arg17[%swap3A_463, %swap3A_464], %swap3A_467 {strides = array<i32>} : memref<8x128xf32, #tpu.memory_space<vmem>>, vector<1x16xf32>,
    %broadcast_in_dim3A_468 = arith.constant 0.000000e+00 : f32
    %broadcast_in_dim3A_469 = vector.broadcast %broadcast_in_dim3A_468 : f32 to vector<16xf32>
    %swap3A_470 = arith.constant 7 : i32
    %swap3A_471 = arith.index_cast %swap3A_470 : i32 to index
    %swap3A_472 = arith.constant 16 : index
    %swap3A_473 = tpu.vector_load %arg17[%swap3A_471, %swap3A_472] {strides = array<i32>} : memref<8x128xf32, #tpu.memory_space<vmem>>, vector<1x16xf32>,
    %swap3A_474 = vector.shape_cast %swap3A_473 : vector<1x16xf32> to vector<16xf32>
    %swap3A_475 = vector.shape_cast %broadcast_in_dim3A_469 : vector<16xf32> to vector<1x16xf32>
    tpu.vector_store %arg17[%swap3A_471, %swap3A_472], %swap3A_475 {strides = array<i32>} : memref<8x128xf32, #tpu.memory_space<vmem>>, vector<1x16xf32>,
    %broadcast_in_dim3A_476 = arith.constant 0.000000e+00 : f32
    %broadcast_in_dim3A_477 = vector.broadcast %broadcast_in_dim3A_476 : f32 to vector<16xf32>
    %swap3A_478 = arith.constant 7 : i32
    %swap3A_479 = arith.index_cast %swap3A_478 : i32 to index
    %swap3A_480 = arith.constant 32 : index
    %swap3A_481 = tpu.vector_load %arg17[%swap3A_479, %swap3A_480] {strides = array<i32>} : memref<8x128xf32, #tpu.memory_space<vmem>>, vector<1x16xf32>,
    %swap3A_482 = vector.shape_cast %swap3A_481 : vector<1x16xf32> to vector<16xf32>
    %swap3A_483 = vector.shape_cast %broadcast_in_dim3A_477 : vector<16xf32> to vector<1x16xf32>
    tpu.vector_store %arg17[%swap3A_479, %swap3A_480], %swap3A_483 {strides = array<i32>} : memref<8x128xf32, #tpu.memory_space<vmem>>, vector<1x16xf32>,
    %broadcast_in_dim3A_484 = arith.constant 0.000000e+00 : f32
    %broadcast_in_dim3A_485 = vector.broadcast %broadcast_in_dim3A_484 : f32 to vector<16xf32>
    %swap3A_486 = arith.constant 7 : i32
    %swap3A_487 = arith.index_cast %swap3A_486 : i32 to index
    %swap3A_488 = arith.constant 48 : index
    %swap3A_489 = tpu.vector_load %arg17[%swap3A_487, %swap3A_488] {strides = array<i32>} : memref<8x128xf32, #tpu.memory_space<vmem>>, vector<1x16xf32>,
    %swap3A_490 = vector.shape_cast %swap3A_489 : vector<1x16xf32> to vector<16xf32>
    %swap3A_491 = vector.shape_cast %broadcast_in_dim3A_485 : vector<16xf32> to vector<1x16xf32>
    tpu.vector_store %arg17[%swap3A_487, %swap3A_488], %swap3A_491 {strides = array<i32>} : memref<8x128xf32, #tpu.memory_space<vmem>>, vector<1x16xf32>,
    %broadcast_in_dim3A_492 = arith.constant 0.000000e+00 : f32
    %broadcast_in_dim3A_493 = vector.broadcast %broadcast_in_dim3A_492 : f32 to vector<16xf32>
    %swap3A_494 = arith.constant 7 : i32
    %swap3A_495 = arith.index_cast %swap3A_494 : i32 to index
    %swap3A_496 = arith.constant 64 : index
    %swap3A_497 = tpu.vector_load %arg17[%swap3A_495, %swap3A_496] {strides = array<i32>} : memref<8x128xf32, #tpu.memory_space<vmem>>, vector<1x16xf32>,
    %swap3A_498 = vector.shape_cast %swap3A_497 : vector<1x16xf32> to vector<16xf32>
    %swap3A_499 = vector.shape_cast %broadcast_in_dim3A_493 : vector<16xf32> to vector<1x16xf32>
    tpu.vector_store %arg17[%swap3A_495, %swap3A_496], %swap3A_499 {strides = array<i32>} : memref<8x128xf32, #tpu.memory_space<vmem>>, vector<1x16xf32>,
    %broadcast_in_dim3A_500 = arith.constant 0.000000e+00 : f32
    %broadcast_in_dim3A_501 = vector.broadcast %broadcast_in_dim3A_500 : f32 to vector<16xf32>
    %swap3A_502 = arith.constant 7 : i32
    %swap3A_503 = arith.index_cast %swap3A_502 : i32 to index
    %swap3A_504 = arith.constant 80 : index
    %swap3A_505 = tpu.vector_load %arg17[%swap3A_503, %swap3A_504] {strides = array<i32>} : memref<8x128xf32, #tpu.memory_space<vmem>>, vector<1x16xf32>,
    %swap3A_506 = vector.shape_cast %swap3A_505 : vector<1x16xf32> to vector<16xf32>
    %swap3A_507 = vector.shape_cast %broadcast_in_dim3A_501 : vector<16xf32> to vector<1x16xf32>
    tpu.vector_store %arg17[%swap3A_503, %swap3A_504], %swap3A_507 {strides = array<i32>} : memref<8x128xf32, #tpu.memory_space<vmem>>, vector<1x16xf32>,
    %broadcast_in_dim3A_508 = arith.constant 0.000000e+00 : f32
    %broadcast_in_dim3A_509 = vector.broadcast %broadcast_in_dim3A_508 : f32 to vector<16xf32>
    %swap3A_510 = arith.constant 7 : i32
    %swap3A_511 = arith.index_cast %swap3A_510 : i32 to index
    %swap3A_512 = arith.constant 96 : index
    %swap3A_513 = tpu.vector_load %arg17[%swap3A_511, %swap3A_512] {strides = array<i32>} : memref<8x128xf32, #tpu.memory_space<vmem>>, vector<1x16xf32>,
    %swap3A_514 = vector.shape_cast %swap3A_513 : vector<1x16xf32> to vector<16xf32>
    %swap3A_515 = vector.shape_cast %broadcast_in_dim3A_509 : vector<16xf32> to vector<1x16xf32>
    tpu.vector_store %arg17[%swap3A_511, %swap3A_512], %swap3A_515 {strides = array<i32>} : memref<8x128xf32, #tpu.memory_space<vmem>>, vector<1x16xf32>,
    %broadcast_in_dim3A_516 = arith.constant 0.000000e+00 : f32
    %broadcast_in_dim3A_517 = vector.broadcast %broadcast_in_dim3A_516 : f32 to vector<16xf32>
    %swap3A_518 = arith.constant 7 : i32
    %swap3A_519 = arith.index_cast %swap3A_518 : i32 to index
    %swap3A_520 = arith.constant 112 : index
    %swap3A_521 = tpu.vector_load %arg17[%swap3A_519, %swap3A_520] {strides = array<i32>} : memref<8x128xf32, #tpu.memory_space<vmem>>, vector<1x16xf32>,
    %swap3A_522 = vector.shape_cast %swap3A_521 : vector<1x16xf32> to vector<16xf32>
    %swap3A_523 = vector.shape_cast %broadcast_in_dim3A_517 : vector<16xf32> to vector<1x16xf32>
    tpu.vector_store %arg17[%swap3A_519, %swap3A_520], %swap3A_523 {strides = array<i32>} : memref<8x128xf32, #tpu.memory_space<vmem>>, vector<1x16xf32>,
    %scan3A = arith.constant 0 : i32
    %scan3A_524 = arith.constant 0 : i32
    %scan3A_525 = arith.constant 79 : i32
    %scan3A_526 = arith.addi %scan3A_524, %scan3A_525 : i32
    %scan3A_527 = arith.constant 1 : i32
    scf.for %scan3A_664 = %scan3A_524 to %scan3A_526 step %scan3A_527  : i32 {
      %mul3A_665 = arith.constant 632 : i32
      %mul3A_666 = arith.muli %arg1, %mul3A_665 : i32
      %mul3A_667 = arith.constant 8 : i32
      %mul3A_668 = arith.muli %scan3A_664, %mul3A_667 : i32
      %add3A_669 = arith.addi %mul3A_666, %mul3A_668 : i32
      %dma_start3A_670 = arith.constant 0 : i32
      %dma_start3A_671 = tpu.memref_slice %arg6[%add3A_669, %dma_start3A_670] : memref<10112x128xf32, #tpu.memory_space<vmem_shared>> -> memref<8x128xf32, #tpu.memory_space<vmem_shared>>
      %dma_start3A_672 = arith.constant 0 : i32
      %dma_start3A_673 = tpu.memref_slice %arg6[%add3A_669, %dma_start3A_672] : memref<10112x128xf32, #tpu.memory_space<vmem_shared>> -> memref<8x128xf32, #tpu.memory_space<vmem_shared>>
      tpu.enqueue_dma source(%arg17 : memref<8x128xf32, #tpu.memory_space<vmem>>) target(%dma_start3A_673 : memref<8x128xf32, #tpu.memory_space<vmem_shared>>) target_semaphore(%arg21 : memref<!tpu.dma_semaphore, #tpu.memory_space<semaphore_mem>>)
    }
    %scan3A_528 = arith.constant 79 : i32
    %scan3A_529 = arith.constant 0 : i32
    %scan3A_530 = arith.constant 0 : i32
    %scan3A_531 = arith.constant 79 : i32
    %scan3A_532 = arith.addi %scan3A_530, %scan3A_531 : i32
    %scan3A_533 = arith.constant 1 : i32
    scf.for %scan3A_664 = %scan3A_530 to %scan3A_532 step %scan3A_533  : i32 {
      %mul3A_665 = arith.constant 632 : i32
      %mul3A_666 = arith.muli %arg1, %mul3A_665 : i32
      %dma_wait3A_667 = arith.constant 0 : i32
      %dma_wait3A_668 = tpu.memref_slice %arg6[%mul3A_666, %dma_wait3A_667] : memref<10112x128xf32, #tpu.memory_space<vmem_shared>> -> memref<8x128xf32, #tpu.memory_space<vmem_shared>>
      %dma_wait3A_669 = arith.constant 0 : i32
      %dma_wait3A_670 = tpu.memref_slice %arg6[%mul3A_666, %dma_wait3A_669] : memref<10112x128xf32, #tpu.memory_space<vmem_shared>> -> memref<8x128xf32, #tpu.memory_space<vmem_shared>>
      tpu.wait_dma2 semaphore(%arg21 : memref<!tpu.dma_semaphore, #tpu.memory_space<semaphore_mem>>) src(%arg17 : memref<8x128xf32, #tpu.memory_space<vmem>>) dst(%dma_wait3A_670 : memref<8x128xf32, #tpu.memory_space<vmem_shared>>)
    }
    %scan3A_534 = arith.constant 79 : i32
    %barrier3A = arith.constant 0 : index
    tpu.barrier barrier_id(%barrier3A)
    %broadcast_in_dim3A_535 = arith.constant 10000 : i32
    %broadcast_in_dim3A_536 = vector.broadcast %broadcast_in_dim3A_535 : i32 to vector<16xi32>
    %swap3A_537 = arith.constant 0 : index
    %swap3A_538 = tpu.vector_load %arg13[%swap3A_537] {strides = array<i32>} : memref<128xi32, #tpu.memory_space<vmem>>, vector<16xi32>,
    %swap3A_539 = vector.shape_cast %swap3A_538 : vector<16xi32> to vector<16xi32>
    %swap3A_540 = vector.shape_cast %broadcast_in_dim3A_536 : vector<16xi32> to vector<16xi32>
    tpu.vector_store %arg13[%swap3A_537], %swap3A_540 {strides = array<i32>} : memref<128xi32, #tpu.memory_space<vmem>>, vector<16xi32>,
    %broadcast_in_dim3A_541 = arith.constant 10000 : i32
    %broadcast_in_dim3A_542 = vector.broadcast %broadcast_in_dim3A_541 : i32 to vector<16xi32>
    %swap3A_543 = arith.constant 0 : index
    %swap3A_544 = tpu.vector_load %arg14[%swap3A_543] {strides = array<i32>} : memref<128xi32, #tpu.memory_space<vmem>>, vector<16xi32>,
    %swap3A_545 = vector.shape_cast %swap3A_544 : vector<16xi32> to vector<16xi32>
    %swap3A_546 = vector.shape_cast %broadcast_in_dim3A_542 : vector<16xi32> to vector<16xi32>
    tpu.vector_store %arg14[%swap3A_543], %swap3A_546 {strides = array<i32>} : memref<128xi32, #tpu.memory_space<vmem>>, vector<16xi32>,
    %broadcast_in_dim3A_547 = arith.constant 10000 : i32
    %broadcast_in_dim3A_548 = vector.broadcast %broadcast_in_dim3A_547 : i32 to vector<16xi32>
    %swap3A_549 = arith.constant 16 : index
    %swap3A_550 = tpu.vector_load %arg13[%swap3A_549] {strides = array<i32>} : memref<128xi32, #tpu.memory_space<vmem>>, vector<16xi32>,
    %swap3A_551 = vector.shape_cast %swap3A_550 : vector<16xi32> to vector<16xi32>
    %swap3A_552 = vector.shape_cast %broadcast_in_dim3A_548 : vector<16xi32> to vector<16xi32>
    tpu.vector_store %arg13[%swap3A_549], %swap3A_552 {strides = array<i32>} : memref<128xi32, #tpu.memory_space<vmem>>, vector<16xi32>,
    %broadcast_in_dim3A_553 = arith.constant 10000 : i32
    %broadcast_in_dim3A_554 = vector.broadcast %broadcast_in_dim3A_553 : i32 to vector<16xi32>
    %swap3A_555 = arith.constant 16 : index
    %swap3A_556 = tpu.vector_load %arg14[%swap3A_555] {strides = array<i32>} : memref<128xi32, #tpu.memory_space<vmem>>, vector<16xi32>,
    %swap3A_557 = vector.shape_cast %swap3A_556 : vector<16xi32> to vector<16xi32>
    %swap3A_558 = vector.shape_cast %broadcast_in_dim3A_554 : vector<16xi32> to vector<16xi32>
    tpu.vector_store %arg14[%swap3A_555], %swap3A_558 {strides = array<i32>} : memref<128xi32, #tpu.memory_space<vmem>>, vector<16xi32>,
    %broadcast_in_dim3A_559 = arith.constant 10000 : i32
    %broadcast_in_dim3A_560 = vector.broadcast %broadcast_in_dim3A_559 : i32 to vector<16xi32>
    %swap3A_561 = arith.constant 32 : index
    %swap3A_562 = tpu.vector_load %arg13[%swap3A_561] {strides = array<i32>} : memref<128xi32, #tpu.memory_space<vmem>>, vector<16xi32>,
    %swap3A_563 = vector.shape_cast %swap3A_562 : vector<16xi32> to vector<16xi32>
    %swap3A_564 = vector.shape_cast %broadcast_in_dim3A_560 : vector<16xi32> to vector<16xi32>
    tpu.vector_store %arg13[%swap3A_561], %swap3A_564 {strides = array<i32>} : memref<128xi32, #tpu.memory_space<vmem>>, vector<16xi32>,
    %broadcast_in_dim3A_565 = arith.constant 10000 : i32
    %broadcast_in_dim3A_566 = vector.broadcast %broadcast_in_dim3A_565 : i32 to vector<16xi32>
    %swap3A_567 = arith.constant 32 : index
    %swap3A_568 = tpu.vector_load %arg14[%swap3A_567] {strides = array<i32>} : memref<128xi32, #tpu.memory_space<vmem>>, vector<16xi32>,
    %swap3A_569 = vector.shape_cast %swap3A_568 : vector<16xi32> to vector<16xi32>
    %swap3A_570 = vector.shape_cast %broadcast_in_dim3A_566 : vector<16xi32> to vector<16xi32>
    tpu.vector_store %arg14[%swap3A_567], %swap3A_570 {strides = array<i32>} : memref<128xi32, #tpu.memory_space<vmem>>, vector<16xi32>,
    %broadcast_in_dim3A_571 = arith.constant 10000 : i32
    %broadcast_in_dim3A_572 = vector.broadcast %broadcast_in_dim3A_571 : i32 to vector<16xi32>
    %swap3A_573 = arith.constant 48 : index
    %swap3A_574 = tpu.vector_load %arg13[%swap3A_573] {strides = array<i32>} : memref<128xi32, #tpu.memory_space<vmem>>, vector<16xi32>,
    %swap3A_575 = vector.shape_cast %swap3A_574 : vector<16xi32> to vector<16xi32>
    %swap3A_576 = vector.shape_cast %broadcast_in_dim3A_572 : vector<16xi32> to vector<16xi32>
    tpu.vector_store %arg13[%swap3A_573], %swap3A_576 {strides = array<i32>} : memref<128xi32, #tpu.memory_space<vmem>>, vector<16xi32>,
    %broadcast_in_dim3A_577 = arith.constant 10000 : i32
    %broadcast_in_dim3A_578 = vector.broadcast %broadcast_in_dim3A_577 : i32 to vector<16xi32>
    %swap3A_579 = arith.constant 48 : index
    %swap3A_580 = tpu.vector_load %arg14[%swap3A_579] {strides = array<i32>} : memref<128xi32, #tpu.memory_space<vmem>>, vector<16xi32>,
    %swap3A_581 = vector.shape_cast %swap3A_580 : vector<16xi32> to vector<16xi32>
    %swap3A_582 = vector.shape_cast %broadcast_in_dim3A_578 : vector<16xi32> to vector<16xi32>
    tpu.vector_store %arg14[%swap3A_579], %swap3A_582 {strides = array<i32>} : memref<128xi32, #tpu.memory_space<vmem>>, vector<16xi32>,
    %broadcast_in_dim3A_583 = arith.constant 10000 : i32
    %broadcast_in_dim3A_584 = vector.broadcast %broadcast_in_dim3A_583 : i32 to vector<16xi32>
    %swap3A_585 = arith.constant 64 : index
    %swap3A_586 = tpu.vector_load %arg13[%swap3A_585] {strides = array<i32>} : memref<128xi32, #tpu.memory_space<vmem>>, vector<16xi32>,
    %swap3A_587 = vector.shape_cast %swap3A_586 : vector<16xi32> to vector<16xi32>
    %swap3A_588 = vector.shape_cast %broadcast_in_dim3A_584 : vector<16xi32> to vector<16xi32>
    tpu.vector_store %arg13[%swap3A_585], %swap3A_588 {strides = array<i32>} : memref<128xi32, #tpu.memory_space<vmem>>, vector<16xi32>,
    %broadcast_in_dim3A_589 = arith.constant 10000 : i32
    %broadcast_in_dim3A_590 = vector.broadcast %broadcast_in_dim3A_589 : i32 to vector<16xi32>
    %swap3A_591 = arith.constant 64 : index
    %swap3A_592 = tpu.vector_load %arg14[%swap3A_591] {strides = array<i32>} : memref<128xi32, #tpu.memory_space<vmem>>, vector<16xi32>,
    %swap3A_593 = vector.shape_cast %swap3A_592 : vector<16xi32> to vector<16xi32>
    %swap3A_594 = vector.shape_cast %broadcast_in_dim3A_590 : vector<16xi32> to vector<16xi32>
    tpu.vector_store %arg14[%swap3A_591], %swap3A_594 {strides = array<i32>} : memref<128xi32, #tpu.memory_space<vmem>>, vector<16xi32>,
    %broadcast_in_dim3A_595 = arith.constant 10000 : i32
    %broadcast_in_dim3A_596 = vector.broadcast %broadcast_in_dim3A_595 : i32 to vector<16xi32>
    %swap3A_597 = arith.constant 80 : index
    %swap3A_598 = tpu.vector_load %arg13[%swap3A_597] {strides = array<i32>} : memref<128xi32, #tpu.memory_space<vmem>>, vector<16xi32>,
    %swap3A_599 = vector.shape_cast %swap3A_598 : vector<16xi32> to vector<16xi32>
    %swap3A_600 = vector.shape_cast %broadcast_in_dim3A_596 : vector<16xi32> to vector<16xi32>
    tpu.vector_store %arg13[%swap3A_597], %swap3A_600 {strides = array<i32>} : memref<128xi32, #tpu.memory_space<vmem>>, vector<16xi32>,
    %broadcast_in_dim3A_601 = arith.constant 10000 : i32
    %broadcast_in_dim3A_602 = vector.broadcast %broadcast_in_dim3A_601 : i32 to vector<16xi32>
    %swap3A_603 = arith.constant 80 : index
    %swap3A_604 = tpu.vector_load %arg14[%swap3A_603] {strides = array<i32>} : memref<128xi32, #tpu.memory_space<vmem>>, vector<16xi32>,
    %swap3A_605 = vector.shape_cast %swap3A_604 : vector<16xi32> to vector<16xi32>
    %swap3A_606 = vector.shape_cast %broadcast_in_dim3A_602 : vector<16xi32> to vector<16xi32>
    tpu.vector_store %arg14[%swap3A_603], %swap3A_606 {strides = array<i32>} : memref<128xi32, #tpu.memory_space<vmem>>, vector<16xi32>,
    %broadcast_in_dim3A_607 = arith.constant 10000 : i32
    %broadcast_in_dim3A_608 = vector.broadcast %broadcast_in_dim3A_607 : i32 to vector<16xi32>
    %swap3A_609 = arith.constant 96 : index
    %swap3A_610 = tpu.vector_load %arg13[%swap3A_609] {strides = array<i32>} : memref<128xi32, #tpu.memory_space<vmem>>, vector<16xi32>,
    %swap3A_611 = vector.shape_cast %swap3A_610 : vector<16xi32> to vector<16xi32>
    %swap3A_612 = vector.shape_cast %broadcast_in_dim3A_608 : vector<16xi32> to vector<16xi32>
    tpu.vector_store %arg13[%swap3A_609], %swap3A_612 {strides = array<i32>} : memref<128xi32, #tpu.memory_space<vmem>>, vector<16xi32>,
    %broadcast_in_dim3A_613 = arith.constant 10000 : i32
    %broadcast_in_dim3A_614 = vector.broadcast %broadcast_in_dim3A_613 : i32 to vector<16xi32>
    %swap3A_615 = arith.constant 96 : index
    %swap3A_616 = tpu.vector_load %arg14[%swap3A_615] {strides = array<i32>} : memref<128xi32, #tpu.memory_space<vmem>>, vector<16xi32>,
    %swap3A_617 = vector.shape_cast %swap3A_616 : vector<16xi32> to vector<16xi32>
    %swap3A_618 = vector.shape_cast %broadcast_in_dim3A_614 : vector<16xi32> to vector<16xi32>
    tpu.vector_store %arg14[%swap3A_615], %swap3A_618 {strides = array<i32>} : memref<128xi32, #tpu.memory_space<vmem>>, vector<16xi32>,
    %broadcast_in_dim3A_619 = arith.constant 10000 : i32
    %broadcast_in_dim3A_620 = vector.broadcast %broadcast_in_dim3A_619 : i32 to vector<16xi32>
    %swap3A_621 = arith.constant 112 : index
    %swap3A_622 = tpu.vector_load %arg13[%swap3A_621] {strides = array<i32>} : memref<128xi32, #tpu.memory_space<vmem>>, vector<16xi32>,
    %swap3A_623 = vector.shape_cast %swap3A_622 : vector<16xi32> to vector<16xi32>
    %swap3A_624 = vector.shape_cast %broadcast_in_dim3A_620 : vector<16xi32> to vector<16xi32>
    tpu.vector_store %arg13[%swap3A_621], %swap3A_624 {strides = array<i32>} : memref<128xi32, #tpu.memory_space<vmem>>, vector<16xi32>,
    %broadcast_in_dim3A_625 = arith.constant 10000 : i32
    %broadcast_in_dim3A_626 = vector.broadcast %broadcast_in_dim3A_625 : i32 to vector<16xi32>
    %swap3A_627 = arith.constant 112 : index
    %swap3A_628 = tpu.vector_load %arg14[%swap3A_627] {strides = array<i32>} : memref<128xi32, #tpu.memory_space<vmem>>, vector<16xi32>,
    %swap3A_629 = vector.shape_cast %swap3A_628 : vector<16xi32> to vector<16xi32>
    %swap3A_630 = vector.shape_cast %broadcast_in_dim3A_626 : vector<16xi32> to vector<16xi32>
    tpu.vector_store %arg14[%swap3A_627], %swap3A_630 {strides = array<i32>} : memref<128xi32, #tpu.memory_space<vmem>>, vector<16xi32>,
    %dma_start3A_631 = arith.constant 0 : i32
    %dma_start3A_632 = arith.constant 0 : i32
    %dma_start3A_633 = tpu.memref_slice %arg6[%dma_start3A_631, %dma_start3A_632] : memref<10112x128xf32, #tpu.memory_space<vmem_shared>> -> memref<10112x128xf32, #tpu.memory_space<vmem_shared>>
    tpu.enqueue_indirect_dma source(%arg15 : memref<128x128xf32, #tpu.memory_space<vmem>>) target(%dma_start3A_633 : memref<10112x128xf32, #tpu.memory_space<vmem_shared>>) offsets(%arg13 : memref<128xi32, #tpu.memory_space<vmem>>) semaphore(%arg20 : memref<!tpu.dma_semaphore, #tpu.memory_space<semaphore_mem>>) {add = true}
    %dma_start3A_634 = arith.constant 0 : i32
    %dma_start3A_635 = arith.constant 0 : i32
    %dma_start3A_636 = tpu.memref_slice %arg6[%dma_start3A_634, %dma_start3A_635] : memref<10112x128xf32, #tpu.memory_space<vmem_shared>> -> memref<10112x128xf32, #tpu.memory_space<vmem_shared>>
    tpu.enqueue_indirect_dma source(%arg16 : memref<128x128xf32, #tpu.memory_space<vmem>>) target(%dma_start3A_636 : memref<10112x128xf32, #tpu.memory_space<vmem_shared>>) offsets(%arg14 : memref<128xi32, #tpu.memory_space<vmem>>) semaphore(%arg20 : memref<!tpu.dma_semaphore, #tpu.memory_space<semaphore_mem>>) {add = true}
    %scan3A_637 = arith.constant 0 : i32
    %scan3A_638 = arith.constant 0 : i32
    %scan3A_639 = arith.constant 21 : i32
    %scan3A_640 = arith.addi %scan3A_638, %scan3A_639 : i32
    %scan3A_641 = arith.constant 1 : i32
    scf.for %scan3A_664 = %scan3A_638 to %scan3A_640 step %scan3A_641  : i32 {
      %mul3A_665 = arith.constant 4 : i32
      %mul3A_666 = arith.muli %scan3A_664, %mul3A_665 : i32
      %mul3A_667 = arith.constant 128 : i32
      %mul3A_668 = arith.muli %mul3A_666, %mul3A_667 : i32
      %add3A_669 = arith.addi %add3A, %mul3A_668 : i32
      %dma_wait3A_670 = tpu.memref_slice %arg3[%add3A] : memref<344320xi32, #tpu.memory_space<hbm>> -> memref<128xi32, #tpu.memory_space<hbm>>
      %dma_wait3A_671 = tpu.memref_slice %arg3[%add3A] : memref<344320xi32, #tpu.memory_space<hbm>> -> memref<128xi32, #tpu.memory_space<hbm>>
      tpu.wait_dma2 semaphore(%arg18 : memref<!tpu.dma_semaphore, #tpu.memory_space<semaphore_mem>>) src(%dma_wait3A_671 : memref<128xi32, #tpu.memory_space<hbm>>) dst(%arg7 : memref<128xi32, #tpu.memory_space<vmem>>)
      %dma_wait3A_672 = tpu.memref_slice %arg3[%add3A] : memref<344320xi32, #tpu.memory_space<hbm>> -> memref<128xi32, #tpu.memory_space<hbm>>
      %dma_wait3A_673 = tpu.memref_slice %arg3[%add3A] : memref<344320xi32, #tpu.memory_space<hbm>> -> memref<128xi32, #tpu.memory_space<hbm>>
      tpu.wait_dma2 semaphore(%arg18 : memref<!tpu.dma_semaphore, #tpu.memory_space<semaphore_mem>>) src(%dma_wait3A_673 : memref<128xi32, #tpu.memory_space<hbm>>) dst(%arg7 : memref<128xi32, #tpu.memory_space<vmem>>)
      %dma_wait3A_674 = tpu.memref_slice %arg3[%add3A] : memref<344320xi32, #tpu.memory_space<hbm>> -> memref<128xi32, #tpu.memory_space<hbm>>
      %dma_wait3A_675 = tpu.memref_slice %arg3[%add3A] : memref<344320xi32, #tpu.memory_space<hbm>> -> memref<128xi32, #tpu.memory_space<hbm>>
      tpu.wait_dma2 semaphore(%arg18 : memref<!tpu.dma_semaphore, #tpu.memory_space<semaphore_mem>>) src(%dma_wait3A_675 : memref<128xi32, #tpu.memory_space<hbm>>) dst(%arg7 : memref<128xi32, #tpu.memory_space<vmem>>)
      %dma_wait3A_676 = tpu.memref_slice %arg3[%add3A] : memref<344320xi32, #tpu.memory_space<hbm>> -> memref<128xi32, #tpu.memory_space<hbm>>
      %dma_wait3A_677 = tpu.memref_slice %arg3[%add3A] : memref<344320xi32, #tpu.memory_space<hbm>> -> memref<128xi32, #tpu.memory_space<hbm>>
      tpu.wait_dma2 semaphore(%arg18 : memref<!tpu.dma_semaphore, #tpu.memory_space<semaphore_mem>>) src(%dma_wait3A_677 : memref<128xi32, #tpu.memory_space<hbm>>) dst(%arg7 : memref<128xi32, #tpu.memory_space<vmem>>)
      %dma_wait3A_678 = arith.constant 0 : i32
      %dma_wait3A_679 = arith.constant 0 : i32
      %dma_wait3A_680 = tpu.memref_slice %arg6[%dma_wait3A_678, %dma_wait3A_679] : memref<10112x128xf32, #tpu.memory_space<vmem_shared>> -> memref<10112x128xf32, #tpu.memory_space<vmem_shared>>
      tpu.wait_indirect_dma semaphore(%arg20 : memref<!tpu.dma_semaphore, #tpu.memory_space<semaphore_mem>>) src(%arg15 : memref<128x128xf32, #tpu.memory_space<vmem>>) dst(%dma_wait3A_680 : memref<10112x128xf32, #tpu.memory_space<vmem_shared>>)
      %dma_wait3A_681 = arith.constant 0 : i32
      %dma_wait3A_682 = arith.constant 0 : i32
      %dma_wait3A_683 = tpu.memref_slice %arg6[%dma_wait3A_681, %dma_wait3A_682] : memref<10112x128xf32, #tpu.memory_space<vmem_shared>> -> memref<10112x128xf32, #tpu.memory_space<vmem_shared>>
      tpu.wait_indirect_dma semaphore(%arg20 : memref<!tpu.dma_semaphore, #tpu.memory_space<semaphore_mem>>) src(%arg16 : memref<128x128xf32, #tpu.memory_space<vmem>>) dst(%dma_wait3A_683 : memref<10112x128xf32, #tpu.memory_space<vmem_shared>>)
      %add3A_684 = arith.constant 256 : i32
      %add3A_685 = arith.addi %add3A_669, %add3A_684 : i32
      %dma_start3A_686 = tpu.memref_slice %arg3[%add3A_685] : memref<344320xi32, #tpu.memory_space<hbm>> -> memref<128xi32, #tpu.memory_space<hbm>>
      %dma_start3A_687 = tpu.memref_slice %arg3[%add3A_685] : memref<344320xi32, #tpu.memory_space<hbm>> -> memref<128xi32, #tpu.memory_space<hbm>>
      tpu.enqueue_dma source(%dma_start3A_687 : memref<128xi32, #tpu.memory_space<hbm>>) target(%arg9 : memref<128xi32, #tpu.memory_space<vmem>>) target_semaphore(%arg18 : memref<!tpu.dma_semaphore, #tpu.memory_space<semaphore_mem>>)
      %add3A_688 = arith.constant 384 : i32
      %add3A_689 = arith.addi %add3A_669, %add3A_688 : i32
      %dma_start3A_690 = tpu.memref_slice %arg3[%add3A_689] : memref<344320xi32, #tpu.memory_space<hbm>> -> memref<128xi32, #tpu.memory_space<hbm>>
      %dma_start3A_691 = tpu.memref_slice %arg3[%add3A_689] : memref<344320xi32, #tpu.memory_space<hbm>> -> memref<128xi32, #tpu.memory_space<hbm>>
      tpu.enqueue_dma source(%dma_start3A_691 : memref<128xi32, #tpu.memory_space<hbm>>) target(%arg10 : memref<128xi32, #tpu.memory_space<vmem>>) target_semaphore(%arg18 : memref<!tpu.dma_semaphore, #tpu.memory_space<semaphore_mem>>)
      %add3A_692 = arith.constant 256 : i32
      %add3A_693 = arith.addi %add3A_669, %add3A_692 : i32
      %dma_start3A_694 = tpu.memref_slice %arg4[%add3A_693] : memref<344320xi32, #tpu.memory_space<hbm>> -> memref<128xi32, #tpu.memory_space<hbm>>
      %dma_start3A_695 = tpu.memref_slice %arg4[%add3A_693] : memref<344320xi32, #tpu.memory_space<hbm>> -> memref<128xi32, #tpu.memory_space<hbm>>
      tpu.enqueue_dma source(%dma_start3A_695 : memref<128xi32, #tpu.memory_space<hbm>>) target(%arg13 : memref<128xi32, #tpu.memory_space<vmem>>) target_semaphore(%arg18 : memref<!tpu.dma_semaphore, #tpu.memory_space<semaphore_mem>>)
      %add3A_696 = arith.constant 384 : i32
      %add3A_697 = arith.addi %add3A_669, %add3A_696 : i32
      %dma_start3A_698 = tpu.memref_slice %arg4[%add3A_697] : memref<344320xi32, #tpu.memory_space<hbm>> -> memref<128xi32, #tpu.memory_space<hbm>>
      %dma_start3A_699 = tpu.memref_slice %arg4[%add3A_697] : memref<344320xi32, #tpu.memory_space<hbm>> -> memref<128xi32, #tpu.memory_space<hbm>>
      tpu.enqueue_dma source(%dma_start3A_699 : memref<128xi32, #tpu.memory_space<hbm>>) target(%arg14 : memref<128xi32, #tpu.memory_space<vmem>>) target_semaphore(%arg18 : memref<!tpu.dma_semaphore, #tpu.memory_space<semaphore_mem>>)
      %dma_start3A_700 = arith.constant 0 : i32
      %dma_start3A_701 = arith.constant 0 : i32
      %dma_start3A_702 = tpu.memref_slice %arg2[%dma_start3A_700, %dma_start3A_701] : memref<10112x128xf32, #tpu.memory_space<hbm>> -> memref<10112x128xf32, #tpu.memory_space<hbm>>
      tpu.enqueue_indirect_dma source(%dma_start3A_702 : memref<10112x128xf32, #tpu.memory_space<hbm>>) target(%arg15 : memref<128x128xf32, #tpu.memory_space<vmem>>) offsets(%arg7 : memref<128xi32, #tpu.memory_space<vmem>>) semaphore(%arg19 : memref<!tpu.dma_semaphore, #tpu.memory_space<semaphore_mem>>)
      %dma_start3A_703 = arith.constant 0 : i32
      %dma_start3A_704 = arith.constant 0 : i32
      %dma_start3A_705 = tpu.memref_slice %arg2[%dma_start3A_703, %dma_start3A_704] : memref<10112x128xf32, #tpu.memory_space<hbm>> -> memref<10112x128xf32, #tpu.memory_space<hbm>>
      tpu.enqueue_indirect_dma source(%dma_start3A_705 : memref<10112x128xf32, #tpu.memory_space<hbm>>) target(%arg16 : memref<128x128xf32, #tpu.memory_space<vmem>>) offsets(%arg8 : memref<128xi32, #tpu.memory_space<vmem>>) semaphore(%arg19 : memref<!tpu.dma_semaphore, #tpu.memory_space<semaphore_mem>>)
      %dma_wait3A_706 = arith.constant 0 : i32
      %dma_wait3A_707 = arith.constant 0 : i32
      %dma_wait3A_708 = tpu.memref_slice %arg2[%dma_wait3A_706, %dma_wait3A_707] : memref<10112x128xf32, #tpu.memory_space<hbm>> -> memref<10112x128xf32, #tpu.memory_space<hbm>>
      tpu.wait_indirect_dma semaphore(%arg19 : memref<!tpu.dma_semaphore, #tpu.memory_space<semaphore_mem>>) src(%dma_wait3A_708 : memref<10112x128xf32, #tpu.memory_space<hbm>>) dst(%arg15 : memref<128x128xf32, #tpu.memory_space<vmem>>)
      %dma_start3A_709 = arith.constant 0 : i32
      %dma_start3A_710 = arith.constant 0 : i32
      %dma_start3A_711 = tpu.memref_slice %arg6[%dma_start3A_709, %dma_start3A_710] : memref<10112x128xf32, #tpu.memory_space<vmem_shared>> -> memref<10112x128xf32, #tpu.memory_space<vmem_shared>>
      tpu.enqueue_indirect_dma source(%arg15 : memref<128x128xf32, #tpu.memory_space<vmem>>) target(%dma_start3A_711 : memref<10112x128xf32, #tpu.memory_space<vmem_shared>>) offsets(%arg11 : memref<128xi32, #tpu.memory_space<vmem>>) semaphore(%arg20 : memref<!tpu.dma_semaphore, #tpu.memory_space<semaphore_mem>>) {add = true}
      %dma_wait3A_712 = arith.constant 0 : i32
      %dma_wait3A_713 = arith.constant 0 : i32
      %dma_wait3A_714 = tpu.memref_slice %arg2[%dma_wait3A_712, %dma_wait3A_713] : memref<10112x128xf32, #tpu.memory_space<hbm>> -> memref<10112x128xf32, #tpu.memory_space<hbm>>
      tpu.wait_indirect_dma semaphore(%arg19 : memref<!tpu.dma_semaphore, #tpu.memory_space<semaphore_mem>>) src(%dma_wait3A_714 : memref<10112x128xf32, #tpu.memory_space<hbm>>) dst(%arg16 : memref<128x128xf32, #tpu.memory_space<vmem>>)
      %dma_start3A_715 = arith.constant 0 : i32
      %dma_start3A_716 = arith.constant 0 : i32
      %dma_start3A_717 = tpu.memref_slice %arg6[%dma_start3A_715, %dma_start3A_716] : memref<10112x128xf32, #tpu.memory_space<vmem_shared>> -> memref<10112x128xf32, #tpu.memory_space<vmem_shared>>
      tpu.enqueue_indirect_dma source(%arg16 : memref<128x128xf32, #tpu.memory_space<vmem>>) target(%dma_start3A_717 : memref<10112x128xf32, #tpu.memory_space<vmem_shared>>) offsets(%arg12 : memref<128xi32, #tpu.memory_space<vmem>>) semaphore(%arg20 : memref<!tpu.dma_semaphore, #tpu.memory_space<semaphore_mem>>) {add = true}
      %add3A_718 = arith.constant 256 : i32
      %add3A_719 = arith.addi %add3A_669, %add3A_718 : i32
      %dma_wait3A_720 = tpu.memref_slice %arg3[%add3A] : memref<344320xi32, #tpu.memory_space<hbm>> -> memref<128xi32, #tpu.memory_space<hbm>>
      %dma_wait3A_721 = tpu.memref_slice %arg3[%add3A] : memref<344320xi32, #tpu.memory_space<hbm>> -> memref<128xi32, #tpu.memory_space<hbm>>
      tpu.wait_dma2 semaphore(%arg18 : memref<!tpu.dma_semaphore, #tpu.memory_space<semaphore_mem>>) src(%dma_wait3A_721 : memref<128xi32, #tpu.memory_space<hbm>>) dst(%arg7 : memref<128xi32, #tpu.memory_space<vmem>>)
      %dma_wait3A_722 = tpu.memref_slice %arg3[%add3A] : memref<344320xi32, #tpu.memory_space<hbm>> -> memref<128xi32, #tpu.memory_space<hbm>>
      %dma_wait3A_723 = tpu.memref_slice %arg3[%add3A] : memref<344320xi32, #tpu.memory_space<hbm>> -> memref<128xi32, #tpu.memory_space<hbm>>
      tpu.wait_dma2 semaphore(%arg18 : memref<!tpu.dma_semaphore, #tpu.memory_space<semaphore_mem>>) src(%dma_wait3A_723 : memref<128xi32, #tpu.memory_space<hbm>>) dst(%arg7 : memref<128xi32, #tpu.memory_space<vmem>>)
      %dma_wait3A_724 = tpu.memref_slice %arg3[%add3A] : memref<344320xi32, #tpu.memory_space<hbm>> -> memref<128xi32, #tpu.memory_space<hbm>>
      %dma_wait3A_725 = tpu.memref_slice %arg3[%add3A] : memref<344320xi32, #tpu.memory_space<hbm>> -> memref<128xi32, #tpu.memory_space<hbm>>
      tpu.wait_dma2 semaphore(%arg18 : memref<!tpu.dma_semaphore, #tpu.memory_space<semaphore_mem>>) src(%dma_wait3A_725 : memref<128xi32, #tpu.memory_space<hbm>>) dst(%arg7 : memref<128xi32, #tpu.memory_space<vmem>>)
      %dma_wait3A_726 = tpu.memref_slice %arg3[%add3A] : memref<344320xi32, #tpu.memory_space<hbm>> -> memref<128xi32, #tpu.memory_space<hbm>>
      %dma_wait3A_727 = tpu.memref_slice %arg3[%add3A] : memref<344320xi32, #tpu.memory_space<hbm>> -> memref<128xi32, #tpu.memory_space<hbm>>
      tpu.wait_dma2 semaphore(%arg18 : memref<!tpu.dma_semaphore, #tpu.memory_space<semaphore_mem>>) src(%dma_wait3A_727 : memref<128xi32, #tpu.memory_space<hbm>>) dst(%arg7 : memref<128xi32, #tpu.memory_space<vmem>>)
      %dma_wait3A_728 = arith.constant 0 : i32
      %dma_wait3A_729 = arith.constant 0 : i32
      %dma_wait3A_730 = tpu.memref_slice %arg6[%dma_wait3A_728, %dma_wait3A_729] : memref<10112x128xf32, #tpu.memory_space<vmem_shared>> -> memref<10112x128xf32, #tpu.memory_space<vmem_shared>>
      tpu.wait_indirect_dma semaphore(%arg20 : memref<!tpu.dma_semaphore, #tpu.memory_space<semaphore_mem>>) src(%arg15 : memref<128x128xf32, #tpu.memory_space<vmem>>) dst(%dma_wait3A_730 : memref<10112x128xf32, #tpu.memory_space<vmem_shared>>)
      %dma_wait3A_731 = arith.constant 0 : i32
      %dma_wait3A_732 = arith.constant 0 : i32
      %dma_wait3A_733 = tpu.memref_slice %arg6[%dma_wait3A_731, %dma_wait3A_732] : memref<10112x128xf32, #tpu.memory_space<vmem_shared>> -> memref<10112x128xf32, #tpu.memory_space<vmem_shared>>
      tpu.wait_indirect_dma semaphore(%arg20 : memref<!tpu.dma_semaphore, #tpu.memory_space<semaphore_mem>>) src(%arg16 : memref<128x128xf32, #tpu.memory_space<vmem>>) dst(%dma_wait3A_733 : memref<10112x128xf32, #tpu.memory_space<vmem_shared>>)
      %add3A_734 = arith.constant 256 : i32
      %add3A_735 = arith.addi %add3A_719, %add3A_734 : i32
      %dma_start3A_736 = tpu.memref_slice %arg3[%add3A_735] : memref<344320xi32, #tpu.memory_space<hbm>> -> memref<128xi32, #tpu.memory_space<hbm>>
      %dma_start3A_737 = tpu.memref_slice %arg3[%add3A_735] : memref<344320xi32, #tpu.memory_space<hbm>> -> memref<128xi32, #tpu.memory_space<hbm>>
      tpu.enqueue_dma source(%dma_start3A_737 : memref<128xi32, #tpu.memory_space<hbm>>) target(%arg7 : memref<128xi32, #tpu.memory_space<vmem>>) target_semaphore(%arg18 : memref<!tpu.dma_semaphore, #tpu.memory_space<semaphore_mem>>)
      %add3A_738 = arith.constant 384 : i32
      %add3A_739 = arith.addi %add3A_719, %add3A_738 : i32
      %dma_start3A_740 = tpu.memref_slice %arg3[%add3A_739] : memref<344320xi32, #tpu.memory_space<hbm>> -> memref<128xi32, #tpu.memory_space<hbm>>
      %dma_start3A_741 = tpu.memref_slice %arg3[%add3A_739] : memref<344320xi32, #tpu.memory_space<hbm>> -> memref<128xi32, #tpu.memory_space<hbm>>
      tpu.enqueue_dma source(%dma_start3A_741 : memref<128xi32, #tpu.memory_space<hbm>>) target(%arg8 : memref<128xi32, #tpu.memory_space<vmem>>) target_semaphore(%arg18 : memref<!tpu.dma_semaphore, #tpu.memory_space<semaphore_mem>>)
      %add3A_742 = arith.constant 256 : i32
      %add3A_743 = arith.addi %add3A_719, %add3A_742 : i32
      %dma_start3A_744 = tpu.memref_slice %arg4[%add3A_743] : memref<344320xi32, #tpu.memory_space<hbm>> -> memref<128xi32, #tpu.memory_space<hbm>>
      %dma_start3A_745 = tpu.memref_slice %arg4[%add3A_743] : memref<344320xi32, #tpu.memory_space<hbm>> -> memref<128xi32, #tpu.memory_space<hbm>>
      tpu.enqueue_dma source(%dma_start3A_745 : memref<128xi32, #tpu.memory_space<hbm>>) target(%arg11 : memref<128xi32, #tpu.memory_space<vmem>>) target_semaphore(%arg18 : memref<!tpu.dma_semaphore, #tpu.memory_space<semaphore_mem>>)
      %add3A_746 = arith.constant 384 : i32
      %add3A_747 = arith.addi %add3A_719, %add3A_746 : i32
      %dma_start3A_748 = tpu.memref_slice %arg4[%add3A_747] : memref<344320xi32, #tpu.memory_space<hbm>> -> memref<128xi32, #tpu.memory_space<hbm>>
      %dma_start3A_749 = tpu.memref_slice %arg4[%add3A_747] : memref<344320xi32, #tpu.memory_space<hbm>> -> memref<128xi32, #tpu.memory_space<hbm>>
      tpu.enqueue_dma source(%dma_start3A_749 : memref<128xi32, #tpu.memory_space<hbm>>) target(%arg12 : memref<128xi32, #tpu.memory_space<vmem>>) target_semaphore(%arg18 : memref<!tpu.dma_semaphore, #tpu.memory_space<semaphore_mem>>)
      %dma_start3A_750 = arith.constant 0 : i32
      %dma_start3A_751 = arith.constant 0 : i32
      %dma_start3A_752 = tpu.memref_slice %arg2[%dma_start3A_750, %dma_start3A_751] : memref<10112x128xf32, #tpu.memory_space<hbm>> -> memref<10112x128xf32, #tpu.memory_space<hbm>>
      tpu.enqueue_indirect_dma source(%dma_start3A_752 : memref<10112x128xf32, #tpu.memory_space<hbm>>) target(%arg15 : memref<128x128xf32, #tpu.memory_space<vmem>>) offsets(%arg9 : memref<128xi32, #tpu.memory_space<vmem>>) semaphore(%arg19 : memref<!tpu.dma_semaphore, #tpu.memory_space<semaphore_mem>>)
      %dma_start3A_753 = arith.constant 0 : i32
      %dma_start3A_754 = arith.constant 0 : i32
      %dma_start3A_755 = tpu.memref_slice %arg2[%dma_start3A_753, %dma_start3A_754] : memref<10112x128xf32, #tpu.memory_space<hbm>> -> memref<10112x128xf32, #tpu.memory_space<hbm>>
      tpu.enqueue_indirect_dma source(%dma_start3A_755 : memref<10112x128xf32, #tpu.memory_space<hbm>>) target(%arg16 : memref<128x128xf32, #tpu.memory_space<vmem>>) offsets(%arg10 : memref<128xi32, #tpu.memory_space<vmem>>) semaphore(%arg19 : memref<!tpu.dma_semaphore, #tpu.memory_space<semaphore_mem>>)
      %dma_wait3A_756 = arith.constant 0 : i32
      %dma_wait3A_757 = arith.constant 0 : i32
      %dma_wait3A_758 = tpu.memref_slice %arg2[%dma_wait3A_756, %dma_wait3A_757] : memref<10112x128xf32, #tpu.memory_space<hbm>> -> memref<10112x128xf32, #tpu.memory_space<hbm>>
      tpu.wait_indirect_dma semaphore(%arg19 : memref<!tpu.dma_semaphore, #tpu.memory_space<semaphore_mem>>) src(%dma_wait3A_758 : memref<10112x128xf32, #tpu.memory_space<hbm>>) dst(%arg15 : memref<128x128xf32, #tpu.memory_space<vmem>>)
      %dma_start3A_759 = arith.constant 0 : i32
      %dma_start3A_760 = arith.constant 0 : i32
      %dma_start3A_761 = tpu.memref_slice %arg6[%dma_start3A_759, %dma_start3A_760] : memref<10112x128xf32, #tpu.memory_space<vmem_shared>> -> memref<10112x128xf32, #tpu.memory_space<vmem_shared>>
      tpu.enqueue_indirect_dma source(%arg15 : memref<128x128xf32, #tpu.memory_space<vmem>>) target(%dma_start3A_761 : memref<10112x128xf32, #tpu.memory_space<vmem_shared>>) offsets(%arg13 : memref<128xi32, #tpu.memory_space<vmem>>) semaphore(%arg20 : memref<!tpu.dma_semaphore, #tpu.memory_space<semaphore_mem>>) {add = true}
      %dma_wait3A_762 = arith.constant 0 : i32
      %dma_wait3A_763 = arith.constant 0 : i32
      %dma_wait3A_764 = tpu.memref_slice %arg2[%dma_wait3A_762, %dma_wait3A_763] : memref<10112x128xf32, #tpu.memory_space<hbm>> -> memref<10112x128xf32, #tpu.memory_space<hbm>>
      tpu.wait_indirect_dma semaphore(%arg19 : memref<!tpu.dma_semaphore, #tpu.memory_space<semaphore_mem>>) src(%dma_wait3A_764 : memref<10112x128xf32, #tpu.memory_space<hbm>>) dst(%arg16 : memref<128x128xf32, #tpu.memory_space<vmem>>)
      %dma_start3A_765 = arith.constant 0 : i32
      %dma_start3A_766 = arith.constant 0 : i32
      %dma_start3A_767 = tpu.memref_slice %arg6[%dma_start3A_765, %dma_start3A_766] : memref<10112x128xf32, #tpu.memory_space<vmem_shared>> -> memref<10112x128xf32, #tpu.memory_space<vmem_shared>>
      tpu.enqueue_indirect_dma source(%arg16 : memref<128x128xf32, #tpu.memory_space<vmem>>) target(%dma_start3A_767 : memref<10112x128xf32, #tpu.memory_space<vmem_shared>>) offsets(%arg14 : memref<128xi32, #tpu.memory_space<vmem>>) semaphore(%arg20 : memref<!tpu.dma_semaphore, #tpu.memory_space<semaphore_mem>>) {add = true}
    }
    %scan3A_642 = arith.constant 21 : i32
    %dma_wait3A = tpu.memref_slice %arg3[%add3A] : memref<344320xi32, #tpu.memory_space<hbm>> -> memref<128xi32, #tpu.memory_space<hbm>>
    %dma_wait3A_643 = tpu.memref_slice %arg3[%add3A] : memref<344320xi32, #tpu.memory_space<hbm>> -> memref<128xi32, #tpu.memory_space<hbm>>
    tpu.wait_dma2 semaphore(%arg18 : memref<!tpu.dma_semaphore, #tpu.memory_space<semaphore_mem>>) src(%dma_wait3A_643 : memref<128xi32, #tpu.memory_space<hbm>>) dst(%arg7 : memref<128xi32, #tpu.memory_space<vmem>>)
    %dma_wait3A_644 = tpu.memref_slice %arg3[%add3A] : memref<344320xi32, #tpu.memory_space<hbm>> -> memref<128xi32, #tpu.memory_space<hbm>>
    %dma_wait3A_645 = tpu.memref_slice %arg3[%add3A] : memref<344320xi32, #tpu.memory_space<hbm>> -> memref<128xi32, #tpu.memory_space<hbm>>
    tpu.wait_dma2 semaphore(%arg18 : memref<!tpu.dma_semaphore, #tpu.memory_space<semaphore_mem>>) src(%dma_wait3A_645 : memref<128xi32, #tpu.memory_space<hbm>>) dst(%arg7 : memref<128xi32, #tpu.memory_space<vmem>>)
    %dma_wait3A_646 = tpu.memref_slice %arg3[%add3A] : memref<344320xi32, #tpu.memory_space<hbm>> -> memref<128xi32, #tpu.memory_space<hbm>>
    %dma_wait3A_647 = tpu.memref_slice %arg3[%add3A] : memref<344320xi32, #tpu.memory_space<hbm>> -> memref<128xi32, #tpu.memory_space<hbm>>
    tpu.wait_dma2 semaphore(%arg18 : memref<!tpu.dma_semaphore, #tpu.memory_space<semaphore_mem>>) src(%dma_wait3A_647 : memref<128xi32, #tpu.memory_space<hbm>>) dst(%arg7 : memref<128xi32, #tpu.memory_space<vmem>>)
    %dma_wait3A_648 = tpu.memref_slice %arg3[%add3A] : memref<344320xi32, #tpu.memory_space<hbm>> -> memref<128xi32, #tpu.memory_space<hbm>>
    %dma_wait3A_649 = tpu.memref_slice %arg3[%add3A] : memref<344320xi32, #tpu.memory_space<hbm>> -> memref<128xi32, #tpu.memory_space<hbm>>
    tpu.wait_dma2 semaphore(%arg18 : memref<!tpu.dma_semaphore, #tpu.memory_space<semaphore_mem>>) src(%dma_wait3A_649 : memref<128xi32, #tpu.memory_space<hbm>>) dst(%arg7 : memref<128xi32, #tpu.memory_space<vmem>>)
    %dma_wait3A_650 = arith.constant 0 : i32
    %dma_wait3A_651 = arith.constant 0 : i32
    %dma_wait3A_652 = tpu.memref_slice %arg6[%dma_wait3A_650, %dma_wait3A_651] : memref<10112x128xf32, #tpu.memory_space<vmem_shared>> -> memref<10112x128xf32, #tpu.memory_space<vmem_shared>>
    tpu.wait_indirect_dma semaphore(%arg20 : memref<!tpu.dma_semaphore, #tpu.memory_space<semaphore_mem>>) src(%arg15 : memref<128x128xf32, #tpu.memory_space<vmem>>) dst(%dma_wait3A_652 : memref<10112x128xf32, #tpu.memory_space<vmem_shared>>)
    %dma_wait3A_653 = arith.constant 0 : i32
    %dma_wait3A_654 = arith.constant 0 : i32
    %dma_wait3A_655 = tpu.memref_slice %arg6[%dma_wait3A_653, %dma_wait3A_654] : memref<10112x128xf32, #tpu.memory_space<vmem_shared>> -> memref<10112x128xf32, #tpu.memory_space<vmem_shared>>
    tpu.wait_indirect_dma semaphore(%arg20 : memref<!tpu.dma_semaphore, #tpu.memory_space<semaphore_mem>>) src(%arg16 : memref<128x128xf32, #tpu.memory_space<vmem>>) dst(%dma_wait3A_655 : memref<10112x128xf32, #tpu.memory_space<vmem_shared>>)
    %barrier3A_656 = arith.constant 0 : index
    tpu.barrier barrier_id(%barrier3A_656)
    %mul3A_657 = arith.constant 632 : i32
    %mul3A_658 = arith.muli %arg1, %mul3A_657 : i32
    %mul3A_659 = arith.constant 10112 : i32
    %mul3A_660 = arith.muli %arg0, %mul3A_659 : i32
    %mul3A_661 = arith.constant 632 : i32
    %mul3A_662 = arith.muli %arg1, %mul3A_661 : i32
    %add3A_663 = arith.addi %mul3A_660, %mul3A_662 : i32
    "tpu.region"() ({
      %run_scoped3A = tpu.sem_alloc : memref<!tpu.dma_semaphore, #tpu.memory_space<semaphore_mem>>
      %dma_start3A_664 = arith.constant 0 : i32
      %dma_start3A_665 = tpu.memref_slice %arg5[%add3A_663, %dma_start3A_664] : memref<20224x128xf32, #tpu.memory_space<hbm>> -> memref<632x128xf32, #tpu.memory_space<hbm>>
      %dma_start3A_666 = arith.constant 0 : i32
      %dma_start3A_667 = tpu.memref_slice %arg6[%mul3A_658, %dma_start3A_666] : memref<10112x128xf32, #tpu.memory_space<vmem_shared>> -> memref<632x128xf32, #tpu.memory_space<vmem_shared>>
      tpu.enqueue_dma source(%dma_start3A_667 : memref<632x128xf32, #tpu.memory_space<vmem_shared>>) target(%dma_start3A_665 : memref<632x128xf32, #tpu.memory_space<hbm>>) target_semaphore(%run_scoped3A : memref<!tpu.dma_semaphore, #tpu.memory_space<semaphore_mem>>)
      %dma_wait3A_668 = arith.constant 0 : i32
      %dma_wait3A_669 = tpu.memref_slice %arg5[%add3A_663, %dma_wait3A_668] : memref<20224x128xf32, #tpu.memory_space<hbm>> -> memref<632x128xf32, #tpu.memory_space<hbm>>
      %dma_wait3A_670 = arith.constant 0 : i32
      %dma_wait3A_671 = tpu.memref_slice %arg6[%mul3A_658, %dma_wait3A_670] : memref<10112x128xf32, #tpu.memory_space<vmem_shared>> -> memref<632x128xf32, #tpu.memory_space<vmem_shared>>
      tpu.wait_dma2 semaphore(%run_scoped3A : memref<!tpu.dma_semaphore, #tpu.memory_space<semaphore_mem>>) src(%dma_wait3A_671 : memref<632x128xf32, #tpu.memory_space<vmem_shared>>) dst(%dma_wait3A_669 : memref<632x128xf32, #tpu.memory_space<hbm>>)
      tpu.yield
    }) : () -> ()
    return
  }
}

module attributes {stable_mosaic.version = 14 : i64} {
  func.func @_tc1_body(%arg0: memref<10000x128xf32, #tpu.memory_space<vmem>>, %arg1: memref<128x128xf32, #tpu.memory_space<vmem>>, %arg2: memref<1x128xf32, #tpu.memory_space<vmem>>, %arg3: memref<128x8xf32, #tpu.memory_space<vmem>>, %arg4: memref<8x128xf32, #tpu.memory_space<vmem>>, %arg5: memref<20224x128xf32, #tpu.memory_space<vmem>>) attributes {dimension_semantics = [], scalar_prefetch = 0 : i64, scratch_operands = 0 : i64, tpu.core_type = #tpu.core_type<tc>} {
    %get3A = arith.constant 0 : index
    %get3A_0 = arith.constant 0 : index
    %get3A_1 = vector.load %arg0[%get3A, %get3A_0] : memref<10000x128xf32, #tpu.memory_space<vmem>>, vector<10000x128xf32>
    %get3A_2 = arith.constant 0 : index
    %get3A_3 = arith.constant 0 : index
    %get3A_4 = vector.load %arg1[%get3A_2, %get3A_3] : memref<128x128xf32, #tpu.memory_space<vmem>>, vector<128x128xf32>
    %dot_general3A = arith.constant dense<0.000000e+00> : vector<10000x128xf32>
    %dot_general3A_5 = tpu.matmul %get3A_1, %get3A_4, %dot_general3A {dimension_numbers = #tpu.dot_dimension_numbers<[1], [0], [0], [1], [0, 0, 1, 1], [], []>, transpose_lhs_hint = false} : vector<10000x128xf32>, vector<128x128xf32>, vector<10000x128xf32> -> vector<10000x128xf32>
    %get3A_6 = arith.constant 0 : index
    %get3A_7 = arith.constant 0 : index
    %get3A_8 = vector.load %arg2[%get3A_6, %get3A_7] : memref<1x128xf32, #tpu.memory_space<vmem>>, vector<1x128xf32>
    %add3A = vector.broadcast %get3A_8 : vector<1x128xf32> to vector<10000x128xf32>
    %add3A_9 = arith.addf %dot_general3A_5, %add3A : vector<10000x128xf32>
    %get3A_10 = arith.constant 0 : index
    %get3A_11 = arith.constant 0 : index
    %get3A_12 = vector.load %arg3[%get3A_10, %get3A_11] : memref<128x8xf32, #tpu.memory_space<vmem>>, vector<128x8xf32>
    %dot_general3A_13 = arith.constant dense<0.000000e+00> : vector<10000x8xf32>
    %dot_general3A_14 = tpu.matmul %add3A_9, %get3A_12, %dot_general3A_13 {dimension_numbers = #tpu.dot_dimension_numbers<[1], [0], [0], [1], [0, 0, 1, 1], [], []>, transpose_lhs_hint = false} : vector<10000x128xf32>, vector<128x8xf32>, vector<10000x8xf32> -> vector<10000x8xf32>
    %gt3A = arith.constant 0.000000e+00 : f32
    %gt3A_15 = vector.broadcast %gt3A : f32 to vector<10000x8xf32>
    %gt3A_16 = arith.cmpf ogt, %dot_general3A_14, %gt3A_15 : vector<10000x8xf32>
    %mul3A = arith.constant 2.000000e-01 : f32
    %mul3A_17 = vector.broadcast %mul3A : f32 to vector<10000x8xf32>
    %mul3A_18 = arith.mulf %mul3A_17, %dot_general3A_14 : vector<10000x8xf32>
    %select_n3A = arith.select %gt3A_16, %dot_general3A_14, %mul3A_18 : vector<10000x8xi1>, vector<10000x8xf32>
    %reduce_max3A = arith.constant dense<0xFF800000> : vector<8xf32>
    %reduce_max3A_19 = vector.multi_reduction <maximumf>, %select_n3A, %reduce_max3A [0] : vector<10000x8xf32> to vector<8xf32>
    %broadcast_in_dim3A = vector.shape_cast %reduce_max3A_19 : vector<8xf32> to vector<1x8xf32>
    %sub3A = vector.broadcast %broadcast_in_dim3A : vector<1x8xf32> to vector<10000x8xf32>
    %sub3A_20 = arith.subf %select_n3A, %sub3A : vector<10000x8xf32>
    %exp3A = math.exp %sub3A_20 : vector<10000x8xf32>
    %get3A_21 = arith.constant 0 : index
    %get3A_22 = arith.constant 0 : index
    %get3A_23 = vector.load %arg4[%get3A_21, %get3A_22] : memref<8x128xf32, #tpu.memory_space<vmem>>, vector<8x128xf32>
    %dot_general3A_24 = arith.constant dense<0.000000e+00> : vector<10000x128xf32>
    %dot_general3A_25 = tpu.matmul %exp3A, %get3A_23, %dot_general3A_24 {dimension_numbers = #tpu.dot_dimension_numbers<[1], [0], [0], [1], [0, 0, 1, 1], [], []>, transpose_lhs_hint = false} : vector<10000x8xf32>, vector<8x128xf32>, vector<10000x128xf32> -> vector<10000x128xf32>
    %mul3A_26 = arith.mulf %add3A_9, %dot_general3A_25 : vector<10000x128xf32>
    %broadcast_in_dim3A_27 = arith.constant 1.000000e+00 : f32
    %broadcast_in_dim3A_28 = vector.broadcast %broadcast_in_dim3A_27 : f32 to vector<10000x1xf32>
    %broadcast_in_dim3A_29 = arith.constant 0.000000e+00 : f32
    %broadcast_in_dim3A_30 = vector.broadcast %broadcast_in_dim3A_29 : f32 to vector<10000x59xf32>
    %slice3A = vector.extract_strided_slice %mul3A_26 {offsets = [0, 0], sizes = [10000, 64], strides = [1, 1]} : vector<10000x128xf32> to vector<10000x64xf32>
    %slice3A_31 = vector.extract_strided_slice %exp3A {offsets = [0, 0], sizes = [10000, 4], strides = [1, 1]} : vector<10000x8xf32> to vector<10000x4xf32>
    %concatenate3A = tpu.concatenate %slice3A, %slice3A_31, %broadcast_in_dim3A_28, %broadcast_in_dim3A_30 in 1 : vector<10000x64xf32>, vector<10000x4xf32>, vector<10000x1xf32>, vector<10000x59xf32> -> vector<10000x128xf32>
    %swap3A = arith.constant 0 : index
    %swap3A_32 = arith.constant 0 : index
    %swap3A_33 = vector.load %arg5[%swap3A, %swap3A_32] : memref<20224x128xf32, #tpu.memory_space<vmem>>, vector<10000x128xf32>
    tpu.vector_store %arg5[%swap3A, %swap3A_32], %concatenate3A {strides = array<i32>} : memref<20224x128xf32, #tpu.memory_space<vmem>>, vector<10000x128xf32>,
    %broadcast_in_dim3A_34 = arith.constant 0.000000e+00 : f32
    %broadcast_in_dim3A_35 = vector.broadcast %broadcast_in_dim3A_34 : f32 to vector<112x128xf32>
    %swap3A_36 = arith.constant 10000 : index
    %swap3A_37 = arith.constant 0 : index
    %swap3A_38 = vector.load %arg5[%swap3A_36, %swap3A_37] : memref<20224x128xf32, #tpu.memory_space<vmem>>, vector<112x128xf32>
    tpu.vector_store %arg5[%swap3A_36, %swap3A_37], %broadcast_in_dim3A_35 {strides = array<i32>} : memref<20224x128xf32, #tpu.memory_space<vmem>>, vector<112x128xf32>,
    %slice3A_39 = vector.extract_strided_slice %mul3A_26 {offsets = [0, 64], sizes = [10000, 64], strides = [1, 1]} : vector<10000x128xf32> to vector<10000x64xf32>
    %slice3A_40 = vector.extract_strided_slice %exp3A {offsets = [0, 4], sizes = [10000, 4], strides = [1, 1]} : vector<10000x8xf32> to vector<10000x4xf32>
    %concatenate3A_41 = tpu.concatenate %slice3A_39, %slice3A_40, %broadcast_in_dim3A_28, %broadcast_in_dim3A_30 in 1 : vector<10000x64xf32>, vector<10000x4xf32>, vector<10000x1xf32>, vector<10000x59xf32> -> vector<10000x128xf32>
    %swap3A_42 = arith.constant 10112 : index
    %swap3A_43 = arith.constant 0 : index
    %swap3A_44 = vector.load %arg5[%swap3A_42, %swap3A_43] : memref<20224x128xf32, #tpu.memory_space<vmem>>, vector<10000x128xf32>
    tpu.vector_store %arg5[%swap3A_42, %swap3A_43], %concatenate3A_41 {strides = array<i32>} : memref<20224x128xf32, #tpu.memory_space<vmem>>, vector<10000x128xf32>,
    %broadcast_in_dim3A_45 = arith.constant 0.000000e+00 : f32
    %broadcast_in_dim3A_46 = vector.broadcast %broadcast_in_dim3A_45 : f32 to vector<112x128xf32>
    %swap3A_47 = arith.constant 20112 : index
    %swap3A_48 = arith.constant 0 : index
    %swap3A_49 = vector.load %arg5[%swap3A_47, %swap3A_48] : memref<20224x128xf32, #tpu.memory_space<vmem>>, vector<112x128xf32>
    tpu.vector_store %arg5[%swap3A_47, %swap3A_48], %broadcast_in_dim3A_46 {strides = array<i32>} : memref<20224x128xf32, #tpu.memory_space<vmem>>, vector<112x128xf32>,
    return
  }
}

module attributes {stable_mosaic.version = 14 : i64} {
  func.func @_tc2_body(%arg0: memref<20224x128xf32, #tpu.memory_space<vmem>>, %arg1: memref<1x128xf32, #tpu.memory_space<vmem>>, %arg2: memref<128x64xf32, #tpu.memory_space<vmem>>, %arg3: memref<1x64xf32, #tpu.memory_space<vmem>>, %arg4: memref<64x8xf32, #tpu.memory_space<vmem>>, %arg5: memref<8x64xf32, #tpu.memory_space<vmem>>, %arg6: memref<8x128xf32, #tpu.memory_space<vmem>>, %arg7: memref<10112x128xf32, #tpu.memory_space<vmem>>) attributes {dimension_semantics = [], scalar_prefetch = 0 : i64, scratch_operands = 0 : i64, tpu.core_type = #tpu.core_type<tc>} {
    %get3A = arith.constant 0 : index
    %get3A_0 = arith.constant 0 : index
    %get3A_1 = vector.load %arg0[%get3A, %get3A_0] : memref<20224x128xf32, #tpu.memory_space<vmem>>, vector<10000x128xf32>
    %get3A_2 = arith.constant 10112 : index
    %get3A_3 = arith.constant 0 : index
    %get3A_4 = vector.load %arg0[%get3A_2, %get3A_3] : memref<20224x128xf32, #tpu.memory_space<vmem>>, vector<10000x128xf32>
    %slice3A = vector.extract_strided_slice %get3A_1 {offsets = [0, 0], sizes = [10000, 64], strides = [1, 1]} : vector<10000x128xf32> to vector<10000x64xf32>
    %slice3A_5 = vector.extract_strided_slice %get3A_4 {offsets = [0, 0], sizes = [10000, 64], strides = [1, 1]} : vector<10000x128xf32> to vector<10000x64xf32>
    %concatenate3A = tpu.concatenate %slice3A, %slice3A_5 in 1 : vector<10000x64xf32>, vector<10000x64xf32> -> vector<10000x128xf32>
    %slice3A_6 = vector.extract_strided_slice %get3A_1 {offsets = [0, 64], sizes = [10000, 4], strides = [1, 1]} : vector<10000x128xf32> to vector<10000x4xf32>
    %slice3A_7 = vector.extract_strided_slice %get3A_4 {offsets = [0, 64], sizes = [10000, 4], strides = [1, 1]} : vector<10000x128xf32> to vector<10000x4xf32>
    %concatenate3A_8 = tpu.concatenate %slice3A_6, %slice3A_7 in 1 : vector<10000x4xf32>, vector<10000x4xf32> -> vector<10000x8xf32>
    %slice3A_9 = vector.extract_strided_slice %get3A_1 {offsets = [0, 68], sizes = [10000, 1], strides = [1, 1]} : vector<10000x128xf32> to vector<10000x1xf32>
    %max3A = arith.constant 1.000000e+00 : f32
    %max3A_10 = vector.broadcast %max3A : f32 to vector<10000x1xf32>
    %max3A_11 = arith.maximumf %slice3A_9, %max3A_10 : vector<10000x1xf32>
    %get3A_12 = arith.constant 0 : index
    %get3A_13 = arith.constant 0 : index
    %get3A_14 = vector.load %arg6[%get3A_12, %get3A_13] : memref<8x128xf32, #tpu.memory_space<vmem>>, vector<8x128xf32>
    %dot_general3A = arith.constant dense<0.000000e+00> : vector<10000x128xf32>
    %dot_general3A_15 = tpu.matmul %concatenate3A_8, %get3A_14, %dot_general3A {dimension_numbers = #tpu.dot_dimension_numbers<[1], [0], [0], [1], [0, 0, 1, 1], [], []>, transpose_lhs_hint = false} : vector<10000x8xf32>, vector<8x128xf32>, vector<10000x128xf32> -> vector<10000x128xf32>
    %div3A = arith.divf %concatenate3A, %dot_general3A_15 : vector<10000x128xf32>
    %div3A_16 = vector.broadcast %max3A_11 : vector<10000x1xf32> to vector<10000x128xf32>
    %div3A_17 = arith.divf %div3A, %div3A_16 : vector<10000x128xf32>
    %get3A_18 = arith.constant 0 : index
    %get3A_19 = arith.constant 0 : index
    %get3A_20 = vector.load %arg1[%get3A_18, %get3A_19] : memref<1x128xf32, #tpu.memory_space<vmem>>, vector<1x128xf32>
    %add3A = vector.broadcast %get3A_20 : vector<1x128xf32> to vector<10000x128xf32>
    %add3A_21 = arith.addf %div3A_17, %add3A : vector<10000x128xf32>
    %gt3A = arith.constant 0.000000e+00 : f32
    %gt3A_22 = vector.broadcast %gt3A : f32 to vector<10000x128xf32>
    %gt3A_23 = arith.cmpf ogt, %add3A_21, %gt3A_22 : vector<10000x128xf32>
    %mul3A = arith.constant 2.000000e-01 : f32
    %mul3A_24 = vector.broadcast %mul3A : f32 to vector<10000x128xf32>
    %mul3A_25 = arith.mulf %mul3A_24, %add3A_21 : vector<10000x128xf32>
    %select_n3A = arith.select %gt3A_23, %add3A_21, %mul3A_25 : vector<10000x128xi1>, vector<10000x128xf32>
    %get3A_26 = arith.constant 0 : index
    %get3A_27 = arith.constant 0 : index
    %get3A_28 = vector.load %arg2[%get3A_26, %get3A_27] : memref<128x64xf32, #tpu.memory_space<vmem>>, vector<128x64xf32>
    %dot_general3A_29 = arith.constant dense<0.000000e+00> : vector<10000x64xf32>
    %dot_general3A_30 = tpu.matmul %select_n3A, %get3A_28, %dot_general3A_29 {dimension_numbers = #tpu.dot_dimension_numbers<[1], [0], [0], [1], [0, 0, 1, 1], [], []>, transpose_lhs_hint = false} : vector<10000x128xf32>, vector<128x64xf32>, vector<10000x64xf32> -> vector<10000x64xf32>
    %get3A_31 = arith.constant 0 : index
    %get3A_32 = arith.constant 0 : index
    %get3A_33 = vector.load %arg3[%get3A_31, %get3A_32] : memref<1x64xf32, #tpu.memory_space<vmem>>, vector<1x64xf32>
    %add3A_34 = vector.broadcast %get3A_33 : vector<1x64xf32> to vector<10000x64xf32>
    %add3A_35 = arith.addf %dot_general3A_30, %add3A_34 : vector<10000x64xf32>
    %get3A_36 = arith.constant 0 : index
    %get3A_37 = arith.constant 0 : index
    %get3A_38 = vector.load %arg4[%get3A_36, %get3A_37] : memref<64x8xf32, #tpu.memory_space<vmem>>, vector<64x8xf32>
    %dot_general3A_39 = arith.constant dense<0.000000e+00> : vector<10000x8xf32>
    %dot_general3A_40 = tpu.matmul %add3A_35, %get3A_38, %dot_general3A_39 {dimension_numbers = #tpu.dot_dimension_numbers<[1], [0], [0], [1], [0, 0, 1, 1], [], []>, transpose_lhs_hint = false} : vector<10000x64xf32>, vector<64x8xf32>, vector<10000x8xf32> -> vector<10000x8xf32>
    %gt3A_41 = arith.constant 0.000000e+00 : f32
    %gt3A_42 = vector.broadcast %gt3A_41 : f32 to vector<10000x8xf32>
    %gt3A_43 = arith.cmpf ogt, %dot_general3A_40, %gt3A_42 : vector<10000x8xf32>
    %mul3A_44 = arith.constant 2.000000e-01 : f32
    %mul3A_45 = vector.broadcast %mul3A_44 : f32 to vector<10000x8xf32>
    %mul3A_46 = arith.mulf %mul3A_45, %dot_general3A_40 : vector<10000x8xf32>
    %select_n3A_47 = arith.select %gt3A_43, %dot_general3A_40, %mul3A_46 : vector<10000x8xi1>, vector<10000x8xf32>
    %reduce_max3A = arith.constant dense<0xFF800000> : vector<8xf32>
    %reduce_max3A_48 = vector.multi_reduction <maximumf>, %select_n3A_47, %reduce_max3A [0] : vector<10000x8xf32> to vector<8xf32>
    %broadcast_in_dim3A = vector.shape_cast %reduce_max3A_48 : vector<8xf32> to vector<1x8xf32>
    %sub3A = vector.broadcast %broadcast_in_dim3A : vector<1x8xf32> to vector<10000x8xf32>
    %sub3A_49 = arith.subf %select_n3A_47, %sub3A : vector<10000x8xf32>
    %exp3A = math.exp %sub3A_49 : vector<10000x8xf32>
    %get3A_50 = arith.constant 0 : index
    %get3A_51 = arith.constant 0 : index
    %get3A_52 = vector.load %arg5[%get3A_50, %get3A_51] : memref<8x64xf32, #tpu.memory_space<vmem>>, vector<8x64xf32>
    %dot_general3A_53 = arith.constant dense<0.000000e+00> : vector<10000x64xf32>
    %dot_general3A_54 = tpu.matmul %exp3A, %get3A_52, %dot_general3A_53 {dimension_numbers = #tpu.dot_dimension_numbers<[1], [0], [0], [1], [0, 0, 1, 1], [], []>, transpose_lhs_hint = false} : vector<10000x8xf32>, vector<8x64xf32>, vector<10000x64xf32> -> vector<10000x64xf32>
    %mul3A_55 = arith.mulf %add3A_35, %dot_general3A_54 : vector<10000x64xf32>
    %broadcast_in_dim3A_56 = arith.constant 1.000000e+00 : f32
    %broadcast_in_dim3A_57 = vector.broadcast %broadcast_in_dim3A_56 : f32 to vector<10000x1xf32>
    %broadcast_in_dim3A_58 = arith.constant 0.000000e+00 : f32
    %broadcast_in_dim3A_59 = vector.broadcast %broadcast_in_dim3A_58 : f32 to vector<10000x55xf32>
    %concatenate3A_60 = tpu.concatenate %mul3A_55, %exp3A, %broadcast_in_dim3A_57, %broadcast_in_dim3A_59 in 1 : vector<10000x64xf32>, vector<10000x8xf32>, vector<10000x1xf32>, vector<10000x55xf32> -> vector<10000x128xf32>
    %swap3A = arith.constant 0 : index
    %swap3A_61 = arith.constant 0 : index
    %swap3A_62 = vector.load %arg7[%swap3A, %swap3A_61] : memref<10112x128xf32, #tpu.memory_space<vmem>>, vector<10000x128xf32>
    tpu.vector_store %arg7[%swap3A, %swap3A_61], %concatenate3A_60 {strides = array<i32>} : memref<10112x128xf32, #tpu.memory_space<vmem>>, vector<10000x128xf32>,
    %broadcast_in_dim3A_63 = arith.constant 0.000000e+00 : f32
    %broadcast_in_dim3A_64 = vector.broadcast %broadcast_in_dim3A_63 : f32 to vector<112x128xf32>
    %swap3A_65 = arith.constant 10000 : index
    %swap3A_66 = arith.constant 0 : index
    %swap3A_67 = vector.load %arg7[%swap3A_65, %swap3A_66] : memref<10112x128xf32, #tpu.memory_space<vmem>>, vector<112x128xf32>
    tpu.vector_store %arg7[%swap3A_65, %swap3A_66], %broadcast_in_dim3A_64 {strides = array<i32>} : memref<10112x128xf32, #tpu.memory_space<vmem>>, vector<112x128xf32>,
    return
  }
}

module attributes {stable_mosaic.version = 14 : i64} {
  func.func @_tc3_body(%arg0: memref<20224x128xf32, #tpu.memory_space<vmem>>, %arg1: memref<1x64xf32, #tpu.memory_space<vmem>>, %arg2: memref<64x10xf32, #tpu.memory_space<vmem>>, %arg3: memref<1x10xf32, #tpu.memory_space<vmem>>, %arg4: memref<10x1xf32, #tpu.memory_space<vmem>>, %arg5: memref<8x64xf32, #tpu.memory_space<vmem>>, %arg6: memref<10112x128xf32, #tpu.memory_space<vmem>>) attributes {dimension_semantics = [], scalar_prefetch = 0 : i64, scratch_operands = 0 : i64, tpu.core_type = #tpu.core_type<tc>} {
    %get3A = arith.constant 0 : index
    %get3A_0 = arith.constant 0 : index
    %get3A_1 = vector.load %arg0[%get3A, %get3A_0] : memref<20224x128xf32, #tpu.memory_space<vmem>>, vector<10000x128xf32>
    %get3A_2 = arith.constant 10112 : index
    %get3A_3 = arith.constant 0 : index
    %get3A_4 = vector.load %arg0[%get3A_2, %get3A_3] : memref<20224x128xf32, #tpu.memory_space<vmem>>, vector<10000x128xf32>
    %add3A = arith.addf %get3A_1, %get3A_4 : vector<10000x128xf32>
    %slice3A = vector.extract_strided_slice %add3A {offsets = [0, 0], sizes = [10000, 64], strides = [1, 1]} : vector<10000x128xf32> to vector<10000x64xf32>
    %slice3A_5 = vector.extract_strided_slice %add3A {offsets = [0, 64], sizes = [10000, 8], strides = [1, 1]} : vector<10000x128xf32> to vector<10000x8xf32>
    %slice3A_6 = vector.extract_strided_slice %add3A {offsets = [0, 72], sizes = [10000, 1], strides = [1, 1]} : vector<10000x128xf32> to vector<10000x1xf32>
    %max3A = arith.constant 1.000000e+00 : f32
    %max3A_7 = vector.broadcast %max3A : f32 to vector<10000x1xf32>
    %max3A_8 = arith.maximumf %slice3A_6, %max3A_7 : vector<10000x1xf32>
    %get3A_9 = arith.constant 0 : index
    %get3A_10 = arith.constant 0 : index
    %get3A_11 = vector.load %arg5[%get3A_9, %get3A_10] : memref<8x64xf32, #tpu.memory_space<vmem>>, vector<8x64xf32>
    %dot_general3A = arith.constant dense<0.000000e+00> : vector<10000x64xf32>
    %dot_general3A_12 = tpu.matmul %slice3A_5, %get3A_11, %dot_general3A {dimension_numbers = #tpu.dot_dimension_numbers<[1], [0], [0], [1], [0, 0, 1, 1], [], []>, transpose_lhs_hint = false} : vector<10000x8xf32>, vector<8x64xf32>, vector<10000x64xf32> -> vector<10000x64xf32>
    %div3A = arith.divf %slice3A, %dot_general3A_12 : vector<10000x64xf32>
    %div3A_13 = vector.broadcast %max3A_8 : vector<10000x1xf32> to vector<10000x64xf32>
    %div3A_14 = arith.divf %div3A, %div3A_13 : vector<10000x64xf32>
    %get3A_15 = arith.constant 0 : index
    %get3A_16 = arith.constant 0 : index
    %get3A_17 = vector.load %arg1[%get3A_15, %get3A_16] : memref<1x64xf32, #tpu.memory_space<vmem>>, vector<1x64xf32>
    %add3A_18 = vector.broadcast %get3A_17 : vector<1x64xf32> to vector<10000x64xf32>
    %add3A_19 = arith.addf %div3A_14, %add3A_18 : vector<10000x64xf32>
    %gt3A = arith.constant 0.000000e+00 : f32
    %gt3A_20 = vector.broadcast %gt3A : f32 to vector<10000x64xf32>
    %gt3A_21 = arith.cmpf ogt, %add3A_19, %gt3A_20 : vector<10000x64xf32>
    %mul3A = arith.constant 2.000000e-01 : f32
    %mul3A_22 = vector.broadcast %mul3A : f32 to vector<10000x64xf32>
    %mul3A_23 = arith.mulf %mul3A_22, %add3A_19 : vector<10000x64xf32>
    %select_n3A = arith.select %gt3A_21, %add3A_19, %mul3A_23 : vector<10000x64xi1>, vector<10000x64xf32>
    %get3A_24 = arith.constant 0 : index
    %get3A_25 = arith.constant 0 : index
    %get3A_26 = vector.load %arg2[%get3A_24, %get3A_25] : memref<64x10xf32, #tpu.memory_space<vmem>>, vector<64x10xf32>
    %dot_general3A_27 = arith.constant dense<0.000000e+00> : vector<10000x10xf32>
    %dot_general3A_28 = tpu.matmul %select_n3A, %get3A_26, %dot_general3A_27 {dimension_numbers = #tpu.dot_dimension_numbers<[1], [0], [0], [1], [0, 0, 1, 1], [], []>, transpose_lhs_hint = false} : vector<10000x64xf32>, vector<64x10xf32>, vector<10000x10xf32> -> vector<10000x10xf32>
    %get3A_29 = arith.constant 0 : index
    %get3A_30 = arith.constant 0 : index
    %get3A_31 = vector.load %arg3[%get3A_29, %get3A_30] : memref<1x10xf32, #tpu.memory_space<vmem>>, vector<1x10xf32>
    %add3A_32 = vector.broadcast %get3A_31 : vector<1x10xf32> to vector<10000x10xf32>
    %add3A_33 = arith.addf %dot_general3A_28, %add3A_32 : vector<10000x10xf32>
    %get3A_34 = arith.constant 0 : index
    %get3A_35 = arith.constant 0 : index
    %get3A_36 = vector.load %arg4[%get3A_34, %get3A_35] : memref<10x1xf32, #tpu.memory_space<vmem>>, vector<10x1xf32>
    %dot_general3A_37 = arith.constant dense<0.000000e+00> : vector<10000x1xf32>
    %dot_general3A_38 = tpu.matmul %add3A_33, %get3A_36, %dot_general3A_37 {dimension_numbers = #tpu.dot_dimension_numbers<[1], [0], [0], [1], [0, 0, 1, 1], [], []>, transpose_lhs_hint = false} : vector<10000x10xf32>, vector<10x1xf32>, vector<10000x1xf32> -> vector<10000x1xf32>
    %gt3A_39 = arith.constant 0.000000e+00 : f32
    %gt3A_40 = vector.broadcast %gt3A_39 : f32 to vector<10000x1xf32>
    %gt3A_41 = arith.cmpf ogt, %dot_general3A_38, %gt3A_40 : vector<10000x1xf32>
    %mul3A_42 = arith.constant 2.000000e-01 : f32
    %mul3A_43 = vector.broadcast %mul3A_42 : f32 to vector<10000x1xf32>
    %mul3A_44 = arith.mulf %mul3A_43, %dot_general3A_38 : vector<10000x1xf32>
    %select_n3A_45 = arith.select %gt3A_41, %dot_general3A_38, %mul3A_44 : vector<10000x1xi1>, vector<10000x1xf32>
    %reduce_max3A = arith.constant dense<0xFF800000> : vector<1xf32>
    %reduce_max3A_46 = vector.multi_reduction <maximumf>, %select_n3A_45, %reduce_max3A [0] : vector<10000x1xf32> to vector<1xf32>
    %broadcast_in_dim3A = vector.shape_cast %reduce_max3A_46 : vector<1xf32> to vector<1x1xf32>
    %sub3A = vector.broadcast %broadcast_in_dim3A : vector<1x1xf32> to vector<10000x1xf32>
    %sub3A_47 = arith.subf %select_n3A_45, %sub3A : vector<10000x1xf32>
    %exp3A = math.exp %sub3A_47 : vector<10000x1xf32>
    %mul3A_48 = vector.broadcast %exp3A : vector<10000x1xf32> to vector<10000x10xf32>
    %mul3A_49 = arith.mulf %add3A_33, %mul3A_48 : vector<10000x10xf32>
    %broadcast_in_dim3A_50 = arith.constant 1.000000e+00 : f32
    %broadcast_in_dim3A_51 = vector.broadcast %broadcast_in_dim3A_50 : f32 to vector<10000x1xf32>
    %broadcast_in_dim3A_52 = arith.constant 0.000000e+00 : f32
    %broadcast_in_dim3A_53 = vector.broadcast %broadcast_in_dim3A_52 : f32 to vector<10000x116xf32>
    %concatenate3A = tpu.concatenate %mul3A_49, %exp3A, %broadcast_in_dim3A_51, %broadcast_in_dim3A_53 in 1 : vector<10000x10xf32>, vector<10000x1xf32>, vector<10000x1xf32>, vector<10000x116xf32> -> vector<10000x128xf32>
    %swap3A = arith.constant 0 : index
    %swap3A_54 = arith.constant 0 : index
    %swap3A_55 = vector.load %arg6[%swap3A, %swap3A_54] : memref<10112x128xf32, #tpu.memory_space<vmem>>, vector<10000x128xf32>
    tpu.vector_store %arg6[%swap3A, %swap3A_54], %concatenate3A {strides = array<i32>} : memref<10112x128xf32, #tpu.memory_space<vmem>>, vector<10000x128xf32>,
    %broadcast_in_dim3A_56 = arith.constant 0.000000e+00 : f32
    %broadcast_in_dim3A_57 = vector.broadcast %broadcast_in_dim3A_56 : f32 to vector<112x128xf32>
    %swap3A_58 = arith.constant 10000 : index
    %swap3A_59 = arith.constant 0 : index
    %swap3A_60 = vector.load %arg6[%swap3A_58, %swap3A_59] : memref<10112x128xf32, #tpu.memory_space<vmem>>, vector<112x128xf32>
    tpu.vector_store %arg6[%swap3A_58, %swap3A_59], %broadcast_in_dim3A_57 {strides = array<i32>} : memref<10112x128xf32, #tpu.memory_space<vmem>>, vector<112x128xf32>,
    return
  }
}

module attributes {stable_mosaic.version = 14 : i64} {
  func.func @_tc4_body(%arg0: memref<20224x128xf32, #tpu.memory_space<vmem>>, %arg1: memref<1x10xf32, #tpu.memory_space<vmem>>, %arg2: memref<10000x10xf32, #tpu.memory_space<vmem>>) attributes {dimension_semantics = [], scalar_prefetch = 0 : i64, scratch_operands = 0 : i64, tpu.core_type = #tpu.core_type<tc>} {
    %get3A = arith.constant 0 : index
    %get3A_0 = arith.constant 0 : index
    %get3A_1 = vector.load %arg0[%get3A, %get3A_0] : memref<20224x128xf32, #tpu.memory_space<vmem>>, vector<10000x128xf32>
    %get3A_2 = arith.constant 10112 : index
    %get3A_3 = arith.constant 0 : index
    %get3A_4 = vector.load %arg0[%get3A_2, %get3A_3] : memref<20224x128xf32, #tpu.memory_space<vmem>>, vector<10000x128xf32>
    %add3A = arith.addf %get3A_1, %get3A_4 : vector<10000x128xf32>
    %slice3A = vector.extract_strided_slice %add3A {offsets = [0, 0], sizes = [10000, 10], strides = [1, 1]} : vector<10000x128xf32> to vector<10000x10xf32>
    %slice3A_5 = vector.extract_strided_slice %add3A {offsets = [0, 10], sizes = [10000, 1], strides = [1, 1]} : vector<10000x128xf32> to vector<10000x1xf32>
    %slice3A_6 = vector.extract_strided_slice %add3A {offsets = [0, 11], sizes = [10000, 1], strides = [1, 1]} : vector<10000x128xf32> to vector<10000x1xf32>
    %max3A = arith.constant 1.000000e+00 : f32
    %max3A_7 = vector.broadcast %max3A : f32 to vector<10000x1xf32>
    %max3A_8 = arith.maximumf %slice3A_6, %max3A_7 : vector<10000x1xf32>
    %div3A = vector.broadcast %slice3A_5 : vector<10000x1xf32> to vector<10000x10xf32>
    %div3A_9 = arith.divf %slice3A, %div3A : vector<10000x10xf32>
    %div3A_10 = vector.broadcast %max3A_8 : vector<10000x1xf32> to vector<10000x10xf32>
    %div3A_11 = arith.divf %div3A_9, %div3A_10 : vector<10000x10xf32>
    %get3A_12 = arith.constant 0 : index
    %get3A_13 = arith.constant 0 : index
    %get3A_14 = vector.load %arg1[%get3A_12, %get3A_13] : memref<1x10xf32, #tpu.memory_space<vmem>>, vector<1x10xf32>
    %add3A_15 = vector.broadcast %get3A_14 : vector<1x10xf32> to vector<10000x10xf32>
    %add3A_16 = arith.addf %div3A_11, %add3A_15 : vector<10000x10xf32>
    %reduce_max3A = arith.constant dense<0xFF800000> : vector<10000xf32>
    %reduce_max3A_17 = vector.multi_reduction <maximumf>, %add3A_16, %reduce_max3A [1] : vector<10000x10xf32> to vector<10000xf32>
    %broadcast_in_dim3A = vector.shape_cast %reduce_max3A_17 : vector<10000xf32> to vector<10000x1xf32>
    %sub3A = vector.broadcast %broadcast_in_dim3A : vector<10000x1xf32> to vector<10000x10xf32>
    %sub3A_18 = arith.subf %add3A_16, %sub3A : vector<10000x10xf32>
    %exp3A = math.exp %sub3A_18 : vector<10000x10xf32>
    %reduce_sum3A = arith.constant dense<0.000000e+00> : vector<10000xf32>
    %reduce_sum3A_19 = vector.multi_reduction <add>, %exp3A, %reduce_sum3A [1] : vector<10000x10xf32> to vector<10000xf32>
    %broadcast_in_dim3A_20 = vector.shape_cast %reduce_sum3A_19 : vector<10000xf32> to vector<10000x1xf32>
    %log3A = math.log %broadcast_in_dim3A_20 : vector<10000x1xf32>
    %sub3A_21 = vector.broadcast %broadcast_in_dim3A : vector<10000x1xf32> to vector<10000x10xf32>
    %sub3A_22 = arith.subf %add3A_16, %sub3A_21 : vector<10000x10xf32>
    %sub3A_23 = vector.broadcast %log3A : vector<10000x1xf32> to vector<10000x10xf32>
    %sub3A_24 = arith.subf %sub3A_22, %sub3A_23 : vector<10000x10xf32>
    %swap3A = arith.constant 0 : index
    %swap3A_25 = arith.constant 0 : index
    %swap3A_26 = vector.load %arg2[%swap3A, %swap3A_25] : memref<10000x10xf32, #tpu.memory_space<vmem>>, vector<10000x10xf32>
    tpu.vector_store %arg2[%swap3A, %swap3A_25], %sub3A_24 {strides = array<i32>} : memref<10000x10xf32, #tpu.memory_space<vmem>>, vector<10000x10xf32>,
    return
  }
}

</mosaic_0001>

<sc_bundles>
// kernel: kernel.12.cloned.1.call-start
scs
__scs_entry_jumppad:
0x0: {  	(pc) =	sbr.rel $0x88, $3  }
0x1: {  	(tag) =	ssettag $0x0;
	lr =	simm.s32 $0x1  }
0x2: {  	[smem:$0x3F93] =	sst lr;
	_ =	strace $0xD0000000  }
0x3: {  	_ = 	snop  }
0x4: {  	_ = 	snop  }
0x5: {  	_ = 	snop  }
0x6: {  	_ = 	snop  }
0x7: {  	_ = 	snop  }
__scs_overlays_trampoline_lowered:
0x8: {  	[smem:$0x3FA2] =	sst s0  }
0x9: {  	[smem:$0x3FA3] =	sst s1  }
0xa: {  	[smem:$0x3FA4] =	sst s2  }
0xb: {  	[smem:$0x3FA5] =	sst s3  }
0xc: {  	[smem:$0x3FA6] =	sst s4  }
0xd: {  	[smem:$0x3FA7] =	sst s5  }
0xe: {  	[smem:$0x3FA8] =	sst s6  }
0xf: {  	[smem:$0x3FA9] =	sst s7  }
0x10: {  	[smem:$0x3FAA] =	sst s8  }
0x11: {  	[smem:$0x3FAB] =	sst s9;
	s0 =	simm.s32 @!p0 $0x0  }
0x12: {  	s1 =	sld [smem:$0x3F91];
	s0 =	simm.s32 @p0 $0x1  }
0x13: {  	[smem:$0x3FAC] =	sst s0;
	s0 =	simm.s32 @!p1 $0x0  }
0x14: {  	s2 =	sld [smem:$0x3F90];
	s0 =	simm.s32 @p1 $0x1  }
0x15: {  	[smem:$0x3FAD] =	sst s0;
	s0 =	simm.s32 @!p2 $0x0  }
0x16: {  	s3 =	sld [smem:$0x3FDB];
	s0 =	simm.s32 @p2 $0x1  }
0x17: {  	s4 =	simm.s32 $0x1BF5;
	[smem:$0x3FAF] =	sst s0  }
0x18: {  	s0 =	sld [smem:$0x3F92];
	_ =	swait.ge [sflag:s4], $0x0  }
0x19: {  	s7 =	sld [smem:$0x3F93]  }
0x1a: {  	s8 =	sadd.s32 $0xFFFFE003, lr  }
0x1b: {  	s9 =	sadd.s32 $0xFFFFFEF7, lr;
	s5 =	simm.s32 $0xFFFFFFFF;
	p2 =	slt.u32 s8, $0xFFFFF086  }
0x1c: {  	p1 =	slt.u32 s9, $0xF7A;
	s5 =	simm.s32 @!p2 $0x0  }
0x1d: {  	s5 =	simm.s32 @p1 $0x1;
	p0 =	seq.s32 s7, s2  }
0x1e: {  	s7 =	smul.u32 @!p0 $0xF7A, s2;
	p2 =	seq.s32 @!p0 s5, $0x0  }
0x1f: {  	s9 =	smul.u32 $0xF7A, s1;
	s8 =	simm.s32 @!p0 $0x1BF5;
	p2 =	por !p2, p0  }
0x20: {  	[sflag:s8] =	ssyncset.s32 @!p0 $0xFFFFF086;
	s6 =	sadd.s32 @!p0 s3, s7;
	s7 =	simm.s32 @!p0 $0x108  }
0x21: {  	s3 =	sadd.s32 s3, s9;
	s6 =	sadd.s32 @!p0 $0x88, s6;
	s7 =	simm.s32 @p2 $0x1082  }
0x22: {  	[simem:s7], [sflag:s8] =	dma.local @!p0 [hbm:s6], $0xF7A  }
0x23: {  	s9 =	sor.u32 $0xD0000000, s2;
	s6 =	simm.s32 $0x108;
	_ =	swait.ge @!p0 [sflag:s8], $0x0  }
0x24: {  	s3 =	sadd.s32 $0x88, s3;
	s6 =	simm.s32 @!p1 $0x1082;
	[sflag:s4] =	ssyncset.s32 $0xFFFFF086  }
0x25: {  	[simem:s6], [sflag:s4] =	dma.local [hbm:s3], $0xF7A  }
0x26: {  	[smem:$0x3F93] =	sst s1;
	(tag) =	ssettag s2;
	_ =	strace s9  }
0x27: {  	s1 =	sld [smem:$0x3FA3]  }
0x28: {  	s2 =	sld [smem:$0x3FA4]  }
0x29: {  	s4 =	sld [smem:$0x3FA6]  }
0x2a: {  	p0 =	seq.s32 s5, $0x0;
	s5 =	sld [smem:$0x3FA7]  }
0x2b: {  	s6 =	sld [smem:$0x3FA8]  }
0x2c: {  	s7 =	sld [smem:$0x3FA9]  }
0x2d: {  	s3 =	simm.s32 $0x108;
	s8 =	sld [smem:$0x3FAA]  }
0x2e: {  	s3 =	simm.s32 @!p0 $0x1082;
	s9 =	sld [smem:$0x3FAB]  }
0x2f: {  	lr =	sadd.s32 s0, s3;
	s0 =	sld [smem:$0x3FA2]  }
0x30: {  	s3 =	sld [smem:$0x3FA5]  }
0x31: {  	[smem:$0x3FAE] =	sst s10  }
0x32: {  	s10 =	sld [smem:$0x3FAC];
	_ =	sdelay $0x3  }
0x33: {  	p0 =	seq.s32 s10, $0x1;
	s10 =	sld [smem:$0x3FAE];
	_ =	sdelay $0x3  }
0x34: {  	[smem:$0x3FAE] =	sst s10  }
0x35: {  	s10 =	sld [smem:$0x3FAD];
	_ =	sdelay $0x3  }
0x36: {  	p1 =	seq.s32 s10, $0x1;
	s10 =	sld [smem:$0x3FAE];
	_ =	sdelay $0x3  }
0x37: {  	[smem:$0x3FAE] =	sst s10  }
0x38: {  	s10 =	sld [smem:$0x3FAF]  }
0x39: {  	_ = 	snop;
	(pc) =	sbr.ind lr, $3  }
0x3a: {  	_ = 	snop  }
0x3b: {  	_ = 	snop  }
0x3c: {  	p2 =	seq.s32 s10, $0x1;
	s10 =	sld [smem:$0x3FAE]  }
0x3d: {  	_ =	shalt  }
0x3e: {  	_ =	shalt  }
0x3f: {  	_ =	shalt  }
0x40: {  	_ =	shalt  }
0x41: {  	_ =	shalt  }
0x42: {  	_ =	shalt  }
0x43: {  	_ =	shalt  }
0x44: {  	_ =	shalt  }
0x45: {  	_ =	shalt  }
0x46: {  	_ =	shalt  }
0x47: {  	_ =	shalt  }
0x48: {  	_ =	shalt  }
0x49: {  	_ =	shalt  }
0x4a: {  	_ =	shalt  }
0x4b: {  	_ =	shalt  }
0x4c: {  	_ =	shalt  }
0x4d: {  	_ =	shalt  }
0x4e: {  	_ =	shalt  }
0x4f: {  	_ =	shalt  }
0x50: {  	_ =	shalt  }
0x51: {  	_ =	shalt  }
0x52: {  	_ =	shalt  }
0x53: {  	_ =	shalt  }
0x54: {  	_ =	shalt  }
0x55: {  	_ =	shalt  }
0x56: {  	_ =	shalt  }
0x57: {  	_ =	shalt  }
0x58: {  	_ =	shalt  }
0x59: {  	_ =	shalt  }
0x5a: {  	_ =	shalt  }
0x5b: {  	_ =	shalt  }
0x5c: {  	_ =	shalt  }
0x5d: {  	_ =	shalt  }
0x5e: {  	_ =	shalt  }
0x5f: {  	_ =	shalt  }
0x60: {  	_ =	shalt  }
0x61: {  	_ =	shalt  }
0x62: {  	_ =	shalt  }
0x63: {  	_ =	shalt  }
0x64: {  	_ =	shalt  }
0x65: {  	_ =	shalt  }
0x66: {  	_ =	shalt  }
0x67: {  	_ =	shalt  }
0x68: {  	_ =	shalt  }
0x69: {  	_ =	shalt  }
0x6a: {  	_ =	shalt  }
0x6b: {  	_ =	shalt  }
0x6c: {  	_ =	shalt  }
0x6d: {  	_ =	shalt  }
0x6e: {  	_ =	shalt  }
0x6f: {  	_ =	shalt  }
0x70: {  	_ =	shalt  }
0x71: {  	_ =	shalt  }
0x72: {  	_ =	shalt  }
0x73: {  	_ =	shalt  }
0x74: {  	_ =	shalt  }
0x75: {  	_ =	shalt  }
0x76: {  	_ =	shalt  }
0x77: {  	_ =	shalt  }
0x78: {  	_ =	shalt  }
0x79: {  	_ =	shalt  }
0x7a: {  	_ =	shalt  }
0x7b: {  	_ =	shalt  }
0x7c: {  	_ =	shalt  }
0x7d: {  	_ =	shalt  }
0x7e: {  	_ =	shalt  }
0x7f: {  	_ =	shalt  }
0x80: {  	_ =	shalt  }
0x81: {  	_ =	shalt  }
0x82: {  	_ =	shalt  }
0x83: {  	_ =	shalt  }
0x84: {  	_ =	shalt  }
0x85: {  	_ =	shalt  }
0x86: {  	_ =	shalt  }
0x87: {  	_ =	shalt  }
.Lfunc_end0:
.L_simem_size_0:
called_computation.1_lowered:
.L_overlay_start_0:
0x88: {  	s2 =	sld [smem:$0x3FD9]  }
0x89: {  	s3 =	sld [smem:$0x3FFE];
	_ =	sdelay $0x1  }
0x8a: {  	s1 =	srdreg.scid  }
0x8b: {  	s0 =	sand.u32 $0x1, s1  }
0x8c: {  	s16 =	sshll.u32 s0, $0xA;
	s2 =	sadd.s32 s3, s2  }
0x8d: {  	s2 =	sadd.s32 s2, s16  }
0x8e: {  	[smem:$0x3FBA] =	sst s2  }
0x8f: {  	_ = 	snop  }
0x90: {  	(tm) =	ssettm $0x1  }
0x91: {  	s17 =	sld [smem:$0x3FFB];
	_ =	sdelay $0x3  }
0x92: {  	_ =	strace s17  }
0x93: {  	s2 =	sld [smem:$0x3FFC];
	_ =	sdelay $0x3  }
0x94: {  	_ =	strace s2  }
0x95: {  	s2 =	sld [smem:$0x3FFD];
	_ =	sdelay $0x3  }
0x96: {  	_ =	strace s2  }
0x97: {  	_ =	strace $0x8FFFFFFF  }
0x98: {  	s18 =	sld [smem:$0x3FDB];
	_ =	sdelay $0x1  }
0x99: {  	s19 =	simm.s32 $_scs_section_size  }
0x9a: {  	s4 =	simm.s32 $_size__tile_overlayer_lowered;
	s5 =	simm.s32 $_tile_overlayer_lowered  }
0x9b: {  	s22 =	simm.s32 $0x1BFF;
	s21 =	sshll.u32 s5, $0x1;
	s2 =	sadd.s32 s19, s18  }
0x9c: {  	s6 =	simm.s32 $0x0;
	s20 =	sshll.u32 s4, $0x1;
	s4 =	sadd.s32 s21, s2  }
0x9d: {  	[timem:s6], [sflag:s22] =	dma.local [hbm:s4], s20  }
0x9e: {  	_ =	swait.ge [sflag:s22], s20  }
0x9f: {  	s3 =	ssub.s32 $0x0, s20;
	[sflag:s22] =	ssyncset.done $0x0  }
0xa0: {  	[sflag:s22] =	ssyncadd.s32 s3;
	_ =	sdelay $0x1  }
0xa1: {  	s23 =	simm.s32 $0x1B8B  }
0xa2: {  	_ =	swait.ge [sflag:s23], $0x1  }
0xa3: {  	[sflag:s23] =	ssyncset.done $0x0  }
0xa4: {  	s25 =	simm.s32 $0x1B8E;
	s24 =	sld [smem:$0x3FFE];
	[sflag:s23] =	ssyncadd.s32 $0xFFFFFFFF  }
0xa5: {  	s26 =	simm.s32 $execute0_lowered;
	[smem:$0x3FD2] =	sst s25  }
0xa6: {  	s4 =	sshll.u32 s26, $0x1;
	_ =	strace $0x80000049;
	[dreg:$0x1] =	wrdreg $0xFFFFFFFF  }
0xa7: {  	s28 =	simm.s32 $_size_execute0_lowered;
	s2 =	sadd.s32 s2, s4;
	[dreg:$0x0] =	wrdreg $0x0  }
0xa8: {  	s4 =	sshll.u32 s28, $0x1;
	[dreg:$0x2] =	wrdreg s2  }
0xa9: {  	[dreg:$0x3] =	wrdreg s4  }
0xaa: {  	[dreg:$0x4] =	wrdreg $0xC0  }
0xab: {  	_ =	task [dreg:s6], $0x5FFFF  }
0xac: {  	[dreg:$0x1] =	wrdreg $0xFFFFFFFF  }
0xad: {  	[dreg:$0x0] =	wrdreg $0x60  }
0xae: {  	[dreg:$0x2] =	wrdreg s24  }
0xaf: {  	[dreg:$0x3] =	wrdreg $0x0  }
0xb0: {  	[dreg:$0x4] =	wrdreg $0x9  }
0xb1: {  	_ =	task.clear_ibuf [dreg:s6], $0x5FFFF;
	_ =	strace $0x90000049  }
0xb2: {  	s29 =	simm.s32 $0x9;
	_ =	strace $0x8000004B  }
0xb3: {  	_ =	swait.ge [sflag:s29], $0x1  }
0xb4: {  	[sflag:s29] =	ssyncadd.s32 $0xFFFFFFFF  }
0xb5: {  	_ =	strace $0x9000004B  }
0xb6: {  	_ =	sfence  }
0xb7: {  	s30 =	sld [smem:$0x0];
	_ =	sdelay $0x2  }
0xb8: {  	s31 =	sshll.u32 s1, $0xD;
	s1 =	sshrl.u32 s1, $0x2  }
0xb9: {  	s3 =	sand.u32 $0x4000, s31;
	s1 =	sadd.s32 s1, s30  }
0xba: {  	s0 =	sor.u32 s3, s0;
	s1 =	sshll.u32 s1, $0x11  }
0xbb: {  	s0 =	sor.u32 s1, s0  }
0xbc: {  	s0 =	sadd.s32 $0x8F2B, s0  }
0xbd: {  	[sflag:s0] =	ssyncadd.remote.s32 $0x1  }
0xbe: {  	_ =	sfence.sel $0xFFFF  }
0xbf: {  	[dreg:$0x0] =	wrdreg $0xFFFFFFFF;
	(pc) =	sbr.abs _section_cstart, $3  }
0xc0: {  	[dreg:$0x1] =	wrdreg $0xFFFFFFFF  }
0xc1: {  	_ =	task.clear_ibuf [dreg:s6], $0x2FFFF;
	_ =	strace $0x9FFFFFFF  }
0xc2: {  	(tm) =	ssettm $0x7FFFFFFF  }
0xc3: {  	_ =	shalt  }
tec
execute0_lowered:
.L_overlay_start_1:
0x0: {  	(tag) =	ssettag $0x1  }
0x1: {  	s0 =	rddreg [dreg:$0x0];
	s1 =	srdreg.scid  }
0x2: {  	s2 =	rddreg [dreg:$0x1];
	s11 =	stileid.u32  }
0x3: {  	s3 =	simm.s32 $0x0;
	s15 =	simm.s32 $0x13C00;
	s16 =	simm.s32 $0x13C80  }
0x4: {  	s17 =	simm.s32 $0x13E00;
	s18 =	simm.s32 $0x13E80;
	s19 =	simm.s32 $0x1C000  }
0x5: {  	s28 =	simm.s32 $0x3;
	s29 =	simm.s32 $0x13D00;
	s8 =	smul.u32 $0x2780, s11  }
0x6: {  	s30 =	simm.s32 $0x13D80;
	s31 =	simm.s32 $0x2;
	s10 =	smul.u32 $0x2A00, s11  }
0x7: {  	s1 =	sand.u32 $0x1, s1;
	[smem:$0x7FF] =	sst s3;
	s11 =	smul.u32 $0x4F000, s11  }
0x8: {  	s4 =	sadd.s32 $0x3000, s0;
	s5 =	sadd.s32 $0xCA400, s0;
	s7 =	smul.u32 $0x27800, s1  }
0x9: {  	s6 =	sadd.s32 $0xD4E00, s0;
	s9 =	smul.u32 $0x2A000, s1;
	s1 =	ssub.s32 $0x2, s1  }
0xa: {  	_ =	strace $0x8000004A;
	s21 =	sshrl.u32 s1, $0x1;
	s11 =	sshrl.u32 s11, $0x2  }
0xb: {  	s7 =	sadd.s32 s8, s7;
	s20 =	sadd.s32 s10, s9;
	s1 =	ssub.s32 s1, s21  }
0xc: {  	s11 =	sadd.s32 s11, s2;
	s21 =	simm.s32 $0x80;
	s0 =	sadd.s32 s7, s0  }
0xd: {  	s9 =	sshrl.u32 s20, $0x3;
	s23 =	sadd.s32 $0x280, s20;
	s1 =	smax.u32 s1, $0x1  }
0xe: {  	s26 =	sadd.s32 $0x200, s20;
	s20 =	simm.s32 $0x4;
	s22 =	sor.u32 $0x10, s9  }
0xf: {  	s7 =	sadd.s32 s5, s9;
	s9 =	sadd.s32 s6, s9;
	[dreg:$0x8] =	wrdreg s1  }
0x10: {  	s0 =	sadd.s32 $0x2A800, s0;
	[dreg:$0x9] =	wrdreg s26;
	s26 =	simm.s32 $0x1  }
0x11: {  	s1 =	simm.s32 $0x0;
	s12 =	sadd.s32 s5, s22;
	[dreg:$0x7] =	wrdreg s0  }
0x12: {  	s10 =	sadd.s32 s6, s22;
	[dreg:$0x5] =	wrdreg s12;
	s12 =	sshrl.u32 s23, $0x3  }
0x13: {  	s22 =	simm.s32 $0x13F00;
	[dreg:$0x6] =	wrdreg s10;
	s24 =	sadd.s32 s12, s6  }
0x14: {  	s23 =	simm.s32 $0x14000;
	s25 =	sadd.s32 s12, s5;
	[dreg:$0x3] =	wrdreg s24  }
0x15: {  	v0 =	vimm.f32 $0.0e+00;
	v1 =	vimm.s32 $0x2710;
	[dreg:$0x4] =	wrdreg s25;
	s24 =	simm.s32 $0x13F80;
	s25 =	simm.s32 $0x18000  }
.LBB2_1:
0x16: {  	[tilespmem:s15], [sflag:$0x1] =	stream.linear.gather [hbm4b:s7+s3], $0x80, $0x38;
	[tilespmem:$0x1C400] =	vst v63  }
0x17: {  	s0 =	rddreg [dreg:$0x5]  }
0x18: {  	[tilespmem:s16], [sflag:$0x1] =	stream.linear.gather [hbm4b:s0+s3], $0x80, $0x38;
	[tilespmem:$0x1C400] =	vst v63  }
0x19: {  	_ = 	snop  }
0x1a: {  	[tilespmem:s17], [sflag:$0x1] =	stream.linear.gather [hbm4b:s9+s3], $0x80, $0x38;
	[tilespmem:$0x1C400] =	vst v63  }
0x1b: {  	s14 =	rddreg [dreg:$0x6]  }
0x1c: {  	[tilespmem:s18], [sflag:$0x1] =	stream.linear.gather [hbm4b:s14+s3], $0x80, $0x38;
	[tilespmem:$0x1C400] =	vst v63  }
0x1d: {  	[tilespmem:$0x1C000] =	vst v0  }
0x1e: {  	[tilespmem:$0x1C010] =	vst v0  }
0x1f: {  	[tilespmem:$0x1C020] =	vst v0  }
0x20: {  	[tilespmem:$0x1C030] =	vst v0  }
0x21: {  	[tilespmem:$0x1C040] =	vst v0  }
0x22: {  	[tilespmem:$0x1C050] =	vst v0  }
0x23: {  	[tilespmem:$0x1C060] =	vst v0  }
0x24: {  	[tilespmem:$0x1C070] =	vst v0  }
0x25: {  	[tilespmem:$0x1C080] =	vst v0  }
0x26: {  	[tilespmem:$0x1C090] =	vst v0  }
0x27: {  	[tilespmem:$0x1C0A0] =	vst v0  }
0x28: {  	[tilespmem:$0x1C0B0] =	vst v0  }
0x29: {  	[tilespmem:$0x1C0C0] =	vst v0  }
0x2a: {  	[tilespmem:$0x1C0D0] =	vst v0  }
0x2b: {  	[tilespmem:$0x1C0E0] =	vst v0  }
0x2c: {  	[tilespmem:$0x1C0F0] =	vst v0  }
0x2d: {  	[tilespmem:$0x1C100] =	vst v0  }
0x2e: {  	[tilespmem:$0x1C110] =	vst v0  }
0x2f: {  	[tilespmem:$0x1C120] =	vst v0  }
0x30: {  	[tilespmem:$0x1C130] =	vst v0  }
0x31: {  	[tilespmem:$0x1C140] =	vst v0  }
0x32: {  	[tilespmem:$0x1C150] =	vst v0  }
0x33: {  	[tilespmem:$0x1C160] =	vst v0  }
0x34: {  	[tilespmem:$0x1C170] =	vst v0  }
0x35: {  	[tilespmem:$0x1C180] =	vst v0  }
0x36: {  	[tilespmem:$0x1C190] =	vst v0  }
0x37: {  	[tilespmem:$0x1C1A0] =	vst v0  }
0x38: {  	[tilespmem:$0x1C1B0] =	vst v0  }
0x39: {  	[tilespmem:$0x1C1C0] =	vst v0  }
0x3a: {  	[tilespmem:$0x1C1D0] =	vst v0  }
0x3b: {  	[tilespmem:$0x1C1E0] =	vst v0  }
0x3c: {  	[tilespmem:$0x1C1F0] =	vst v0  }
0x3d: {  	[tilespmem:$0x1C200] =	vst v0  }
0x3e: {  	[tilespmem:$0x1C210] =	vst v0  }
0x3f: {  	[tilespmem:$0x1C220] =	vst v0  }
0x40: {  	[tilespmem:$0x1C230] =	vst v0  }
0x41: {  	[tilespmem:$0x1C240] =	vst v0  }
0x42: {  	[tilespmem:$0x1C250] =	vst v0  }
0x43: {  	[tilespmem:$0x1C260] =	vst v0  }
0x44: {  	[tilespmem:$0x1C270] =	vst v0  }
0x45: {  	[tilespmem:$0x1C280] =	vst v0  }
0x46: {  	[tilespmem:$0x1C290] =	vst v0  }
0x47: {  	[tilespmem:$0x1C2A0] =	vst v0  }
0x48: {  	[tilespmem:$0x1C2B0] =	vst v0  }
0x49: {  	[tilespmem:$0x1C2C0] =	vst v0  }
0x4a: {  	[tilespmem:$0x1C2D0] =	vst v0  }
0x4b: {  	[tilespmem:$0x1C2E0] =	vst v0  }
0x4c: {  	[tilespmem:$0x1C2F0] =	vst v0  }
0x4d: {  	[tilespmem:$0x1C300] =	vst v0  }
0x4e: {  	[tilespmem:$0x1C310] =	vst v0  }
0x4f: {  	[tilespmem:$0x1C320] =	vst v0  }
0x50: {  	[tilespmem:$0x1C330] =	vst v0  }
0x51: {  	[tilespmem:$0x1C340] =	vst v0  }
0x52: {  	[tilespmem:$0x1C350] =	vst v0  }
0x53: {  	[tilespmem:$0x1C360] =	vst v0  }
0x54: {  	[tilespmem:$0x1C370] =	vst v0  }
0x55: {  	[tilespmem:$0x1C380] =	vst v0  }
0x56: {  	[tilespmem:$0x1C390] =	vst v0  }
0x57: {  	[tilespmem:$0x1C3A0] =	vst v0  }
0x58: {  	[tilespmem:$0x1C3B0] =	vst v0  }
0x59: {  	[tilespmem:$0x1C3C0] =	vst v0  }
0x5a: {  	[tilespmem:$0x1C3D0] =	vst v0  }
0x5b: {  	[tilespmem:$0x1C3E0] =	vst v0  }
0x5c: {  	s8 =	simm.s32 $0x0;
	[tilespmem:$0x1C3F0] =	vst v0  }
.LBB2_2:
0x5d: {  	p0 =	sne.s32 s8, $0x4E000  }
.Ltmp0:
0x5e: {  	_ = 	snop;
	(pc) =	sbr.rel @p0 .LBB2_2-.Ltmp0, $4  }
0x5f: {  	_ = 	snop  }
0x60: {  	s10 =	sshra.s32 s8, $0x2  }
0x61: {  	s8 =	sadd.s32 $0x1000, s8;
	s10 =	sadd.s32 s10, s11  }
0x62: {  	[spmem:s10] =	stream.linear.scatter [tilespmem:s19], [sflag:$0x4], $0x400, $0x38;
	[tilespmem:$0x1C400] =	vst v63  }
0x63: {  	_ =	swait.ge [sflag:s20], $0x400  }
0x64: {  	s8 =	simm.s32 $0x4E;
	[sflag:s20] =	ssyncset.done $0x0  }
.LBB2_4:
0x65: {  	p0 =	sne.s32 s8, $0x1;
	s8 =	sadd.s32 $0xFFFFFFFF, s8;
	[sflag:s20] =	ssyncadd.s32 $0xFFFFFC00  }
.Ltmp1:
0x66: {  	(pc) =	sbr.rel @p0 .LBB2_4-.Ltmp1, $3  }
0x67: {  	_ =	sdelay $0x1  }
0x68: {  	_ =	swait.ge [sflag:s20], $0x400  }
0x69: {  	[sflag:s20] =	ssyncset.done $0x0  }
0x6a: {  	[sflag:s20] =	ssyncadd.s32 $0xFFFFFC00  }
0x6b: {  	[bflag:$0x0] =	sbarrier.arrive $0xFFFF  }
0x6c: {  	[tilespmem:$0x13F00] =	vst v1  }
0x6d: {  	[tilespmem:$0x13F80] =	vst v1  }
0x6e: {  	[tilespmem:$0x13F10] =	vst v1  }
0x6f: {  	[tilespmem:$0x13F90] =	vst v1  }
0x70: {  	[tilespmem:$0x13F20] =	vst v1  }
0x71: {  	[tilespmem:$0x13FA0] =	vst v1  }
0x72: {  	[tilespmem:$0x13F30] =	vst v1  }
0x73: {  	[tilespmem:$0x13FB0] =	vst v1  }
0x74: {  	[tilespmem:$0x13F40] =	vst v1  }
0x75: {  	[tilespmem:$0x13FC0] =	vst v1  }
0x76: {  	[tilespmem:$0x13F50] =	vst v1  }
0x77: {  	[tilespmem:$0x13FD0] =	vst v1  }
0x78: {  	[tilespmem:$0x13F60] =	vst v1  }
0x79: {  	[tilespmem:$0x13FE0] =	vst v1  }
0x7a: {  	[tilespmem:$0x13F70] =	vst v1  }
0x7b: {  	[tilespmem:$0x13FF0] =	vst v1  }
0x7c: {  	[spmem:s2] =	stream.indirect.scatter.add.f32 [tilespmem:s23], [sflag:$0x3], $0x80, s22, s21, $0xb8;
	[tilespmem:$0x1C400] =	vst v63  }
0x7d: {  	_ = 	snop  }
0x7e: {  	[spmem:s2] =	stream.indirect.scatter.add.f32 [tilespmem:s25], [sflag:$0x3], $0x80, s24, s21, $0xb8;
	[tilespmem:$0x1C400] =	vst v63  }
0x7f: {  	_ =	swait.ge [sflag:s26], $0x80  }
0x80: {  	[sflag:s26] =	ssyncset.done $0x0  }
0x81: {  	[sflag:s26] =	ssyncadd.s32 $0xFFFFFF80  }
0x82: {  	_ =	swait.ge [sflag:s26], $0x80  }
0x83: {  	[sflag:s26] =	ssyncset.done $0x0  }
0x84: {  	[sflag:s26] =	ssyncadd.s32 $0xFFFFFF80  }
0x85: {  	_ =	swait.ge [sflag:s26], $0x80  }
0x86: {  	[sflag:s26] =	ssyncset.done $0x0  }
0x87: {  	[sflag:s26] =	ssyncadd.s32 $0xFFFFFF80  }
0x88: {  	_ =	swait.ge [sflag:s26], $0x80  }
0x89: {  	[sflag:s26] =	ssyncset.done $0x0  }
0x8a: {  	[sflag:s26] =	ssyncadd.s32 $0xFFFFFF80  }
0x8b: {  	_ =	swait.ge [sflag:s28], $0x4000  }
0x8c: {  	[sflag:s28] =	ssyncset.done $0x0  }
0x8d: {  	[sflag:s28] =	ssyncadd.s32 $0xFFFFC000  }
0x8e: {  	_ =	swait.ge [sflag:s28], $0x4000  }
0x8f: {  	s8 =	sadd.s32 $0x0, s7;
	[sflag:s28] =	ssyncset.done $0x0  }
0x90: {  	s10 =	sadd.s32 $0x20, s8;
	[sflag:s28] =	ssyncadd.s32 $0xFFFFC000  }
0x91: {  	[tilespmem:s29], [sflag:$0x1] =	stream.linear.gather [hbm4b:s10+s3], $0x80, $0x38;
	[tilespmem:$0x1C400] =	vst v63  }
0x92: {  	s0 =	sadd.s32 $0x0, s9;
	s8 =	sadd.s32 $0x30, s8  }
0x93: {  	[tilespmem:s30], [sflag:$0x1] =	stream.linear.gather [hbm4b:s8+s3], $0x80, $0x38;
	[tilespmem:$0x1C400] =	vst v63  }
0x94: {  	s12 =	sadd.s32 $0x20, s0  }
0x95: {  	[tilespmem:s22], [sflag:$0x1] =	stream.linear.gather [hbm4b:s12+s3], $0x80, $0x38;
	[tilespmem:$0x1C400] =	vst v63  }
0x96: {  	s13 =	sadd.s32 $0x30, s0  }
0x97: {  	[tilespmem:s24], [sflag:$0x1] =	stream.linear.gather [hbm4b:s13+s3], $0x80, $0x38;
	[tilespmem:$0x1C400] =	vst v63  }
0x98: {  	_ = 	snop  }
0x99: {  	[tilespmem:s23], [sflag:$0x2] =	stream.indirect.gather [hbm4b:s4+s21], $0x80, s15, s21, $0xb8;
	[tilespmem:$0x1C400] =	vst v63  }
0x9a: {  	_ = 	snop  }
0x9b: {  	[tilespmem:s25], [sflag:$0x2] =	stream.indirect.gather [hbm4b:s4+s21], $0x80, s16, s21, $0xb8;
	[tilespmem:$0x1C400] =	vst v63  }
0x9c: {  	_ =	swait.ge [sflag:s31], $0x4000  }
0x9d: {  	[sflag:s31] =	ssyncset.done $0x0  }
0x9e: {  	[sflag:s31] =	ssyncadd.s32 $0xFFFFC000  }
0x9f: {  	[spmem:s2] =	stream.indirect.scatter.add.f32 [tilespmem:s23], [sflag:$0x3], $0x80, s17, s21, $0xb8;
	[tilespmem:$0x1C400] =	vst v63  }
0xa0: {  	_ =	swait.ge [sflag:s31], $0x4000  }
0xa1: {  	[sflag:s31] =	ssyncset.done $0x0  }
0xa2: {  	[sflag:s31] =	ssyncadd.s32 $0xFFFFC000  }
0xa3: {  	[spmem:s2] =	stream.indirect.scatter.add.f32 [tilespmem:s25], [sflag:$0x3], $0x80, s18, s21, $0xb8;
	[tilespmem:$0x1C400] =	vst v63  }
0xa4: {  	_ =	swait.ge [sflag:s26], $0x80  }
0xa5: {  	[sflag:s26] =	ssyncset.done $0x0  }
0xa6: {  	[sflag:s26] =	ssyncadd.s32 $0xFFFFFF80  }
0xa7: {  	_ =	swait.ge [sflag:s26], $0x80  }
0xa8: {  	[sflag:s26] =	ssyncset.done $0x0  }
0xa9: {  	[sflag:s26] =	ssyncadd.s32 $0xFFFFFF80  }
0xaa: {  	_ =	swait.ge [sflag:s26], $0x80  }
0xab: {  	[sflag:s26] =	ssyncset.done $0x0  }
0xac: {  	[sflag:s26] =	ssyncadd.s32 $0xFFFFFF80  }
0xad: {  	_ =	swait.ge [sflag:s26], $0x80  }
0xae: {  	[sflag:s26] =	ssyncset.done $0x0  }
0xaf: {  	[sflag:s26] =	ssyncadd.s32 $0xFFFFFF80  }
0xb0: {  	_ =	swait.ge [sflag:s28], $0x4000  }
0xb1: {  	[sflag:s28] =	ssyncset.done $0x0  }
0xb2: {  	[sflag:s28] =	ssyncadd.s32 $0xFFFFC000  }
0xb3: {  	_ =	swait.ge [sflag:s28], $0x4000  }
0xb4: {  	s0 =	rddreg [dreg:$0x9]  }
0xb5: {  	[sflag:s28] =	ssyncset.done $0x0;
	s8 =	sshrl.u32 s0, $0x3  }
0xb6: {  	s14 =	rddreg [dreg:$0x4];
	[sflag:s28] =	ssyncadd.s32 $0xFFFFC000;
	s12 =	sadd.s32 s5, s8  }
0xb7: {  	[tilespmem:s15], [sflag:$0x1] =	stream.linear.gather [hbm4b:s12+s3], $0x80, $0x38;
	[tilespmem:$0x1C400] =	vst v63  }
0xb8: {  	s10 =	sadd.s32 $0x0, s14  }
0xb9: {  	[tilespmem:s16], [sflag:$0x1] =	stream.linear.gather [hbm4b:s10+s3], $0x80, $0x38;
	[tilespmem:$0x1C400] =	vst v63  }
0xba: {  	s13 =	rddreg [dreg:$0x3];
	s8 =	sadd.s32 s6, s8  }
0xbb: {  	[tilespmem:s17], [sflag:$0x1] =	stream.linear.gather [hbm4b:s8+s3], $0x80, $0x38;
	[tilespmem:$0x1C400] =	vst v63  }
0xbc: {  	s14 =	sadd.s32 $0x0, s13  }
0xbd: {  	[tilespmem:s18], [sflag:$0x1] =	stream.linear.gather [hbm4b:s14+s3], $0x80, $0x38;
	[tilespmem:$0x1C400] =	vst v63  }
0xbe: {  	_ = 	snop  }
0xbf: {  	[tilespmem:s23], [sflag:$0x2] =	stream.indirect.gather [hbm4b:s4+s21], $0x80, s29, s21, $0xb8;
	[tilespmem:$0x1C400] =	vst v63  }
0xc0: {  	_ = 	snop  }
0xc1: {  	[tilespmem:s25], [sflag:$0x2] =	stream.indirect.gather [hbm4b:s4+s21], $0x80, s30, s21, $0xb8;
	[tilespmem:$0x1C400] =	vst v63  }
0xc2: {  	_ =	swait.ge [sflag:s31], $0x4000  }
0xc3: {  	[sflag:s31] =	ssyncset.done $0x0  }
0xc4: {  	[sflag:s31] =	ssyncadd.s32 $0xFFFFC000  }
0xc5: {  	[spmem:s2] =	stream.indirect.scatter.add.f32 [tilespmem:s23], [sflag:$0x3], $0x80, s22, s21, $0xb8;
	[tilespmem:$0x1C400] =	vst v63  }
0xc6: {  	_ =	swait.ge [sflag:s31], $0x4000  }
0xc7: {  	[sflag:s31] =	ssyncset.done $0x0  }
0xc8: {  	s10 =	sadd.s32 $0x200, s0;
	s8 =	simm.s32 $0x40;
	[sflag:s31] =	ssyncadd.s32 $0xFFFFC000  }
.LBB2_6:
0xc9: {  	[spmem:s2] =	stream.indirect.scatter.add.f32 [tilespmem:s25], [sflag:$0x3], $0x80, s24, s21, $0xb8;
	[tilespmem:$0x1C400] =	vst v63  }
0xca: {  	_ =	swait.ge [sflag:s26], $0x80  }
0xcb: {  	[sflag:s26] =	ssyncset.done $0x0  }
0xcc: {  	[sflag:s26] =	ssyncadd.s32 $0xFFFFFF80  }
0xcd: {  	_ =	swait.ge [sflag:s26], $0x80  }
0xce: {  	[sflag:s26] =	ssyncset.done $0x0  }
0xcf: {  	[sflag:s26] =	ssyncadd.s32 $0xFFFFFF80  }
0xd0: {  	_ =	swait.ge [sflag:s26], $0x80  }
0xd1: {  	[sflag:s26] =	ssyncset.done $0x0  }
0xd2: {  	[sflag:s26] =	ssyncadd.s32 $0xFFFFFF80  }
0xd3: {  	_ =	swait.ge [sflag:s26], $0x80  }
0xd4: {  	[sflag:s26] =	ssyncset.done $0x0  }
0xd5: {  	[sflag:s26] =	ssyncadd.s32 $0xFFFFFF80  }
0xd6: {  	_ =	swait.ge [sflag:s28], $0x4000  }
0xd7: {  	[sflag:s28] =	ssyncset.done $0x0  }
0xd8: {  	[sflag:s28] =	ssyncadd.s32 $0xFFFFC000  }
0xd9: {  	s12 =	smov.u32 s8;
	_ =	swait.ge [sflag:s28], $0x4000  }
0xda: {  	s13 =	sadd.s32 s12, s7;
	[sflag:s28] =	ssyncset.done $0x0  }
0xdb: {  	s0 =	sadd.s32 $0x20, s13;
	[sflag:s28] =	ssyncadd.s32 $0xFFFFC000  }
0xdc: {  	[tilespmem:s29], [sflag:$0x1] =	stream.linear.gather [hbm4b:s0+s3], $0x80, $0x38;
	[tilespmem:$0x1C400] =	vst v63  }
0xdd: {  	s14 =	sadd.s32 $0x30, s13;
	s13 =	sadd.s32 s12, s9  }
0xde: {  	[tilespmem:s30], [sflag:$0x1] =	stream.linear.gather [hbm4b:s14+s3], $0x80, $0x38;
	[tilespmem:$0x1C400] =	vst v63  }
0xdf: {  	s14 =	sadd.s32 $0x20, s13  }
0xe0: {  	[tilespmem:s22], [sflag:$0x1] =	stream.linear.gather [hbm4b:s14+s3], $0x80, $0x38;
	[tilespmem:$0x1C400] =	vst v63  }
0xe1: {  	s13 =	sadd.s32 $0x30, s13  }
0xe2: {  	[tilespmem:s24], [sflag:$0x1] =	stream.linear.gather [hbm4b:s13+s3], $0x80, $0x38;
	[tilespmem:$0x1C400] =	vst v63  }
0xe3: {  	_ = 	snop  }
0xe4: {  	[tilespmem:s23], [sflag:$0x2] =	stream.indirect.gather [hbm4b:s4+s21], $0x80, s15, s21, $0xb8;
	[tilespmem:$0x1C400] =	vst v63  }
0xe5: {  	_ = 	snop  }
0xe6: {  	[tilespmem:s25], [sflag:$0x2] =	stream.indirect.gather [hbm4b:s4+s21], $0x80, s16, s21, $0xb8;
	[tilespmem:$0x1C400] =	vst v63  }
0xe7: {  	_ =	swait.ge [sflag:s31], $0x4000  }
0xe8: {  	[sflag:s31] =	ssyncset.done $0x0  }
0xe9: {  	[sflag:s31] =	ssyncadd.s32 $0xFFFFC000  }
0xea: {  	[spmem:s2] =	stream.indirect.scatter.add.f32 [tilespmem:s23], [sflag:$0x3], $0x80, s17, s21, $0xb8;
	[tilespmem:$0x1C400] =	vst v63  }
0xeb: {  	_ =	swait.ge [sflag:s31], $0x4000  }
0xec: {  	[sflag:s31] =	ssyncset.done $0x0  }
0xed: {  	[sflag:s31] =	ssyncadd.s32 $0xFFFFC000  }
0xee: {  	[spmem:s2] =	stream.indirect.scatter.add.f32 [tilespmem:s25], [sflag:$0x3], $0x80, s18, s21, $0xb8;
	[tilespmem:$0x1C400] =	vst v63  }
0xef: {  	_ =	swait.ge [sflag:s26], $0x80  }
0xf0: {  	[sflag:s26] =	ssyncset.done $0x0  }
0xf1: {  	[sflag:s26] =	ssyncadd.s32 $0xFFFFFF80  }
0xf2: {  	_ =	swait.ge [sflag:s26], $0x80  }
0xf3: {  	[sflag:s26] =	ssyncset.done $0x0  }
0xf4: {  	[sflag:s26] =	ssyncadd.s32 $0xFFFFFF80  }
0xf5: {  	_ =	swait.ge [sflag:s26], $0x80  }
0xf6: {  	[sflag:s26] =	ssyncset.done $0x0  }
0xf7: {  	[sflag:s26] =	ssyncadd.s32 $0xFFFFFF80  }
0xf8: {  	_ =	swait.ge [sflag:s26], $0x80  }
0xf9: {  	[sflag:s26] =	ssyncset.done $0x0  }
0xfa: {  	[sflag:s26] =	ssyncadd.s32 $0xFFFFFF80  }
0xfb: {  	_ =	swait.ge [sflag:s28], $0x4000  }
0xfc: {  	[sflag:s28] =	ssyncset.done $0x0  }
0xfd: {  	[sflag:s28] =	ssyncadd.s32 $0xFFFFC000  }
0xfe: {  	_ =	swait.ge [sflag:s28], $0x4000  }
0xff: {  	s0 =	sshrl.u32 s10, $0x3;
	[sflag:s28] =	ssyncset.done $0x0  }
0x100: {  	s14 =	sadd.s32 s5, s0;
	s13 =	rddreg [dreg:$0x4];
	[sflag:s28] =	ssyncadd.s32 $0xFFFFC000  }
0x101: {  	[tilespmem:s15], [sflag:$0x1] =	stream.linear.gather [hbm4b:s14+s3], $0x80, $0x38;
	[tilespmem:$0x1C400] =	vst v63  }
0x102: {  	s13 =	sadd.s32 s12, s13  }
0x103: {  	[tilespmem:s16], [sflag:$0x1] =	stream.linear.gather [hbm4b:s13+s3], $0x80, $0x38;
	[tilespmem:$0x1C400] =	vst v63  }
0x104: {  	s0 =	sadd.s32 s6, s0;
	s14 =	rddreg [dreg:$0x3]  }
0x105: {  	[tilespmem:s17], [sflag:$0x1] =	stream.linear.gather [hbm4b:s0+s3], $0x80, $0x38;
	[tilespmem:$0x1C400] =	vst v63  }
0x106: {  	s14 =	sadd.s32 s12, s14  }
0x107: {  	[tilespmem:s18], [sflag:$0x1] =	stream.linear.gather [hbm4b:s14+s3], $0x80, $0x38;
	[tilespmem:$0x1C400] =	vst v63  }
0x108: {  	_ = 	snop  }
0x109: {  	[tilespmem:s23], [sflag:$0x2] =	stream.indirect.gather [hbm4b:s4+s21], $0x80, s29, s21, $0xb8;
	[tilespmem:$0x1C400] =	vst v63  }
0x10a: {  	_ = 	snop  }
0x10b: {  	[tilespmem:s25], [sflag:$0x2] =	stream.indirect.gather [hbm4b:s4+s21], $0x80, s30, s21, $0xb8;
	[tilespmem:$0x1C400] =	vst v63  }
0x10c: {  	_ =	swait.ge [sflag:s31], $0x4000  }
0x10d: {  	p0 =	sne.s32 s8, $0x500;
	[sflag:s31] =	ssyncset.done $0x0  }
.Ltmp2:
0x10e: {  	[sflag:s31] =	ssyncadd.s32 $0xFFFFC000;
	(pc) =	sbr.rel @p0 .LBB2_6-.Ltmp2, $4  }
0x10f: {  	[spmem:s2] =	stream.indirect.scatter.add.f32 [tilespmem:s23], [sflag:$0x3], $0x80, s22, s21, $0xb8;
	[tilespmem:$0x1C400] =	vst v63  }
0x110: {  	_ =	swait.ge [sflag:s31], $0x4000  }
0x111: {  	[sflag:s31] =	ssyncset.done $0x0  }
0x112: {  	s8 =	sadd.s32 $0x40, s8;
	s10 =	sadd.s32 $0x200, s10;
	[sflag:s31] =	ssyncadd.s32 $0xFFFFC000  }
0x113: {  	[spmem:s2] =	stream.indirect.scatter.add.f32 [tilespmem:s25], [sflag:$0x3], $0x80, s24, s21, $0xb8;
	[tilespmem:$0x1C400] =	vst v63  }
0x114: {  	_ =	swait.ge [sflag:s26], $0x80  }
0x115: {  	[sflag:s26] =	ssyncset.done $0x0  }
0x116: {  	[sflag:s26] =	ssyncadd.s32 $0xFFFFFF80  }
0x117: {  	_ =	swait.ge [sflag:s26], $0x80  }
0x118: {  	[sflag:s26] =	ssyncset.done $0x0  }
0x119: {  	[sflag:s26] =	ssyncadd.s32 $0xFFFFFF80  }
0x11a: {  	_ =	swait.ge [sflag:s26], $0x80  }
0x11b: {  	[sflag:s26] =	ssyncset.done $0x0  }
0x11c: {  	[sflag:s26] =	ssyncadd.s32 $0xFFFFFF80  }
0x11d: {  	_ =	swait.ge [sflag:s26], $0x80  }
0x11e: {  	[sflag:s26] =	ssyncset.done $0x0  }
0x11f: {  	[sflag:s26] =	ssyncadd.s32 $0xFFFFFF80  }
0x120: {  	_ =	swait.ge [sflag:s28], $0x4000  }
0x121: {  	[sflag:s28] =	ssyncset.done $0x0  }
0x122: {  	[sflag:s28] =	ssyncadd.s32 $0xFFFFC000  }
0x123: {  	_ =	swait.ge [sflag:s28], $0x4000  }
0x124: {  	[sflag:s28] =	ssyncset.done $0x0  }
0x125: {  	s0 =	stileid.u32;
	[sflag:s28] =	ssyncadd.s32 $0xFFFFC000  }
0x126: {  	s8 =	sshrl.u32 s11, $0x3;
	s0 =	sshll.u32 s0, $0x6;
	[bflag:$0x0] =	sbarrier.arrive $0xFFFF  }
0x127: {  	s13 =	simm.s32 $0x5;
	s0 =	sor.u32 $0x1C05, s0;
	s10 =	rddreg [dreg:$0x7]  }
0x128: {  	[hbm:s10], [sflag:s0] =	dma.local [spmem:s8], $0x2780  }
0x129: {  	_ =	swait.ge [sflag:s13], $0x2780  }
0x12a: {  	s1 =	sadd.s32 $0x1, s1;
	s14 =	rddreg [dreg:$0x8]  }
0x12b: {  	p0 =	sne.s32 s1, s14  }
.Ltmp3:
0x12c: {  	_ = 	snop;
	(pc) =	sbr.rel @p0 .LBB2_1-.Ltmp3, $3  }
0x12d: {  	_ =	sdelay $0x1  }
0x12e: {  	[sflag:s13] =	ssyncset.done $0x0  }
0x12f: {  	[sflag:s13] =	ssyncadd.s32 $0xFFFFD880  }
0x130: {  	_ =	sfence.sel $0x180000  }
0x131: {  	[bflag:$0x0] =	sbarrier.arrive $0xFFFF  }
0x132: {  	_ =	strace $0x9000004A  }
0x133: {  	s0 =	stileid.u32;
	[bflag:$0x2] =	sbarrier.arrive $0xFFFF  }
0x134: {  	p0 =	sne.s32 s0, $0x0;
	s0 =	rddreg [dreg:$0x2]  }
0x135: {  	s0 =	sadd.s32 @!p0 $0x100000, s0  }
0x136: {  	[sflag:s0] =	ssyncadd.tile.s32 @!p0 $0x1;
	_ =	shalt  }
.Lfunc_end2:
_tile_overlayer_lowered:
.L_overlay_start_2:
0x137: {  	(tag) =	ssettag $0x2  }
0x138: {  	s0 =	rddreg [dreg:$0x0];
	s2 =	stileid.u32  }
0x139: {  	s1 =	rddreg [dreg:$0x1];
	p0 =	sne.s32 s2, $0x0  }
0x13a: {  	s3 =	rddreg [dreg:$0x2];
	[bflag:$0x3] =	sbarrier.arrive $0xFFFF;
	s2 =	simm.s32 @!p0 $0x1C05  }
0x13b: {  	[timem:s3], [sflag:s2] =	dma.local @!p0 [hbm:s0], s1  }
0x13c: {  	s0 =	simm.s32 @!p0 $0x5  }
0x13d: {  	_ =	swait.ge @!p0 [sflag:s0], s1  }
0x13e: {  	s1 =	ssub.s32 @!p0 $0x0, s1;
	[sflag:s0] =	ssyncset.done @!p0 $0x0  }
0x13f: {  	[sflag:s0] =	ssyncadd.s32 @!p0 s1  }
0x140: {  	[bflag:$0x3] =	sbarrier.arrive $0xFFFF  }
0x141: {  	_ =	shalt  }

// kernel: kernel.15.cloned.1.call-start
scs
__scs_entry_jumppad:
0x0: {  	(pc) =	sbr.rel $0x88, $3  }
0x1: {  	(tag) =	ssettag $0x0;
	lr =	simm.s32 $0x1  }
0x2: {  	[smem:$0x3F93] =	sst lr;
	_ =	strace $0xD0000000  }
0x3: {  	_ = 	snop  }
0x4: {  	_ = 	snop  }
0x5: {  	_ = 	snop  }
0x6: {  	_ = 	snop  }
0x7: {  	_ = 	snop  }
__scs_overlays_trampoline_lowered:
0x8: {  	[smem:$0x3FA2] =	sst s0  }
0x9: {  	[smem:$0x3FA3] =	sst s1  }
0xa: {  	[smem:$0x3FA4] =	sst s2  }
0xb: {  	[smem:$0x3FA5] =	sst s3  }
0xc: {  	[smem:$0x3FA6] =	sst s4  }
0xd: {  	[smem:$0x3FA7] =	sst s5  }
0xe: {  	[smem:$0x3FA8] =	sst s6  }
0xf: {  	[smem:$0x3FA9] =	sst s7  }
0x10: {  	[smem:$0x3FAA] =	sst s8  }
0x11: {  	[smem:$0x3FAB] =	sst s9;
	s0 =	simm.s32 @!p0 $0x0  }
0x12: {  	s1 =	sld [smem:$0x3F91];
	s0 =	simm.s32 @p0 $0x1  }
0x13: {  	[smem:$0x3FAC] =	sst s0;
	s0 =	simm.s32 @!p1 $0x0  }
0x14: {  	s2 =	sld [smem:$0x3F90];
	s0 =	simm.s32 @p1 $0x1  }
0x15: {  	[smem:$0x3FAD] =	sst s0;
	s0 =	simm.s32 @!p2 $0x0  }
0x16: {  	s3 =	sld [smem:$0x3FDB];
	s0 =	simm.s32 @p2 $0x1  }
0x17: {  	s4 =	simm.s32 $0x1BF5;
	[smem:$0x3FAF] =	sst s0  }
0x18: {  	s0 =	sld [smem:$0x3F92];
	_ =	swait.ge [sflag:s4], $0x0  }
0x19: {  	s7 =	sld [smem:$0x3F93]  }
0x1a: {  	s8 =	sadd.s32 $0xFFFFE003, lr  }
0x1b: {  	s9 =	sadd.s32 $0xFFFFFEF7, lr;
	s5 =	simm.s32 $0xFFFFFFFF;
	p2 =	slt.u32 s8, $0xFFFFF086  }
0x1c: {  	p1 =	slt.u32 s9, $0xF7A;
	s5 =	simm.s32 @!p2 $0x0  }
0x1d: {  	s5 =	simm.s32 @p1 $0x1;
	p0 =	seq.s32 s7, s2  }
0x1e: {  	s7 =	smul.u32 @!p0 $0xF7A, s2;
	p2 =	seq.s32 @!p0 s5, $0x0  }
0x1f: {  	s9 =	smul.u32 $0xF7A, s1;
	s8 =	simm.s32 @!p0 $0x1BF5;
	p2 =	por !p2, p0  }
0x20: {  	[sflag:s8] =	ssyncset.s32 @!p0 $0xFFFFF086;
	s6 =	sadd.s32 @!p0 s3, s7;
	s7 =	simm.s32 @!p0 $0x108  }
0x21: {  	s3 =	sadd.s32 s3, s9;
	s6 =	sadd.s32 @!p0 $0x88, s6;
	s7 =	simm.s32 @p2 $0x1082  }
0x22: {  	[simem:s7], [sflag:s8] =	dma.local @!p0 [hbm:s6], $0xF7A  }
0x23: {  	s9 =	sor.u32 $0xD0000000, s2;
	s6 =	simm.s32 $0x108;
	_ =	swait.ge @!p0 [sflag:s8], $0x0  }
0x24: {  	s3 =	sadd.s32 $0x88, s3;
	s6 =	simm.s32 @!p1 $0x1082;
	[sflag:s4] =	ssyncset.s32 $0xFFFFF086  }
0x25: {  	[simem:s6], [sflag:s4] =	dma.local [hbm:s3], $0xF7A  }
0x26: {  	[smem:$0x3F93] =	sst s1;
	(tag) =	ssettag s2;
	_ =	strace s9  }
0x27: {  	s1 =	sld [smem:$0x3FA3]  }
0x28: {  	s2 =	sld [smem:$0x3FA4]  }
0x29: {  	s4 =	sld [smem:$0x3FA6]  }
0x2a: {  	p0 =	seq.s32 s5, $0x0;
	s5 =	sld [smem:$0x3FA7]  }
0x2b: {  	s6 =	sld [smem:$0x3FA8]  }
0x2c: {  	s7 =	sld [smem:$0x3FA9]  }
0x2d: {  	s3 =	simm.s32 $0x108;
	s8 =	sld [smem:$0x3FAA]  }
0x2e: {  	s3 =	simm.s32 @!p0 $0x1082;
	s9 =	sld [smem:$0x3FAB]  }
0x2f: {  	lr =	sadd.s32 s0, s3;
	s0 =	sld [smem:$0x3FA2]  }
0x30: {  	s3 =	sld [smem:$0x3FA5]  }
0x31: {  	[smem:$0x3FAE] =	sst s10  }
0x32: {  	s10 =	sld [smem:$0x3FAC];
	_ =	sdelay $0x3  }
0x33: {  	p0 =	seq.s32 s10, $0x1;
	s10 =	sld [smem:$0x3FAE];
	_ =	sdelay $0x3  }
0x34: {  	[smem:$0x3FAE] =	sst s10  }
0x35: {  	s10 =	sld [smem:$0x3FAD];
	_ =	sdelay $0x3  }
0x36: {  	p1 =	seq.s32 s10, $0x1;
	s10 =	sld [smem:$0x3FAE];
	_ =	sdelay $0x3  }
0x37: {  	[smem:$0x3FAE] =	sst s10  }
0x38: {  	s10 =	sld [smem:$0x3FAF]  }
0x39: {  	_ = 	snop;
	(pc) =	sbr.ind lr, $3  }
0x3a: {  	_ = 	snop  }
0x3b: {  	_ = 	snop  }
0x3c: {  	p2 =	seq.s32 s10, $0x1;
	s10 =	sld [smem:$0x3FAE]  }
0x3d: {  	_ =	shalt  }
0x3e: {  	_ =	shalt  }
0x3f: {  	_ =	shalt  }
0x40: {  	_ =	shalt  }
0x41: {  	_ =	shalt  }
0x42: {  	_ =	shalt  }
0x43: {  	_ =	shalt  }
0x44: {  	_ =	shalt  }
0x45: {  	_ =	shalt  }
0x46: {  	_ =	shalt  }
0x47: {  	_ =	shalt  }
0x48: {  	_ =	shalt  }
0x49: {  	_ =	shalt  }
0x4a: {  	_ =	shalt  }
0x4b: {  	_ =	shalt  }
0x4c: {  	_ =	shalt  }
0x4d: {  	_ =	shalt  }
0x4e: {  	_ =	shalt  }
0x4f: {  	_ =	shalt  }
0x50: {  	_ =	shalt  }
0x51: {  	_ =	shalt  }
0x52: {  	_ =	shalt  }
0x53: {  	_ =	shalt  }
0x54: {  	_ =	shalt  }
0x55: {  	_ =	shalt  }
0x56: {  	_ =	shalt  }
0x57: {  	_ =	shalt  }
0x58: {  	_ =	shalt  }
0x59: {  	_ =	shalt  }
0x5a: {  	_ =	shalt  }
0x5b: {  	_ =	shalt  }
0x5c: {  	_ =	shalt  }
0x5d: {  	_ =	shalt  }
0x5e: {  	_ =	shalt  }
0x5f: {  	_ =	shalt  }
0x60: {  	_ =	shalt  }
0x61: {  	_ =	shalt  }
0x62: {  	_ =	shalt  }
0x63: {  	_ =	shalt  }
0x64: {  	_ =	shalt  }
0x65: {  	_ =	shalt  }
0x66: {  	_ =	shalt  }
0x67: {  	_ =	shalt  }
0x68: {  	_ =	shalt  }
0x69: {  	_ =	shalt  }
0x6a: {  	_ =	shalt  }
0x6b: {  	_ =	shalt  }
0x6c: {  	_ =	shalt  }
0x6d: {  	_ =	shalt  }
0x6e: {  	_ =	shalt  }
0x6f: {  	_ =	shalt  }
0x70: {  	_ =	shalt  }
0x71: {  	_ =	shalt  }
0x72: {  	_ =	shalt  }
0x73: {  	_ =	shalt  }
0x74: {  	_ =	shalt  }
0x75: {  	_ =	shalt  }
0x76: {  	_ =	shalt  }
0x77: {  	_ =	shalt  }
0x78: {  	_ =	shalt  }
0x79: {  	_ =	shalt  }
0x7a: {  	_ =	shalt  }
0x7b: {  	_ =	shalt  }
0x7c: {  	_ =	shalt  }
0x7d: {  	_ =	shalt  }
0x7e: {  	_ =	shalt  }
0x7f: {  	_ =	shalt  }
0x80: {  	_ =	shalt  }
0x81: {  	_ =	shalt  }
0x82: {  	_ =	shalt  }
0x83: {  	_ =	shalt  }
0x84: {  	_ =	shalt  }
0x85: {  	_ =	shalt  }
0x86: {  	_ =	shalt  }
0x87: {  	_ =	shalt  }
.Lfunc_end0:
.L_simem_size_0:
called_computation.2_lowered:
.L_overlay_start_0:
0x88: {  	s2 =	sld [smem:$0x3FD9]  }
0x89: {  	s3 =	sld [smem:$0x3FFE];
	_ =	sdelay $0x1  }
0x8a: {  	s1 =	srdreg.scid  }
0x8b: {  	s0 =	sand.u32 $0x1, s1  }
0x8c: {  	s16 =	sshll.u32 s0, $0xA;
	s2 =	sadd.s32 s3, s2  }
0x8d: {  	s2 =	sadd.s32 s2, s16  }
0x8e: {  	[smem:$0x3FBA] =	sst s2  }
0x8f: {  	_ = 	snop  }
0x90: {  	(tm) =	ssettm $0x1  }
0x91: {  	s17 =	sld [smem:$0x3FFB];
	_ =	sdelay $0x3  }
0x92: {  	_ =	strace s17  }
0x93: {  	s2 =	sld [smem:$0x3FFC];
	_ =	sdelay $0x3  }
0x94: {  	_ =	strace s2  }
0x95: {  	s2 =	sld [smem:$0x3FFD];
	_ =	sdelay $0x3  }
0x96: {  	_ =	strace s2  }
0x97: {  	_ =	strace $0x8FFFFFFF  }
0x98: {  	s18 =	sld [smem:$0x3FDB];
	_ =	sdelay $0x1  }
0x99: {  	s19 =	simm.s32 $_scs_section_size  }
0x9a: {  	s4 =	simm.s32 $_size__tile_overlayer_lowered;
	s5 =	simm.s32 $_tile_overlayer_lowered  }
0x9b: {  	s22 =	simm.s32 $0x1BFF;
	s21 =	sshll.u32 s5, $0x1;
	s2 =	sadd.s32 s19, s18  }
0x9c: {  	s6 =	simm.s32 $0x0;
	s20 =	sshll.u32 s4, $0x1;
	s4 =	sadd.s32 s21, s2  }
0x9d: {  	[timem:s6], [sflag:s22] =	dma.local [hbm:s4], s20  }
0x9e: {  	_ =	swait.ge [sflag:s22], s20  }
0x9f: {  	s3 =	ssub.s32 $0x0, s20;
	[sflag:s22] =	ssyncset.done $0x0  }
0xa0: {  	[sflag:s22] =	ssyncadd.s32 s3;
	_ =	sdelay $0x1  }
0xa1: {  	s23 =	simm.s32 $0x1B8B  }
0xa2: {  	_ =	swait.ge [sflag:s23], $0x1  }
0xa3: {  	[sflag:s23] =	ssyncset.done $0x0  }
0xa4: {  	s25 =	simm.s32 $0x1B8E;
	s24 =	sld [smem:$0x3FFE];
	[sflag:s23] =	ssyncadd.s32 $0xFFFFFFFF  }
0xa5: {  	s26 =	simm.s32 $execute0_lowered;
	[smem:$0x3FD2] =	sst s25  }
0xa6: {  	s4 =	sshll.u32 s26, $0x1;
	_ =	strace $0x8000004C;
	[dreg:$0x1] =	wrdreg $0xFFFFFFFF  }
0xa7: {  	s28 =	simm.s32 $_size_execute0_lowered;
	s2 =	sadd.s32 s2, s4;
	[dreg:$0x0] =	wrdreg $0x0  }
0xa8: {  	s4 =	sshll.u32 s28, $0x1;
	[dreg:$0x2] =	wrdreg s2  }
0xa9: {  	[dreg:$0x3] =	wrdreg s4  }
0xaa: {  	[dreg:$0x4] =	wrdreg $0xC0  }
0xab: {  	_ =	task [dreg:s6], $0x5FFFF  }
0xac: {  	[dreg:$0x1] =	wrdreg $0xFFFFFFFF  }
0xad: {  	[dreg:$0x0] =	wrdreg $0x60  }
0xae: {  	[dreg:$0x2] =	wrdreg s24  }
0xaf: {  	[dreg:$0x3] =	wrdreg $0x0  }
0xb0: {  	[dreg:$0x4] =	wrdreg $0x9  }
0xb1: {  	_ =	task.clear_ibuf [dreg:s6], $0x5FFFF;
	_ =	strace $0x9000004C  }
0xb2: {  	s29 =	simm.s32 $0x9;
	_ =	strace $0x8000004E  }
0xb3: {  	_ =	swait.ge [sflag:s29], $0x1  }
0xb4: {  	[sflag:s29] =	ssyncadd.s32 $0xFFFFFFFF  }
0xb5: {  	_ =	strace $0x9000004E  }
0xb6: {  	_ =	sfence  }
0xb7: {  	s30 =	sld [smem:$0x0];
	_ =	sdelay $0x2  }
0xb8: {  	s31 =	sshll.u32 s1, $0xD;
	s1 =	sshrl.u32 s1, $0x2  }
0xb9: {  	s3 =	sand.u32 $0x4000, s31;
	s1 =	sadd.s32 s1, s30  }
0xba: {  	s0 =	sor.u32 s3, s0;
	s1 =	sshll.u32 s1, $0x11  }
0xbb: {  	s0 =	sor.u32 s1, s0  }
0xbc: {  	s0 =	sadd.s32 $0x8F2B, s0  }
0xbd: {  	[sflag:s0] =	ssyncadd.remote.s32 $0x1  }
0xbe: {  	_ =	sfence.sel $0xFFFF  }
0xbf: {  	[dreg:$0x0] =	wrdreg $0xFFFFFFFF;
	(pc) =	sbr.abs _section_cstart, $3  }
0xc0: {  	[dreg:$0x1] =	wrdreg $0xFFFFFFFF  }
0xc1: {  	_ =	task.clear_ibuf [dreg:s6], $0x2FFFF;
	_ =	strace $0x9FFFFFFF  }
0xc2: {  	(tm) =	ssettm $0x7FFFFFFF  }
0xc3: {  	_ =	shalt  }
tec
execute0_lowered:
.L_overlay_start_1:
0x0: {  	(tag) =	ssettag $0x1  }
0x1: {  	s0 =	rddreg [dreg:$0x0];
	s1 =	srdreg.scid  }
0x2: {  	s2 =	rddreg [dreg:$0x1];
	s11 =	stileid.u32  }
0x3: {  	s3 =	simm.s32 $0x0;
	s15 =	simm.s32 $0x13C00;
	s16 =	simm.s32 $0x13C80  }
0x4: {  	s17 =	simm.s32 $0x13E00;
	s18 =	simm.s32 $0x13E80;
	s19 =	simm.s32 $0x1C000  }
0x5: {  	s28 =	simm.s32 $0x3;
	s29 =	simm.s32 $0x13D00;
	s8 =	smul.u32 $0x2780, s11  }
0x6: {  	s30 =	simm.s32 $0x13D80;
	s31 =	simm.s32 $0x2;
	s10 =	smul.u32 $0x2A00, s11  }
0x7: {  	s1 =	sand.u32 $0x1, s1;
	[smem:$0x7FF] =	sst s3;
	s11 =	smul.u32 $0x4F000, s11  }
0x8: {  	s4 =	sadd.s32 $0x3000, s0;
	s5 =	sadd.s32 $0xCA400, s0;
	s7 =	smul.u32 $0x27800, s1  }
0x9: {  	s6 =	sadd.s32 $0xD4E00, s0;
	s9 =	smul.u32 $0x2A000, s1;
	s1 =	ssub.s32 $0x2, s1  }
0xa: {  	_ =	strace $0x8000004D;
	s21 =	sshrl.u32 s1, $0x1;
	s11 =	sshrl.u32 s11, $0x2  }
0xb: {  	s7 =	sadd.s32 s8, s7;
	s20 =	sadd.s32 s10, s9;
	s1 =	ssub.s32 s1, s21  }
0xc: {  	s11 =	sadd.s32 s11, s2;
	s21 =	simm.s32 $0x80;
	s0 =	sadd.s32 s7, s0  }
0xd: {  	s9 =	sshrl.u32 s20, $0x3;
	s23 =	sadd.s32 $0x280, s20;
	s1 =	smax.u32 s1, $0x1  }
0xe: {  	s26 =	sadd.s32 $0x200, s20;
	s20 =	simm.s32 $0x4;
	s22 =	sor.u32 $0x10, s9  }
0xf: {  	s7 =	sadd.s32 s5, s9;
	s9 =	sadd.s32 s6, s9;
	[dreg:$0x8] =	wrdreg s1  }
0x10: {  	s0 =	sadd.s32 $0x2A800, s0;
	[dreg:$0x9] =	wrdreg s26;
	s26 =	simm.s32 $0x1  }
0x11: {  	s1 =	simm.s32 $0x0;
	s12 =	sadd.s32 s5, s22;
	[dreg:$0x7] =	wrdreg s0  }
0x12: {  	s10 =	sadd.s32 s6, s22;
	[dreg:$0x5] =	wrdreg s12;
	s12 =	sshrl.u32 s23, $0x3  }
0x13: {  	s22 =	simm.s32 $0x13F00;
	[dreg:$0x6] =	wrdreg s10;
	s24 =	sadd.s32 s12, s6  }
0x14: {  	s23 =	simm.s32 $0x14000;
	s25 =	sadd.s32 s12, s5;
	[dreg:$0x3] =	wrdreg s24  }
0x15: {  	v0 =	vimm.f32 $0.0e+00;
	v1 =	vimm.s32 $0x2710;
	[dreg:$0x4] =	wrdreg s25;
	s24 =	simm.s32 $0x13F80;
	s25 =	simm.s32 $0x18000  }
.LBB2_1:
0x16: {  	[tilespmem:s15], [sflag:$0x1] =	stream.linear.gather [hbm4b:s7+s3], $0x80, $0x38;
	[tilespmem:$0x1C400] =	vst v63  }
0x17: {  	s0 =	rddreg [dreg:$0x5]  }
0x18: {  	[tilespmem:s16], [sflag:$0x1] =	stream.linear.gather [hbm4b:s0+s3], $0x80, $0x38;
	[tilespmem:$0x1C400] =	vst v63  }
0x19: {  	_ = 	snop  }
0x1a: {  	[tilespmem:s17], [sflag:$0x1] =	stream.linear.gather [hbm4b:s9+s3], $0x80, $0x38;
	[tilespmem:$0x1C400] =	vst v63  }
0x1b: {  	s14 =	rddreg [dreg:$0x6]  }
0x1c: {  	[tilespmem:s18], [sflag:$0x1] =	stream.linear.gather [hbm4b:s14+s3], $0x80, $0x38;
	[tilespmem:$0x1C400] =	vst v63  }
0x1d: {  	[tilespmem:$0x1C000] =	vst v0  }
0x1e: {  	[tilespmem:$0x1C010] =	vst v0  }
0x1f: {  	[tilespmem:$0x1C020] =	vst v0  }
0x20: {  	[tilespmem:$0x1C030] =	vst v0  }
0x21: {  	[tilespmem:$0x1C040] =	vst v0  }
0x22: {  	[tilespmem:$0x1C050] =	vst v0  }
0x23: {  	[tilespmem:$0x1C060] =	vst v0  }
0x24: {  	[tilespmem:$0x1C070] =	vst v0  }
0x25: {  	[tilespmem:$0x1C080] =	vst v0  }
0x26: {  	[tilespmem:$0x1C090] =	vst v0  }
0x27: {  	[tilespmem:$0x1C0A0] =	vst v0  }
0x28: {  	[tilespmem:$0x1C0B0] =	vst v0  }
0x29: {  	[tilespmem:$0x1C0C0] =	vst v0  }
0x2a: {  	[tilespmem:$0x1C0D0] =	vst v0  }
0x2b: {  	[tilespmem:$0x1C0E0] =	vst v0  }
0x2c: {  	[tilespmem:$0x1C0F0] =	vst v0  }
0x2d: {  	[tilespmem:$0x1C100] =	vst v0  }
0x2e: {  	[tilespmem:$0x1C110] =	vst v0  }
0x2f: {  	[tilespmem:$0x1C120] =	vst v0  }
0x30: {  	[tilespmem:$0x1C130] =	vst v0  }
0x31: {  	[tilespmem:$0x1C140] =	vst v0  }
0x32: {  	[tilespmem:$0x1C150] =	vst v0  }
0x33: {  	[tilespmem:$0x1C160] =	vst v0  }
0x34: {  	[tilespmem:$0x1C170] =	vst v0  }
0x35: {  	[tilespmem:$0x1C180] =	vst v0  }
0x36: {  	[tilespmem:$0x1C190] =	vst v0  }
0x37: {  	[tilespmem:$0x1C1A0] =	vst v0  }
0x38: {  	[tilespmem:$0x1C1B0] =	vst v0  }
0x39: {  	[tilespmem:$0x1C1C0] =	vst v0  }
0x3a: {  	[tilespmem:$0x1C1D0] =	vst v0  }
0x3b: {  	[tilespmem:$0x1C1E0] =	vst v0  }
0x3c: {  	[tilespmem:$0x1C1F0] =	vst v0  }
0x3d: {  	[tilespmem:$0x1C200] =	vst v0  }
0x3e: {  	[tilespmem:$0x1C210] =	vst v0  }
0x3f: {  	[tilespmem:$0x1C220] =	vst v0  }
0x40: {  	[tilespmem:$0x1C230] =	vst v0  }
0x41: {  	[tilespmem:$0x1C240] =	vst v0  }
0x42: {  	[tilespmem:$0x1C250] =	vst v0  }
0x43: {  	[tilespmem:$0x1C260] =	vst v0  }
0x44: {  	[tilespmem:$0x1C270] =	vst v0  }
0x45: {  	[tilespmem:$0x1C280] =	vst v0  }
0x46: {  	[tilespmem:$0x1C290] =	vst v0  }
0x47: {  	[tilespmem:$0x1C2A0] =	vst v0  }
0x48: {  	[tilespmem:$0x1C2B0] =	vst v0  }
0x49: {  	[tilespmem:$0x1C2C0] =	vst v0  }
0x4a: {  	[tilespmem:$0x1C2D0] =	vst v0  }
0x4b: {  	[tilespmem:$0x1C2E0] =	vst v0  }
0x4c: {  	[tilespmem:$0x1C2F0] =	vst v0  }
0x4d: {  	[tilespmem:$0x1C300] =	vst v0  }
0x4e: {  	[tilespmem:$0x1C310] =	vst v0  }
0x4f: {  	[tilespmem:$0x1C320] =	vst v0  }
0x50: {  	[tilespmem:$0x1C330] =	vst v0  }
0x51: {  	[tilespmem:$0x1C340] =	vst v0  }
0x52: {  	[tilespmem:$0x1C350] =	vst v0  }
0x53: {  	[tilespmem:$0x1C360] =	vst v0  }
0x54: {  	[tilespmem:$0x1C370] =	vst v0  }
0x55: {  	[tilespmem:$0x1C380] =	vst v0  }
0x56: {  	[tilespmem:$0x1C390] =	vst v0  }
0x57: {  	[tilespmem:$0x1C3A0] =	vst v0  }
0x58: {  	[tilespmem:$0x1C3B0] =	vst v0  }
0x59: {  	[tilespmem:$0x1C3C0] =	vst v0  }
0x5a: {  	[tilespmem:$0x1C3D0] =	vst v0  }
0x5b: {  	[tilespmem:$0x1C3E0] =	vst v0  }
0x5c: {  	s8 =	simm.s32 $0x0;
	[tilespmem:$0x1C3F0] =	vst v0  }
.LBB2_2:
0x5d: {  	p0 =	sne.s32 s8, $0x4E000  }
.Ltmp0:
0x5e: {  	_ = 	snop;
	(pc) =	sbr.rel @p0 .LBB2_2-.Ltmp0, $4  }
0x5f: {  	_ = 	snop  }
0x60: {  	s10 =	sshra.s32 s8, $0x2  }
0x61: {  	s8 =	sadd.s32 $0x1000, s8;
	s10 =	sadd.s32 s10, s11  }
0x62: {  	[spmem:s10] =	stream.linear.scatter [tilespmem:s19], [sflag:$0x4], $0x400, $0x38;
	[tilespmem:$0x1C400] =	vst v63  }
0x63: {  	_ =	swait.ge [sflag:s20], $0x400  }
0x64: {  	s8 =	simm.s32 $0x4E;
	[sflag:s20] =	ssyncset.done $0x0  }
.LBB2_4:
0x65: {  	p0 =	sne.s32 s8, $0x1;
	s8 =	sadd.s32 $0xFFFFFFFF, s8;
	[sflag:s20] =	ssyncadd.s32 $0xFFFFFC00  }
.Ltmp1:
0x66: {  	(pc) =	sbr.rel @p0 .LBB2_4-.Ltmp1, $3  }
0x67: {  	_ =	sdelay $0x1  }
0x68: {  	_ =	swait.ge [sflag:s20], $0x400  }
0x69: {  	[sflag:s20] =	ssyncset.done $0x0  }
0x6a: {  	[sflag:s20] =	ssyncadd.s32 $0xFFFFFC00  }
0x6b: {  	[bflag:$0x0] =	sbarrier.arrive $0xFFFF  }
0x6c: {  	[tilespmem:$0x13F00] =	vst v1  }
0x6d: {  	[tilespmem:$0x13F80] =	vst v1  }
0x6e: {  	[tilespmem:$0x13F10] =	vst v1  }
0x6f: {  	[tilespmem:$0x13F90] =	vst v1  }
0x70: {  	[tilespmem:$0x13F20] =	vst v1  }
0x71: {  	[tilespmem:$0x13FA0] =	vst v1  }
0x72: {  	[tilespmem:$0x13F30] =	vst v1  }
0x73: {  	[tilespmem:$0x13FB0] =	vst v1  }
0x74: {  	[tilespmem:$0x13F40] =	vst v1  }
0x75: {  	[tilespmem:$0x13FC0] =	vst v1  }
0x76: {  	[tilespmem:$0x13F50] =	vst v1  }
0x77: {  	[tilespmem:$0x13FD0] =	vst v1  }
0x78: {  	[tilespmem:$0x13F60] =	vst v1  }
0x79: {  	[tilespmem:$0x13FE0] =	vst v1  }
0x7a: {  	[tilespmem:$0x13F70] =	vst v1  }
0x7b: {  	[tilespmem:$0x13FF0] =	vst v1  }
0x7c: {  	[spmem:s2] =	stream.indirect.scatter.add.f32 [tilespmem:s23], [sflag:$0x3], $0x80, s22, s21, $0xb8;
	[tilespmem:$0x1C400] =	vst v63  }
0x7d: {  	_ = 	snop  }
0x7e: {  	[spmem:s2] =	stream.indirect.scatter.add.f32 [tilespmem:s25], [sflag:$0x3], $0x80, s24, s21, $0xb8;
	[tilespmem:$0x1C400] =	vst v63  }
0x7f: {  	_ =	swait.ge [sflag:s26], $0x80  }
0x80: {  	[sflag:s26] =	ssyncset.done $0x0  }
0x81: {  	[sflag:s26] =	ssyncadd.s32 $0xFFFFFF80  }
0x82: {  	_ =	swait.ge [sflag:s26], $0x80  }
0x83: {  	[sflag:s26] =	ssyncset.done $0x0  }
0x84: {  	[sflag:s26] =	ssyncadd.s32 $0xFFFFFF80  }
0x85: {  	_ =	swait.ge [sflag:s26], $0x80  }
0x86: {  	[sflag:s26] =	ssyncset.done $0x0  }
0x87: {  	[sflag:s26] =	ssyncadd.s32 $0xFFFFFF80  }
0x88: {  	_ =	swait.ge [sflag:s26], $0x80  }
0x89: {  	[sflag:s26] =	ssyncset.done $0x0  }
0x8a: {  	[sflag:s26] =	ssyncadd.s32 $0xFFFFFF80  }
0x8b: {  	_ =	swait.ge [sflag:s28], $0x4000  }
0x8c: {  	[sflag:s28] =	ssyncset.done $0x0  }
0x8d: {  	[sflag:s28] =	ssyncadd.s32 $0xFFFFC000  }
0x8e: {  	_ =	swait.ge [sflag:s28], $0x4000  }
0x8f: {  	s8 =	sadd.s32 $0x0, s7;
	[sflag:s28] =	ssyncset.done $0x0  }
0x90: {  	s10 =	sadd.s32 $0x20, s8;
	[sflag:s28] =	ssyncadd.s32 $0xFFFFC000  }
0x91: {  	[tilespmem:s29], [sflag:$0x1] =	stream.linear.gather [hbm4b:s10+s3], $0x80, $0x38;
	[tilespmem:$0x1C400] =	vst v63  }
0x92: {  	s0 =	sadd.s32 $0x0, s9;
	s8 =	sadd.s32 $0x30, s8  }
0x93: {  	[tilespmem:s30], [sflag:$0x1] =	stream.linear.gather [hbm4b:s8+s3], $0x80, $0x38;
	[tilespmem:$0x1C400] =	vst v63  }
0x94: {  	s12 =	sadd.s32 $0x20, s0  }
0x95: {  	[tilespmem:s22], [sflag:$0x1] =	stream.linear.gather [hbm4b:s12+s3], $0x80, $0x38;
	[tilespmem:$0x1C400] =	vst v63  }
0x96: {  	s13 =	sadd.s32 $0x30, s0  }
0x97: {  	[tilespmem:s24], [sflag:$0x1] =	stream.linear.gather [hbm4b:s13+s3], $0x80, $0x38;
	[tilespmem:$0x1C400] =	vst v63  }
0x98: {  	_ = 	snop  }
0x99: {  	[tilespmem:s23], [sflag:$0x2] =	stream.indirect.gather [hbm4b:s4+s21], $0x80, s15, s21, $0xb8;
	[tilespmem:$0x1C400] =	vst v63  }
0x9a: {  	_ = 	snop  }
0x9b: {  	[tilespmem:s25], [sflag:$0x2] =	stream.indirect.gather [hbm4b:s4+s21], $0x80, s16, s21, $0xb8;
	[tilespmem:$0x1C400] =	vst v63  }
0x9c: {  	_ =	swait.ge [sflag:s31], $0x4000  }
0x9d: {  	[sflag:s31] =	ssyncset.done $0x0  }
0x9e: {  	[sflag:s31] =	ssyncadd.s32 $0xFFFFC000  }
0x9f: {  	[spmem:s2] =	stream.indirect.scatter.add.f32 [tilespmem:s23], [sflag:$0x3], $0x80, s17, s21, $0xb8;
	[tilespmem:$0x1C400] =	vst v63  }
0xa0: {  	_ =	swait.ge [sflag:s31], $0x4000  }
0xa1: {  	[sflag:s31] =	ssyncset.done $0x0  }
0xa2: {  	[sflag:s31] =	ssyncadd.s32 $0xFFFFC000  }
0xa3: {  	[spmem:s2] =	stream.indirect.scatter.add.f32 [tilespmem:s25], [sflag:$0x3], $0x80, s18, s21, $0xb8;
	[tilespmem:$0x1C400] =	vst v63  }
0xa4: {  	_ =	swait.ge [sflag:s26], $0x80  }
0xa5: {  	[sflag:s26] =	ssyncset.done $0x0  }
0xa6: {  	[sflag:s26] =	ssyncadd.s32 $0xFFFFFF80  }
0xa7: {  	_ =	swait.ge [sflag:s26], $0x80  }
0xa8: {  	[sflag:s26] =	ssyncset.done $0x0  }
0xa9: {  	[sflag:s26] =	ssyncadd.s32 $0xFFFFFF80  }
0xaa: {  	_ =	swait.ge [sflag:s26], $0x80  }
0xab: {  	[sflag:s26] =	ssyncset.done $0x0  }
0xac: {  	[sflag:s26] =	ssyncadd.s32 $0xFFFFFF80  }
0xad: {  	_ =	swait.ge [sflag:s26], $0x80  }
0xae: {  	[sflag:s26] =	ssyncset.done $0x0  }
0xaf: {  	[sflag:s26] =	ssyncadd.s32 $0xFFFFFF80  }
0xb0: {  	_ =	swait.ge [sflag:s28], $0x4000  }
0xb1: {  	[sflag:s28] =	ssyncset.done $0x0  }
0xb2: {  	[sflag:s28] =	ssyncadd.s32 $0xFFFFC000  }
0xb3: {  	_ =	swait.ge [sflag:s28], $0x4000  }
0xb4: {  	s0 =	rddreg [dreg:$0x9]  }
0xb5: {  	[sflag:s28] =	ssyncset.done $0x0;
	s8 =	sshrl.u32 s0, $0x3  }
0xb6: {  	s14 =	rddreg [dreg:$0x4];
	[sflag:s28] =	ssyncadd.s32 $0xFFFFC000;
	s12 =	sadd.s32 s5, s8  }
0xb7: {  	[tilespmem:s15], [sflag:$0x1] =	stream.linear.gather [hbm4b:s12+s3], $0x80, $0x38;
	[tilespmem:$0x1C400] =	vst v63  }
0xb8: {  	s10 =	sadd.s32 $0x0, s14  }
0xb9: {  	[tilespmem:s16], [sflag:$0x1] =	stream.linear.gather [hbm4b:s10+s3], $0x80, $0x38;
	[tilespmem:$0x1C400] =	vst v63  }
0xba: {  	s13 =	rddreg [dreg:$0x3];
	s8 =	sadd.s32 s6, s8  }
0xbb: {  	[tilespmem:s17], [sflag:$0x1] =	stream.linear.gather [hbm4b:s8+s3], $0x80, $0x38;
	[tilespmem:$0x1C400] =	vst v63  }
0xbc: {  	s14 =	sadd.s32 $0x0, s13  }
0xbd: {  	[tilespmem:s18], [sflag:$0x1] =	stream.linear.gather [hbm4b:s14+s3], $0x80, $0x38;
	[tilespmem:$0x1C400] =	vst v63  }
0xbe: {  	_ = 	snop  }
0xbf: {  	[tilespmem:s23], [sflag:$0x2] =	stream.indirect.gather [hbm4b:s4+s21], $0x80, s29, s21, $0xb8;
	[tilespmem:$0x1C400] =	vst v63  }
0xc0: {  	_ = 	snop  }
0xc1: {  	[tilespmem:s25], [sflag:$0x2] =	stream.indirect.gather [hbm4b:s4+s21], $0x80, s30, s21, $0xb8;
	[tilespmem:$0x1C400] =	vst v63  }
0xc2: {  	_ =	swait.ge [sflag:s31], $0x4000  }
0xc3: {  	[sflag:s31] =	ssyncset.done $0x0  }
0xc4: {  	[sflag:s31] =	ssyncadd.s32 $0xFFFFC000  }
0xc5: {  	[spmem:s2] =	stream.indirect.scatter.add.f32 [tilespmem:s23], [sflag:$0x3], $0x80, s22, s21, $0xb8;
	[tilespmem:$0x1C400] =	vst v63  }
0xc6: {  	_ =	swait.ge [sflag:s31], $0x4000  }
0xc7: {  	[sflag:s31] =	ssyncset.done $0x0  }
0xc8: {  	s10 =	sadd.s32 $0x200, s0;
	s8 =	simm.s32 $0x40;
	[sflag:s31] =	ssyncadd.s32 $0xFFFFC000  }
.LBB2_6:
0xc9: {  	[spmem:s2] =	stream.indirect.scatter.add.f32 [tilespmem:s25], [sflag:$0x3], $0x80, s24, s21, $0xb8;
	[tilespmem:$0x1C400] =	vst v63  }
0xca: {  	_ =	swait.ge [sflag:s26], $0x80  }
0xcb: {  	[sflag:s26] =	ssyncset.done $0x0  }
0xcc: {  	[sflag:s26] =	ssyncadd.s32 $0xFFFFFF80  }
0xcd: {  	_ =	swait.ge [sflag:s26], $0x80  }
0xce: {  	[sflag:s26] =	ssyncset.done $0x0  }
0xcf: {  	[sflag:s26] =	ssyncadd.s32 $0xFFFFFF80  }
0xd0: {  	_ =	swait.ge [sflag:s26], $0x80  }
0xd1: {  	[sflag:s26] =	ssyncset.done $0x0  }
0xd2: {  	[sflag:s26] =	ssyncadd.s32 $0xFFFFFF80  }
0xd3: {  	_ =	swait.ge [sflag:s26], $0x80  }
0xd4: {  	[sflag:s26] =	ssyncset.done $0x0  }
0xd5: {  	[sflag:s26] =	ssyncadd.s32 $0xFFFFFF80  }
0xd6: {  	_ =	swait.ge [sflag:s28], $0x4000  }
0xd7: {  	[sflag:s28] =	ssyncset.done $0x0  }
0xd8: {  	[sflag:s28] =	ssyncadd.s32 $0xFFFFC000  }
0xd9: {  	s12 =	smov.u32 s8;
	_ =	swait.ge [sflag:s28], $0x4000  }
0xda: {  	s13 =	sadd.s32 s12, s7;
	[sflag:s28] =	ssyncset.done $0x0  }
0xdb: {  	s0 =	sadd.s32 $0x20, s13;
	[sflag:s28] =	ssyncadd.s32 $0xFFFFC000  }
0xdc: {  	[tilespmem:s29], [sflag:$0x1] =	stream.linear.gather [hbm4b:s0+s3], $0x80, $0x38;
	[tilespmem:$0x1C400] =	vst v63  }
0xdd: {  	s14 =	sadd.s32 $0x30, s13;
	s13 =	sadd.s32 s12, s9  }
0xde: {  	[tilespmem:s30], [sflag:$0x1] =	stream.linear.gather [hbm4b:s14+s3], $0x80, $0x38;
	[tilespmem:$0x1C400] =	vst v63  }
0xdf: {  	s14 =	sadd.s32 $0x20, s13  }
0xe0: {  	[tilespmem:s22], [sflag:$0x1] =	stream.linear.gather [hbm4b:s14+s3], $0x80, $0x38;
	[tilespmem:$0x1C400] =	vst v63  }
0xe1: {  	s13 =	sadd.s32 $0x30, s13  }
0xe2: {  	[tilespmem:s24], [sflag:$0x1] =	stream.linear.gather [hbm4b:s13+s3], $0x80, $0x38;
	[tilespmem:$0x1C400] =	vst v63  }
0xe3: {  	_ = 	snop  }
0xe4: {  	[tilespmem:s23], [sflag:$0x2] =	stream.indirect.gather [hbm4b:s4+s21], $0x80, s15, s21, $0xb8;
	[tilespmem:$0x1C400] =	vst v63  }
0xe5: {  	_ = 	snop  }
0xe6: {  	[tilespmem:s25], [sflag:$0x2] =	stream.indirect.gather [hbm4b:s4+s21], $0x80, s16, s21, $0xb8;
	[tilespmem:$0x1C400] =	vst v63  }
0xe7: {  	_ =	swait.ge [sflag:s31], $0x4000  }
0xe8: {  	[sflag:s31] =	ssyncset.done $0x0  }
0xe9: {  	[sflag:s31] =	ssyncadd.s32 $0xFFFFC000  }
0xea: {  	[spmem:s2] =	stream.indirect.scatter.add.f32 [tilespmem:s23], [sflag:$0x3], $0x80, s17, s21, $0xb8;
	[tilespmem:$0x1C400] =	vst v63  }
0xeb: {  	_ =	swait.ge [sflag:s31], $0x4000  }
0xec: {  	[sflag:s31] =	ssyncset.done $0x0  }
0xed: {  	[sflag:s31] =	ssyncadd.s32 $0xFFFFC000  }
0xee: {  	[spmem:s2] =	stream.indirect.scatter.add.f32 [tilespmem:s25], [sflag:$0x3], $0x80, s18, s21, $0xb8;
	[tilespmem:$0x1C400] =	vst v63  }
0xef: {  	_ =	swait.ge [sflag:s26], $0x80  }
0xf0: {  	[sflag:s26] =	ssyncset.done $0x0  }
0xf1: {  	[sflag:s26] =	ssyncadd.s32 $0xFFFFFF80  }
0xf2: {  	_ =	swait.ge [sflag:s26], $0x80  }
0xf3: {  	[sflag:s26] =	ssyncset.done $0x0  }
0xf4: {  	[sflag:s26] =	ssyncadd.s32 $0xFFFFFF80  }
0xf5: {  	_ =	swait.ge [sflag:s26], $0x80  }
0xf6: {  	[sflag:s26] =	ssyncset.done $0x0  }
0xf7: {  	[sflag:s26] =	ssyncadd.s32 $0xFFFFFF80  }
0xf8: {  	_ =	swait.ge [sflag:s26], $0x80  }
0xf9: {  	[sflag:s26] =	ssyncset.done $0x0  }
0xfa: {  	[sflag:s26] =	ssyncadd.s32 $0xFFFFFF80  }
0xfb: {  	_ =	swait.ge [sflag:s28], $0x4000  }
0xfc: {  	[sflag:s28] =	ssyncset.done $0x0  }
0xfd: {  	[sflag:s28] =	ssyncadd.s32 $0xFFFFC000  }
0xfe: {  	_ =	swait.ge [sflag:s28], $0x4000  }
0xff: {  	s0 =	sshrl.u32 s10, $0x3;
	[sflag:s28] =	ssyncset.done $0x0  }
0x100: {  	s14 =	sadd.s32 s5, s0;
	s13 =	rddreg [dreg:$0x4];
	[sflag:s28] =	ssyncadd.s32 $0xFFFFC000  }
0x101: {  	[tilespmem:s15], [sflag:$0x1] =	stream.linear.gather [hbm4b:s14+s3], $0x80, $0x38;
	[tilespmem:$0x1C400] =	vst v63  }
0x102: {  	s13 =	sadd.s32 s12, s13  }
0x103: {  	[tilespmem:s16], [sflag:$0x1] =	stream.linear.gather [hbm4b:s13+s3], $0x80, $0x38;
	[tilespmem:$0x1C400] =	vst v63  }
0x104: {  	s0 =	sadd.s32 s6, s0;
	s14 =	rddreg [dreg:$0x3]  }
0x105: {  	[tilespmem:s17], [sflag:$0x1] =	stream.linear.gather [hbm4b:s0+s3], $0x80, $0x38;
	[tilespmem:$0x1C400] =	vst v63  }
0x106: {  	s14 =	sadd.s32 s12, s14  }
0x107: {  	[tilespmem:s18], [sflag:$0x1] =	stream.linear.gather [hbm4b:s14+s3], $0x80, $0x38;
	[tilespmem:$0x1C400] =	vst v63  }
0x108: {  	_ = 	snop  }
0x109: {  	[tilespmem:s23], [sflag:$0x2] =	stream.indirect.gather [hbm4b:s4+s21], $0x80, s29, s21, $0xb8;
	[tilespmem:$0x1C400] =	vst v63  }
0x10a: {  	_ = 	snop  }
0x10b: {  	[tilespmem:s25], [sflag:$0x2] =	stream.indirect.gather [hbm4b:s4+s21], $0x80, s30, s21, $0xb8;
	[tilespmem:$0x1C400] =	vst v63  }
0x10c: {  	_ =	swait.ge [sflag:s31], $0x4000  }
0x10d: {  	p0 =	sne.s32 s8, $0x500;
	[sflag:s31] =	ssyncset.done $0x0  }
.Ltmp2:
0x10e: {  	[sflag:s31] =	ssyncadd.s32 $0xFFFFC000;
	(pc) =	sbr.rel @p0 .LBB2_6-.Ltmp2, $4  }
0x10f: {  	[spmem:s2] =	stream.indirect.scatter.add.f32 [tilespmem:s23], [sflag:$0x3], $0x80, s22, s21, $0xb8;
	[tilespmem:$0x1C400] =	vst v63  }
0x110: {  	_ =	swait.ge [sflag:s31], $0x4000  }
0x111: {  	[sflag:s31] =	ssyncset.done $0x0  }
0x112: {  	s8 =	sadd.s32 $0x40, s8;
	s10 =	sadd.s32 $0x200, s10;
	[sflag:s31] =	ssyncadd.s32 $0xFFFFC000  }
0x113: {  	[spmem:s2] =	stream.indirect.scatter.add.f32 [tilespmem:s25], [sflag:$0x3], $0x80, s24, s21, $0xb8;
	[tilespmem:$0x1C400] =	vst v63  }
0x114: {  	_ =	swait.ge [sflag:s26], $0x80  }
0x115: {  	[sflag:s26] =	ssyncset.done $0x0  }
0x116: {  	[sflag:s26] =	ssyncadd.s32 $0xFFFFFF80  }
0x117: {  	_ =	swait.ge [sflag:s26], $0x80  }
0x118: {  	[sflag:s26] =	ssyncset.done $0x0  }
0x119: {  	[sflag:s26] =	ssyncadd.s32 $0xFFFFFF80  }
0x11a: {  	_ =	swait.ge [sflag:s26], $0x80  }
0x11b: {  	[sflag:s26] =	ssyncset.done $0x0  }
0x11c: {  	[sflag:s26] =	ssyncadd.s32 $0xFFFFFF80  }
0x11d: {  	_ =	swait.ge [sflag:s26], $0x80  }
0x11e: {  	[sflag:s26] =	ssyncset.done $0x0  }
0x11f: {  	[sflag:s26] =	ssyncadd.s32 $0xFFFFFF80  }
0x120: {  	_ =	swait.ge [sflag:s28], $0x4000  }
0x121: {  	[sflag:s28] =	ssyncset.done $0x0  }
0x122: {  	[sflag:s28] =	ssyncadd.s32 $0xFFFFC000  }
0x123: {  	_ =	swait.ge [sflag:s28], $0x4000  }
0x124: {  	[sflag:s28] =	ssyncset.done $0x0  }
0x125: {  	s0 =	stileid.u32;
	[sflag:s28] =	ssyncadd.s32 $0xFFFFC000  }
0x126: {  	s8 =	sshrl.u32 s11, $0x3;
	s0 =	sshll.u32 s0, $0x6;
	[bflag:$0x0] =	sbarrier.arrive $0xFFFF  }
0x127: {  	s13 =	simm.s32 $0x5;
	s0 =	sor.u32 $0x1C05, s0;
	s10 =	rddreg [dreg:$0x7]  }
0x128: {  	[hbm:s10], [sflag:s0] =	dma.local [spmem:s8], $0x2780  }
0x129: {  	_ =	swait.ge [sflag:s13], $0x2780  }
0x12a: {  	s1 =	sadd.s32 $0x1, s1;
	s14 =	rddreg [dreg:$0x8]  }
0x12b: {  	p0 =	sne.s32 s1, s14  }
.Ltmp3:
0x12c: {  	_ = 	snop;
	(pc) =	sbr.rel @p0 .LBB2_1-.Ltmp3, $3  }
0x12d: {  	_ =	sdelay $0x1  }
0x12e: {  	[sflag:s13] =	ssyncset.done $0x0  }
0x12f: {  	[sflag:s13] =	ssyncadd.s32 $0xFFFFD880  }
0x130: {  	_ =	sfence.sel $0x180000  }
0x131: {  	[bflag:$0x0] =	sbarrier.arrive $0xFFFF  }
0x132: {  	_ =	strace $0x9000004D  }
0x133: {  	s0 =	stileid.u32;
	[bflag:$0x2] =	sbarrier.arrive $0xFFFF  }
0x134: {  	p0 =	sne.s32 s0, $0x0;
	s0 =	rddreg [dreg:$0x2]  }
0x135: {  	s0 =	sadd.s32 @!p0 $0x100000, s0  }
0x136: {  	[sflag:s0] =	ssyncadd.tile.s32 @!p0 $0x1;
	_ =	shalt  }
.Lfunc_end2:
_tile_overlayer_lowered:
.L_overlay_start_2:
0x137: {  	(tag) =	ssettag $0x2  }
0x138: {  	s0 =	rddreg [dreg:$0x0];
	s2 =	stileid.u32  }
0x139: {  	s1 =	rddreg [dreg:$0x1];
	p0 =	sne.s32 s2, $0x0  }
0x13a: {  	s3 =	rddreg [dreg:$0x2];
	[bflag:$0x3] =	sbarrier.arrive $0xFFFF;
	s2 =	simm.s32 @!p0 $0x1C05  }
0x13b: {  	[timem:s3], [sflag:s2] =	dma.local @!p0 [hbm:s0], s1  }
0x13c: {  	s0 =	simm.s32 @!p0 $0x5  }
0x13d: {  	_ =	swait.ge @!p0 [sflag:s0], s1  }
0x13e: {  	s1 =	ssub.s32 @!p0 $0x0, s1;
	[sflag:s0] =	ssyncset.done @!p0 $0x0  }
0x13f: {  	[sflag:s0] =	ssyncadd.s32 @!p0 s1  }
0x140: {  	[bflag:$0x3] =	sbarrier.arrive $0xFFFF  }
0x141: {  	_ =	shalt  }

// kernel: kernel.9.cloned.1.call-start
scs
__scs_entry_jumppad:
0x0: {  	(pc) =	sbr.rel $0x88, $3  }
0x1: {  	(tag) =	ssettag $0x0;
	lr =	simm.s32 $0x1  }
0x2: {  	[smem:$0x3F93] =	sst lr;
	_ =	strace $0xD0000000  }
0x3: {  	_ = 	snop  }
0x4: {  	_ = 	snop  }
0x5: {  	_ = 	snop  }
0x6: {  	_ = 	snop  }
0x7: {  	_ = 	snop  }
__scs_overlays_trampoline_lowered:
0x8: {  	[smem:$0x3FA2] =	sst s0  }
0x9: {  	[smem:$0x3FA3] =	sst s1  }
0xa: {  	[smem:$0x3FA4] =	sst s2  }
0xb: {  	[smem:$0x3FA5] =	sst s3  }
0xc: {  	[smem:$0x3FA6] =	sst s4  }
0xd: {  	[smem:$0x3FA7] =	sst s5  }
0xe: {  	[smem:$0x3FA8] =	sst s6  }
0xf: {  	[smem:$0x3FA9] =	sst s7  }
0x10: {  	[smem:$0x3FAA] =	sst s8  }
0x11: {  	[smem:$0x3FAB] =	sst s9;
	s0 =	simm.s32 @!p0 $0x0  }
0x12: {  	s1 =	sld [smem:$0x3F91];
	s0 =	simm.s32 @p0 $0x1  }
0x13: {  	[smem:$0x3FAC] =	sst s0;
	s0 =	simm.s32 @!p1 $0x0  }
0x14: {  	s2 =	sld [smem:$0x3F90];
	s0 =	simm.s32 @p1 $0x1  }
0x15: {  	[smem:$0x3FAD] =	sst s0;
	s0 =	simm.s32 @!p2 $0x0  }
0x16: {  	s3 =	sld [smem:$0x3FDB];
	s0 =	simm.s32 @p2 $0x1  }
0x17: {  	s4 =	simm.s32 $0x1BF5;
	[smem:$0x3FAF] =	sst s0  }
0x18: {  	s0 =	sld [smem:$0x3F92];
	_ =	swait.ge [sflag:s4], $0x0  }
0x19: {  	s7 =	sld [smem:$0x3F93]  }
0x1a: {  	s8 =	sadd.s32 $0xFFFFE003, lr  }
0x1b: {  	s9 =	sadd.s32 $0xFFFFFEF7, lr;
	s5 =	simm.s32 $0xFFFFFFFF;
	p2 =	slt.u32 s8, $0xFFFFF086  }
0x1c: {  	p1 =	slt.u32 s9, $0xF7A;
	s5 =	simm.s32 @!p2 $0x0  }
0x1d: {  	s5 =	simm.s32 @p1 $0x1;
	p0 =	seq.s32 s7, s2  }
0x1e: {  	s7 =	smul.u32 @!p0 $0xF7A, s2;
	p2 =	seq.s32 @!p0 s5, $0x0  }
0x1f: {  	s9 =	smul.u32 $0xF7A, s1;
	s8 =	simm.s32 @!p0 $0x1BF5;
	p2 =	por !p2, p0  }
0x20: {  	[sflag:s8] =	ssyncset.s32 @!p0 $0xFFFFF086;
	s6 =	sadd.s32 @!p0 s3, s7;
	s7 =	simm.s32 @!p0 $0x108  }
0x21: {  	s3 =	sadd.s32 s3, s9;
	s6 =	sadd.s32 @!p0 $0x88, s6;
	s7 =	simm.s32 @p2 $0x1082  }
0x22: {  	[simem:s7], [sflag:s8] =	dma.local @!p0 [hbm:s6], $0xF7A  }
0x23: {  	s9 =	sor.u32 $0xD0000000, s2;
	s6 =	simm.s32 $0x108;
	_ =	swait.ge @!p0 [sflag:s8], $0x0  }
0x24: {  	s3 =	sadd.s32 $0x88, s3;
	s6 =	simm.s32 @!p1 $0x1082;
	[sflag:s4] =	ssyncset.s32 $0xFFFFF086  }
0x25: {  	[simem:s6], [sflag:s4] =	dma.local [hbm:s3], $0xF7A  }
0x26: {  	[smem:$0x3F93] =	sst s1;
	(tag) =	ssettag s2;
	_ =	strace s9  }
0x27: {  	s1 =	sld [smem:$0x3FA3]  }
0x28: {  	s2 =	sld [smem:$0x3FA4]  }
0x29: {  	s4 =	sld [smem:$0x3FA6]  }
0x2a: {  	p0 =	seq.s32 s5, $0x0;
	s5 =	sld [smem:$0x3FA7]  }
0x2b: {  	s6 =	sld [smem:$0x3FA8]  }
0x2c: {  	s7 =	sld [smem:$0x3FA9]  }
0x2d: {  	s3 =	simm.s32 $0x108;
	s8 =	sld [smem:$0x3FAA]  }
0x2e: {  	s3 =	simm.s32 @!p0 $0x1082;
	s9 =	sld [smem:$0x3FAB]  }
0x2f: {  	lr =	sadd.s32 s0, s3;
	s0 =	sld [smem:$0x3FA2]  }
0x30: {  	s3 =	sld [smem:$0x3FA5]  }
0x31: {  	[smem:$0x3FAE] =	sst s10  }
0x32: {  	s10 =	sld [smem:$0x3FAC];
	_ =	sdelay $0x3  }
0x33: {  	p0 =	seq.s32 s10, $0x1;
	s10 =	sld [smem:$0x3FAE];
	_ =	sdelay $0x3  }
0x34: {  	[smem:$0x3FAE] =	sst s10  }
0x35: {  	s10 =	sld [smem:$0x3FAD];
	_ =	sdelay $0x3  }
0x36: {  	p1 =	seq.s32 s10, $0x1;
	s10 =	sld [smem:$0x3FAE];
	_ =	sdelay $0x3  }
0x37: {  	[smem:$0x3FAE] =	sst s10  }
0x38: {  	s10 =	sld [smem:$0x3FAF]  }
0x39: {  	_ = 	snop;
	(pc) =	sbr.ind lr, $3  }
0x3a: {  	_ = 	snop  }
0x3b: {  	_ = 	snop  }
0x3c: {  	p2 =	seq.s32 s10, $0x1;
	s10 =	sld [smem:$0x3FAE]  }
0x3d: {  	_ =	shalt  }
0x3e: {  	_ =	shalt  }
0x3f: {  	_ =	shalt  }
0x40: {  	_ =	shalt  }
0x41: {  	_ =	shalt  }
0x42: {  	_ =	shalt  }
0x43: {  	_ =	shalt  }
0x44: {  	_ =	shalt  }
0x45: {  	_ =	shalt  }
0x46: {  	_ =	shalt  }
0x47: {  	_ =	shalt  }
0x48: {  	_ =	shalt  }
0x49: {  	_ =	shalt  }
0x4a: {  	_ =	shalt  }
0x4b: {  	_ =	shalt  }
0x4c: {  	_ =	shalt  }
0x4d: {  	_ =	shalt  }
0x4e: {  	_ =	shalt  }
0x4f: {  	_ =	shalt  }
0x50: {  	_ =	shalt  }
0x51: {  	_ =	shalt  }
0x52: {  	_ =	shalt  }
0x53: {  	_ =	shalt  }
0x54: {  	_ =	shalt  }
0x55: {  	_ =	shalt  }
0x56: {  	_ =	shalt  }
0x57: {  	_ =	shalt  }
0x58: {  	_ =	shalt  }
0x59: {  	_ =	shalt  }
0x5a: {  	_ =	shalt  }
0x5b: {  	_ =	shalt  }
0x5c: {  	_ =	shalt  }
0x5d: {  	_ =	shalt  }
0x5e: {  	_ =	shalt  }
0x5f: {  	_ =	shalt  }
0x60: {  	_ =	shalt  }
0x61: {  	_ =	shalt  }
0x62: {  	_ =	shalt  }
0x63: {  	_ =	shalt  }
0x64: {  	_ =	shalt  }
0x65: {  	_ =	shalt  }
0x66: {  	_ =	shalt  }
0x67: {  	_ =	shalt  }
0x68: {  	_ =	shalt  }
0x69: {  	_ =	shalt  }
0x6a: {  	_ =	shalt  }
0x6b: {  	_ =	shalt  }
0x6c: {  	_ =	shalt  }
0x6d: {  	_ =	shalt  }
0x6e: {  	_ =	shalt  }
0x6f: {  	_ =	shalt  }
0x70: {  	_ =	shalt  }
0x71: {  	_ =	shalt  }
0x72: {  	_ =	shalt  }
0x73: {  	_ =	shalt  }
0x74: {  	_ =	shalt  }
0x75: {  	_ =	shalt  }
0x76: {  	_ =	shalt  }
0x77: {  	_ =	shalt  }
0x78: {  	_ =	shalt  }
0x79: {  	_ =	shalt  }
0x7a: {  	_ =	shalt  }
0x7b: {  	_ =	shalt  }
0x7c: {  	_ =	shalt  }
0x7d: {  	_ =	shalt  }
0x7e: {  	_ =	shalt  }
0x7f: {  	_ =	shalt  }
0x80: {  	_ =	shalt  }
0x81: {  	_ =	shalt  }
0x82: {  	_ =	shalt  }
0x83: {  	_ =	shalt  }
0x84: {  	_ =	shalt  }
0x85: {  	_ =	shalt  }
0x86: {  	_ =	shalt  }
0x87: {  	_ =	shalt  }
.Lfunc_end0:
.L_simem_size_0:
called_computation_lowered:
.L_overlay_start_0:
0x88: {  	s2 =	sld [smem:$0x3FD9]  }
0x89: {  	s3 =	sld [smem:$0x3FFE];
	_ =	sdelay $0x1  }
0x8a: {  	s1 =	srdreg.scid  }
0x8b: {  	s0 =	sand.u32 $0x1, s1  }
0x8c: {  	s16 =	sshll.u32 s0, $0xA;
	s2 =	sadd.s32 s3, s2  }
0x8d: {  	s2 =	sadd.s32 s2, s16  }
0x8e: {  	[smem:$0x3FBA] =	sst s2  }
0x8f: {  	_ = 	snop  }
0x90: {  	(tm) =	ssettm $0x1  }
0x91: {  	s17 =	sld [smem:$0x3FFB];
	_ =	sdelay $0x3  }
0x92: {  	_ =	strace s17  }
0x93: {  	s2 =	sld [smem:$0x3FFC];
	_ =	sdelay $0x3  }
0x94: {  	_ =	strace s2  }
0x95: {  	s2 =	sld [smem:$0x3FFD];
	_ =	sdelay $0x3  }
0x96: {  	_ =	strace s2  }
0x97: {  	_ =	strace $0x8FFFFFFF  }
0x98: {  	s18 =	sld [smem:$0x3FDB];
	_ =	sdelay $0x1  }
0x99: {  	s19 =	simm.s32 $_scs_section_size  }
0x9a: {  	s4 =	simm.s32 $_size__tile_overlayer_lowered;
	s5 =	simm.s32 $_tile_overlayer_lowered  }
0x9b: {  	s22 =	simm.s32 $0x1BFF;
	s21 =	sshll.u32 s5, $0x1;
	s2 =	sadd.s32 s19, s18  }
0x9c: {  	s6 =	simm.s32 $0x0;
	s20 =	sshll.u32 s4, $0x1;
	s4 =	sadd.s32 s21, s2  }
0x9d: {  	[timem:s6], [sflag:s22] =	dma.local [hbm:s4], s20  }
0x9e: {  	_ =	swait.ge [sflag:s22], s20  }
0x9f: {  	s3 =	ssub.s32 $0x0, s20;
	[sflag:s22] =	ssyncset.done $0x0  }
0xa0: {  	[sflag:s22] =	ssyncadd.s32 s3;
	_ =	sdelay $0x1  }
0xa1: {  	s23 =	simm.s32 $0x1B8B  }
0xa2: {  	_ =	swait.ge [sflag:s23], $0x1  }
0xa3: {  	[sflag:s23] =	ssyncset.done $0x0  }
0xa4: {  	s25 =	simm.s32 $0x1B8E;
	s24 =	sld [smem:$0x3FFE];
	[sflag:s23] =	ssyncadd.s32 $0xFFFFFFFF  }
0xa5: {  	s26 =	simm.s32 $execute0_lowered;
	[smem:$0x3FD2] =	sst s25  }
0xa6: {  	s4 =	sshll.u32 s26, $0x1;
	_ =	strace $0x80000046;
	[dreg:$0x1] =	wrdreg $0xFFFFFFFF  }
0xa7: {  	s28 =	simm.s32 $_size_execute0_lowered;
	s2 =	sadd.s32 s2, s4;
	[dreg:$0x0] =	wrdreg $0x0  }
0xa8: {  	s4 =	sshll.u32 s28, $0x1;
	[dreg:$0x2] =	wrdreg s2  }
0xa9: {  	[dreg:$0x3] =	wrdreg s4  }
0xaa: {  	[dreg:$0x4] =	wrdreg $0xC0  }
0xab: {  	_ =	task [dreg:s6], $0x5FFFF  }
0xac: {  	[dreg:$0x1] =	wrdreg $0xFFFFFFFF  }
0xad: {  	[dreg:$0x0] =	wrdreg $0x60  }
0xae: {  	[dreg:$0x2] =	wrdreg s24  }
0xaf: {  	[dreg:$0x3] =	wrdreg $0x0  }
0xb0: {  	[dreg:$0x4] =	wrdreg $0x9  }
0xb1: {  	_ =	task.clear_ibuf [dreg:s6], $0x5FFFF;
	_ =	strace $0x90000046  }
0xb2: {  	s29 =	simm.s32 $0x9;
	_ =	strace $0x80000048  }
0xb3: {  	_ =	swait.ge [sflag:s29], $0x1  }
0xb4: {  	[sflag:s29] =	ssyncadd.s32 $0xFFFFFFFF  }
0xb5: {  	_ =	strace $0x90000048  }
0xb6: {  	_ =	sfence  }
0xb7: {  	s30 =	sld [smem:$0x0];
	_ =	sdelay $0x2  }
0xb8: {  	s31 =	sshll.u32 s1, $0xD;
	s1 =	sshrl.u32 s1, $0x2  }
0xb9: {  	s3 =	sand.u32 $0x4000, s31;
	s1 =	sadd.s32 s1, s30  }
0xba: {  	s0 =	sor.u32 s3, s0;
	s1 =	sshll.u32 s1, $0x11  }
0xbb: {  	s0 =	sor.u32 s1, s0  }
0xbc: {  	s0 =	sadd.s32 $0x8F2B, s0  }
0xbd: {  	[sflag:s0] =	ssyncadd.remote.s32 $0x1  }
0xbe: {  	_ =	sfence.sel $0xFFFF  }
0xbf: {  	[dreg:$0x0] =	wrdreg $0xFFFFFFFF;
	(pc) =	sbr.abs _section_cstart, $3  }
0xc0: {  	[dreg:$0x1] =	wrdreg $0xFFFFFFFF  }
0xc1: {  	_ =	task.clear_ibuf [dreg:s6], $0x2FFFF;
	_ =	strace $0x9FFFFFFF  }
0xc2: {  	(tm) =	ssettm $0x7FFFFFFF  }
0xc3: {  	_ =	shalt  }
tec
execute0_lowered:
.L_overlay_start_1:
0x0: {  	(tag) =	ssettag $0x1  }
0x1: {  	s0 =	rddreg [dreg:$0x0];
	s1 =	srdreg.scid  }
0x2: {  	s2 =	rddreg [dreg:$0x1];
	s11 =	stileid.u32  }
0x3: {  	s3 =	simm.s32 $0x0;
	s15 =	simm.s32 $0x13C00;
	s16 =	simm.s32 $0x13C80  }
0x4: {  	s17 =	simm.s32 $0x13E00;
	s18 =	simm.s32 $0x13E80;
	s19 =	simm.s32 $0x1C000  }
0x5: {  	s28 =	simm.s32 $0x3;
	s29 =	simm.s32 $0x13D00;
	s8 =	smul.u32 $0x2780, s11  }
0x6: {  	s30 =	simm.s32 $0x13D80;
	s31 =	simm.s32 $0x2;
	s10 =	smul.u32 $0x5200, s11  }
0x7: {  	s1 =	sand.u32 $0x1, s1;
	[smem:$0x7FF] =	sst s3;
	s11 =	smul.u32 $0x4F000, s11  }
0x8: {  	s4 =	sadd.s32 $0x2C400, s0;
	s5 =	sadd.s32 $0x3000, s0;
	s7 =	smul.u32 $0x27800, s1  }
0x9: {  	s6 =	sadd.s32 $0x17A00, s0;
	s9 =	smul.u32 $0x52000, s1;
	s1 =	ssub.s32 $0x2, s1  }
0xa: {  	_ =	strace $0x80000047;
	s21 =	sshrl.u32 s1, $0x1;
	s11 =	sshrl.u32 s11, $0x2  }
0xb: {  	s7 =	sadd.s32 s8, s7;
	s20 =	sadd.s32 s10, s9;
	s1 =	ssub.s32 s1, s21  }
0xc: {  	s11 =	sadd.s32 s11, s2;
	s21 =	simm.s32 $0x80;
	s0 =	sadd.s32 s7, s0  }
0xd: {  	s9 =	sshrl.u32 s20, $0x3;
	s23 =	sadd.s32 $0x280, s20;
	s1 =	smax.u32 s1, $0x1  }
0xe: {  	s26 =	sadd.s32 $0x200, s20;
	s20 =	simm.s32 $0x4;
	s22 =	sor.u32 $0x10, s9  }
0xf: {  	s7 =	sadd.s32 s5, s9;
	s9 =	sadd.s32 s6, s9;
	[dreg:$0x8] =	wrdreg s1  }
0x10: {  	s0 =	sadd.s32 $0x7B400, s0;
	[dreg:$0x9] =	wrdreg s26;
	s26 =	simm.s32 $0x1  }
0x11: {  	s1 =	simm.s32 $0x0;
	s12 =	sadd.s32 s5, s22;
	[dreg:$0x7] =	wrdreg s0  }
0x12: {  	s10 =	sadd.s32 s6, s22;
	[dreg:$0x5] =	wrdreg s12;
	s12 =	sshrl.u32 s23, $0x3  }
0x13: {  	s22 =	simm.s32 $0x13F00;
	[dreg:$0x6] =	wrdreg s10;
	s24 =	sadd.s32 s12, s6  }
0x14: {  	s23 =	simm.s32 $0x14000;
	s25 =	sadd.s32 s12, s5;
	[dreg:$0x3] =	wrdreg s24  }
0x15: {  	v0 =	vimm.f32 $0.0e+00;
	v1 =	vimm.s32 $0x2710;
	[dreg:$0x4] =	wrdreg s25;
	s24 =	simm.s32 $0x13F80;
	s25 =	simm.s32 $0x18000  }
.LBB2_1:
0x16: {  	[tilespmem:s15], [sflag:$0x1] =	stream.linear.gather [hbm4b:s7+s3], $0x80, $0x38;
	[tilespmem:$0x1C400] =	vst v63  }
0x17: {  	s0 =	rddreg [dreg:$0x5]  }
0x18: {  	[tilespmem:s16], [sflag:$0x1] =	stream.linear.gather [hbm4b:s0+s3], $0x80, $0x38;
	[tilespmem:$0x1C400] =	vst v63  }
0x19: {  	_ = 	snop  }
0x1a: {  	[tilespmem:s17], [sflag:$0x1] =	stream.linear.gather [hbm4b:s9+s3], $0x80, $0x38;
	[tilespmem:$0x1C400] =	vst v63  }
0x1b: {  	s14 =	rddreg [dreg:$0x6]  }
0x1c: {  	[tilespmem:s18], [sflag:$0x1] =	stream.linear.gather [hbm4b:s14+s3], $0x80, $0x38;
	[tilespmem:$0x1C400] =	vst v63  }
0x1d: {  	[tilespmem:$0x1C000] =	vst v0  }
0x1e: {  	[tilespmem:$0x1C010] =	vst v0  }
0x1f: {  	[tilespmem:$0x1C020] =	vst v0  }
0x20: {  	[tilespmem:$0x1C030] =	vst v0  }
0x21: {  	[tilespmem:$0x1C040] =	vst v0  }
0x22: {  	[tilespmem:$0x1C050] =	vst v0  }
0x23: {  	[tilespmem:$0x1C060] =	vst v0  }
0x24: {  	[tilespmem:$0x1C070] =	vst v0  }
0x25: {  	[tilespmem:$0x1C080] =	vst v0  }
0x26: {  	[tilespmem:$0x1C090] =	vst v0  }
0x27: {  	[tilespmem:$0x1C0A0] =	vst v0  }
0x28: {  	[tilespmem:$0x1C0B0] =	vst v0  }
0x29: {  	[tilespmem:$0x1C0C0] =	vst v0  }
0x2a: {  	[tilespmem:$0x1C0D0] =	vst v0  }
0x2b: {  	[tilespmem:$0x1C0E0] =	vst v0  }
0x2c: {  	[tilespmem:$0x1C0F0] =	vst v0  }
0x2d: {  	[tilespmem:$0x1C100] =	vst v0  }
0x2e: {  	[tilespmem:$0x1C110] =	vst v0  }
0x2f: {  	[tilespmem:$0x1C120] =	vst v0  }
0x30: {  	[tilespmem:$0x1C130] =	vst v0  }
0x31: {  	[tilespmem:$0x1C140] =	vst v0  }
0x32: {  	[tilespmem:$0x1C150] =	vst v0  }
0x33: {  	[tilespmem:$0x1C160] =	vst v0  }
0x34: {  	[tilespmem:$0x1C170] =	vst v0  }
0x35: {  	[tilespmem:$0x1C180] =	vst v0  }
0x36: {  	[tilespmem:$0x1C190] =	vst v0  }
0x37: {  	[tilespmem:$0x1C1A0] =	vst v0  }
0x38: {  	[tilespmem:$0x1C1B0] =	vst v0  }
0x39: {  	[tilespmem:$0x1C1C0] =	vst v0  }
0x3a: {  	[tilespmem:$0x1C1D0] =	vst v0  }
0x3b: {  	[tilespmem:$0x1C1E0] =	vst v0  }
0x3c: {  	[tilespmem:$0x1C1F0] =	vst v0  }
0x3d: {  	[tilespmem:$0x1C200] =	vst v0  }
0x3e: {  	[tilespmem:$0x1C210] =	vst v0  }
0x3f: {  	[tilespmem:$0x1C220] =	vst v0  }
0x40: {  	[tilespmem:$0x1C230] =	vst v0  }
0x41: {  	[tilespmem:$0x1C240] =	vst v0  }
0x42: {  	[tilespmem:$0x1C250] =	vst v0  }
0x43: {  	[tilespmem:$0x1C260] =	vst v0  }
0x44: {  	[tilespmem:$0x1C270] =	vst v0  }
0x45: {  	[tilespmem:$0x1C280] =	vst v0  }
0x46: {  	[tilespmem:$0x1C290] =	vst v0  }
0x47: {  	[tilespmem:$0x1C2A0] =	vst v0  }
0x48: {  	[tilespmem:$0x1C2B0] =	vst v0  }
0x49: {  	[tilespmem:$0x1C2C0] =	vst v0  }
0x4a: {  	[tilespmem:$0x1C2D0] =	vst v0  }
0x4b: {  	[tilespmem:$0x1C2E0] =	vst v0  }
0x4c: {  	[tilespmem:$0x1C2F0] =	vst v0  }
0x4d: {  	[tilespmem:$0x1C300] =	vst v0  }
0x4e: {  	[tilespmem:$0x1C310] =	vst v0  }
0x4f: {  	[tilespmem:$0x1C320] =	vst v0  }
0x50: {  	[tilespmem:$0x1C330] =	vst v0  }
0x51: {  	[tilespmem:$0x1C340] =	vst v0  }
0x52: {  	[tilespmem:$0x1C350] =	vst v0  }
0x53: {  	[tilespmem:$0x1C360] =	vst v0  }
0x54: {  	[tilespmem:$0x1C370] =	vst v0  }
0x55: {  	[tilespmem:$0x1C380] =	vst v0  }
0x56: {  	[tilespmem:$0x1C390] =	vst v0  }
0x57: {  	[tilespmem:$0x1C3A0] =	vst v0  }
0x58: {  	[tilespmem:$0x1C3B0] =	vst v0  }
0x59: {  	[tilespmem:$0x1C3C0] =	vst v0  }
0x5a: {  	[tilespmem:$0x1C3D0] =	vst v0  }
0x5b: {  	[tilespmem:$0x1C3E0] =	vst v0  }
0x5c: {  	s8 =	simm.s32 $0x0;
	[tilespmem:$0x1C3F0] =	vst v0  }
.LBB2_2:
0x5d: {  	p0 =	sne.s32 s8, $0x4E000  }
.Ltmp0:
0x5e: {  	_ = 	snop;
	(pc) =	sbr.rel @p0 .LBB2_2-.Ltmp0, $4  }
0x5f: {  	_ = 	snop  }
0x60: {  	s10 =	sshra.s32 s8, $0x2  }
0x61: {  	s8 =	sadd.s32 $0x1000, s8;
	s10 =	sadd.s32 s10, s11  }
0x62: {  	[spmem:s10] =	stream.linear.scatter [tilespmem:s19], [sflag:$0x4], $0x400, $0x38;
	[tilespmem:$0x1C400] =	vst v63  }
0x63: {  	_ =	swait.ge [sflag:s20], $0x400  }
0x64: {  	s8 =	simm.s32 $0x4E;
	[sflag:s20] =	ssyncset.done $0x0  }
.LBB2_4:
0x65: {  	p0 =	sne.s32 s8, $0x1;
	s8 =	sadd.s32 $0xFFFFFFFF, s8;
	[sflag:s20] =	ssyncadd.s32 $0xFFFFFC00  }
.Ltmp1:
0x66: {  	(pc) =	sbr.rel @p0 .LBB2_4-.Ltmp1, $3  }
0x67: {  	_ =	sdelay $0x1  }
0x68: {  	_ =	swait.ge [sflag:s20], $0x400  }
0x69: {  	[sflag:s20] =	ssyncset.done $0x0  }
0x6a: {  	[sflag:s20] =	ssyncadd.s32 $0xFFFFFC00  }
0x6b: {  	[bflag:$0x0] =	sbarrier.arrive $0xFFFF  }
0x6c: {  	[tilespmem:$0x13F00] =	vst v1  }
0x6d: {  	[tilespmem:$0x13F80] =	vst v1  }
0x6e: {  	[tilespmem:$0x13F10] =	vst v1  }
0x6f: {  	[tilespmem:$0x13F90] =	vst v1  }
0x70: {  	[tilespmem:$0x13F20] =	vst v1  }
0x71: {  	[tilespmem:$0x13FA0] =	vst v1  }
0x72: {  	[tilespmem:$0x13F30] =	vst v1  }
0x73: {  	[tilespmem:$0x13FB0] =	vst v1  }
0x74: {  	[tilespmem:$0x13F40] =	vst v1  }
0x75: {  	[tilespmem:$0x13FC0] =	vst v1  }
0x76: {  	[tilespmem:$0x13F50] =	vst v1  }
0x77: {  	[tilespmem:$0x13FD0] =	vst v1  }
0x78: {  	[tilespmem:$0x13F60] =	vst v1  }
0x79: {  	[tilespmem:$0x13FE0] =	vst v1  }
0x7a: {  	[tilespmem:$0x13F70] =	vst v1  }
0x7b: {  	[tilespmem:$0x13FF0] =	vst v1  }
0x7c: {  	[spmem:s2] =	stream.indirect.scatter.add.f32 [tilespmem:s23], [sflag:$0x3], $0x80, s22, s21, $0xb8;
	[tilespmem:$0x1C400] =	vst v63  }
0x7d: {  	_ = 	snop  }
0x7e: {  	[spmem:s2] =	stream.indirect.scatter.add.f32 [tilespmem:s25], [sflag:$0x3], $0x80, s24, s21, $0xb8;
	[tilespmem:$0x1C400] =	vst v63  }
0x7f: {  	_ =	swait.ge [sflag:s26], $0x80  }
0x80: {  	[sflag:s26] =	ssyncset.done $0x0  }
0x81: {  	[sflag:s26] =	ssyncadd.s32 $0xFFFFFF80  }
0x82: {  	_ =	swait.ge [sflag:s26], $0x80  }
0x83: {  	[sflag:s26] =	ssyncset.done $0x0  }
0x84: {  	[sflag:s26] =	ssyncadd.s32 $0xFFFFFF80  }
0x85: {  	_ =	swait.ge [sflag:s26], $0x80  }
0x86: {  	[sflag:s26] =	ssyncset.done $0x0  }
0x87: {  	[sflag:s26] =	ssyncadd.s32 $0xFFFFFF80  }
0x88: {  	_ =	swait.ge [sflag:s26], $0x80  }
0x89: {  	[sflag:s26] =	ssyncset.done $0x0  }
0x8a: {  	[sflag:s26] =	ssyncadd.s32 $0xFFFFFF80  }
0x8b: {  	_ =	swait.ge [sflag:s28], $0x4000  }
0x8c: {  	[sflag:s28] =	ssyncset.done $0x0  }
0x8d: {  	[sflag:s28] =	ssyncadd.s32 $0xFFFFC000  }
0x8e: {  	_ =	swait.ge [sflag:s28], $0x4000  }
0x8f: {  	s8 =	sadd.s32 $0x0, s7;
	[sflag:s28] =	ssyncset.done $0x0  }
0x90: {  	s10 =	sadd.s32 $0x20, s8;
	[sflag:s28] =	ssyncadd.s32 $0xFFFFC000  }
0x91: {  	[tilespmem:s29], [sflag:$0x1] =	stream.linear.gather [hbm4b:s10+s3], $0x80, $0x38;
	[tilespmem:$0x1C400] =	vst v63  }
0x92: {  	s0 =	sadd.s32 $0x0, s9;
	s8 =	sadd.s32 $0x30, s8  }
0x93: {  	[tilespmem:s30], [sflag:$0x1] =	stream.linear.gather [hbm4b:s8+s3], $0x80, $0x38;
	[tilespmem:$0x1C400] =	vst v63  }
0x94: {  	s12 =	sadd.s32 $0x20, s0  }
0x95: {  	[tilespmem:s22], [sflag:$0x1] =	stream.linear.gather [hbm4b:s12+s3], $0x80, $0x38;
	[tilespmem:$0x1C400] =	vst v63  }
0x96: {  	s13 =	sadd.s32 $0x30, s0  }
0x97: {  	[tilespmem:s24], [sflag:$0x1] =	stream.linear.gather [hbm4b:s13+s3], $0x80, $0x38;
	[tilespmem:$0x1C400] =	vst v63  }
0x98: {  	_ = 	snop  }
0x99: {  	[tilespmem:s23], [sflag:$0x2] =	stream.indirect.gather [hbm4b:s4+s21], $0x80, s15, s21, $0xb8;
	[tilespmem:$0x1C400] =	vst v63  }
0x9a: {  	_ = 	snop  }
0x9b: {  	[tilespmem:s25], [sflag:$0x2] =	stream.indirect.gather [hbm4b:s4+s21], $0x80, s16, s21, $0xb8;
	[tilespmem:$0x1C400] =	vst v63  }
0x9c: {  	_ =	swait.ge [sflag:s31], $0x4000  }
0x9d: {  	[sflag:s31] =	ssyncset.done $0x0  }
0x9e: {  	[sflag:s31] =	ssyncadd.s32 $0xFFFFC000  }
0x9f: {  	[spmem:s2] =	stream.indirect.scatter.add.f32 [tilespmem:s23], [sflag:$0x3], $0x80, s17, s21, $0xb8;
	[tilespmem:$0x1C400] =	vst v63  }
0xa0: {  	_ =	swait.ge [sflag:s31], $0x4000  }
0xa1: {  	[sflag:s31] =	ssyncset.done $0x0  }
0xa2: {  	[sflag:s31] =	ssyncadd.s32 $0xFFFFC000  }
0xa3: {  	[spmem:s2] =	stream.indirect.scatter.add.f32 [tilespmem:s25], [sflag:$0x3], $0x80, s18, s21, $0xb8;
	[tilespmem:$0x1C400] =	vst v63  }
0xa4: {  	_ =	swait.ge [sflag:s26], $0x80  }
0xa5: {  	[sflag:s26] =	ssyncset.done $0x0  }
0xa6: {  	[sflag:s26] =	ssyncadd.s32 $0xFFFFFF80  }
0xa7: {  	_ =	swait.ge [sflag:s26], $0x80  }
0xa8: {  	[sflag:s26] =	ssyncset.done $0x0  }
0xa9: {  	[sflag:s26] =	ssyncadd.s32 $0xFFFFFF80  }
0xaa: {  	_ =	swait.ge [sflag:s26], $0x80  }
0xab: {  	[sflag:s26] =	ssyncset.done $0x0  }
0xac: {  	[sflag:s26] =	ssyncadd.s32 $0xFFFFFF80  }
0xad: {  	_ =	swait.ge [sflag:s26], $0x80  }
0xae: {  	[sflag:s26] =	ssyncset.done $0x0  }
0xaf: {  	[sflag:s26] =	ssyncadd.s32 $0xFFFFFF80  }
0xb0: {  	_ =	swait.ge [sflag:s28], $0x4000  }
0xb1: {  	[sflag:s28] =	ssyncset.done $0x0  }
0xb2: {  	[sflag:s28] =	ssyncadd.s32 $0xFFFFC000  }
0xb3: {  	_ =	swait.ge [sflag:s28], $0x4000  }
0xb4: {  	s0 =	rddreg [dreg:$0x9]  }
0xb5: {  	[sflag:s28] =	ssyncset.done $0x0;
	s8 =	sshrl.u32 s0, $0x3  }
0xb6: {  	s14 =	rddreg [dreg:$0x4];
	[sflag:s28] =	ssyncadd.s32 $0xFFFFC000;
	s12 =	sadd.s32 s5, s8  }
0xb7: {  	[tilespmem:s15], [sflag:$0x1] =	stream.linear.gather [hbm4b:s12+s3], $0x80, $0x38;
	[tilespmem:$0x1C400] =	vst v63  }
0xb8: {  	s10 =	sadd.s32 $0x0, s14  }
0xb9: {  	[tilespmem:s16], [sflag:$0x1] =	stream.linear.gather [hbm4b:s10+s3], $0x80, $0x38;
	[tilespmem:$0x1C400] =	vst v63  }
0xba: {  	s13 =	rddreg [dreg:$0x3];
	s8 =	sadd.s32 s6, s8  }
0xbb: {  	[tilespmem:s17], [sflag:$0x1] =	stream.linear.gather [hbm4b:s8+s3], $0x80, $0x38;
	[tilespmem:$0x1C400] =	vst v63  }
0xbc: {  	s14 =	sadd.s32 $0x0, s13  }
0xbd: {  	[tilespmem:s18], [sflag:$0x1] =	stream.linear.gather [hbm4b:s14+s3], $0x80, $0x38;
	[tilespmem:$0x1C400] =	vst v63  }
0xbe: {  	_ = 	snop  }
0xbf: {  	[tilespmem:s23], [sflag:$0x2] =	stream.indirect.gather [hbm4b:s4+s21], $0x80, s29, s21, $0xb8;
	[tilespmem:$0x1C400] =	vst v63  }
0xc0: {  	_ = 	snop  }
0xc1: {  	[tilespmem:s25], [sflag:$0x2] =	stream.indirect.gather [hbm4b:s4+s21], $0x80, s30, s21, $0xb8;
	[tilespmem:$0x1C400] =	vst v63  }
0xc2: {  	_ =	swait.ge [sflag:s31], $0x4000  }
0xc3: {  	[sflag:s31] =	ssyncset.done $0x0  }
0xc4: {  	[sflag:s31] =	ssyncadd.s32 $0xFFFFC000  }
0xc5: {  	[spmem:s2] =	stream.indirect.scatter.add.f32 [tilespmem:s23], [sflag:$0x3], $0x80, s22, s21, $0xb8;
	[tilespmem:$0x1C400] =	vst v63  }
0xc6: {  	_ =	swait.ge [sflag:s31], $0x4000  }
0xc7: {  	[sflag:s31] =	ssyncset.done $0x0  }
0xc8: {  	s10 =	sadd.s32 $0x200, s0;
	s8 =	simm.s32 $0x40;
	[sflag:s31] =	ssyncadd.s32 $0xFFFFC000  }
.LBB2_6:
0xc9: {  	[spmem:s2] =	stream.indirect.scatter.add.f32 [tilespmem:s25], [sflag:$0x3], $0x80, s24, s21, $0xb8;
	[tilespmem:$0x1C400] =	vst v63  }
0xca: {  	_ =	swait.ge [sflag:s26], $0x80  }
0xcb: {  	[sflag:s26] =	ssyncset.done $0x0  }
0xcc: {  	[sflag:s26] =	ssyncadd.s32 $0xFFFFFF80  }
0xcd: {  	_ =	swait.ge [sflag:s26], $0x80  }
0xce: {  	[sflag:s26] =	ssyncset.done $0x0  }
0xcf: {  	[sflag:s26] =	ssyncadd.s32 $0xFFFFFF80  }
0xd0: {  	_ =	swait.ge [sflag:s26], $0x80  }
0xd1: {  	[sflag:s26] =	ssyncset.done $0x0  }
0xd2: {  	[sflag:s26] =	ssyncadd.s32 $0xFFFFFF80  }
0xd3: {  	_ =	swait.ge [sflag:s26], $0x80  }
0xd4: {  	[sflag:s26] =	ssyncset.done $0x0  }
0xd5: {  	[sflag:s26] =	ssyncadd.s32 $0xFFFFFF80  }
0xd6: {  	_ =	swait.ge [sflag:s28], $0x4000  }
0xd7: {  	[sflag:s28] =	ssyncset.done $0x0  }
0xd8: {  	[sflag:s28] =	ssyncadd.s32 $0xFFFFC000  }
0xd9: {  	s12 =	smov.u32 s8;
	_ =	swait.ge [sflag:s28], $0x4000  }
0xda: {  	s13 =	sadd.s32 s12, s7;
	[sflag:s28] =	ssyncset.done $0x0  }
0xdb: {  	s0 =	sadd.s32 $0x20, s13;
	[sflag:s28] =	ssyncadd.s32 $0xFFFFC000  }
0xdc: {  	[tilespmem:s29], [sflag:$0x1] =	stream.linear.gather [hbm4b:s0+s3], $0x80, $0x38;
	[tilespmem:$0x1C400] =	vst v63  }
0xdd: {  	s14 =	sadd.s32 $0x30, s13;
	s13 =	sadd.s32 s12, s9  }
0xde: {  	[tilespmem:s30], [sflag:$0x1] =	stream.linear.gather [hbm4b:s14+s3], $0x80, $0x38;
	[tilespmem:$0x1C400] =	vst v63  }
0xdf: {  	s14 =	sadd.s32 $0x20, s13  }
0xe0: {  	[tilespmem:s22], [sflag:$0x1] =	stream.linear.gather [hbm4b:s14+s3], $0x80, $0x38;
	[tilespmem:$0x1C400] =	vst v63  }
0xe1: {  	s13 =	sadd.s32 $0x30, s13  }
0xe2: {  	[tilespmem:s24], [sflag:$0x1] =	stream.linear.gather [hbm4b:s13+s3], $0x80, $0x38;
	[tilespmem:$0x1C400] =	vst v63  }
0xe3: {  	_ = 	snop  }
0xe4: {  	[tilespmem:s23], [sflag:$0x2] =	stream.indirect.gather [hbm4b:s4+s21], $0x80, s15, s21, $0xb8;
	[tilespmem:$0x1C400] =	vst v63  }
0xe5: {  	_ = 	snop  }
0xe6: {  	[tilespmem:s25], [sflag:$0x2] =	stream.indirect.gather [hbm4b:s4+s21], $0x80, s16, s21, $0xb8;
	[tilespmem:$0x1C400] =	vst v63  }
0xe7: {  	_ =	swait.ge [sflag:s31], $0x4000  }
0xe8: {  	[sflag:s31] =	ssyncset.done $0x0  }
0xe9: {  	[sflag:s31] =	ssyncadd.s32 $0xFFFFC000  }
0xea: {  	[spmem:s2] =	stream.indirect.scatter.add.f32 [tilespmem:s23], [sflag:$0x3], $0x80, s17, s21, $0xb8;
	[tilespmem:$0x1C400] =	vst v63  }
0xeb: {  	_ =	swait.ge [sflag:s31], $0x4000  }
0xec: {  	[sflag:s31] =	ssyncset.done $0x0  }
0xed: {  	[sflag:s31] =	ssyncadd.s32 $0xFFFFC000  }
0xee: {  	[spmem:s2] =	stream.indirect.scatter.add.f32 [tilespmem:s25], [sflag:$0x3], $0x80, s18, s21, $0xb8;
	[tilespmem:$0x1C400] =	vst v63  }
0xef: {  	_ =	swait.ge [sflag:s26], $0x80  }
0xf0: {  	[sflag:s26] =	ssyncset.done $0x0  }
0xf1: {  	[sflag:s26] =	ssyncadd.s32 $0xFFFFFF80  }
0xf2: {  	_ =	swait.ge [sflag:s26], $0x80  }
0xf3: {  	[sflag:s26] =	ssyncset.done $0x0  }
0xf4: {  	[sflag:s26] =	ssyncadd.s32 $0xFFFFFF80  }
0xf5: {  	_ =	swait.ge [sflag:s26], $0x80  }
0xf6: {  	[sflag:s26] =	ssyncset.done $0x0  }
0xf7: {  	[sflag:s26] =	ssyncadd.s32 $0xFFFFFF80  }
0xf8: {  	_ =	swait.ge [sflag:s26], $0x80  }
0xf9: {  	[sflag:s26] =	ssyncset.done $0x0  }
0xfa: {  	[sflag:s26] =	ssyncadd.s32 $0xFFFFFF80  }
0xfb: {  	_ =	swait.ge [sflag:s28], $0x4000  }
0xfc: {  	[sflag:s28] =	ssyncset.done $0x0  }
0xfd: {  	[sflag:s28] =	ssyncadd.s32 $0xFFFFC000  }
0xfe: {  	_ =	swait.ge [sflag:s28], $0x4000  }
0xff: {  	s0 =	sshrl.u32 s10, $0x3;
	[sflag:s28] =	ssyncset.done $0x0  }
0x100: {  	s14 =	sadd.s32 s5, s0;
	s13 =	rddreg [dreg:$0x4];
	[sflag:s28] =	ssyncadd.s32 $0xFFFFC000  }
0x101: {  	[tilespmem:s15], [sflag:$0x1] =	stream.linear.gather [hbm4b:s14+s3], $0x80, $0x38;
	[tilespmem:$0x1C400] =	vst v63  }
0x102: {  	s13 =	sadd.s32 s12, s13  }
0x103: {  	[tilespmem:s16], [sflag:$0x1] =	stream.linear.gather [hbm4b:s13+s3], $0x80, $0x38;
	[tilespmem:$0x1C400] =	vst v63  }
0x104: {  	s0 =	sadd.s32 s6, s0;
	s14 =	rddreg [dreg:$0x3]  }
0x105: {  	[tilespmem:s17], [sflag:$0x1] =	stream.linear.gather [hbm4b:s0+s3], $0x80, $0x38;
	[tilespmem:$0x1C400] =	vst v63  }
0x106: {  	s14 =	sadd.s32 s12, s14  }
0x107: {  	[tilespmem:s18], [sflag:$0x1] =	stream.linear.gather [hbm4b:s14+s3], $0x80, $0x38;
	[tilespmem:$0x1C400] =	vst v63  }
0x108: {  	_ = 	snop  }
0x109: {  	[tilespmem:s23], [sflag:$0x2] =	stream.indirect.gather [hbm4b:s4+s21], $0x80, s29, s21, $0xb8;
	[tilespmem:$0x1C400] =	vst v63  }
0x10a: {  	_ = 	snop  }
0x10b: {  	[tilespmem:s25], [sflag:$0x2] =	stream.indirect.gather [hbm4b:s4+s21], $0x80, s30, s21, $0xb8;
	[tilespmem:$0x1C400] =	vst v63  }
0x10c: {  	_ =	swait.ge [sflag:s31], $0x4000  }
0x10d: {  	p0 =	sne.s32 s8, $0xA00;
	[sflag:s31] =	ssyncset.done $0x0  }
.Ltmp2:
0x10e: {  	[sflag:s31] =	ssyncadd.s32 $0xFFFFC000;
	(pc) =	sbr.rel @p0 .LBB2_6-.Ltmp2, $4  }
0x10f: {  	[spmem:s2] =	stream.indirect.scatter.add.f32 [tilespmem:s23], [sflag:$0x3], $0x80, s22, s21, $0xb8;
	[tilespmem:$0x1C400] =	vst v63  }
0x110: {  	_ =	swait.ge [sflag:s31], $0x4000  }
0x111: {  	[sflag:s31] =	ssyncset.done $0x0  }
0x112: {  	s8 =	sadd.s32 $0x40, s8;
	s10 =	sadd.s32 $0x200, s10;
	[sflag:s31] =	ssyncadd.s32 $0xFFFFC000  }
0x113: {  	[spmem:s2] =	stream.indirect.scatter.add.f32 [tilespmem:s25], [sflag:$0x3], $0x80, s24, s21, $0xb8;
	[tilespmem:$0x1C400] =	vst v63  }
0x114: {  	_ =	swait.ge [sflag:s26], $0x80  }
0x115: {  	[sflag:s26] =	ssyncset.done $0x0  }
0x116: {  	[sflag:s26] =	ssyncadd.s32 $0xFFFFFF80  }
0x117: {  	_ =	swait.ge [sflag:s26], $0x80  }
0x118: {  	[sflag:s26] =	ssyncset.done $0x0  }
0x119: {  	[sflag:s26] =	ssyncadd.s32 $0xFFFFFF80  }
0x11a: {  	_ =	swait.ge [sflag:s26], $0x80  }
0x11b: {  	[sflag:s26] =	ssyncset.done $0x0  }
0x11c: {  	[sflag:s26] =	ssyncadd.s32 $0xFFFFFF80  }
0x11d: {  	_ =	swait.ge [sflag:s26], $0x80  }
0x11e: {  	[sflag:s26] =	ssyncset.done $0x0  }
0x11f: {  	[sflag:s26] =	ssyncadd.s32 $0xFFFFFF80  }
0x120: {  	_ =	swait.ge [sflag:s28], $0x4000  }
0x121: {  	[sflag:s28] =	ssyncset.done $0x0  }
0x122: {  	[sflag:s28] =	ssyncadd.s32 $0xFFFFC000  }
0x123: {  	_ =	swait.ge [sflag:s28], $0x4000  }
0x124: {  	[sflag:s28] =	ssyncset.done $0x0  }
0x125: {  	s0 =	stileid.u32;
	[sflag:s28] =	ssyncadd.s32 $0xFFFFC000  }
0x126: {  	s8 =	sshrl.u32 s11, $0x3;
	s0 =	sshll.u32 s0, $0x6;
	[bflag:$0x0] =	sbarrier.arrive $0xFFFF  }
0x127: {  	s13 =	simm.s32 $0x5;
	s0 =	sor.u32 $0x1C05, s0;
	s10 =	rddreg [dreg:$0x7]  }
0x128: {  	[hbm:s10], [sflag:s0] =	dma.local [spmem:s8], $0x2780  }
0x129: {  	_ =	swait.ge [sflag:s13], $0x2780  }
0x12a: {  	s1 =	sadd.s32 $0x1, s1;
	s14 =	rddreg [dreg:$0x8]  }
0x12b: {  	p0 =	sne.s32 s1, s14  }
.Ltmp3:
0x12c: {  	_ = 	snop;
	(pc) =	sbr.rel @p0 .LBB2_1-.Ltmp3, $3  }
0x12d: {  	_ =	sdelay $0x1  }
0x12e: {  	[sflag:s13] =	ssyncset.done $0x0  }
0x12f: {  	[sflag:s13] =	ssyncadd.s32 $0xFFFFD880  }
0x130: {  	_ =	sfence.sel $0x180000  }
0x131: {  	[bflag:$0x0] =	sbarrier.arrive $0xFFFF  }
0x132: {  	_ =	strace $0x90000047  }
0x133: {  	s0 =	stileid.u32;
	[bflag:$0x2] =	sbarrier.arrive $0xFFFF  }
0x134: {  	p0 =	sne.s32 s0, $0x0;
	s0 =	rddreg [dreg:$0x2]  }
0x135: {  	s0 =	sadd.s32 @!p0 $0x100000, s0  }
0x136: {  	[sflag:s0] =	ssyncadd.tile.s32 @!p0 $0x1;
	_ =	shalt  }
.Lfunc_end2:
_tile_overlayer_lowered:
.L_overlay_start_2:
0x137: {  	(tag) =	ssettag $0x2  }
0x138: {  	s0 =	rddreg [dreg:$0x0];
	s2 =	stileid.u32  }
0x139: {  	s1 =	rddreg [dreg:$0x1];
	p0 =	sne.s32 s2, $0x0  }
0x13a: {  	s3 =	rddreg [dreg:$0x2];
	[bflag:$0x3] =	sbarrier.arrive $0xFFFF;
	s2 =	simm.s32 @!p0 $0x1C05  }
0x13b: {  	[timem:s3], [sflag:s2] =	dma.local @!p0 [hbm:s0], s1  }
0x13c: {  	s0 =	simm.s32 @!p0 $0x5  }
0x13d: {  	_ =	swait.ge @!p0 [sflag:s0], s1  }
0x13e: {  	s1 =	ssub.s32 @!p0 $0x0, s1;
	[sflag:s0] =	ssyncset.done @!p0 $0x0  }
0x13f: {  	[sflag:s0] =	ssyncadd.s32 @!p0 s1  }
0x140: {  	[bflag:$0x3] =	sbarrier.arrive $0xFFFF  }
0x141: {  	_ =	shalt  }

</sc_bundles>
